<compile_context>
chip_gen: v7x
topology: tpu7x:2x2x1
jax: 0.10.2.dev20260603
libtpu: 0.0.44.dev20260713+nightly
codegen_flags: <defaults>
</compile_context>

<pallas_src>
import functools

import jax
import jax.numpy as jnp
from jax import lax
from jax.experimental import pallas as pl
from jax.experimental.pallas import tpu as pltpu
from jax.experimental.pallas import tpu_sc as plsc

NC = 2
NS = 16
LANES = 16
CHUNK = 128


@functools.lru_cache(maxsize=None)
def _build(B, H, W, C, N):
    npts = B * N
    nworkers = NC * NS
    assert npts % nworkers == 0
    ppw = npts // nworkers
    assert ppw % CHUNK == 0
    nchunks = ppw // CHUNK
    assert N % ppw == 0
    assert C % LANES == 0
    cgroups = C // LANES
    hw = H * W

    mesh = plsc.VectorSubcoreMesh(core_axis_name="c", subcore_axis_name="s")

    def body(feat, xs, ys, mask_o, val_o,
             x_v, y_v, i00, i01, i10, i11, w00, w01, w10, w11, mk,
             r00, r01, r10, r11, outv, sem):
        wid = lax.axis_index("s") * NC + lax.axis_index("c")
        base = wid * ppw
        bhw = (base // N) * hw

        def chunk_body(ci, _):
            pbase = base + ci * CHUNK
            pltpu.sync_copy(xs.at[pl.ds(pbase, CHUNK)], x_v)
            pltpu.sync_copy(ys.at[pl.ds(pbase, CHUNK)], y_v)
            for g in range(CHUNK // LANES):
                sl = pl.ds(g * LANES, LANES)
                xv = x_v[sl]
                yv = y_v[sl]
                xi = xv.astype(jnp.int32)
                yi = yv.astype(jnp.int32)
                fx1 = xv - xi.astype(jnp.float32)
                fy1 = yv - yi.astype(jnp.float32)
                fx0 = 1.0 - fx1
                fy0 = 1.0 - fy1
                inb = ((xv >= 0.0) & (xv <= W - 1.0)
                       & (yv >= 0.0) & (yv <= H - 1.0))
                mf = jnp.where(inb, jnp.float32(1.0), jnp.float32(0.0))
                x0 = jnp.clip(xi, 0, W - 1)
                x1 = jnp.clip(xi + 1, 0, W - 1)
                y0 = jnp.clip(yi, 0, H - 1)
                y1 = jnp.clip(yi + 1, 0, H - 1)
                r0 = y0 * W + bhw
                r1 = y1 * W + bhw
                i00[sl] = r0 + x0
                i01[sl] = r0 + x1
                i10[sl] = r1 + x0
                i11[sl] = r1 + x1
                a0 = fy0 * mf
                a1 = fy1 * mf
                w00[sl] = a0 * fx0
                w01[sl] = a0 * fx1
                w10[sl] = a1 * fx0
                w11[sl] = a1 * fx1
                mk[sl] = mf
            c0 = pltpu.async_copy(feat.at[i00], r00, sem)
            c1 = pltpu.async_copy(feat.at[i01], r01, sem)
            c2 = pltpu.async_copy(feat.at[i10], r10, sem)
            c3 = pltpu.async_copy(feat.at[i11], r11, sem)
            c0.wait()
            c1.wait()
            c2.wait()
            c3.wait()

            def grp_body(gp, _):
                pb = gp * LANES
                wv00 = w00[pl.ds(pb, LANES)]
                wv01 = w01[pl.ds(pb, LANES)]
                wv10 = w10[pl.ds(pb, LANES)]
                wv11 = w11[pl.ds(pb, LANES)]
                for j in range(LANES):
                    p = pb + j
                    wa = wv00[j]
                    wb = wv01[j]
                    wc = wv10[j]
                    wd = wv11[j]
                    for g in range(cgroups):
                        s2 = pl.ds(g * LANES, LANES)
                        outv[p, s2] = (r00[p, s2] * wa + r01[p, s2] * wb
                                       + r10[p, s2] * wc + r11[p, s2] * wd)
                return 0

            lax.fori_loop(0, CHUNK // LANES, grp_body, 0)
            pltpu.sync_copy(mk, mask_o.at[pl.ds(pbase, CHUNK)])
            pltpu.sync_copy(outv, val_o.at[pl.ds(pbase, CHUNK)])
            return 0

        lax.fori_loop(0, nchunks, chunk_body, 0)

    return pl.kernel(
        body,
        out_type=(
            jax.ShapeDtypeStruct((npts,), jnp.float32),
            jax.ShapeDtypeStruct((npts, C), jnp.float32),
        ),
        mesh=mesh,
        compiler_params=pltpu.CompilerParams(use_tc_tiling_on_sc=False),
        scratch_types=[
            pltpu.VMEM((CHUNK,), jnp.float32),
            pltpu.VMEM((CHUNK,), jnp.float32),
            pltpu.VMEM((CHUNK,), jnp.int32),
            pltpu.VMEM((CHUNK,), jnp.int32),
            pltpu.VMEM((CHUNK,), jnp.int32),
            pltpu.VMEM((CHUNK,), jnp.int32),
            pltpu.VMEM((CHUNK,), jnp.float32),
            pltpu.VMEM((CHUNK,), jnp.float32),
            pltpu.VMEM((CHUNK,), jnp.float32),
            pltpu.VMEM((CHUNK,), jnp.float32),
            pltpu.VMEM((CHUNK,), jnp.float32),
            pltpu.VMEM((CHUNK, C), jnp.float32),
            pltpu.VMEM((CHUNK, C), jnp.float32),
            pltpu.VMEM((CHUNK, C), jnp.float32),
            pltpu.VMEM((CHUNK, C), jnp.float32),
            pltpu.VMEM((CHUNK, C), jnp.float32),
            pltpu.SemaphoreType.DMA,
        ],
    )


def kernel(feature, coordinate):
    B, H, W, C = feature.shape
    N = coordinate.shape[1]
    feat = feature.reshape(B * H * W, C)
    xs = coordinate[..., 0].reshape(-1)
    ys = coordinate[..., 1].reshape(-1)
    mask_f, val_f = _build(B, H, W, C, N)(feat, xs, ys)
    return mask_f.reshape(B, N), val_f.reshape(B, N, C)

# --- scband reference (transcript-rebuilt; emitter-appended) ---
"""Pipeline reference for scband-image-resample-layer-53919019434336 (READ-ONLY COPY).

The authoritative reference and input builder live on the scoring server;
editing this copy changes nothing except your own understanding.
"""

import jax, jax.numpy as jnp
import numpy as np


def setup_inputs(seed: int = 0) -> dict:
    key = jax.random.key(seed)
    k1, k2 = jax.random.split(key)
    feature = jax.random.normal(k1, (4, 384, 384, 96), dtype=jnp.float32)
    # pixel-space coordinates in ~[-1, 385); slight out-of-bounds to exercise mask
    coordinate = jax.random.uniform(k2, (4, 65536, 2), dtype=jnp.float32) * 386.0 - 1.0
    return {"feature": feature, "coordinate": coordinate}


def _bilinear_resample(feature, coordinate):
    B, H, W, C = feature.shape
    x = coordinate[..., 0]
    y = coordinate[..., 1]
    x0 = jnp.floor(x)
    y0 = jnp.floor(y)
    x1 = x0 + 1.0
    y1 = y0 + 1.0
    wx1 = x - x0
    wx0 = 1.0 - wx1
    wy1 = y - y0
    wy0 = 1.0 - wy1
    mask = ((x >= 0.0) & (x <= W - 1.0) & (y >= 0.0) & (y <= H - 1.0)).astype(feature.dtype)
    x0i = jnp.clip(x0, 0, W - 1).astype(jnp.int32)
    x1i = jnp.clip(x1, 0, W - 1).astype(jnp.int32)
    y0i = jnp.clip(y0, 0, H - 1).astype(jnp.int32)
    y1i = jnp.clip(y1, 0, H - 1).astype(jnp.int32)
    flat = feature.reshape(B, H * W, C)

    def gather(yi, xi):
        idx = yi * W + xi  # [B, N]
        return jnp.take_along_axis(flat, idx[..., None], axis=1)  # [B, N, C]

    v00 = gather(y0i, x0i)
    v01 = gather(y0i, x1i)
    v10 = gather(y1i, x0i)
    v11 = gather(y1i, x1i)
    value = (
        v00 * (wy0 * wx0)[..., None]
        + v01 * (wy0 * wx1)[..., None]
        + v10 * (wy1 * wx0)[..., None]
        + v11 * (wy1 * wx1)[..., None]
    )
    value = value * mask[..., None]
    return mask, value


def reference(feature, coordinate):
    mask, value = _bilinear_resample(feature, coordinate)
    return (mask, value)

if __name__ == "__main__":
    import jax
    _d = setup_inputs()
    print(jax.jit(kernel)(*tuple(_d.values())))

</pallas_src>

<mosaic_0001>
#map = affine_map<(d0, d1) -> (0, 0)>
#map1 = affine_map<(d0, d1) -> (0)>
module attributes {stable_mosaic.version = 14 : i64} {
  func.func @body(%arg0: i32, %arg1: i32, %arg2: memref<589824x96xf32, #tpu.memory_space<hbm>>, %arg3: memref<262144xf32, #tpu.memory_space<hbm>>, %arg4: memref<262144xf32, #tpu.memory_space<hbm>>, %arg5: memref<262144xf32, #tpu.memory_space<hbm>>, %arg6: memref<262144x96xf32, #tpu.memory_space<hbm>>, %arg7: memref<128xf32, #tpu.memory_space<vmem>>, %arg8: memref<128xf32, #tpu.memory_space<vmem>>, %arg9: memref<128xi32, #tpu.memory_space<vmem>>, %arg10: memref<128xi32, #tpu.memory_space<vmem>>, %arg11: memref<128xi32, #tpu.memory_space<vmem>>, %arg12: memref<128xi32, #tpu.memory_space<vmem>>, %arg13: memref<128xf32, #tpu.memory_space<vmem>>, %arg14: memref<128xf32, #tpu.memory_space<vmem>>, %arg15: memref<128xf32, #tpu.memory_space<vmem>>, %arg16: memref<128xf32, #tpu.memory_space<vmem>>, %arg17: memref<128xf32, #tpu.memory_space<vmem>>, %arg18: memref<128x96xf32, #tpu.memory_space<vmem>>, %arg19: memref<128x96xf32, #tpu.memory_space<vmem>>, %arg20: memref<128x96xf32, #tpu.memory_space<vmem>>, %arg21: memref<128x96xf32, #tpu.memory_space<vmem>>, %arg22: memref<128x96xf32, #tpu.memory_space<vmem>>, %arg23: memref<!tpu.dma_semaphore, #tpu.memory_space<semaphore_mem>>) attributes {dimension_semantics = [#tpu.dimension_semantics<core_parallel>, #tpu.dimension_semantics<subcore_parallel>], iteration_bounds = array<i64: 2, 16>, scalar_prefetch = 0 : i64, scratch_operands = 17 : i64, tpu.core_type = #tpu.core_type<sc_vector_subcore>, window_params = [{transform_indices = #map}, {transform_indices = #map1}, {transform_indices = #map1}, {transform_indices = #map1}, {transform_indices = #map}]} {
    %mul3A = arith.constant 2 : i32
    %mul3A_0 = arith.muli %arg1, %mul3A : i32
    %add3A = arith.addi %mul3A_0, %arg0 : i32
    %mul3A_1 = arith.constant 8192 : i32
    %mul3A_2 = arith.muli %add3A, %mul3A_1 : i32
    %jit3A = arith.constant 65536 : i32
    %div3A = arith.divsi %mul3A_2, %jit3A : i32
    %sign3A = arith.constant 0 : i32
    %sign3A_3 = arith.cmpi sgt, %mul3A_2, %sign3A : i32
    %sign3A_4 = arith.extui %sign3A_3 : i1 to i32
    %sign3A_5 = arith.constant 0 : i32
    %sign3A_6 = arith.cmpi slt, %mul3A_2, %sign3A_5 : i32
    %sign3A_7 = arith.extui %sign3A_6 : i1 to i32
    %sign3A_8 = arith.subi %sign3A_4, %sign3A_7 : i32
    %sign3A_9 = arith.constant 0 : i32
    %sign3A_10 = arith.cmpi sgt, %jit3A, %sign3A_9 : i32
    %sign3A_11 = arith.extui %sign3A_10 : i1 to i32
    %sign3A_12 = arith.constant 0 : i32
    %sign3A_13 = arith.cmpi slt, %jit3A, %sign3A_12 : i32
    %sign3A_14 = arith.extui %sign3A_13 : i1 to i32
    %sign3A_15 = arith.subi %sign3A_11, %sign3A_14 : i32
    %ne3A = arith.cmpi ne, %sign3A_8, %sign3A_15 : i32
    %rem3A = arith.remsi %mul3A_2, %jit3A : i32
    %ne3A_16 = arith.constant 0 : i32
    %ne3A_17 = arith.cmpi ne, %rem3A, %ne3A_16 : i32
    %and3A = arith.andi %ne3A, %ne3A_17 : i1
    %sub3A = arith.constant 1 : i32
    %sub3A_18 = arith.subi %div3A, %sub3A : i32
    %select_n3A = arith.select %and3A, %sub3A_18, %div3A : i32
    %mul3A_19 = arith.constant 147456 : i32
    %mul3A_20 = arith.muli %select_n3A, %mul3A_19 : i32
    %scan3A = arith.constant 0 : i32
    %scan3A_21 = arith.constant 0 : i32
    %scan3A_22 = arith.constant 64 : i32
    %scan3A_23 = arith.addi %scan3A_21, %scan3A_22 : i32
    %scan3A_24 = arith.constant 1 : i32
    %scan3A_25 = scf.for %scan3A_27 = %scan3A_21 to %scan3A_23 step %scan3A_24 iter_args(%scan3A_28 = %scan3A) -> (i32)  : i32 {
      %mul3A_29 = arith.constant 128 : i32
      %mul3A_30 = arith.muli %scan3A_27, %mul3A_29 : i32
      %add3A_31 = arith.addi %mul3A_2, %mul3A_30 : i32
      "tpu.region"() ({
        %run_scoped3A = tpu.sem_alloc : memref<!tpu.dma_semaphore, #tpu.memory_space<semaphore_mem>>
        %dma_start3A_1046 = tpu.memref_slice %arg3[%add3A_31] : memref<262144xf32, #tpu.memory_space<hbm>> -> memref<128xf32, #tpu.memory_space<hbm>>
        %dma_start3A_1047 = tpu.memref_slice %arg3[%add3A_31] : memref<262144xf32, #tpu.memory_space<hbm>> -> memref<128xf32, #tpu.memory_space<hbm>>
        tpu.enqueue_dma source(%dma_start3A_1047 : memref<128xf32, #tpu.memory_space<hbm>>) target(%arg7 : memref<128xf32, #tpu.memory_space<vmem>>) target_semaphore(%run_scoped3A : memref<!tpu.dma_semaphore, #tpu.memory_space<semaphore_mem>>)
        %dma_wait3A_1048 = tpu.memref_slice %arg3[%add3A_31] : memref<262144xf32, #tpu.memory_space<hbm>> -> memref<128xf32, #tpu.memory_space<hbm>>
        %dma_wait3A_1049 = tpu.memref_slice %arg3[%add3A_31] : memref<262144xf32, #tpu.memory_space<hbm>> -> memref<128xf32, #tpu.memory_space<hbm>>
        tpu.wait_dma2 semaphore(%run_scoped3A : memref<!tpu.dma_semaphore, #tpu.memory_space<semaphore_mem>>) src(%dma_wait3A_1049 : memref<128xf32, #tpu.memory_space<hbm>>) dst(%arg7 : memref<128xf32, #tpu.memory_space<vmem>>)
        tpu.yield
      }) : () -> ()
      "tpu.region"() ({
        %run_scoped3A = tpu.sem_alloc : memref<!tpu.dma_semaphore, #tpu.memory_space<semaphore_mem>>
        %dma_start3A_1046 = tpu.memref_slice %arg4[%add3A_31] : memref<262144xf32, #tpu.memory_space<hbm>> -> memref<128xf32, #tpu.memory_space<hbm>>
        %dma_start3A_1047 = tpu.memref_slice %arg4[%add3A_31] : memref<262144xf32, #tpu.memory_space<hbm>> -> memref<128xf32, #tpu.memory_space<hbm>>
        tpu.enqueue_dma source(%dma_start3A_1047 : memref<128xf32, #tpu.memory_space<hbm>>) target(%arg8 : memref<128xf32, #tpu.memory_space<vmem>>) target_semaphore(%run_scoped3A : memref<!tpu.dma_semaphore, #tpu.memory_space<semaphore_mem>>)
        %dma_wait3A_1048 = tpu.memref_slice %arg4[%add3A_31] : memref<262144xf32, #tpu.memory_space<hbm>> -> memref<128xf32, #tpu.memory_space<hbm>>
        %dma_wait3A_1049 = tpu.memref_slice %arg4[%add3A_31] : memref<262144xf32, #tpu.memory_space<hbm>> -> memref<128xf32, #tpu.memory_space<hbm>>
        tpu.wait_dma2 semaphore(%run_scoped3A : memref<!tpu.dma_semaphore, #tpu.memory_space<semaphore_mem>>) src(%dma_wait3A_1049 : memref<128xf32, #tpu.memory_space<hbm>>) dst(%arg8 : memref<128xf32, #tpu.memory_space<vmem>>)
        tpu.yield
      }) : () -> ()
      %get3A = arith.constant 0 : index
      %get3A_32 = tpu.vector_load %arg7[%get3A] {strides = array<i32>} : memref<128xf32, #tpu.memory_space<vmem>>, vector<16xf32>,
      %get3A_33 = vector.shape_cast %get3A_32 : vector<16xf32> to vector<16xf32>
      %get3A_34 = arith.constant 0 : index
      %get3A_35 = tpu.vector_load %arg8[%get3A_34] {strides = array<i32>} : memref<128xf32, #tpu.memory_space<vmem>>, vector<16xf32>,
      %get3A_36 = vector.shape_cast %get3A_35 : vector<16xf32> to vector<16xf32>
      %convert_element_type3A = arith.fptosi %get3A_33 : vector<16xf32> to vector<16xi32>
      %convert_element_type3A_37 = arith.fptosi %get3A_36 : vector<16xf32> to vector<16xi32>
      %convert_element_type3A_38 = arith.sitofp %convert_element_type3A : vector<16xi32> to vector<16xf32>
      %sub3A_39 = arith.subf %get3A_33, %convert_element_type3A_38 : vector<16xf32>
      %convert_element_type3A_40 = arith.sitofp %convert_element_type3A_37 : vector<16xi32> to vector<16xf32>
      %sub3A_41 = arith.subf %get3A_36, %convert_element_type3A_40 : vector<16xf32>
      %sub3A_42 = arith.constant 1.000000e+00 : f32
      %sub3A_43 = vector.broadcast %sub3A_42 : f32 to vector<16xf32>
      %sub3A_44 = arith.subf %sub3A_43, %sub3A_39 : vector<16xf32>
      %sub3A_45 = arith.constant 1.000000e+00 : f32
      %sub3A_46 = vector.broadcast %sub3A_45 : f32 to vector<16xf32>
      %sub3A_47 = arith.subf %sub3A_46, %sub3A_41 : vector<16xf32>
      %ge3A = arith.constant 0.000000e+00 : f32
      %ge3A_48 = vector.broadcast %ge3A : f32 to vector<16xf32>
      %ge3A_49 = arith.cmpf oge, %get3A_33, %ge3A_48 : vector<16xf32>
      %le3A = arith.constant 3.830000e+02 : f32
      %le3A_50 = vector.broadcast %le3A : f32 to vector<16xf32>
      %le3A_51 = arith.cmpf ole, %get3A_33, %le3A_50 : vector<16xf32>
      %and3A_52 = arith.andi %ge3A_49, %le3A_51 : vector<16xi1>
      %ge3A_53 = arith.constant 0.000000e+00 : f32
      %ge3A_54 = vector.broadcast %ge3A_53 : f32 to vector<16xf32>
      %ge3A_55 = arith.cmpf oge, %get3A_36, %ge3A_54 : vector<16xf32>
      %and3A_56 = arith.andi %and3A_52, %ge3A_55 : vector<16xi1>
      %le3A_57 = arith.constant 3.830000e+02 : f32
      %le3A_58 = vector.broadcast %le3A_57 : f32 to vector<16xf32>
      %le3A_59 = arith.cmpf ole, %get3A_36, %le3A_58 : vector<16xf32>
      %and3A_60 = arith.andi %and3A_56, %le3A_59 : vector<16xi1>
      %jit3A_61 = arith.constant 1.000000e+00 : f32
      %jit3A_62 = arith.constant 0.000000e+00 : f32
      %broadcast_in_dim3A = vector.broadcast %jit3A_61 : f32 to vector<16xf32>
      %broadcast_in_dim3A_63 = vector.broadcast %jit3A_62 : f32 to vector<16xf32>
      %select_n3A_64 = arith.select %and3A_60, %broadcast_in_dim3A, %broadcast_in_dim3A_63 : vector<16xi1>, vector<16xf32>
      %jit3A_65 = arith.constant 0 : i32
      %jit3A_66 = arith.constant 383 : i32
      %max3A = vector.broadcast %jit3A_65 : i32 to vector<16xi32>
      %max3A_67 = arith.maxsi %max3A, %convert_element_type3A : vector<16xi32>
      %min3A = vector.broadcast %jit3A_66 : i32 to vector<16xi32>
      %min3A_68 = arith.minsi %min3A, %max3A_67 : vector<16xi32>
      %add3A_69 = arith.constant 1 : i32
      %add3A_70 = vector.broadcast %add3A_69 : i32 to vector<16xi32>
      %add3A_71 = arith.addi %convert_element_type3A, %add3A_70 : vector<16xi32>
      %jit3A_72 = arith.constant 0 : i32
      %jit3A_73 = arith.constant 383 : i32
      %max3A_74 = vector.broadcast %jit3A_72 : i32 to vector<16xi32>
      %max3A_75 = arith.maxsi %max3A_74, %add3A_71 : vector<16xi32>
      %min3A_76 = vector.broadcast %jit3A_73 : i32 to vector<16xi32>
      %min3A_77 = arith.minsi %min3A_76, %max3A_75 : vector<16xi32>
      %jit3A_78 = arith.constant 0 : i32
      %jit3A_79 = arith.constant 383 : i32
      %max3A_80 = vector.broadcast %jit3A_78 : i32 to vector<16xi32>
      %max3A_81 = arith.maxsi %max3A_80, %convert_element_type3A_37 : vector<16xi32>
      %min3A_82 = vector.broadcast %jit3A_79 : i32 to vector<16xi32>
      %min3A_83 = arith.minsi %min3A_82, %max3A_81 : vector<16xi32>
      %add3A_84 = arith.constant 1 : i32
      %add3A_85 = vector.broadcast %add3A_84 : i32 to vector<16xi32>
      %add3A_86 = arith.addi %convert_element_type3A_37, %add3A_85 : vector<16xi32>
      %jit3A_87 = arith.constant 0 : i32
      %jit3A_88 = arith.constant 383 : i32
      %max3A_89 = vector.broadcast %jit3A_87 : i32 to vector<16xi32>
      %max3A_90 = arith.maxsi %max3A_89, %add3A_86 : vector<16xi32>
      %min3A_91 = vector.broadcast %jit3A_88 : i32 to vector<16xi32>
      %min3A_92 = arith.minsi %min3A_91, %max3A_90 : vector<16xi32>
      %mul3A_93 = arith.constant 384 : i32
      %mul3A_94 = vector.broadcast %mul3A_93 : i32 to vector<16xi32>
      %mul3A_95 = arith.muli %min3A_83, %mul3A_94 : vector<16xi32>
      %add3A_96 = vector.broadcast %mul3A_20 : i32 to vector<16xi32>
      %add3A_97 = arith.addi %mul3A_95, %add3A_96 : vector<16xi32>
      %mul3A_98 = arith.constant 384 : i32
      %mul3A_99 = vector.broadcast %mul3A_98 : i32 to vector<16xi32>
      %mul3A_100 = arith.muli %min3A_92, %mul3A_99 : vector<16xi32>
      %add3A_101 = vector.broadcast %mul3A_20 : i32 to vector<16xi32>
      %add3A_102 = arith.addi %mul3A_100, %add3A_101 : vector<16xi32>
      %add3A_103 = arith.addi %add3A_97, %min3A_68 : vector<16xi32>
      %swap3A = arith.constant 0 : index
      %swap3A_104 = tpu.vector_load %arg9[%swap3A] {strides = array<i32>} : memref<128xi32, #tpu.memory_space<vmem>>, vector<16xi32>,
      %swap3A_105 = vector.shape_cast %swap3A_104 : vector<16xi32> to vector<16xi32>
      %swap3A_106 = vector.shape_cast %add3A_103 : vector<16xi32> to vector<16xi32>
      tpu.vector_store %arg9[%swap3A], %swap3A_106 {strides = array<i32>} : memref<128xi32, #tpu.memory_space<vmem>>, vector<16xi32>,
      %add3A_107 = arith.addi %add3A_97, %min3A_77 : vector<16xi32>
      %swap3A_108 = arith.constant 0 : index
      %swap3A_109 = tpu.vector_load %arg10[%swap3A_108] {strides = array<i32>} : memref<128xi32, #tpu.memory_space<vmem>>, vector<16xi32>,
      %swap3A_110 = vector.shape_cast %swap3A_109 : vector<16xi32> to vector<16xi32>
      %swap3A_111 = vector.shape_cast %add3A_107 : vector<16xi32> to vector<16xi32>
      tpu.vector_store %arg10[%swap3A_108], %swap3A_111 {strides = array<i32>} : memref<128xi32, #tpu.memory_space<vmem>>, vector<16xi32>,
      %add3A_112 = arith.addi %add3A_102, %min3A_68 : vector<16xi32>
      %swap3A_113 = arith.constant 0 : index
      %swap3A_114 = tpu.vector_load %arg11[%swap3A_113] {strides = array<i32>} : memref<128xi32, #tpu.memory_space<vmem>>, vector<16xi32>,
      %swap3A_115 = vector.shape_cast %swap3A_114 : vector<16xi32> to vector<16xi32>
      %swap3A_116 = vector.shape_cast %add3A_112 : vector<16xi32> to vector<16xi32>
      tpu.vector_store %arg11[%swap3A_113], %swap3A_116 {strides = array<i32>} : memref<128xi32, #tpu.memory_space<vmem>>, vector<16xi32>,
      %add3A_117 = arith.addi %add3A_102, %min3A_77 : vector<16xi32>
      %swap3A_118 = arith.constant 0 : index
      %swap3A_119 = tpu.vector_load %arg12[%swap3A_118] {strides = array<i32>} : memref<128xi32, #tpu.memory_space<vmem>>, vector<16xi32>,
      %swap3A_120 = vector.shape_cast %swap3A_119 : vector<16xi32> to vector<16xi32>
      %swap3A_121 = vector.shape_cast %add3A_117 : vector<16xi32> to vector<16xi32>
      tpu.vector_store %arg12[%swap3A_118], %swap3A_121 {strides = array<i32>} : memref<128xi32, #tpu.memory_space<vmem>>, vector<16xi32>,
      %mul3A_122 = arith.mulf %sub3A_47, %select_n3A_64 : vector<16xf32>
      %mul3A_123 = arith.mulf %sub3A_41, %select_n3A_64 : vector<16xf32>
      %mul3A_124 = arith.mulf %mul3A_122, %sub3A_44 : vector<16xf32>
      %swap3A_125 = arith.constant 0 : index
      %swap3A_126 = tpu.vector_load %arg13[%swap3A_125] {strides = array<i32>} : memref<128xf32, #tpu.memory_space<vmem>>, vector<16xf32>,
      %swap3A_127 = vector.shape_cast %swap3A_126 : vector<16xf32> to vector<16xf32>
      %swap3A_128 = vector.shape_cast %mul3A_124 : vector<16xf32> to vector<16xf32>
      tpu.vector_store %arg13[%swap3A_125], %swap3A_128 {strides = array<i32>} : memref<128xf32, #tpu.memory_space<vmem>>, vector<16xf32>,
      %mul3A_129 = arith.mulf %mul3A_122, %sub3A_39 : vector<16xf32>
      %swap3A_130 = arith.constant 0 : index
      %swap3A_131 = tpu.vector_load %arg14[%swap3A_130] {strides = array<i32>} : memref<128xf32, #tpu.memory_space<vmem>>, vector<16xf32>,
      %swap3A_132 = vector.shape_cast %swap3A_131 : vector<16xf32> to vector<16xf32>
      %swap3A_133 = vector.shape_cast %mul3A_129 : vector<16xf32> to vector<16xf32>
      tpu.vector_store %arg14[%swap3A_130], %swap3A_133 {strides = array<i32>} : memref<128xf32, #tpu.memory_space<vmem>>, vector<16xf32>,
      %mul3A_134 = arith.mulf %mul3A_123, %sub3A_44 : vector<16xf32>
      %swap3A_135 = arith.constant 0 : index
      %swap3A_136 = tpu.vector_load %arg15[%swap3A_135] {strides = array<i32>} : memref<128xf32, #tpu.memory_space<vmem>>, vector<16xf32>,
      %swap3A_137 = vector.shape_cast %swap3A_136 : vector<16xf32> to vector<16xf32>
      %swap3A_138 = vector.shape_cast %mul3A_134 : vector<16xf32> to vector<16xf32>
      tpu.vector_store %arg15[%swap3A_135], %swap3A_138 {strides = array<i32>} : memref<128xf32, #tpu.memory_space<vmem>>, vector<16xf32>,
      %mul3A_139 = arith.mulf %mul3A_123, %sub3A_39 : vector<16xf32>
      %swap3A_140 = arith.constant 0 : index
      %swap3A_141 = tpu.vector_load %arg16[%swap3A_140] {strides = array<i32>} : memref<128xf32, #tpu.memory_space<vmem>>, vector<16xf32>,
      %swap3A_142 = vector.shape_cast %swap3A_141 : vector<16xf32> to vector<16xf32>
      %swap3A_143 = vector.shape_cast %mul3A_139 : vector<16xf32> to vector<16xf32>
      tpu.vector_store %arg16[%swap3A_140], %swap3A_143 {strides = array<i32>} : memref<128xf32, #tpu.memory_space<vmem>>, vector<16xf32>,
      %swap3A_144 = arith.constant 0 : index
      %swap3A_145 = tpu.vector_load %arg17[%swap3A_144] {strides = array<i32>} : memref<128xf32, #tpu.memory_space<vmem>>, vector<16xf32>,
      %swap3A_146 = vector.shape_cast %swap3A_145 : vector<16xf32> to vector<16xf32>
      %swap3A_147 = vector.shape_cast %select_n3A_64 : vector<16xf32> to vector<16xf32>
      tpu.vector_store %arg17[%swap3A_144], %swap3A_147 {strides = array<i32>} : memref<128xf32, #tpu.memory_space<vmem>>, vector<16xf32>,
      %get3A_148 = arith.constant 16 : index
      %get3A_149 = tpu.vector_load %arg7[%get3A_148] {strides = array<i32>} : memref<128xf32, #tpu.memory_space<vmem>>, vector<16xf32>,
      %get3A_150 = vector.shape_cast %get3A_149 : vector<16xf32> to vector<16xf32>
      %get3A_151 = arith.constant 16 : index
      %get3A_152 = tpu.vector_load %arg8[%get3A_151] {strides = array<i32>} : memref<128xf32, #tpu.memory_space<vmem>>, vector<16xf32>,
      %get3A_153 = vector.shape_cast %get3A_152 : vector<16xf32> to vector<16xf32>
      %convert_element_type3A_154 = arith.fptosi %get3A_150 : vector<16xf32> to vector<16xi32>
      %convert_element_type3A_155 = arith.fptosi %get3A_153 : vector<16xf32> to vector<16xi32>
      %convert_element_type3A_156 = arith.sitofp %convert_element_type3A_154 : vector<16xi32> to vector<16xf32>
      %sub3A_157 = arith.subf %get3A_150, %convert_element_type3A_156 : vector<16xf32>
      %convert_element_type3A_158 = arith.sitofp %convert_element_type3A_155 : vector<16xi32> to vector<16xf32>
      %sub3A_159 = arith.subf %get3A_153, %convert_element_type3A_158 : vector<16xf32>
      %sub3A_160 = arith.constant 1.000000e+00 : f32
      %sub3A_161 = vector.broadcast %sub3A_160 : f32 to vector<16xf32>
      %sub3A_162 = arith.subf %sub3A_161, %sub3A_157 : vector<16xf32>
      %sub3A_163 = arith.constant 1.000000e+00 : f32
      %sub3A_164 = vector.broadcast %sub3A_163 : f32 to vector<16xf32>
      %sub3A_165 = arith.subf %sub3A_164, %sub3A_159 : vector<16xf32>
      %ge3A_166 = arith.constant 0.000000e+00 : f32
      %ge3A_167 = vector.broadcast %ge3A_166 : f32 to vector<16xf32>
      %ge3A_168 = arith.cmpf oge, %get3A_150, %ge3A_167 : vector<16xf32>
      %le3A_169 = arith.constant 3.830000e+02 : f32
      %le3A_170 = vector.broadcast %le3A_169 : f32 to vector<16xf32>
      %le3A_171 = arith.cmpf ole, %get3A_150, %le3A_170 : vector<16xf32>
      %and3A_172 = arith.andi %ge3A_168, %le3A_171 : vector<16xi1>
      %ge3A_173 = arith.constant 0.000000e+00 : f32
      %ge3A_174 = vector.broadcast %ge3A_173 : f32 to vector<16xf32>
      %ge3A_175 = arith.cmpf oge, %get3A_153, %ge3A_174 : vector<16xf32>
      %and3A_176 = arith.andi %and3A_172, %ge3A_175 : vector<16xi1>
      %le3A_177 = arith.constant 3.830000e+02 : f32
      %le3A_178 = vector.broadcast %le3A_177 : f32 to vector<16xf32>
      %le3A_179 = arith.cmpf ole, %get3A_153, %le3A_178 : vector<16xf32>
      %and3A_180 = arith.andi %and3A_176, %le3A_179 : vector<16xi1>
      %jit3A_181 = arith.constant 1.000000e+00 : f32
      %jit3A_182 = arith.constant 0.000000e+00 : f32
      %broadcast_in_dim3A_183 = vector.broadcast %jit3A_181 : f32 to vector<16xf32>
      %broadcast_in_dim3A_184 = vector.broadcast %jit3A_182 : f32 to vector<16xf32>
      %select_n3A_185 = arith.select %and3A_180, %broadcast_in_dim3A_183, %broadcast_in_dim3A_184 : vector<16xi1>, vector<16xf32>
      %jit3A_186 = arith.constant 0 : i32
      %jit3A_187 = arith.constant 383 : i32
      %max3A_188 = vector.broadcast %jit3A_186 : i32 to vector<16xi32>
      %max3A_189 = arith.maxsi %max3A_188, %convert_element_type3A_154 : vector<16xi32>
      %min3A_190 = vector.broadcast %jit3A_187 : i32 to vector<16xi32>
      %min3A_191 = arith.minsi %min3A_190, %max3A_189 : vector<16xi32>
      %add3A_192 = arith.constant 1 : i32
      %add3A_193 = vector.broadcast %add3A_192 : i32 to vector<16xi32>
      %add3A_194 = arith.addi %convert_element_type3A_154, %add3A_193 : vector<16xi32>
      %jit3A_195 = arith.constant 0 : i32
      %jit3A_196 = arith.constant 383 : i32
      %max3A_197 = vector.broadcast %jit3A_195 : i32 to vector<16xi32>
      %max3A_198 = arith.maxsi %max3A_197, %add3A_194 : vector<16xi32>
      %min3A_199 = vector.broadcast %jit3A_196 : i32 to vector<16xi32>
      %min3A_200 = arith.minsi %min3A_199, %max3A_198 : vector<16xi32>
      %jit3A_201 = arith.constant 0 : i32
      %jit3A_202 = arith.constant 383 : i32
      %max3A_203 = vector.broadcast %jit3A_201 : i32 to vector<16xi32>
      %max3A_204 = arith.maxsi %max3A_203, %convert_element_type3A_155 : vector<16xi32>
      %min3A_205 = vector.broadcast %jit3A_202 : i32 to vector<16xi32>
      %min3A_206 = arith.minsi %min3A_205, %max3A_204 : vector<16xi32>
      %add3A_207 = arith.constant 1 : i32
      %add3A_208 = vector.broadcast %add3A_207 : i32 to vector<16xi32>
      %add3A_209 = arith.addi %convert_element_type3A_155, %add3A_208 : vector<16xi32>
      %jit3A_210 = arith.constant 0 : i32
      %jit3A_211 = arith.constant 383 : i32
      %max3A_212 = vector.broadcast %jit3A_210 : i32 to vector<16xi32>
      %max3A_213 = arith.maxsi %max3A_212, %add3A_209 : vector<16xi32>
      %min3A_214 = vector.broadcast %jit3A_211 : i32 to vector<16xi32>
      %min3A_215 = arith.minsi %min3A_214, %max3A_213 : vector<16xi32>
      %mul3A_216 = arith.constant 384 : i32
      %mul3A_217 = vector.broadcast %mul3A_216 : i32 to vector<16xi32>
      %mul3A_218 = arith.muli %min3A_206, %mul3A_217 : vector<16xi32>
      %add3A_219 = vector.broadcast %mul3A_20 : i32 to vector<16xi32>
      %add3A_220 = arith.addi %mul3A_218, %add3A_219 : vector<16xi32>
      %mul3A_221 = arith.constant 384 : i32
      %mul3A_222 = vector.broadcast %mul3A_221 : i32 to vector<16xi32>
      %mul3A_223 = arith.muli %min3A_215, %mul3A_222 : vector<16xi32>
      %add3A_224 = vector.broadcast %mul3A_20 : i32 to vector<16xi32>
      %add3A_225 = arith.addi %mul3A_223, %add3A_224 : vector<16xi32>
      %add3A_226 = arith.addi %add3A_220, %min3A_191 : vector<16xi32>
      %swap3A_227 = arith.constant 16 : index
      %swap3A_228 = tpu.vector_load %arg9[%swap3A_227] {strides = array<i32>} : memref<128xi32, #tpu.memory_space<vmem>>, vector<16xi32>,
      %swap3A_229 = vector.shape_cast %swap3A_228 : vector<16xi32> to vector<16xi32>
      %swap3A_230 = vector.shape_cast %add3A_226 : vector<16xi32> to vector<16xi32>
      tpu.vector_store %arg9[%swap3A_227], %swap3A_230 {strides = array<i32>} : memref<128xi32, #tpu.memory_space<vmem>>, vector<16xi32>,
      %add3A_231 = arith.addi %add3A_220, %min3A_200 : vector<16xi32>
      %swap3A_232 = arith.constant 16 : index
      %swap3A_233 = tpu.vector_load %arg10[%swap3A_232] {strides = array<i32>} : memref<128xi32, #tpu.memory_space<vmem>>, vector<16xi32>,
      %swap3A_234 = vector.shape_cast %swap3A_233 : vector<16xi32> to vector<16xi32>
      %swap3A_235 = vector.shape_cast %add3A_231 : vector<16xi32> to vector<16xi32>
      tpu.vector_store %arg10[%swap3A_232], %swap3A_235 {strides = array<i32>} : memref<128xi32, #tpu.memory_space<vmem>>, vector<16xi32>,
      %add3A_236 = arith.addi %add3A_225, %min3A_191 : vector<16xi32>
      %swap3A_237 = arith.constant 16 : index
      %swap3A_238 = tpu.vector_load %arg11[%swap3A_237] {strides = array<i32>} : memref<128xi32, #tpu.memory_space<vmem>>, vector<16xi32>,
      %swap3A_239 = vector.shape_cast %swap3A_238 : vector<16xi32> to vector<16xi32>
      %swap3A_240 = vector.shape_cast %add3A_236 : vector<16xi32> to vector<16xi32>
      tpu.vector_store %arg11[%swap3A_237], %swap3A_240 {strides = array<i32>} : memref<128xi32, #tpu.memory_space<vmem>>, vector<16xi32>,
      %add3A_241 = arith.addi %add3A_225, %min3A_200 : vector<16xi32>
      %swap3A_242 = arith.constant 16 : index
      %swap3A_243 = tpu.vector_load %arg12[%swap3A_242] {strides = array<i32>} : memref<128xi32, #tpu.memory_space<vmem>>, vector<16xi32>,
      %swap3A_244 = vector.shape_cast %swap3A_243 : vector<16xi32> to vector<16xi32>
      %swap3A_245 = vector.shape_cast %add3A_241 : vector<16xi32> to vector<16xi32>
      tpu.vector_store %arg12[%swap3A_242], %swap3A_245 {strides = array<i32>} : memref<128xi32, #tpu.memory_space<vmem>>, vector<16xi32>,
      %mul3A_246 = arith.mulf %sub3A_165, %select_n3A_185 : vector<16xf32>
      %mul3A_247 = arith.mulf %sub3A_159, %select_n3A_185 : vector<16xf32>
      %mul3A_248 = arith.mulf %mul3A_246, %sub3A_162 : vector<16xf32>
      %swap3A_249 = arith.constant 16 : index
      %swap3A_250 = tpu.vector_load %arg13[%swap3A_249] {strides = array<i32>} : memref<128xf32, #tpu.memory_space<vmem>>, vector<16xf32>,
      %swap3A_251 = vector.shape_cast %swap3A_250 : vector<16xf32> to vector<16xf32>
      %swap3A_252 = vector.shape_cast %mul3A_248 : vector<16xf32> to vector<16xf32>
      tpu.vector_store %arg13[%swap3A_249], %swap3A_252 {strides = array<i32>} : memref<128xf32, #tpu.memory_space<vmem>>, vector<16xf32>,
      %mul3A_253 = arith.mulf %mul3A_246, %sub3A_157 : vector<16xf32>
      %swap3A_254 = arith.constant 16 : index
      %swap3A_255 = tpu.vector_load %arg14[%swap3A_254] {strides = array<i32>} : memref<128xf32, #tpu.memory_space<vmem>>, vector<16xf32>,
      %swap3A_256 = vector.shape_cast %swap3A_255 : vector<16xf32> to vector<16xf32>
      %swap3A_257 = vector.shape_cast %mul3A_253 : vector<16xf32> to vector<16xf32>
      tpu.vector_store %arg14[%swap3A_254], %swap3A_257 {strides = array<i32>} : memref<128xf32, #tpu.memory_space<vmem>>, vector<16xf32>,
      %mul3A_258 = arith.mulf %mul3A_247, %sub3A_162 : vector<16xf32>
      %swap3A_259 = arith.constant 16 : index
      %swap3A_260 = tpu.vector_load %arg15[%swap3A_259] {strides = array<i32>} : memref<128xf32, #tpu.memory_space<vmem>>, vector<16xf32>,
      %swap3A_261 = vector.shape_cast %swap3A_260 : vector<16xf32> to vector<16xf32>
      %swap3A_262 = vector.shape_cast %mul3A_258 : vector<16xf32> to vector<16xf32>
      tpu.vector_store %arg15[%swap3A_259], %swap3A_262 {strides = array<i32>} : memref<128xf32, #tpu.memory_space<vmem>>, vector<16xf32>,
      %mul3A_263 = arith.mulf %mul3A_247, %sub3A_157 : vector<16xf32>
      %swap3A_264 = arith.constant 16 : index
      %swap3A_265 = tpu.vector_load %arg16[%swap3A_264] {strides = array<i32>} : memref<128xf32, #tpu.memory_space<vmem>>, vector<16xf32>,
      %swap3A_266 = vector.shape_cast %swap3A_265 : vector<16xf32> to vector<16xf32>
      %swap3A_267 = vector.shape_cast %mul3A_263 : vector<16xf32> to vector<16xf32>
      tpu.vector_store %arg16[%swap3A_264], %swap3A_267 {strides = array<i32>} : memref<128xf32, #tpu.memory_space<vmem>>, vector<16xf32>,
      %swap3A_268 = arith.constant 16 : index
      %swap3A_269 = tpu.vector_load %arg17[%swap3A_268] {strides = array<i32>} : memref<128xf32, #tpu.memory_space<vmem>>, vector<16xf32>,
      %swap3A_270 = vector.shape_cast %swap3A_269 : vector<16xf32> to vector<16xf32>
      %swap3A_271 = vector.shape_cast %select_n3A_185 : vector<16xf32> to vector<16xf32>
      tpu.vector_store %arg17[%swap3A_268], %swap3A_271 {strides = array<i32>} : memref<128xf32, #tpu.memory_space<vmem>>, vector<16xf32>,
      %get3A_272 = arith.constant 32 : index
      %get3A_273 = tpu.vector_load %arg7[%get3A_272] {strides = array<i32>} : memref<128xf32, #tpu.memory_space<vmem>>, vector<16xf32>,
      %get3A_274 = vector.shape_cast %get3A_273 : vector<16xf32> to vector<16xf32>
      %get3A_275 = arith.constant 32 : index
      %get3A_276 = tpu.vector_load %arg8[%get3A_275] {strides = array<i32>} : memref<128xf32, #tpu.memory_space<vmem>>, vector<16xf32>,
      %get3A_277 = vector.shape_cast %get3A_276 : vector<16xf32> to vector<16xf32>
      %convert_element_type3A_278 = arith.fptosi %get3A_274 : vector<16xf32> to vector<16xi32>
      %convert_element_type3A_279 = arith.fptosi %get3A_277 : vector<16xf32> to vector<16xi32>
      %convert_element_type3A_280 = arith.sitofp %convert_element_type3A_278 : vector<16xi32> to vector<16xf32>
      %sub3A_281 = arith.subf %get3A_274, %convert_element_type3A_280 : vector<16xf32>
      %convert_element_type3A_282 = arith.sitofp %convert_element_type3A_279 : vector<16xi32> to vector<16xf32>
      %sub3A_283 = arith.subf %get3A_277, %convert_element_type3A_282 : vector<16xf32>
      %sub3A_284 = arith.constant 1.000000e+00 : f32
      %sub3A_285 = vector.broadcast %sub3A_284 : f32 to vector<16xf32>
      %sub3A_286 = arith.subf %sub3A_285, %sub3A_281 : vector<16xf32>
      %sub3A_287 = arith.constant 1.000000e+00 : f32
      %sub3A_288 = vector.broadcast %sub3A_287 : f32 to vector<16xf32>
      %sub3A_289 = arith.subf %sub3A_288, %sub3A_283 : vector<16xf32>
      %ge3A_290 = arith.constant 0.000000e+00 : f32
      %ge3A_291 = vector.broadcast %ge3A_290 : f32 to vector<16xf32>
      %ge3A_292 = arith.cmpf oge, %get3A_274, %ge3A_291 : vector<16xf32>
      %le3A_293 = arith.constant 3.830000e+02 : f32
      %le3A_294 = vector.broadcast %le3A_293 : f32 to vector<16xf32>
      %le3A_295 = arith.cmpf ole, %get3A_274, %le3A_294 : vector<16xf32>
      %and3A_296 = arith.andi %ge3A_292, %le3A_295 : vector<16xi1>
      %ge3A_297 = arith.constant 0.000000e+00 : f32
      %ge3A_298 = vector.broadcast %ge3A_297 : f32 to vector<16xf32>
      %ge3A_299 = arith.cmpf oge, %get3A_277, %ge3A_298 : vector<16xf32>
      %and3A_300 = arith.andi %and3A_296, %ge3A_299 : vector<16xi1>
      %le3A_301 = arith.constant 3.830000e+02 : f32
      %le3A_302 = vector.broadcast %le3A_301 : f32 to vector<16xf32>
      %le3A_303 = arith.cmpf ole, %get3A_277, %le3A_302 : vector<16xf32>
      %and3A_304 = arith.andi %and3A_300, %le3A_303 : vector<16xi1>
      %jit3A_305 = arith.constant 1.000000e+00 : f32
      %jit3A_306 = arith.constant 0.000000e+00 : f32
      %broadcast_in_dim3A_307 = vector.broadcast %jit3A_305 : f32 to vector<16xf32>
      %broadcast_in_dim3A_308 = vector.broadcast %jit3A_306 : f32 to vector<16xf32>
      %select_n3A_309 = arith.select %and3A_304, %broadcast_in_dim3A_307, %broadcast_in_dim3A_308 : vector<16xi1>, vector<16xf32>
      %jit3A_310 = arith.constant 0 : i32
      %jit3A_311 = arith.constant 383 : i32
      %max3A_312 = vector.broadcast %jit3A_310 : i32 to vector<16xi32>
      %max3A_313 = arith.maxsi %max3A_312, %convert_element_type3A_278 : vector<16xi32>
      %min3A_314 = vector.broadcast %jit3A_311 : i32 to vector<16xi32>
      %min3A_315 = arith.minsi %min3A_314, %max3A_313 : vector<16xi32>
      %add3A_316 = arith.constant 1 : i32
      %add3A_317 = vector.broadcast %add3A_316 : i32 to vector<16xi32>
      %add3A_318 = arith.addi %convert_element_type3A_278, %add3A_317 : vector<16xi32>
      %jit3A_319 = arith.constant 0 : i32
      %jit3A_320 = arith.constant 383 : i32
      %max3A_321 = vector.broadcast %jit3A_319 : i32 to vector<16xi32>
      %max3A_322 = arith.maxsi %max3A_321, %add3A_318 : vector<16xi32>
      %min3A_323 = vector.broadcast %jit3A_320 : i32 to vector<16xi32>
      %min3A_324 = arith.minsi %min3A_323, %max3A_322 : vector<16xi32>
      %jit3A_325 = arith.constant 0 : i32
      %jit3A_326 = arith.constant 383 : i32
      %max3A_327 = vector.broadcast %jit3A_325 : i32 to vector<16xi32>
      %max3A_328 = arith.maxsi %max3A_327, %convert_element_type3A_279 : vector<16xi32>
      %min3A_329 = vector.broadcast %jit3A_326 : i32 to vector<16xi32>
      %min3A_330 = arith.minsi %min3A_329, %max3A_328 : vector<16xi32>
      %add3A_331 = arith.constant 1 : i32
      %add3A_332 = vector.broadcast %add3A_331 : i32 to vector<16xi32>
      %add3A_333 = arith.addi %convert_element_type3A_279, %add3A_332 : vector<16xi32>
      %jit3A_334 = arith.constant 0 : i32
      %jit3A_335 = arith.constant 383 : i32
      %max3A_336 = vector.broadcast %jit3A_334 : i32 to vector<16xi32>
      %max3A_337 = arith.maxsi %max3A_336, %add3A_333 : vector<16xi32>
      %min3A_338 = vector.broadcast %jit3A_335 : i32 to vector<16xi32>
      %min3A_339 = arith.minsi %min3A_338, %max3A_337 : vector<16xi32>
      %mul3A_340 = arith.constant 384 : i32
      %mul3A_341 = vector.broadcast %mul3A_340 : i32 to vector<16xi32>
      %mul3A_342 = arith.muli %min3A_330, %mul3A_341 : vector<16xi32>
      %add3A_343 = vector.broadcast %mul3A_20 : i32 to vector<16xi32>
      %add3A_344 = arith.addi %mul3A_342, %add3A_343 : vector<16xi32>
      %mul3A_345 = arith.constant 384 : i32
      %mul3A_346 = vector.broadcast %mul3A_345 : i32 to vector<16xi32>
      %mul3A_347 = arith.muli %min3A_339, %mul3A_346 : vector<16xi32>
      %add3A_348 = vector.broadcast %mul3A_20 : i32 to vector<16xi32>
      %add3A_349 = arith.addi %mul3A_347, %add3A_348 : vector<16xi32>
      %add3A_350 = arith.addi %add3A_344, %min3A_315 : vector<16xi32>
      %swap3A_351 = arith.constant 32 : index
      %swap3A_352 = tpu.vector_load %arg9[%swap3A_351] {strides = array<i32>} : memref<128xi32, #tpu.memory_space<vmem>>, vector<16xi32>,
      %swap3A_353 = vector.shape_cast %swap3A_352 : vector<16xi32> to vector<16xi32>
      %swap3A_354 = vector.shape_cast %add3A_350 : vector<16xi32> to vector<16xi32>
      tpu.vector_store %arg9[%swap3A_351], %swap3A_354 {strides = array<i32>} : memref<128xi32, #tpu.memory_space<vmem>>, vector<16xi32>,
      %add3A_355 = arith.addi %add3A_344, %min3A_324 : vector<16xi32>
      %swap3A_356 = arith.constant 32 : index
      %swap3A_357 = tpu.vector_load %arg10[%swap3A_356] {strides = array<i32>} : memref<128xi32, #tpu.memory_space<vmem>>, vector<16xi32>,
      %swap3A_358 = vector.shape_cast %swap3A_357 : vector<16xi32> to vector<16xi32>
      %swap3A_359 = vector.shape_cast %add3A_355 : vector<16xi32> to vector<16xi32>
      tpu.vector_store %arg10[%swap3A_356], %swap3A_359 {strides = array<i32>} : memref<128xi32, #tpu.memory_space<vmem>>, vector<16xi32>,
      %add3A_360 = arith.addi %add3A_349, %min3A_315 : vector<16xi32>
      %swap3A_361 = arith.constant 32 : index
      %swap3A_362 = tpu.vector_load %arg11[%swap3A_361] {strides = array<i32>} : memref<128xi32, #tpu.memory_space<vmem>>, vector<16xi32>,
      %swap3A_363 = vector.shape_cast %swap3A_362 : vector<16xi32> to vector<16xi32>
      %swap3A_364 = vector.shape_cast %add3A_360 : vector<16xi32> to vector<16xi32>
      tpu.vector_store %arg11[%swap3A_361], %swap3A_364 {strides = array<i32>} : memref<128xi32, #tpu.memory_space<vmem>>, vector<16xi32>,
      %add3A_365 = arith.addi %add3A_349, %min3A_324 : vector<16xi32>
      %swap3A_366 = arith.constant 32 : index
      %swap3A_367 = tpu.vector_load %arg12[%swap3A_366] {strides = array<i32>} : memref<128xi32, #tpu.memory_space<vmem>>, vector<16xi32>,
      %swap3A_368 = vector.shape_cast %swap3A_367 : vector<16xi32> to vector<16xi32>
      %swap3A_369 = vector.shape_cast %add3A_365 : vector<16xi32> to vector<16xi32>
      tpu.vector_store %arg12[%swap3A_366], %swap3A_369 {strides = array<i32>} : memref<128xi32, #tpu.memory_space<vmem>>, vector<16xi32>,
      %mul3A_370 = arith.mulf %sub3A_289, %select_n3A_309 : vector<16xf32>
      %mul3A_371 = arith.mulf %sub3A_283, %select_n3A_309 : vector<16xf32>
      %mul3A_372 = arith.mulf %mul3A_370, %sub3A_286 : vector<16xf32>
      %swap3A_373 = arith.constant 32 : index
      %swap3A_374 = tpu.vector_load %arg13[%swap3A_373] {strides = array<i32>} : memref<128xf32, #tpu.memory_space<vmem>>, vector<16xf32>,
      %swap3A_375 = vector.shape_cast %swap3A_374 : vector<16xf32> to vector<16xf32>
      %swap3A_376 = vector.shape_cast %mul3A_372 : vector<16xf32> to vector<16xf32>
      tpu.vector_store %arg13[%swap3A_373], %swap3A_376 {strides = array<i32>} : memref<128xf32, #tpu.memory_space<vmem>>, vector<16xf32>,
      %mul3A_377 = arith.mulf %mul3A_370, %sub3A_281 : vector<16xf32>
      %swap3A_378 = arith.constant 32 : index
      %swap3A_379 = tpu.vector_load %arg14[%swap3A_378] {strides = array<i32>} : memref<128xf32, #tpu.memory_space<vmem>>, vector<16xf32>,
      %swap3A_380 = vector.shape_cast %swap3A_379 : vector<16xf32> to vector<16xf32>
      %swap3A_381 = vector.shape_cast %mul3A_377 : vector<16xf32> to vector<16xf32>
      tpu.vector_store %arg14[%swap3A_378], %swap3A_381 {strides = array<i32>} : memref<128xf32, #tpu.memory_space<vmem>>, vector<16xf32>,
      %mul3A_382 = arith.mulf %mul3A_371, %sub3A_286 : vector<16xf32>
      %swap3A_383 = arith.constant 32 : index
      %swap3A_384 = tpu.vector_load %arg15[%swap3A_383] {strides = array<i32>} : memref<128xf32, #tpu.memory_space<vmem>>, vector<16xf32>,
      %swap3A_385 = vector.shape_cast %swap3A_384 : vector<16xf32> to vector<16xf32>
      %swap3A_386 = vector.shape_cast %mul3A_382 : vector<16xf32> to vector<16xf32>
      tpu.vector_store %arg15[%swap3A_383], %swap3A_386 {strides = array<i32>} : memref<128xf32, #tpu.memory_space<vmem>>, vector<16xf32>,
      %mul3A_387 = arith.mulf %mul3A_371, %sub3A_281 : vector<16xf32>
      %swap3A_388 = arith.constant 32 : index
      %swap3A_389 = tpu.vector_load %arg16[%swap3A_388] {strides = array<i32>} : memref<128xf32, #tpu.memory_space<vmem>>, vector<16xf32>,
      %swap3A_390 = vector.shape_cast %swap3A_389 : vector<16xf32> to vector<16xf32>
      %swap3A_391 = vector.shape_cast %mul3A_387 : vector<16xf32> to vector<16xf32>
      tpu.vector_store %arg16[%swap3A_388], %swap3A_391 {strides = array<i32>} : memref<128xf32, #tpu.memory_space<vmem>>, vector<16xf32>,
      %swap3A_392 = arith.constant 32 : index
      %swap3A_393 = tpu.vector_load %arg17[%swap3A_392] {strides = array<i32>} : memref<128xf32, #tpu.memory_space<vmem>>, vector<16xf32>,
      %swap3A_394 = vector.shape_cast %swap3A_393 : vector<16xf32> to vector<16xf32>
      %swap3A_395 = vector.shape_cast %select_n3A_309 : vector<16xf32> to vector<16xf32>
      tpu.vector_store %arg17[%swap3A_392], %swap3A_395 {strides = array<i32>} : memref<128xf32, #tpu.memory_space<vmem>>, vector<16xf32>,
      %get3A_396 = arith.constant 48 : index
      %get3A_397 = tpu.vector_load %arg7[%get3A_396] {strides = array<i32>} : memref<128xf32, #tpu.memory_space<vmem>>, vector<16xf32>,
      %get3A_398 = vector.shape_cast %get3A_397 : vector<16xf32> to vector<16xf32>
      %get3A_399 = arith.constant 48 : index
      %get3A_400 = tpu.vector_load %arg8[%get3A_399] {strides = array<i32>} : memref<128xf32, #tpu.memory_space<vmem>>, vector<16xf32>,
      %get3A_401 = vector.shape_cast %get3A_400 : vector<16xf32> to vector<16xf32>
      %convert_element_type3A_402 = arith.fptosi %get3A_398 : vector<16xf32> to vector<16xi32>
      %convert_element_type3A_403 = arith.fptosi %get3A_401 : vector<16xf32> to vector<16xi32>
      %convert_element_type3A_404 = arith.sitofp %convert_element_type3A_402 : vector<16xi32> to vector<16xf32>
      %sub3A_405 = arith.subf %get3A_398, %convert_element_type3A_404 : vector<16xf32>
      %convert_element_type3A_406 = arith.sitofp %convert_element_type3A_403 : vector<16xi32> to vector<16xf32>
      %sub3A_407 = arith.subf %get3A_401, %convert_element_type3A_406 : vector<16xf32>
      %sub3A_408 = arith.constant 1.000000e+00 : f32
      %sub3A_409 = vector.broadcast %sub3A_408 : f32 to vector<16xf32>
      %sub3A_410 = arith.subf %sub3A_409, %sub3A_405 : vector<16xf32>
      %sub3A_411 = arith.constant 1.000000e+00 : f32
      %sub3A_412 = vector.broadcast %sub3A_411 : f32 to vector<16xf32>
      %sub3A_413 = arith.subf %sub3A_412, %sub3A_407 : vector<16xf32>
      %ge3A_414 = arith.constant 0.000000e+00 : f32
      %ge3A_415 = vector.broadcast %ge3A_414 : f32 to vector<16xf32>
      %ge3A_416 = arith.cmpf oge, %get3A_398, %ge3A_415 : vector<16xf32>
      %le3A_417 = arith.constant 3.830000e+02 : f32
      %le3A_418 = vector.broadcast %le3A_417 : f32 to vector<16xf32>
      %le3A_419 = arith.cmpf ole, %get3A_398, %le3A_418 : vector<16xf32>
      %and3A_420 = arith.andi %ge3A_416, %le3A_419 : vector<16xi1>
      %ge3A_421 = arith.constant 0.000000e+00 : f32
      %ge3A_422 = vector.broadcast %ge3A_421 : f32 to vector<16xf32>
      %ge3A_423 = arith.cmpf oge, %get3A_401, %ge3A_422 : vector<16xf32>
      %and3A_424 = arith.andi %and3A_420, %ge3A_423 : vector<16xi1>
      %le3A_425 = arith.constant 3.830000e+02 : f32
      %le3A_426 = vector.broadcast %le3A_425 : f32 to vector<16xf32>
      %le3A_427 = arith.cmpf ole, %get3A_401, %le3A_426 : vector<16xf32>
      %and3A_428 = arith.andi %and3A_424, %le3A_427 : vector<16xi1>
      %jit3A_429 = arith.constant 1.000000e+00 : f32
      %jit3A_430 = arith.constant 0.000000e+00 : f32
      %broadcast_in_dim3A_431 = vector.broadcast %jit3A_429 : f32 to vector<16xf32>
      %broadcast_in_dim3A_432 = vector.broadcast %jit3A_430 : f32 to vector<16xf32>
      %select_n3A_433 = arith.select %and3A_428, %broadcast_in_dim3A_431, %broadcast_in_dim3A_432 : vector<16xi1>, vector<16xf32>
      %jit3A_434 = arith.constant 0 : i32
      %jit3A_435 = arith.constant 383 : i32
      %max3A_436 = vector.broadcast %jit3A_434 : i32 to vector<16xi32>
      %max3A_437 = arith.maxsi %max3A_436, %convert_element_type3A_402 : vector<16xi32>
      %min3A_438 = vector.broadcast %jit3A_435 : i32 to vector<16xi32>
      %min3A_439 = arith.minsi %min3A_438, %max3A_437 : vector<16xi32>
      %add3A_440 = arith.constant 1 : i32
      %add3A_441 = vector.broadcast %add3A_440 : i32 to vector<16xi32>
      %add3A_442 = arith.addi %convert_element_type3A_402, %add3A_441 : vector<16xi32>
      %jit3A_443 = arith.constant 0 : i32
      %jit3A_444 = arith.constant 383 : i32
      %max3A_445 = vector.broadcast %jit3A_443 : i32 to vector<16xi32>
      %max3A_446 = arith.maxsi %max3A_445, %add3A_442 : vector<16xi32>
      %min3A_447 = vector.broadcast %jit3A_444 : i32 to vector<16xi32>
      %min3A_448 = arith.minsi %min3A_447, %max3A_446 : vector<16xi32>
      %jit3A_449 = arith.constant 0 : i32
      %jit3A_450 = arith.constant 383 : i32
      %max3A_451 = vector.broadcast %jit3A_449 : i32 to vector<16xi32>
      %max3A_452 = arith.maxsi %max3A_451, %convert_element_type3A_403 : vector<16xi32>
      %min3A_453 = vector.broadcast %jit3A_450 : i32 to vector<16xi32>
      %min3A_454 = arith.minsi %min3A_453, %max3A_452 : vector<16xi32>
      %add3A_455 = arith.constant 1 : i32
      %add3A_456 = vector.broadcast %add3A_455 : i32 to vector<16xi32>
      %add3A_457 = arith.addi %convert_element_type3A_403, %add3A_456 : vector<16xi32>
      %jit3A_458 = arith.constant 0 : i32
      %jit3A_459 = arith.constant 383 : i32
      %max3A_460 = vector.broadcast %jit3A_458 : i32 to vector<16xi32>
      %max3A_461 = arith.maxsi %max3A_460, %add3A_457 : vector<16xi32>
      %min3A_462 = vector.broadcast %jit3A_459 : i32 to vector<16xi32>
      %min3A_463 = arith.minsi %min3A_462, %max3A_461 : vector<16xi32>
      %mul3A_464 = arith.constant 384 : i32
      %mul3A_465 = vector.broadcast %mul3A_464 : i32 to vector<16xi32>
      %mul3A_466 = arith.muli %min3A_454, %mul3A_465 : vector<16xi32>
      %add3A_467 = vector.broadcast %mul3A_20 : i32 to vector<16xi32>
      %add3A_468 = arith.addi %mul3A_466, %add3A_467 : vector<16xi32>
      %mul3A_469 = arith.constant 384 : i32
      %mul3A_470 = vector.broadcast %mul3A_469 : i32 to vector<16xi32>
      %mul3A_471 = arith.muli %min3A_463, %mul3A_470 : vector<16xi32>
      %add3A_472 = vector.broadcast %mul3A_20 : i32 to vector<16xi32>
      %add3A_473 = arith.addi %mul3A_471, %add3A_472 : vector<16xi32>
      %add3A_474 = arith.addi %add3A_468, %min3A_439 : vector<16xi32>
      %swap3A_475 = arith.constant 48 : index
      %swap3A_476 = tpu.vector_load %arg9[%swap3A_475] {strides = array<i32>} : memref<128xi32, #tpu.memory_space<vmem>>, vector<16xi32>,
      %swap3A_477 = vector.shape_cast %swap3A_476 : vector<16xi32> to vector<16xi32>
      %swap3A_478 = vector.shape_cast %add3A_474 : vector<16xi32> to vector<16xi32>
      tpu.vector_store %arg9[%swap3A_475], %swap3A_478 {strides = array<i32>} : memref<128xi32, #tpu.memory_space<vmem>>, vector<16xi32>,
      %add3A_479 = arith.addi %add3A_468, %min3A_448 : vector<16xi32>
      %swap3A_480 = arith.constant 48 : index
      %swap3A_481 = tpu.vector_load %arg10[%swap3A_480] {strides = array<i32>} : memref<128xi32, #tpu.memory_space<vmem>>, vector<16xi32>,
      %swap3A_482 = vector.shape_cast %swap3A_481 : vector<16xi32> to vector<16xi32>
      %swap3A_483 = vector.shape_cast %add3A_479 : vector<16xi32> to vector<16xi32>
      tpu.vector_store %arg10[%swap3A_480], %swap3A_483 {strides = array<i32>} : memref<128xi32, #tpu.memory_space<vmem>>, vector<16xi32>,
      %add3A_484 = arith.addi %add3A_473, %min3A_439 : vector<16xi32>
      %swap3A_485 = arith.constant 48 : index
      %swap3A_486 = tpu.vector_load %arg11[%swap3A_485] {strides = array<i32>} : memref<128xi32, #tpu.memory_space<vmem>>, vector<16xi32>,
      %swap3A_487 = vector.shape_cast %swap3A_486 : vector<16xi32> to vector<16xi32>
      %swap3A_488 = vector.shape_cast %add3A_484 : vector<16xi32> to vector<16xi32>
      tpu.vector_store %arg11[%swap3A_485], %swap3A_488 {strides = array<i32>} : memref<128xi32, #tpu.memory_space<vmem>>, vector<16xi32>,
      %add3A_489 = arith.addi %add3A_473, %min3A_448 : vector<16xi32>
      %swap3A_490 = arith.constant 48 : index
      %swap3A_491 = tpu.vector_load %arg12[%swap3A_490] {strides = array<i32>} : memref<128xi32, #tpu.memory_space<vmem>>, vector<16xi32>,
      %swap3A_492 = vector.shape_cast %swap3A_491 : vector<16xi32> to vector<16xi32>
      %swap3A_493 = vector.shape_cast %add3A_489 : vector<16xi32> to vector<16xi32>
      tpu.vector_store %arg12[%swap3A_490], %swap3A_493 {strides = array<i32>} : memref<128xi32, #tpu.memory_space<vmem>>, vector<16xi32>,
      %mul3A_494 = arith.mulf %sub3A_413, %select_n3A_433 : vector<16xf32>
      %mul3A_495 = arith.mulf %sub3A_407, %select_n3A_433 : vector<16xf32>
      %mul3A_496 = arith.mulf %mul3A_494, %sub3A_410 : vector<16xf32>
      %swap3A_497 = arith.constant 48 : index
      %swap3A_498 = tpu.vector_load %arg13[%swap3A_497] {strides = array<i32>} : memref<128xf32, #tpu.memory_space<vmem>>, vector<16xf32>,
      %swap3A_499 = vector.shape_cast %swap3A_498 : vector<16xf32> to vector<16xf32>
      %swap3A_500 = vector.shape_cast %mul3A_496 : vector<16xf32> to vector<16xf32>
      tpu.vector_store %arg13[%swap3A_497], %swap3A_500 {strides = array<i32>} : memref<128xf32, #tpu.memory_space<vmem>>, vector<16xf32>,
      %mul3A_501 = arith.mulf %mul3A_494, %sub3A_405 : vector<16xf32>
      %swap3A_502 = arith.constant 48 : index
      %swap3A_503 = tpu.vector_load %arg14[%swap3A_502] {strides = array<i32>} : memref<128xf32, #tpu.memory_space<vmem>>, vector<16xf32>,
      %swap3A_504 = vector.shape_cast %swap3A_503 : vector<16xf32> to vector<16xf32>
      %swap3A_505 = vector.shape_cast %mul3A_501 : vector<16xf32> to vector<16xf32>
      tpu.vector_store %arg14[%swap3A_502], %swap3A_505 {strides = array<i32>} : memref<128xf32, #tpu.memory_space<vmem>>, vector<16xf32>,
      %mul3A_506 = arith.mulf %mul3A_495, %sub3A_410 : vector<16xf32>
      %swap3A_507 = arith.constant 48 : index
      %swap3A_508 = tpu.vector_load %arg15[%swap3A_507] {strides = array<i32>} : memref<128xf32, #tpu.memory_space<vmem>>, vector<16xf32>,
      %swap3A_509 = vector.shape_cast %swap3A_508 : vector<16xf32> to vector<16xf32>
      %swap3A_510 = vector.shape_cast %mul3A_506 : vector<16xf32> to vector<16xf32>
      tpu.vector_store %arg15[%swap3A_507], %swap3A_510 {strides = array<i32>} : memref<128xf32, #tpu.memory_space<vmem>>, vector<16xf32>,
      %mul3A_511 = arith.mulf %mul3A_495, %sub3A_405 : vector<16xf32>
      %swap3A_512 = arith.constant 48 : index
      %swap3A_513 = tpu.vector_load %arg16[%swap3A_512] {strides = array<i32>} : memref<128xf32, #tpu.memory_space<vmem>>, vector<16xf32>,
      %swap3A_514 = vector.shape_cast %swap3A_513 : vector<16xf32> to vector<16xf32>
      %swap3A_515 = vector.shape_cast %mul3A_511 : vector<16xf32> to vector<16xf32>
      tpu.vector_store %arg16[%swap3A_512], %swap3A_515 {strides = array<i32>} : memref<128xf32, #tpu.memory_space<vmem>>, vector<16xf32>,
      %swap3A_516 = arith.constant 48 : index
      %swap3A_517 = tpu.vector_load %arg17[%swap3A_516] {strides = array<i32>} : memref<128xf32, #tpu.memory_space<vmem>>, vector<16xf32>,
      %swap3A_518 = vector.shape_cast %swap3A_517 : vector<16xf32> to vector<16xf32>
      %swap3A_519 = vector.shape_cast %select_n3A_433 : vector<16xf32> to vector<16xf32>
      tpu.vector_store %arg17[%swap3A_516], %swap3A_519 {strides = array<i32>} : memref<128xf32, #tpu.memory_space<vmem>>, vector<16xf32>,
      %get3A_520 = arith.constant 64 : index
      %get3A_521 = tpu.vector_load %arg7[%get3A_520] {strides = array<i32>} : memref<128xf32, #tpu.memory_space<vmem>>, vector<16xf32>,
      %get3A_522 = vector.shape_cast %get3A_521 : vector<16xf32> to vector<16xf32>
      %get3A_523 = arith.constant 64 : index
      %get3A_524 = tpu.vector_load %arg8[%get3A_523] {strides = array<i32>} : memref<128xf32, #tpu.memory_space<vmem>>, vector<16xf32>,
      %get3A_525 = vector.shape_cast %get3A_524 : vector<16xf32> to vector<16xf32>
      %convert_element_type3A_526 = arith.fptosi %get3A_522 : vector<16xf32> to vector<16xi32>
      %convert_element_type3A_527 = arith.fptosi %get3A_525 : vector<16xf32> to vector<16xi32>
      %convert_element_type3A_528 = arith.sitofp %convert_element_type3A_526 : vector<16xi32> to vector<16xf32>
      %sub3A_529 = arith.subf %get3A_522, %convert_element_type3A_528 : vector<16xf32>
      %convert_element_type3A_530 = arith.sitofp %convert_element_type3A_527 : vector<16xi32> to vector<16xf32>
      %sub3A_531 = arith.subf %get3A_525, %convert_element_type3A_530 : vector<16xf32>
      %sub3A_532 = arith.constant 1.000000e+00 : f32
      %sub3A_533 = vector.broadcast %sub3A_532 : f32 to vector<16xf32>
      %sub3A_534 = arith.subf %sub3A_533, %sub3A_529 : vector<16xf32>
      %sub3A_535 = arith.constant 1.000000e+00 : f32
      %sub3A_536 = vector.broadcast %sub3A_535 : f32 to vector<16xf32>
      %sub3A_537 = arith.subf %sub3A_536, %sub3A_531 : vector<16xf32>
      %ge3A_538 = arith.constant 0.000000e+00 : f32
      %ge3A_539 = vector.broadcast %ge3A_538 : f32 to vector<16xf32>
      %ge3A_540 = arith.cmpf oge, %get3A_522, %ge3A_539 : vector<16xf32>
      %le3A_541 = arith.constant 3.830000e+02 : f32
      %le3A_542 = vector.broadcast %le3A_541 : f32 to vector<16xf32>
      %le3A_543 = arith.cmpf ole, %get3A_522, %le3A_542 : vector<16xf32>
      %and3A_544 = arith.andi %ge3A_540, %le3A_543 : vector<16xi1>
      %ge3A_545 = arith.constant 0.000000e+00 : f32
      %ge3A_546 = vector.broadcast %ge3A_545 : f32 to vector<16xf32>
      %ge3A_547 = arith.cmpf oge, %get3A_525, %ge3A_546 : vector<16xf32>
      %and3A_548 = arith.andi %and3A_544, %ge3A_547 : vector<16xi1>
      %le3A_549 = arith.constant 3.830000e+02 : f32
      %le3A_550 = vector.broadcast %le3A_549 : f32 to vector<16xf32>
      %le3A_551 = arith.cmpf ole, %get3A_525, %le3A_550 : vector<16xf32>
      %and3A_552 = arith.andi %and3A_548, %le3A_551 : vector<16xi1>
      %jit3A_553 = arith.constant 1.000000e+00 : f32
      %jit3A_554 = arith.constant 0.000000e+00 : f32
      %broadcast_in_dim3A_555 = vector.broadcast %jit3A_553 : f32 to vector<16xf32>
      %broadcast_in_dim3A_556 = vector.broadcast %jit3A_554 : f32 to vector<16xf32>
      %select_n3A_557 = arith.select %and3A_552, %broadcast_in_dim3A_555, %broadcast_in_dim3A_556 : vector<16xi1>, vector<16xf32>
      %jit3A_558 = arith.constant 0 : i32
      %jit3A_559 = arith.constant 383 : i32
      %max3A_560 = vector.broadcast %jit3A_558 : i32 to vector<16xi32>
      %max3A_561 = arith.maxsi %max3A_560, %convert_element_type3A_526 : vector<16xi32>
      %min3A_562 = vector.broadcast %jit3A_559 : i32 to vector<16xi32>
      %min3A_563 = arith.minsi %min3A_562, %max3A_561 : vector<16xi32>
      %add3A_564 = arith.constant 1 : i32
      %add3A_565 = vector.broadcast %add3A_564 : i32 to vector<16xi32>
      %add3A_566 = arith.addi %convert_element_type3A_526, %add3A_565 : vector<16xi32>
      %jit3A_567 = arith.constant 0 : i32
      %jit3A_568 = arith.constant 383 : i32
      %max3A_569 = vector.broadcast %jit3A_567 : i32 to vector<16xi32>
      %max3A_570 = arith.maxsi %max3A_569, %add3A_566 : vector<16xi32>
      %min3A_571 = vector.broadcast %jit3A_568 : i32 to vector<16xi32>
      %min3A_572 = arith.minsi %min3A_571, %max3A_570 : vector<16xi32>
      %jit3A_573 = arith.constant 0 : i32
      %jit3A_574 = arith.constant 383 : i32
      %max3A_575 = vector.broadcast %jit3A_573 : i32 to vector<16xi32>
      %max3A_576 = arith.maxsi %max3A_575, %convert_element_type3A_527 : vector<16xi32>
      %min3A_577 = vector.broadcast %jit3A_574 : i32 to vector<16xi32>
      %min3A_578 = arith.minsi %min3A_577, %max3A_576 : vector<16xi32>
      %add3A_579 = arith.constant 1 : i32
      %add3A_580 = vector.broadcast %add3A_579 : i32 to vector<16xi32>
      %add3A_581 = arith.addi %convert_element_type3A_527, %add3A_580 : vector<16xi32>
      %jit3A_582 = arith.constant 0 : i32
      %jit3A_583 = arith.constant 383 : i32
      %max3A_584 = vector.broadcast %jit3A_582 : i32 to vector<16xi32>
      %max3A_585 = arith.maxsi %max3A_584, %add3A_581 : vector<16xi32>
      %min3A_586 = vector.broadcast %jit3A_583 : i32 to vector<16xi32>
      %min3A_587 = arith.minsi %min3A_586, %max3A_585 : vector<16xi32>
      %mul3A_588 = arith.constant 384 : i32
      %mul3A_589 = vector.broadcast %mul3A_588 : i32 to vector<16xi32>
      %mul3A_590 = arith.muli %min3A_578, %mul3A_589 : vector<16xi32>
      %add3A_591 = vector.broadcast %mul3A_20 : i32 to vector<16xi32>
      %add3A_592 = arith.addi %mul3A_590, %add3A_591 : vector<16xi32>
      %mul3A_593 = arith.constant 384 : i32
      %mul3A_594 = vector.broadcast %mul3A_593 : i32 to vector<16xi32>
      %mul3A_595 = arith.muli %min3A_587, %mul3A_594 : vector<16xi32>
      %add3A_596 = vector.broadcast %mul3A_20 : i32 to vector<16xi32>
      %add3A_597 = arith.addi %mul3A_595, %add3A_596 : vector<16xi32>
      %add3A_598 = arith.addi %add3A_592, %min3A_563 : vector<16xi32>
      %swap3A_599 = arith.constant 64 : index
      %swap3A_600 = tpu.vector_load %arg9[%swap3A_599] {strides = array<i32>} : memref<128xi32, #tpu.memory_space<vmem>>, vector<16xi32>,
      %swap3A_601 = vector.shape_cast %swap3A_600 : vector<16xi32> to vector<16xi32>
      %swap3A_602 = vector.shape_cast %add3A_598 : vector<16xi32> to vector<16xi32>
      tpu.vector_store %arg9[%swap3A_599], %swap3A_602 {strides = array<i32>} : memref<128xi32, #tpu.memory_space<vmem>>, vector<16xi32>,
      %add3A_603 = arith.addi %add3A_592, %min3A_572 : vector<16xi32>
      %swap3A_604 = arith.constant 64 : index
      %swap3A_605 = tpu.vector_load %arg10[%swap3A_604] {strides = array<i32>} : memref<128xi32, #tpu.memory_space<vmem>>, vector<16xi32>,
      %swap3A_606 = vector.shape_cast %swap3A_605 : vector<16xi32> to vector<16xi32>
      %swap3A_607 = vector.shape_cast %add3A_603 : vector<16xi32> to vector<16xi32>
      tpu.vector_store %arg10[%swap3A_604], %swap3A_607 {strides = array<i32>} : memref<128xi32, #tpu.memory_space<vmem>>, vector<16xi32>,
      %add3A_608 = arith.addi %add3A_597, %min3A_563 : vector<16xi32>
      %swap3A_609 = arith.constant 64 : index
      %swap3A_610 = tpu.vector_load %arg11[%swap3A_609] {strides = array<i32>} : memref<128xi32, #tpu.memory_space<vmem>>, vector<16xi32>,
      %swap3A_611 = vector.shape_cast %swap3A_610 : vector<16xi32> to vector<16xi32>
      %swap3A_612 = vector.shape_cast %add3A_608 : vector<16xi32> to vector<16xi32>
      tpu.vector_store %arg11[%swap3A_609], %swap3A_612 {strides = array<i32>} : memref<128xi32, #tpu.memory_space<vmem>>, vector<16xi32>,
      %add3A_613 = arith.addi %add3A_597, %min3A_572 : vector<16xi32>
      %swap3A_614 = arith.constant 64 : index
      %swap3A_615 = tpu.vector_load %arg12[%swap3A_614] {strides = array<i32>} : memref<128xi32, #tpu.memory_space<vmem>>, vector<16xi32>,
      %swap3A_616 = vector.shape_cast %swap3A_615 : vector<16xi32> to vector<16xi32>
      %swap3A_617 = vector.shape_cast %add3A_613 : vector<16xi32> to vector<16xi32>
      tpu.vector_store %arg12[%swap3A_614], %swap3A_617 {strides = array<i32>} : memref<128xi32, #tpu.memory_space<vmem>>, vector<16xi32>,
      %mul3A_618 = arith.mulf %sub3A_537, %select_n3A_557 : vector<16xf32>
      %mul3A_619 = arith.mulf %sub3A_531, %select_n3A_557 : vector<16xf32>
      %mul3A_620 = arith.mulf %mul3A_618, %sub3A_534 : vector<16xf32>
      %swap3A_621 = arith.constant 64 : index
      %swap3A_622 = tpu.vector_load %arg13[%swap3A_621] {strides = array<i32>} : memref<128xf32, #tpu.memory_space<vmem>>, vector<16xf32>,
      %swap3A_623 = vector.shape_cast %swap3A_622 : vector<16xf32> to vector<16xf32>
      %swap3A_624 = vector.shape_cast %mul3A_620 : vector<16xf32> to vector<16xf32>
      tpu.vector_store %arg13[%swap3A_621], %swap3A_624 {strides = array<i32>} : memref<128xf32, #tpu.memory_space<vmem>>, vector<16xf32>,
      %mul3A_625 = arith.mulf %mul3A_618, %sub3A_529 : vector<16xf32>
      %swap3A_626 = arith.constant 64 : index
      %swap3A_627 = tpu.vector_load %arg14[%swap3A_626] {strides = array<i32>} : memref<128xf32, #tpu.memory_space<vmem>>, vector<16xf32>,
      %swap3A_628 = vector.shape_cast %swap3A_627 : vector<16xf32> to vector<16xf32>
      %swap3A_629 = vector.shape_cast %mul3A_625 : vector<16xf32> to vector<16xf32>
      tpu.vector_store %arg14[%swap3A_626], %swap3A_629 {strides = array<i32>} : memref<128xf32, #tpu.memory_space<vmem>>, vector<16xf32>,
      %mul3A_630 = arith.mulf %mul3A_619, %sub3A_534 : vector<16xf32>
      %swap3A_631 = arith.constant 64 : index
      %swap3A_632 = tpu.vector_load %arg15[%swap3A_631] {strides = array<i32>} : memref<128xf32, #tpu.memory_space<vmem>>, vector<16xf32>,
      %swap3A_633 = vector.shape_cast %swap3A_632 : vector<16xf32> to vector<16xf32>
      %swap3A_634 = vector.shape_cast %mul3A_630 : vector<16xf32> to vector<16xf32>
      tpu.vector_store %arg15[%swap3A_631], %swap3A_634 {strides = array<i32>} : memref<128xf32, #tpu.memory_space<vmem>>, vector<16xf32>,
      %mul3A_635 = arith.mulf %mul3A_619, %sub3A_529 : vector<16xf32>
      %swap3A_636 = arith.constant 64 : index
      %swap3A_637 = tpu.vector_load %arg16[%swap3A_636] {strides = array<i32>} : memref<128xf32, #tpu.memory_space<vmem>>, vector<16xf32>,
      %swap3A_638 = vector.shape_cast %swap3A_637 : vector<16xf32> to vector<16xf32>
      %swap3A_639 = vector.shape_cast %mul3A_635 : vector<16xf32> to vector<16xf32>
      tpu.vector_store %arg16[%swap3A_636], %swap3A_639 {strides = array<i32>} : memref<128xf32, #tpu.memory_space<vmem>>, vector<16xf32>,
      %swap3A_640 = arith.constant 64 : index
      %swap3A_641 = tpu.vector_load %arg17[%swap3A_640] {strides = array<i32>} : memref<128xf32, #tpu.memory_space<vmem>>, vector<16xf32>,
      %swap3A_642 = vector.shape_cast %swap3A_641 : vector<16xf32> to vector<16xf32>
      %swap3A_643 = vector.shape_cast %select_n3A_557 : vector<16xf32> to vector<16xf32>
      tpu.vector_store %arg17[%swap3A_640], %swap3A_643 {strides = array<i32>} : memref<128xf32, #tpu.memory_space<vmem>>, vector<16xf32>,
      %get3A_644 = arith.constant 80 : index
      %get3A_645 = tpu.vector_load %arg7[%get3A_644] {strides = array<i32>} : memref<128xf32, #tpu.memory_space<vmem>>, vector<16xf32>,
      %get3A_646 = vector.shape_cast %get3A_645 : vector<16xf32> to vector<16xf32>
      %get3A_647 = arith.constant 80 : index
      %get3A_648 = tpu.vector_load %arg8[%get3A_647] {strides = array<i32>} : memref<128xf32, #tpu.memory_space<vmem>>, vector<16xf32>,
      %get3A_649 = vector.shape_cast %get3A_648 : vector<16xf32> to vector<16xf32>
      %convert_element_type3A_650 = arith.fptosi %get3A_646 : vector<16xf32> to vector<16xi32>
      %convert_element_type3A_651 = arith.fptosi %get3A_649 : vector<16xf32> to vector<16xi32>
      %convert_element_type3A_652 = arith.sitofp %convert_element_type3A_650 : vector<16xi32> to vector<16xf32>
      %sub3A_653 = arith.subf %get3A_646, %convert_element_type3A_652 : vector<16xf32>
      %convert_element_type3A_654 = arith.sitofp %convert_element_type3A_651 : vector<16xi32> to vector<16xf32>
      %sub3A_655 = arith.subf %get3A_649, %convert_element_type3A_654 : vector<16xf32>
      %sub3A_656 = arith.constant 1.000000e+00 : f32
      %sub3A_657 = vector.broadcast %sub3A_656 : f32 to vector<16xf32>
      %sub3A_658 = arith.subf %sub3A_657, %sub3A_653 : vector<16xf32>
      %sub3A_659 = arith.constant 1.000000e+00 : f32
      %sub3A_660 = vector.broadcast %sub3A_659 : f32 to vector<16xf32>
      %sub3A_661 = arith.subf %sub3A_660, %sub3A_655 : vector<16xf32>
      %ge3A_662 = arith.constant 0.000000e+00 : f32
      %ge3A_663 = vector.broadcast %ge3A_662 : f32 to vector<16xf32>
      %ge3A_664 = arith.cmpf oge, %get3A_646, %ge3A_663 : vector<16xf32>
      %le3A_665 = arith.constant 3.830000e+02 : f32
      %le3A_666 = vector.broadcast %le3A_665 : f32 to vector<16xf32>
      %le3A_667 = arith.cmpf ole, %get3A_646, %le3A_666 : vector<16xf32>
      %and3A_668 = arith.andi %ge3A_664, %le3A_667 : vector<16xi1>
      %ge3A_669 = arith.constant 0.000000e+00 : f32
      %ge3A_670 = vector.broadcast %ge3A_669 : f32 to vector<16xf32>
      %ge3A_671 = arith.cmpf oge, %get3A_649, %ge3A_670 : vector<16xf32>
      %and3A_672 = arith.andi %and3A_668, %ge3A_671 : vector<16xi1>
      %le3A_673 = arith.constant 3.830000e+02 : f32
      %le3A_674 = vector.broadcast %le3A_673 : f32 to vector<16xf32>
      %le3A_675 = arith.cmpf ole, %get3A_649, %le3A_674 : vector<16xf32>
      %and3A_676 = arith.andi %and3A_672, %le3A_675 : vector<16xi1>
      %jit3A_677 = arith.constant 1.000000e+00 : f32
      %jit3A_678 = arith.constant 0.000000e+00 : f32
      %broadcast_in_dim3A_679 = vector.broadcast %jit3A_677 : f32 to vector<16xf32>
      %broadcast_in_dim3A_680 = vector.broadcast %jit3A_678 : f32 to vector<16xf32>
      %select_n3A_681 = arith.select %and3A_676, %broadcast_in_dim3A_679, %broadcast_in_dim3A_680 : vector<16xi1>, vector<16xf32>
      %jit3A_682 = arith.constant 0 : i32
      %jit3A_683 = arith.constant 383 : i32
      %max3A_684 = vector.broadcast %jit3A_682 : i32 to vector<16xi32>
      %max3A_685 = arith.maxsi %max3A_684, %convert_element_type3A_650 : vector<16xi32>
      %min3A_686 = vector.broadcast %jit3A_683 : i32 to vector<16xi32>
      %min3A_687 = arith.minsi %min3A_686, %max3A_685 : vector<16xi32>
      %add3A_688 = arith.constant 1 : i32
      %add3A_689 = vector.broadcast %add3A_688 : i32 to vector<16xi32>
      %add3A_690 = arith.addi %convert_element_type3A_650, %add3A_689 : vector<16xi32>
      %jit3A_691 = arith.constant 0 : i32
      %jit3A_692 = arith.constant 383 : i32
      %max3A_693 = vector.broadcast %jit3A_691 : i32 to vector<16xi32>
      %max3A_694 = arith.maxsi %max3A_693, %add3A_690 : vector<16xi32>
      %min3A_695 = vector.broadcast %jit3A_692 : i32 to vector<16xi32>
      %min3A_696 = arith.minsi %min3A_695, %max3A_694 : vector<16xi32>
      %jit3A_697 = arith.constant 0 : i32
      %jit3A_698 = arith.constant 383 : i32
      %max3A_699 = vector.broadcast %jit3A_697 : i32 to vector<16xi32>
      %max3A_700 = arith.maxsi %max3A_699, %convert_element_type3A_651 : vector<16xi32>
      %min3A_701 = vector.broadcast %jit3A_698 : i32 to vector<16xi32>
      %min3A_702 = arith.minsi %min3A_701, %max3A_700 : vector<16xi32>
      %add3A_703 = arith.constant 1 : i32
      %add3A_704 = vector.broadcast %add3A_703 : i32 to vector<16xi32>
      %add3A_705 = arith.addi %convert_element_type3A_651, %add3A_704 : vector<16xi32>
      %jit3A_706 = arith.constant 0 : i32
      %jit3A_707 = arith.constant 383 : i32
      %max3A_708 = vector.broadcast %jit3A_706 : i32 to vector<16xi32>
      %max3A_709 = arith.maxsi %max3A_708, %add3A_705 : vector<16xi32>
      %min3A_710 = vector.broadcast %jit3A_707 : i32 to vector<16xi32>
      %min3A_711 = arith.minsi %min3A_710, %max3A_709 : vector<16xi32>
      %mul3A_712 = arith.constant 384 : i32
      %mul3A_713 = vector.broadcast %mul3A_712 : i32 to vector<16xi32>
      %mul3A_714 = arith.muli %min3A_702, %mul3A_713 : vector<16xi32>
      %add3A_715 = vector.broadcast %mul3A_20 : i32 to vector<16xi32>
      %add3A_716 = arith.addi %mul3A_714, %add3A_715 : vector<16xi32>
      %mul3A_717 = arith.constant 384 : i32
      %mul3A_718 = vector.broadcast %mul3A_717 : i32 to vector<16xi32>
      %mul3A_719 = arith.muli %min3A_711, %mul3A_718 : vector<16xi32>
      %add3A_720 = vector.broadcast %mul3A_20 : i32 to vector<16xi32>
      %add3A_721 = arith.addi %mul3A_719, %add3A_720 : vector<16xi32>
      %add3A_722 = arith.addi %add3A_716, %min3A_687 : vector<16xi32>
      %swap3A_723 = arith.constant 80 : index
      %swap3A_724 = tpu.vector_load %arg9[%swap3A_723] {strides = array<i32>} : memref<128xi32, #tpu.memory_space<vmem>>, vector<16xi32>,
      %swap3A_725 = vector.shape_cast %swap3A_724 : vector<16xi32> to vector<16xi32>
      %swap3A_726 = vector.shape_cast %add3A_722 : vector<16xi32> to vector<16xi32>
      tpu.vector_store %arg9[%swap3A_723], %swap3A_726 {strides = array<i32>} : memref<128xi32, #tpu.memory_space<vmem>>, vector<16xi32>,
      %add3A_727 = arith.addi %add3A_716, %min3A_696 : vector<16xi32>
      %swap3A_728 = arith.constant 80 : index
      %swap3A_729 = tpu.vector_load %arg10[%swap3A_728] {strides = array<i32>} : memref<128xi32, #tpu.memory_space<vmem>>, vector<16xi32>,
      %swap3A_730 = vector.shape_cast %swap3A_729 : vector<16xi32> to vector<16xi32>
      %swap3A_731 = vector.shape_cast %add3A_727 : vector<16xi32> to vector<16xi32>
      tpu.vector_store %arg10[%swap3A_728], %swap3A_731 {strides = array<i32>} : memref<128xi32, #tpu.memory_space<vmem>>, vector<16xi32>,
      %add3A_732 = arith.addi %add3A_721, %min3A_687 : vector<16xi32>
      %swap3A_733 = arith.constant 80 : index
      %swap3A_734 = tpu.vector_load %arg11[%swap3A_733] {strides = array<i32>} : memref<128xi32, #tpu.memory_space<vmem>>, vector<16xi32>,
      %swap3A_735 = vector.shape_cast %swap3A_734 : vector<16xi32> to vector<16xi32>
      %swap3A_736 = vector.shape_cast %add3A_732 : vector<16xi32> to vector<16xi32>
      tpu.vector_store %arg11[%swap3A_733], %swap3A_736 {strides = array<i32>} : memref<128xi32, #tpu.memory_space<vmem>>, vector<16xi32>,
      %add3A_737 = arith.addi %add3A_721, %min3A_696 : vector<16xi32>
      %swap3A_738 = arith.constant 80 : index
      %swap3A_739 = tpu.vector_load %arg12[%swap3A_738] {strides = array<i32>} : memref<128xi32, #tpu.memory_space<vmem>>, vector<16xi32>,
      %swap3A_740 = vector.shape_cast %swap3A_739 : vector<16xi32> to vector<16xi32>
      %swap3A_741 = vector.shape_cast %add3A_737 : vector<16xi32> to vector<16xi32>
      tpu.vector_store %arg12[%swap3A_738], %swap3A_741 {strides = array<i32>} : memref<128xi32, #tpu.memory_space<vmem>>, vector<16xi32>,
      %mul3A_742 = arith.mulf %sub3A_661, %select_n3A_681 : vector<16xf32>
      %mul3A_743 = arith.mulf %sub3A_655, %select_n3A_681 : vector<16xf32>
      %mul3A_744 = arith.mulf %mul3A_742, %sub3A_658 : vector<16xf32>
      %swap3A_745 = arith.constant 80 : index
      %swap3A_746 = tpu.vector_load %arg13[%swap3A_745] {strides = array<i32>} : memref<128xf32, #tpu.memory_space<vmem>>, vector<16xf32>,
      %swap3A_747 = vector.shape_cast %swap3A_746 : vector<16xf32> to vector<16xf32>
      %swap3A_748 = vector.shape_cast %mul3A_744 : vector<16xf32> to vector<16xf32>
      tpu.vector_store %arg13[%swap3A_745], %swap3A_748 {strides = array<i32>} : memref<128xf32, #tpu.memory_space<vmem>>, vector<16xf32>,
      %mul3A_749 = arith.mulf %mul3A_742, %sub3A_653 : vector<16xf32>
      %swap3A_750 = arith.constant 80 : index
      %swap3A_751 = tpu.vector_load %arg14[%swap3A_750] {strides = array<i32>} : memref<128xf32, #tpu.memory_space<vmem>>, vector<16xf32>,
      %swap3A_752 = vector.shape_cast %swap3A_751 : vector<16xf32> to vector<16xf32>
      %swap3A_753 = vector.shape_cast %mul3A_749 : vector<16xf32> to vector<16xf32>
      tpu.vector_store %arg14[%swap3A_750], %swap3A_753 {strides = array<i32>} : memref<128xf32, #tpu.memory_space<vmem>>, vector<16xf32>,
      %mul3A_754 = arith.mulf %mul3A_743, %sub3A_658 : vector<16xf32>
      %swap3A_755 = arith.constant 80 : index
      %swap3A_756 = tpu.vector_load %arg15[%swap3A_755] {strides = array<i32>} : memref<128xf32, #tpu.memory_space<vmem>>, vector<16xf32>,
      %swap3A_757 = vector.shape_cast %swap3A_756 : vector<16xf32> to vector<16xf32>
      %swap3A_758 = vector.shape_cast %mul3A_754 : vector<16xf32> to vector<16xf32>
      tpu.vector_store %arg15[%swap3A_755], %swap3A_758 {strides = array<i32>} : memref<128xf32, #tpu.memory_space<vmem>>, vector<16xf32>,
      %mul3A_759 = arith.mulf %mul3A_743, %sub3A_653 : vector<16xf32>
      %swap3A_760 = arith.constant 80 : index
      %swap3A_761 = tpu.vector_load %arg16[%swap3A_760] {strides = array<i32>} : memref<128xf32, #tpu.memory_space<vmem>>, vector<16xf32>,
      %swap3A_762 = vector.shape_cast %swap3A_761 : vector<16xf32> to vector<16xf32>
      %swap3A_763 = vector.shape_cast %mul3A_759 : vector<16xf32> to vector<16xf32>
      tpu.vector_store %arg16[%swap3A_760], %swap3A_763 {strides = array<i32>} : memref<128xf32, #tpu.memory_space<vmem>>, vector<16xf32>,
      %swap3A_764 = arith.constant 80 : index
      %swap3A_765 = tpu.vector_load %arg17[%swap3A_764] {strides = array<i32>} : memref<128xf32, #tpu.memory_space<vmem>>, vector<16xf32>,
      %swap3A_766 = vector.shape_cast %swap3A_765 : vector<16xf32> to vector<16xf32>
      %swap3A_767 = vector.shape_cast %select_n3A_681 : vector<16xf32> to vector<16xf32>
      tpu.vector_store %arg17[%swap3A_764], %swap3A_767 {strides = array<i32>} : memref<128xf32, #tpu.memory_space<vmem>>, vector<16xf32>,
      %get3A_768 = arith.constant 96 : index
      %get3A_769 = tpu.vector_load %arg7[%get3A_768] {strides = array<i32>} : memref<128xf32, #tpu.memory_space<vmem>>, vector<16xf32>,
      %get3A_770 = vector.shape_cast %get3A_769 : vector<16xf32> to vector<16xf32>
      %get3A_771 = arith.constant 96 : index
      %get3A_772 = tpu.vector_load %arg8[%get3A_771] {strides = array<i32>} : memref<128xf32, #tpu.memory_space<vmem>>, vector<16xf32>,
      %get3A_773 = vector.shape_cast %get3A_772 : vector<16xf32> to vector<16xf32>
      %convert_element_type3A_774 = arith.fptosi %get3A_770 : vector<16xf32> to vector<16xi32>
      %convert_element_type3A_775 = arith.fptosi %get3A_773 : vector<16xf32> to vector<16xi32>
      %convert_element_type3A_776 = arith.sitofp %convert_element_type3A_774 : vector<16xi32> to vector<16xf32>
      %sub3A_777 = arith.subf %get3A_770, %convert_element_type3A_776 : vector<16xf32>
      %convert_element_type3A_778 = arith.sitofp %convert_element_type3A_775 : vector<16xi32> to vector<16xf32>
      %sub3A_779 = arith.subf %get3A_773, %convert_element_type3A_778 : vector<16xf32>
      %sub3A_780 = arith.constant 1.000000e+00 : f32
      %sub3A_781 = vector.broadcast %sub3A_780 : f32 to vector<16xf32>
      %sub3A_782 = arith.subf %sub3A_781, %sub3A_777 : vector<16xf32>
      %sub3A_783 = arith.constant 1.000000e+00 : f32
      %sub3A_784 = vector.broadcast %sub3A_783 : f32 to vector<16xf32>
      %sub3A_785 = arith.subf %sub3A_784, %sub3A_779 : vector<16xf32>
      %ge3A_786 = arith.constant 0.000000e+00 : f32
      %ge3A_787 = vector.broadcast %ge3A_786 : f32 to vector<16xf32>
      %ge3A_788 = arith.cmpf oge, %get3A_770, %ge3A_787 : vector<16xf32>
      %le3A_789 = arith.constant 3.830000e+02 : f32
      %le3A_790 = vector.broadcast %le3A_789 : f32 to vector<16xf32>
      %le3A_791 = arith.cmpf ole, %get3A_770, %le3A_790 : vector<16xf32>
      %and3A_792 = arith.andi %ge3A_788, %le3A_791 : vector<16xi1>
      %ge3A_793 = arith.constant 0.000000e+00 : f32
      %ge3A_794 = vector.broadcast %ge3A_793 : f32 to vector<16xf32>
      %ge3A_795 = arith.cmpf oge, %get3A_773, %ge3A_794 : vector<16xf32>
      %and3A_796 = arith.andi %and3A_792, %ge3A_795 : vector<16xi1>
      %le3A_797 = arith.constant 3.830000e+02 : f32
      %le3A_798 = vector.broadcast %le3A_797 : f32 to vector<16xf32>
      %le3A_799 = arith.cmpf ole, %get3A_773, %le3A_798 : vector<16xf32>
      %and3A_800 = arith.andi %and3A_796, %le3A_799 : vector<16xi1>
      %jit3A_801 = arith.constant 1.000000e+00 : f32
      %jit3A_802 = arith.constant 0.000000e+00 : f32
      %broadcast_in_dim3A_803 = vector.broadcast %jit3A_801 : f32 to vector<16xf32>
      %broadcast_in_dim3A_804 = vector.broadcast %jit3A_802 : f32 to vector<16xf32>
      %select_n3A_805 = arith.select %and3A_800, %broadcast_in_dim3A_803, %broadcast_in_dim3A_804 : vector<16xi1>, vector<16xf32>
      %jit3A_806 = arith.constant 0 : i32
      %jit3A_807 = arith.constant 383 : i32
      %max3A_808 = vector.broadcast %jit3A_806 : i32 to vector<16xi32>
      %max3A_809 = arith.maxsi %max3A_808, %convert_element_type3A_774 : vector<16xi32>
      %min3A_810 = vector.broadcast %jit3A_807 : i32 to vector<16xi32>
      %min3A_811 = arith.minsi %min3A_810, %max3A_809 : vector<16xi32>
      %add3A_812 = arith.constant 1 : i32
      %add3A_813 = vector.broadcast %add3A_812 : i32 to vector<16xi32>
      %add3A_814 = arith.addi %convert_element_type3A_774, %add3A_813 : vector<16xi32>
      %jit3A_815 = arith.constant 0 : i32
      %jit3A_816 = arith.constant 383 : i32
      %max3A_817 = vector.broadcast %jit3A_815 : i32 to vector<16xi32>
      %max3A_818 = arith.maxsi %max3A_817, %add3A_814 : vector<16xi32>
      %min3A_819 = vector.broadcast %jit3A_816 : i32 to vector<16xi32>
      %min3A_820 = arith.minsi %min3A_819, %max3A_818 : vector<16xi32>
      %jit3A_821 = arith.constant 0 : i32
      %jit3A_822 = arith.constant 383 : i32
      %max3A_823 = vector.broadcast %jit3A_821 : i32 to vector<16xi32>
      %max3A_824 = arith.maxsi %max3A_823, %convert_element_type3A_775 : vector<16xi32>
      %min3A_825 = vector.broadcast %jit3A_822 : i32 to vector<16xi32>
      %min3A_826 = arith.minsi %min3A_825, %max3A_824 : vector<16xi32>
      %add3A_827 = arith.constant 1 : i32
      %add3A_828 = vector.broadcast %add3A_827 : i32 to vector<16xi32>
      %add3A_829 = arith.addi %convert_element_type3A_775, %add3A_828 : vector<16xi32>
      %jit3A_830 = arith.constant 0 : i32
      %jit3A_831 = arith.constant 383 : i32
      %max3A_832 = vector.broadcast %jit3A_830 : i32 to vector<16xi32>
      %max3A_833 = arith.maxsi %max3A_832, %add3A_829 : vector<16xi32>
      %min3A_834 = vector.broadcast %jit3A_831 : i32 to vector<16xi32>
      %min3A_835 = arith.minsi %min3A_834, %max3A_833 : vector<16xi32>
      %mul3A_836 = arith.constant 384 : i32
      %mul3A_837 = vector.broadcast %mul3A_836 : i32 to vector<16xi32>
      %mul3A_838 = arith.muli %min3A_826, %mul3A_837 : vector<16xi32>
      %add3A_839 = vector.broadcast %mul3A_20 : i32 to vector<16xi32>
      %add3A_840 = arith.addi %mul3A_838, %add3A_839 : vector<16xi32>
      %mul3A_841 = arith.constant 384 : i32
      %mul3A_842 = vector.broadcast %mul3A_841 : i32 to vector<16xi32>
      %mul3A_843 = arith.muli %min3A_835, %mul3A_842 : vector<16xi32>
      %add3A_844 = vector.broadcast %mul3A_20 : i32 to vector<16xi32>
      %add3A_845 = arith.addi %mul3A_843, %add3A_844 : vector<16xi32>
      %add3A_846 = arith.addi %add3A_840, %min3A_811 : vector<16xi32>
      %swap3A_847 = arith.constant 96 : index
      %swap3A_848 = tpu.vector_load %arg9[%swap3A_847] {strides = array<i32>} : memref<128xi32, #tpu.memory_space<vmem>>, vector<16xi32>,
      %swap3A_849 = vector.shape_cast %swap3A_848 : vector<16xi32> to vector<16xi32>
      %swap3A_850 = vector.shape_cast %add3A_846 : vector<16xi32> to vector<16xi32>
      tpu.vector_store %arg9[%swap3A_847], %swap3A_850 {strides = array<i32>} : memref<128xi32, #tpu.memory_space<vmem>>, vector<16xi32>,
      %add3A_851 = arith.addi %add3A_840, %min3A_820 : vector<16xi32>
      %swap3A_852 = arith.constant 96 : index
      %swap3A_853 = tpu.vector_load %arg10[%swap3A_852] {strides = array<i32>} : memref<128xi32, #tpu.memory_space<vmem>>, vector<16xi32>,
      %swap3A_854 = vector.shape_cast %swap3A_853 : vector<16xi32> to vector<16xi32>
      %swap3A_855 = vector.shape_cast %add3A_851 : vector<16xi32> to vector<16xi32>
      tpu.vector_store %arg10[%swap3A_852], %swap3A_855 {strides = array<i32>} : memref<128xi32, #tpu.memory_space<vmem>>, vector<16xi32>,
      %add3A_856 = arith.addi %add3A_845, %min3A_811 : vector<16xi32>
      %swap3A_857 = arith.constant 96 : index
      %swap3A_858 = tpu.vector_load %arg11[%swap3A_857] {strides = array<i32>} : memref<128xi32, #tpu.memory_space<vmem>>, vector<16xi32>,
      %swap3A_859 = vector.shape_cast %swap3A_858 : vector<16xi32> to vector<16xi32>
      %swap3A_860 = vector.shape_cast %add3A_856 : vector<16xi32> to vector<16xi32>
      tpu.vector_store %arg11[%swap3A_857], %swap3A_860 {strides = array<i32>} : memref<128xi32, #tpu.memory_space<vmem>>, vector<16xi32>,
      %add3A_861 = arith.addi %add3A_845, %min3A_820 : vector<16xi32>
      %swap3A_862 = arith.constant 96 : index
      %swap3A_863 = tpu.vector_load %arg12[%swap3A_862] {strides = array<i32>} : memref<128xi32, #tpu.memory_space<vmem>>, vector<16xi32>,
      %swap3A_864 = vector.shape_cast %swap3A_863 : vector<16xi32> to vector<16xi32>
      %swap3A_865 = vector.shape_cast %add3A_861 : vector<16xi32> to vector<16xi32>
      tpu.vector_store %arg12[%swap3A_862], %swap3A_865 {strides = array<i32>} : memref<128xi32, #tpu.memory_space<vmem>>, vector<16xi32>,
      %mul3A_866 = arith.mulf %sub3A_785, %select_n3A_805 : vector<16xf32>
      %mul3A_867 = arith.mulf %sub3A_779, %select_n3A_805 : vector<16xf32>
      %mul3A_868 = arith.mulf %mul3A_866, %sub3A_782 : vector<16xf32>
      %swap3A_869 = arith.constant 96 : index
      %swap3A_870 = tpu.vector_load %arg13[%swap3A_869] {strides = array<i32>} : memref<128xf32, #tpu.memory_space<vmem>>, vector<16xf32>,
      %swap3A_871 = vector.shape_cast %swap3A_870 : vector<16xf32> to vector<16xf32>
      %swap3A_872 = vector.shape_cast %mul3A_868 : vector<16xf32> to vector<16xf32>
      tpu.vector_store %arg13[%swap3A_869], %swap3A_872 {strides = array<i32>} : memref<128xf32, #tpu.memory_space<vmem>>, vector<16xf32>,
      %mul3A_873 = arith.mulf %mul3A_866, %sub3A_777 : vector<16xf32>
      %swap3A_874 = arith.constant 96 : index
      %swap3A_875 = tpu.vector_load %arg14[%swap3A_874] {strides = array<i32>} : memref<128xf32, #tpu.memory_space<vmem>>, vector<16xf32>,
      %swap3A_876 = vector.shape_cast %swap3A_875 : vector<16xf32> to vector<16xf32>
      %swap3A_877 = vector.shape_cast %mul3A_873 : vector<16xf32> to vector<16xf32>
      tpu.vector_store %arg14[%swap3A_874], %swap3A_877 {strides = array<i32>} : memref<128xf32, #tpu.memory_space<vmem>>, vector<16xf32>,
      %mul3A_878 = arith.mulf %mul3A_867, %sub3A_782 : vector<16xf32>
      %swap3A_879 = arith.constant 96 : index
      %swap3A_880 = tpu.vector_load %arg15[%swap3A_879] {strides = array<i32>} : memref<128xf32, #tpu.memory_space<vmem>>, vector<16xf32>,
      %swap3A_881 = vector.shape_cast %swap3A_880 : vector<16xf32> to vector<16xf32>
      %swap3A_882 = vector.shape_cast %mul3A_878 : vector<16xf32> to vector<16xf32>
      tpu.vector_store %arg15[%swap3A_879], %swap3A_882 {strides = array<i32>} : memref<128xf32, #tpu.memory_space<vmem>>, vector<16xf32>,
      %mul3A_883 = arith.mulf %mul3A_867, %sub3A_777 : vector<16xf32>
      %swap3A_884 = arith.constant 96 : index
      %swap3A_885 = tpu.vector_load %arg16[%swap3A_884] {strides = array<i32>} : memref<128xf32, #tpu.memory_space<vmem>>, vector<16xf32>,
      %swap3A_886 = vector.shape_cast %swap3A_885 : vector<16xf32> to vector<16xf32>
      %swap3A_887 = vector.shape_cast %mul3A_883 : vector<16xf32> to vector<16xf32>
      tpu.vector_store %arg16[%swap3A_884], %swap3A_887 {strides = array<i32>} : memref<128xf32, #tpu.memory_space<vmem>>, vector<16xf32>,
      %swap3A_888 = arith.constant 96 : index
      %swap3A_889 = tpu.vector_load %arg17[%swap3A_888] {strides = array<i32>} : memref<128xf32, #tpu.memory_space<vmem>>, vector<16xf32>,
      %swap3A_890 = vector.shape_cast %swap3A_889 : vector<16xf32> to vector<16xf32>
      %swap3A_891 = vector.shape_cast %select_n3A_805 : vector<16xf32> to vector<16xf32>
      tpu.vector_store %arg17[%swap3A_888], %swap3A_891 {strides = array<i32>} : memref<128xf32, #tpu.memory_space<vmem>>, vector<16xf32>,
      %get3A_892 = arith.constant 112 : index
      %get3A_893 = tpu.vector_load %arg7[%get3A_892] {strides = array<i32>} : memref<128xf32, #tpu.memory_space<vmem>>, vector<16xf32>,
      %get3A_894 = vector.shape_cast %get3A_893 : vector<16xf32> to vector<16xf32>
      %get3A_895 = arith.constant 112 : index
      %get3A_896 = tpu.vector_load %arg8[%get3A_895] {strides = array<i32>} : memref<128xf32, #tpu.memory_space<vmem>>, vector<16xf32>,
      %get3A_897 = vector.shape_cast %get3A_896 : vector<16xf32> to vector<16xf32>
      %convert_element_type3A_898 = arith.fptosi %get3A_894 : vector<16xf32> to vector<16xi32>
      %convert_element_type3A_899 = arith.fptosi %get3A_897 : vector<16xf32> to vector<16xi32>
      %convert_element_type3A_900 = arith.sitofp %convert_element_type3A_898 : vector<16xi32> to vector<16xf32>
      %sub3A_901 = arith.subf %get3A_894, %convert_element_type3A_900 : vector<16xf32>
      %convert_element_type3A_902 = arith.sitofp %convert_element_type3A_899 : vector<16xi32> to vector<16xf32>
      %sub3A_903 = arith.subf %get3A_897, %convert_element_type3A_902 : vector<16xf32>
      %sub3A_904 = arith.constant 1.000000e+00 : f32
      %sub3A_905 = vector.broadcast %sub3A_904 : f32 to vector<16xf32>
      %sub3A_906 = arith.subf %sub3A_905, %sub3A_901 : vector<16xf32>
      %sub3A_907 = arith.constant 1.000000e+00 : f32
      %sub3A_908 = vector.broadcast %sub3A_907 : f32 to vector<16xf32>
      %sub3A_909 = arith.subf %sub3A_908, %sub3A_903 : vector<16xf32>
      %ge3A_910 = arith.constant 0.000000e+00 : f32
      %ge3A_911 = vector.broadcast %ge3A_910 : f32 to vector<16xf32>
      %ge3A_912 = arith.cmpf oge, %get3A_894, %ge3A_911 : vector<16xf32>
      %le3A_913 = arith.constant 3.830000e+02 : f32
      %le3A_914 = vector.broadcast %le3A_913 : f32 to vector<16xf32>
      %le3A_915 = arith.cmpf ole, %get3A_894, %le3A_914 : vector<16xf32>
      %and3A_916 = arith.andi %ge3A_912, %le3A_915 : vector<16xi1>
      %ge3A_917 = arith.constant 0.000000e+00 : f32
      %ge3A_918 = vector.broadcast %ge3A_917 : f32 to vector<16xf32>
      %ge3A_919 = arith.cmpf oge, %get3A_897, %ge3A_918 : vector<16xf32>
      %and3A_920 = arith.andi %and3A_916, %ge3A_919 : vector<16xi1>
      %le3A_921 = arith.constant 3.830000e+02 : f32
      %le3A_922 = vector.broadcast %le3A_921 : f32 to vector<16xf32>
      %le3A_923 = arith.cmpf ole, %get3A_897, %le3A_922 : vector<16xf32>
      %and3A_924 = arith.andi %and3A_920, %le3A_923 : vector<16xi1>
      %jit3A_925 = arith.constant 1.000000e+00 : f32
      %jit3A_926 = arith.constant 0.000000e+00 : f32
      %broadcast_in_dim3A_927 = vector.broadcast %jit3A_925 : f32 to vector<16xf32>
      %broadcast_in_dim3A_928 = vector.broadcast %jit3A_926 : f32 to vector<16xf32>
      %select_n3A_929 = arith.select %and3A_924, %broadcast_in_dim3A_927, %broadcast_in_dim3A_928 : vector<16xi1>, vector<16xf32>
      %jit3A_930 = arith.constant 0 : i32
      %jit3A_931 = arith.constant 383 : i32
      %max3A_932 = vector.broadcast %jit3A_930 : i32 to vector<16xi32>
      %max3A_933 = arith.maxsi %max3A_932, %convert_element_type3A_898 : vector<16xi32>
      %min3A_934 = vector.broadcast %jit3A_931 : i32 to vector<16xi32>
      %min3A_935 = arith.minsi %min3A_934, %max3A_933 : vector<16xi32>
      %add3A_936 = arith.constant 1 : i32
      %add3A_937 = vector.broadcast %add3A_936 : i32 to vector<16xi32>
      %add3A_938 = arith.addi %convert_element_type3A_898, %add3A_937 : vector<16xi32>
      %jit3A_939 = arith.constant 0 : i32
      %jit3A_940 = arith.constant 383 : i32
      %max3A_941 = vector.broadcast %jit3A_939 : i32 to vector<16xi32>
      %max3A_942 = arith.maxsi %max3A_941, %add3A_938 : vector<16xi32>
      %min3A_943 = vector.broadcast %jit3A_940 : i32 to vector<16xi32>
      %min3A_944 = arith.minsi %min3A_943, %max3A_942 : vector<16xi32>
      %jit3A_945 = arith.constant 0 : i32
      %jit3A_946 = arith.constant 383 : i32
      %max3A_947 = vector.broadcast %jit3A_945 : i32 to vector<16xi32>
      %max3A_948 = arith.maxsi %max3A_947, %convert_element_type3A_899 : vector<16xi32>
      %min3A_949 = vector.broadcast %jit3A_946 : i32 to vector<16xi32>
      %min3A_950 = arith.minsi %min3A_949, %max3A_948 : vector<16xi32>
      %add3A_951 = arith.constant 1 : i32
      %add3A_952 = vector.broadcast %add3A_951 : i32 to vector<16xi32>
      %add3A_953 = arith.addi %convert_element_type3A_899, %add3A_952 : vector<16xi32>
      %jit3A_954 = arith.constant 0 : i32
      %jit3A_955 = arith.constant 383 : i32
      %max3A_956 = vector.broadcast %jit3A_954 : i32 to vector<16xi32>
      %max3A_957 = arith.maxsi %max3A_956, %add3A_953 : vector<16xi32>
      %min3A_958 = vector.broadcast %jit3A_955 : i32 to vector<16xi32>
      %min3A_959 = arith.minsi %min3A_958, %max3A_957 : vector<16xi32>
      %mul3A_960 = arith.constant 384 : i32
      %mul3A_961 = vector.broadcast %mul3A_960 : i32 to vector<16xi32>
      %mul3A_962 = arith.muli %min3A_950, %mul3A_961 : vector<16xi32>
      %add3A_963 = vector.broadcast %mul3A_20 : i32 to vector<16xi32>
      %add3A_964 = arith.addi %mul3A_962, %add3A_963 : vector<16xi32>
      %mul3A_965 = arith.constant 384 : i32
      %mul3A_966 = vector.broadcast %mul3A_965 : i32 to vector<16xi32>
      %mul3A_967 = arith.muli %min3A_959, %mul3A_966 : vector<16xi32>
      %add3A_968 = vector.broadcast %mul3A_20 : i32 to vector<16xi32>
      %add3A_969 = arith.addi %mul3A_967, %add3A_968 : vector<16xi32>
      %add3A_970 = arith.addi %add3A_964, %min3A_935 : vector<16xi32>
      %swap3A_971 = arith.constant 112 : index
      %swap3A_972 = tpu.vector_load %arg9[%swap3A_971] {strides = array<i32>} : memref<128xi32, #tpu.memory_space<vmem>>, vector<16xi32>,
      %swap3A_973 = vector.shape_cast %swap3A_972 : vector<16xi32> to vector<16xi32>
      %swap3A_974 = vector.shape_cast %add3A_970 : vector<16xi32> to vector<16xi32>
      tpu.vector_store %arg9[%swap3A_971], %swap3A_974 {strides = array<i32>} : memref<128xi32, #tpu.memory_space<vmem>>, vector<16xi32>,
      %add3A_975 = arith.addi %add3A_964, %min3A_944 : vector<16xi32>
      %swap3A_976 = arith.constant 112 : index
      %swap3A_977 = tpu.vector_load %arg10[%swap3A_976] {strides = array<i32>} : memref<128xi32, #tpu.memory_space<vmem>>, vector<16xi32>,
      %swap3A_978 = vector.shape_cast %swap3A_977 : vector<16xi32> to vector<16xi32>
      %swap3A_979 = vector.shape_cast %add3A_975 : vector<16xi32> to vector<16xi32>
      tpu.vector_store %arg10[%swap3A_976], %swap3A_979 {strides = array<i32>} : memref<128xi32, #tpu.memory_space<vmem>>, vector<16xi32>,
      %add3A_980 = arith.addi %add3A_969, %min3A_935 : vector<16xi32>
      %swap3A_981 = arith.constant 112 : index
      %swap3A_982 = tpu.vector_load %arg11[%swap3A_981] {strides = array<i32>} : memref<128xi32, #tpu.memory_space<vmem>>, vector<16xi32>,
      %swap3A_983 = vector.shape_cast %swap3A_982 : vector<16xi32> to vector<16xi32>
      %swap3A_984 = vector.shape_cast %add3A_980 : vector<16xi32> to vector<16xi32>
      tpu.vector_store %arg11[%swap3A_981], %swap3A_984 {strides = array<i32>} : memref<128xi32, #tpu.memory_space<vmem>>, vector<16xi32>,
      %add3A_985 = arith.addi %add3A_969, %min3A_944 : vector<16xi32>
      %swap3A_986 = arith.constant 112 : index
      %swap3A_987 = tpu.vector_load %arg12[%swap3A_986] {strides = array<i32>} : memref<128xi32, #tpu.memory_space<vmem>>, vector<16xi32>,
      %swap3A_988 = vector.shape_cast %swap3A_987 : vector<16xi32> to vector<16xi32>
      %swap3A_989 = vector.shape_cast %add3A_985 : vector<16xi32> to vector<16xi32>
      tpu.vector_store %arg12[%swap3A_986], %swap3A_989 {strides = array<i32>} : memref<128xi32, #tpu.memory_space<vmem>>, vector<16xi32>,
      %mul3A_990 = arith.mulf %sub3A_909, %select_n3A_929 : vector<16xf32>
      %mul3A_991 = arith.mulf %sub3A_903, %select_n3A_929 : vector<16xf32>
      %mul3A_992 = arith.mulf %mul3A_990, %sub3A_906 : vector<16xf32>
      %swap3A_993 = arith.constant 112 : index
      %swap3A_994 = tpu.vector_load %arg13[%swap3A_993] {strides = array<i32>} : memref<128xf32, #tpu.memory_space<vmem>>, vector<16xf32>,
      %swap3A_995 = vector.shape_cast %swap3A_994 : vector<16xf32> to vector<16xf32>
      %swap3A_996 = vector.shape_cast %mul3A_992 : vector<16xf32> to vector<16xf32>
      tpu.vector_store %arg13[%swap3A_993], %swap3A_996 {strides = array<i32>} : memref<128xf32, #tpu.memory_space<vmem>>, vector<16xf32>,
      %mul3A_997 = arith.mulf %mul3A_990, %sub3A_901 : vector<16xf32>
      %swap3A_998 = arith.constant 112 : index
      %swap3A_999 = tpu.vector_load %arg14[%swap3A_998] {strides = array<i32>} : memref<128xf32, #tpu.memory_space<vmem>>, vector<16xf32>,
      %swap3A_1000 = vector.shape_cast %swap3A_999 : vector<16xf32> to vector<16xf32>
      %swap3A_1001 = vector.shape_cast %mul3A_997 : vector<16xf32> to vector<16xf32>
      tpu.vector_store %arg14[%swap3A_998], %swap3A_1001 {strides = array<i32>} : memref<128xf32, #tpu.memory_space<vmem>>, vector<16xf32>,
      %mul3A_1002 = arith.mulf %mul3A_991, %sub3A_906 : vector<16xf32>
      %swap3A_1003 = arith.constant 112 : index
      %swap3A_1004 = tpu.vector_load %arg15[%swap3A_1003] {strides = array<i32>} : memref<128xf32, #tpu.memory_space<vmem>>, vector<16xf32>,
      %swap3A_1005 = vector.shape_cast %swap3A_1004 : vector<16xf32> to vector<16xf32>
      %swap3A_1006 = vector.shape_cast %mul3A_1002 : vector<16xf32> to vector<16xf32>
      tpu.vector_store %arg15[%swap3A_1003], %swap3A_1006 {strides = array<i32>} : memref<128xf32, #tpu.memory_space<vmem>>, vector<16xf32>,
      %mul3A_1007 = arith.mulf %mul3A_991, %sub3A_901 : vector<16xf32>
      %swap3A_1008 = arith.constant 112 : index
      %swap3A_1009 = tpu.vector_load %arg16[%swap3A_1008] {strides = array<i32>} : memref<128xf32, #tpu.memory_space<vmem>>, vector<16xf32>,
      %swap3A_1010 = vector.shape_cast %swap3A_1009 : vector<16xf32> to vector<16xf32>
      %swap3A_1011 = vector.shape_cast %mul3A_1007 : vector<16xf32> to vector<16xf32>
      tpu.vector_store %arg16[%swap3A_1008], %swap3A_1011 {strides = array<i32>} : memref<128xf32, #tpu.memory_space<vmem>>, vector<16xf32>,
      %swap3A_1012 = arith.constant 112 : index
      %swap3A_1013 = tpu.vector_load %arg17[%swap3A_1012] {strides = array<i32>} : memref<128xf32, #tpu.memory_space<vmem>>, vector<16xf32>,
      %swap3A_1014 = vector.shape_cast %swap3A_1013 : vector<16xf32> to vector<16xf32>
      %swap3A_1015 = vector.shape_cast %select_n3A_929 : vector<16xf32> to vector<16xf32>
      tpu.vector_store %arg17[%swap3A_1012], %swap3A_1015 {strides = array<i32>} : memref<128xf32, #tpu.memory_space<vmem>>, vector<16xf32>,
      %dma_start3A = arith.constant 0 : i32
      %dma_start3A_1016 = arith.constant 0 : i32
      %dma_start3A_1017 = tpu.memref_slice %arg2[%dma_start3A, %dma_start3A_1016] : memref<589824x96xf32, #tpu.memory_space<hbm>> -> memref<589824x96xf32, #tpu.memory_space<hbm>>
      tpu.enqueue_indirect_dma source(%dma_start3A_1017 : memref<589824x96xf32, #tpu.memory_space<hbm>>) target(%arg18 : memref<128x96xf32, #tpu.memory_space<vmem>>) offsets(%arg9 : memref<128xi32, #tpu.memory_space<vmem>>) semaphore(%arg23 : memref<!tpu.dma_semaphore, #tpu.memory_space<semaphore_mem>>)
      %dma_start3A_1018 = arith.constant 0 : i32
      %dma_start3A_1019 = arith.constant 0 : i32
      %dma_start3A_1020 = tpu.memref_slice %arg2[%dma_start3A_1018, %dma_start3A_1019] : memref<589824x96xf32, #tpu.memory_space<hbm>> -> memref<589824x96xf32, #tpu.memory_space<hbm>>
      tpu.enqueue_indirect_dma source(%dma_start3A_1020 : memref<589824x96xf32, #tpu.memory_space<hbm>>) target(%arg19 : memref<128x96xf32, #tpu.memory_space<vmem>>) offsets(%arg10 : memref<128xi32, #tpu.memory_space<vmem>>) semaphore(%arg23 : memref<!tpu.dma_semaphore, #tpu.memory_space<semaphore_mem>>)
      %dma_start3A_1021 = arith.constant 0 : i32
      %dma_start3A_1022 = arith.constant 0 : i32
      %dma_start3A_1023 = tpu.memref_slice %arg2[%dma_start3A_1021, %dma_start3A_1022] : memref<589824x96xf32, #tpu.memory_space<hbm>> -> memref<589824x96xf32, #tpu.memory_space<hbm>>
      tpu.enqueue_indirect_dma source(%dma_start3A_1023 : memref<589824x96xf32, #tpu.memory_space<hbm>>) target(%arg20 : memref<128x96xf32, #tpu.memory_space<vmem>>) offsets(%arg11 : memref<128xi32, #tpu.memory_space<vmem>>) semaphore(%arg23 : memref<!tpu.dma_semaphore, #tpu.memory_space<semaphore_mem>>)
      %dma_start3A_1024 = arith.constant 0 : i32
      %dma_start3A_1025 = arith.constant 0 : i32
      %dma_start3A_1026 = tpu.memref_slice %arg2[%dma_start3A_1024, %dma_start3A_1025] : memref<589824x96xf32, #tpu.memory_space<hbm>> -> memref<589824x96xf32, #tpu.memory_space<hbm>>
      tpu.enqueue_indirect_dma source(%dma_start3A_1026 : memref<589824x96xf32, #tpu.memory_space<hbm>>) target(%arg21 : memref<128x96xf32, #tpu.memory_space<vmem>>) offsets(%arg12 : memref<128xi32, #tpu.memory_space<vmem>>) semaphore(%arg23 : memref<!tpu.dma_semaphore, #tpu.memory_space<semaphore_mem>>)
      %dma_wait3A = arith.constant 0 : i32
      %dma_wait3A_1027 = arith.constant 0 : i32
      %dma_wait3A_1028 = tpu.memref_slice %arg2[%dma_wait3A, %dma_wait3A_1027] : memref<589824x96xf32, #tpu.memory_space<hbm>> -> memref<589824x96xf32, #tpu.memory_space<hbm>>
      tpu.wait_indirect_dma semaphore(%arg23 : memref<!tpu.dma_semaphore, #tpu.memory_space<semaphore_mem>>) src(%dma_wait3A_1028 : memref<589824x96xf32, #tpu.memory_space<hbm>>) dst(%arg18 : memref<128x96xf32, #tpu.memory_space<vmem>>)
      %dma_wait3A_1029 = arith.constant 0 : i32
      %dma_wait3A_1030 = arith.constant 0 : i32
      %dma_wait3A_1031 = tpu.memref_slice %arg2[%dma_wait3A_1029, %dma_wait3A_1030] : memref<589824x96xf32, #tpu.memory_space<hbm>> -> memref<589824x96xf32, #tpu.memory_space<hbm>>
      tpu.wait_indirect_dma semaphore(%arg23 : memref<!tpu.dma_semaphore, #tpu.memory_space<semaphore_mem>>) src(%dma_wait3A_1031 : memref<589824x96xf32, #tpu.memory_space<hbm>>) dst(%arg19 : memref<128x96xf32, #tpu.memory_space<vmem>>)
      %dma_wait3A_1032 = arith.constant 0 : i32
      %dma_wait3A_1033 = arith.constant 0 : i32
      %dma_wait3A_1034 = tpu.memref_slice %arg2[%dma_wait3A_1032, %dma_wait3A_1033] : memref<589824x96xf32, #tpu.memory_space<hbm>> -> memref<589824x96xf32, #tpu.memory_space<hbm>>
      tpu.wait_indirect_dma semaphore(%arg23 : memref<!tpu.dma_semaphore, #tpu.memory_space<semaphore_mem>>) src(%dma_wait3A_1034 : memref<589824x96xf32, #tpu.memory_space<hbm>>) dst(%arg20 : memref<128x96xf32, #tpu.memory_space<vmem>>)
      %dma_wait3A_1035 = arith.constant 0 : i32
      %dma_wait3A_1036 = arith.constant 0 : i32
      %dma_wait3A_1037 = tpu.memref_slice %arg2[%dma_wait3A_1035, %dma_wait3A_1036] : memref<589824x96xf32, #tpu.memory_space<hbm>> -> memref<589824x96xf32, #tpu.memory_space<hbm>>
      tpu.wait_indirect_dma semaphore(%arg23 : memref<!tpu.dma_semaphore, #tpu.memory_space<semaphore_mem>>) src(%dma_wait3A_1037 : memref<589824x96xf32, #tpu.memory_space<hbm>>) dst(%arg21 : memref<128x96xf32, #tpu.memory_space<vmem>>)
      %scan3A_1038 = arith.constant 0 : i32
      %scan3A_1039 = arith.constant 0 : i32
      %scan3A_1040 = arith.constant 8 : i32
      %scan3A_1041 = arith.addi %scan3A_1039, %scan3A_1040 : i32
      %scan3A_1042 = arith.constant 1 : i32
      %scan3A_1043 = scf.for %scan3A_1046 = %scan3A_1039 to %scan3A_1041 step %scan3A_1042 iter_args(%scan3A_1047 = %scan3A_1038) -> (i32)  : i32 {
        %mul3A_1048 = arith.constant 16 : i32
        %mul3A_1049 = arith.muli %scan3A_1046, %mul3A_1048 : i32
        %get3A_1050 = arith.index_cast %mul3A_1049 : i32 to index
        %get3A_1051 = tpu.vector_load %arg13[%get3A_1050] {strides = array<i32>} : memref<128xf32, #tpu.memory_space<vmem>>, vector<16xf32>,
        %get3A_1052 = vector.shape_cast %get3A_1051 : vector<16xf32> to vector<16xf32>
        %get3A_1053 = arith.index_cast %mul3A_1049 : i32 to index
        %get3A_1054 = tpu.vector_load %arg14[%get3A_1053] {strides = array<i32>} : memref<128xf32, #tpu.memory_space<vmem>>, vector<16xf32>,
        %get3A_1055 = vector.shape_cast %get3A_1054 : vector<16xf32> to vector<16xf32>
        %get3A_1056 = arith.index_cast %mul3A_1049 : i32 to index
        %get3A_1057 = tpu.vector_load %arg15[%get3A_1056] {strides = array<i32>} : memref<128xf32, #tpu.memory_space<vmem>>, vector<16xf32>,
        %get3A_1058 = vector.shape_cast %get3A_1057 : vector<16xf32> to vector<16xf32>
        %get3A_1059 = arith.index_cast %mul3A_1049 : i32 to index
        %get3A_1060 = tpu.vector_load %arg16[%get3A_1059] {strides = array<i32>} : memref<128xf32, #tpu.memory_space<vmem>>, vector<16xf32>,
        %get3A_1061 = vector.shape_cast %get3A_1060 : vector<16xf32> to vector<16xf32>
        %add3A_1062 = arith.constant 0 : i32
        %add3A_1063 = arith.addi %mul3A_1049, %add3A_1062 : i32
        %slice3A = vector.extract_strided_slice %get3A_1052 {offsets = [0], sizes = [1], strides = [1]} : vector<16xf32> to vector<1xf32>
        %squeeze3A = vector.extract %slice3A[0] : f32 from vector<1xf32>
        %slice3A_1064 = vector.extract_strided_slice %get3A_1055 {offsets = [0], sizes = [1], strides = [1]} : vector<16xf32> to vector<1xf32>
        %squeeze3A_1065 = vector.extract %slice3A_1064[0] : f32 from vector<1xf32>
        %slice3A_1066 = vector.extract_strided_slice %get3A_1058 {offsets = [0], sizes = [1], strides = [1]} : vector<16xf32> to vector<1xf32>
        %squeeze3A_1067 = vector.extract %slice3A_1066[0] : f32 from vector<1xf32>
        %slice3A_1068 = vector.extract_strided_slice %get3A_1061 {offsets = [0], sizes = [1], strides = [1]} : vector<16xf32> to vector<1xf32>
        %squeeze3A_1069 = vector.extract %slice3A_1068[0] : f32 from vector<1xf32>
        %get3A_1070 = arith.index_cast %add3A_1063 : i32 to index
        %get3A_1071 = arith.constant 0 : index
        %get3A_1072 = tpu.vector_load %arg18[%get3A_1070, %get3A_1071] {strides = array<i32>} : memref<128x96xf32, #tpu.memory_space<vmem>>, vector<1x16xf32>,
        %get3A_1073 = vector.shape_cast %get3A_1072 : vector<1x16xf32> to vector<16xf32>
        %mul3A_1074 = vector.broadcast %squeeze3A : f32 to vector<16xf32>
        %mul3A_1075 = arith.mulf %get3A_1073, %mul3A_1074 : vector<16xf32>
        %get3A_1076 = arith.index_cast %add3A_1063 : i32 to index
        %get3A_1077 = arith.constant 0 : index
        %get3A_1078 = tpu.vector_load %arg19[%get3A_1076, %get3A_1077] {strides = array<i32>} : memref<128x96xf32, #tpu.memory_space<vmem>>, vector<1x16xf32>,
        %get3A_1079 = vector.shape_cast %get3A_1078 : vector<1x16xf32> to vector<16xf32>
        %mul3A_1080 = vector.broadcast %squeeze3A_1065 : f32 to vector<16xf32>
        %mul3A_1081 = arith.mulf %get3A_1079, %mul3A_1080 : vector<16xf32>
        %add3A_1082 = arith.addf %mul3A_1075, %mul3A_1081 : vector<16xf32>
        %get3A_1083 = arith.index_cast %add3A_1063 : i32 to index
        %get3A_1084 = arith.constant 0 : index
        %get3A_1085 = tpu.vector_load %arg20[%get3A_1083, %get3A_1084] {strides = array<i32>} : memref<128x96xf32, #tpu.memory_space<vmem>>, vector<1x16xf32>,
        %get3A_1086 = vector.shape_cast %get3A_1085 : vector<1x16xf32> to vector<16xf32>
        %mul3A_1087 = vector.broadcast %squeeze3A_1067 : f32 to vector<16xf32>
        %mul3A_1088 = arith.mulf %get3A_1086, %mul3A_1087 : vector<16xf32>
        %add3A_1089 = arith.addf %add3A_1082, %mul3A_1088 : vector<16xf32>
        %get3A_1090 = arith.index_cast %add3A_1063 : i32 to index
        %get3A_1091 = arith.constant 0 : index
        %get3A_1092 = tpu.vector_load %arg21[%get3A_1090, %get3A_1091] {strides = array<i32>} : memref<128x96xf32, #tpu.memory_space<vmem>>, vector<1x16xf32>,
        %get3A_1093 = vector.shape_cast %get3A_1092 : vector<1x16xf32> to vector<16xf32>
        %mul3A_1094 = vector.broadcast %squeeze3A_1069 : f32 to vector<16xf32>
        %mul3A_1095 = arith.mulf %get3A_1093, %mul3A_1094 : vector<16xf32>
        %add3A_1096 = arith.addf %add3A_1089, %mul3A_1095 : vector<16xf32>
        %swap3A_1097 = arith.index_cast %add3A_1063 : i32 to index
        %swap3A_1098 = arith.constant 0 : index
        %swap3A_1099 = tpu.vector_load %arg22[%swap3A_1097, %swap3A_1098] {strides = array<i32>} : memref<128x96xf32, #tpu.memory_space<vmem>>, vector<1x16xf32>,
        %swap3A_1100 = vector.shape_cast %swap3A_1099 : vector<1x16xf32> to vector<16xf32>
        %swap3A_1101 = vector.shape_cast %add3A_1096 : vector<16xf32> to vector<1x16xf32>
        tpu.vector_store %arg22[%swap3A_1097, %swap3A_1098], %swap3A_1101 {strides = array<i32>} : memref<128x96xf32, #tpu.memory_space<vmem>>, vector<1x16xf32>,
        %get3A_1102 = arith.index_cast %add3A_1063 : i32 to index
        %get3A_1103 = arith.constant 16 : index
        %get3A_1104 = tpu.vector_load %arg18[%get3A_1102, %get3A_1103] {strides = array<i32>} : memref<128x96xf32, #tpu.memory_space<vmem>>, vector<1x16xf32>,
        %get3A_1105 = vector.shape_cast %get3A_1104 : vector<1x16xf32> to vector<16xf32>
        %mul3A_1106 = vector.broadcast %squeeze3A : f32 to vector<16xf32>
        %mul3A_1107 = arith.mulf %get3A_1105, %mul3A_1106 : vector<16xf32>
        %get3A_1108 = arith.index_cast %add3A_1063 : i32 to index
        %get3A_1109 = arith.constant 16 : index
        %get3A_1110 = tpu.vector_load %arg19[%get3A_1108, %get3A_1109] {strides = array<i32>} : memref<128x96xf32, #tpu.memory_space<vmem>>, vector<1x16xf32>,
        %get3A_1111 = vector.shape_cast %get3A_1110 : vector<1x16xf32> to vector<16xf32>
        %mul3A_1112 = vector.broadcast %squeeze3A_1065 : f32 to vector<16xf32>
        %mul3A_1113 = arith.mulf %get3A_1111, %mul3A_1112 : vector<16xf32>
        %add3A_1114 = arith.addf %mul3A_1107, %mul3A_1113 : vector<16xf32>
        %get3A_1115 = arith.index_cast %add3A_1063 : i32 to index
        %get3A_1116 = arith.constant 16 : index
        %get3A_1117 = tpu.vector_load %arg20[%get3A_1115, %get3A_1116] {strides = array<i32>} : memref<128x96xf32, #tpu.memory_space<vmem>>, vector<1x16xf32>,
        %get3A_1118 = vector.shape_cast %get3A_1117 : vector<1x16xf32> to vector<16xf32>
        %mul3A_1119 = vector.broadcast %squeeze3A_1067 : f32 to vector<16xf32>
        %mul3A_1120 = arith.mulf %get3A_1118, %mul3A_1119 : vector<16xf32>
        %add3A_1121 = arith.addf %add3A_1114, %mul3A_1120 : vector<16xf32>
        %get3A_1122 = arith.index_cast %add3A_1063 : i32 to index
        %get3A_1123 = arith.constant 16 : index
        %get3A_1124 = tpu.vector_load %arg21[%get3A_1122, %get3A_1123] {strides = array<i32>} : memref<128x96xf32, #tpu.memory_space<vmem>>, vector<1x16xf32>,
        %get3A_1125 = vector.shape_cast %get3A_1124 : vector<1x16xf32> to vector<16xf32>
        %mul3A_1126 = vector.broadcast %squeeze3A_1069 : f32 to vector<16xf32>
        %mul3A_1127 = arith.mulf %get3A_1125, %mul3A_1126 : vector<16xf32>
        %add3A_1128 = arith.addf %add3A_1121, %mul3A_1127 : vector<16xf32>
        %swap3A_1129 = arith.index_cast %add3A_1063 : i32 to index
        %swap3A_1130 = arith.constant 16 : index
        %swap3A_1131 = tpu.vector_load %arg22[%swap3A_1129, %swap3A_1130] {strides = array<i32>} : memref<128x96xf32, #tpu.memory_space<vmem>>, vector<1x16xf32>,
        %swap3A_1132 = vector.shape_cast %swap3A_1131 : vector<1x16xf32> to vector<16xf32>
        %swap3A_1133 = vector.shape_cast %add3A_1128 : vector<16xf32> to vector<1x16xf32>
        tpu.vector_store %arg22[%swap3A_1129, %swap3A_1130], %swap3A_1133 {strides = array<i32>} : memref<128x96xf32, #tpu.memory_space<vmem>>, vector<1x16xf32>,
        %get3A_1134 = arith.index_cast %add3A_1063 : i32 to index
        %get3A_1135 = arith.constant 32 : index
        %get3A_1136 = tpu.vector_load %arg18[%get3A_1134, %get3A_1135] {strides = array<i32>} : memref<128x96xf32, #tpu.memory_space<vmem>>, vector<1x16xf32>,
        %get3A_1137 = vector.shape_cast %get3A_1136 : vector<1x16xf32> to vector<16xf32>
        %mul3A_1138 = vector.broadcast %squeeze3A : f32 to vector<16xf32>
        %mul3A_1139 = arith.mulf %get3A_1137, %mul3A_1138 : vector<16xf32>
        %get3A_1140 = arith.index_cast %add3A_1063 : i32 to index
        %get3A_1141 = arith.constant 32 : index
        %get3A_1142 = tpu.vector_load %arg19[%get3A_1140, %get3A_1141] {strides = array<i32>} : memref<128x96xf32, #tpu.memory_space<vmem>>, vector<1x16xf32>,
        %get3A_1143 = vector.shape_cast %get3A_1142 : vector<1x16xf32> to vector<16xf32>
        %mul3A_1144 = vector.broadcast %squeeze3A_1065 : f32 to vector<16xf32>
        %mul3A_1145 = arith.mulf %get3A_1143, %mul3A_1144 : vector<16xf32>
        %add3A_1146 = arith.addf %mul3A_1139, %mul3A_1145 : vector<16xf32>
        %get3A_1147 = arith.index_cast %add3A_1063 : i32 to index
        %get3A_1148 = arith.constant 32 : index
        %get3A_1149 = tpu.vector_load %arg20[%get3A_1147, %get3A_1148] {strides = array<i32>} : memref<128x96xf32, #tpu.memory_space<vmem>>, vector<1x16xf32>,
        %get3A_1150 = vector.shape_cast %get3A_1149 : vector<1x16xf32> to vector<16xf32>
        %mul3A_1151 = vector.broadcast %squeeze3A_1067 : f32 to vector<16xf32>
        %mul3A_1152 = arith.mulf %get3A_1150, %mul3A_1151 : vector<16xf32>
        %add3A_1153 = arith.addf %add3A_1146, %mul3A_1152 : vector<16xf32>
        %get3A_1154 = arith.index_cast %add3A_1063 : i32 to index
        %get3A_1155 = arith.constant 32 : index
        %get3A_1156 = tpu.vector_load %arg21[%get3A_1154, %get3A_1155] {strides = array<i32>} : memref<128x96xf32, #tpu.memory_space<vmem>>, vector<1x16xf32>,
        %get3A_1157 = vector.shape_cast %get3A_1156 : vector<1x16xf32> to vector<16xf32>
        %mul3A_1158 = vector.broadcast %squeeze3A_1069 : f32 to vector<16xf32>
        %mul3A_1159 = arith.mulf %get3A_1157, %mul3A_1158 : vector<16xf32>
        %add3A_1160 = arith.addf %add3A_1153, %mul3A_1159 : vector<16xf32>
        %swap3A_1161 = arith.index_cast %add3A_1063 : i32 to index
        %swap3A_1162 = arith.constant 32 : index
        %swap3A_1163 = tpu.vector_load %arg22[%swap3A_1161, %swap3A_1162] {strides = array<i32>} : memref<128x96xf32, #tpu.memory_space<vmem>>, vector<1x16xf32>,
        %swap3A_1164 = vector.shape_cast %swap3A_1163 : vector<1x16xf32> to vector<16xf32>
        %swap3A_1165 = vector.shape_cast %add3A_1160 : vector<16xf32> to vector<1x16xf32>
        tpu.vector_store %arg22[%swap3A_1161, %swap3A_1162], %swap3A_1165 {strides = array<i32>} : memref<128x96xf32, #tpu.memory_space<vmem>>, vector<1x16xf32>,
        %get3A_1166 = arith.index_cast %add3A_1063 : i32 to index
        %get3A_1167 = arith.constant 48 : index
        %get3A_1168 = tpu.vector_load %arg18[%get3A_1166, %get3A_1167] {strides = array<i32>} : memref<128x96xf32, #tpu.memory_space<vmem>>, vector<1x16xf32>,
        %get3A_1169 = vector.shape_cast %get3A_1168 : vector<1x16xf32> to vector<16xf32>
        %mul3A_1170 = vector.broadcast %squeeze3A : f32 to vector<16xf32>
        %mul3A_1171 = arith.mulf %get3A_1169, %mul3A_1170 : vector<16xf32>
        %get3A_1172 = arith.index_cast %add3A_1063 : i32 to index
        %get3A_1173 = arith.constant 48 : index
        %get3A_1174 = tpu.vector_load %arg19[%get3A_1172, %get3A_1173] {strides = array<i32>} : memref<128x96xf32, #tpu.memory_space<vmem>>, vector<1x16xf32>,
        %get3A_1175 = vector.shape_cast %get3A_1174 : vector<1x16xf32> to vector<16xf32>
        %mul3A_1176 = vector.broadcast %squeeze3A_1065 : f32 to vector<16xf32>
        %mul3A_1177 = arith.mulf %get3A_1175, %mul3A_1176 : vector<16xf32>
        %add3A_1178 = arith.addf %mul3A_1171, %mul3A_1177 : vector<16xf32>
        %get3A_1179 = arith.index_cast %add3A_1063 : i32 to index
        %get3A_1180 = arith.constant 48 : index
        %get3A_1181 = tpu.vector_load %arg20[%get3A_1179, %get3A_1180] {strides = array<i32>} : memref<128x96xf32, #tpu.memory_space<vmem>>, vector<1x16xf32>,
        %get3A_1182 = vector.shape_cast %get3A_1181 : vector<1x16xf32> to vector<16xf32>
        %mul3A_1183 = vector.broadcast %squeeze3A_1067 : f32 to vector<16xf32>
        %mul3A_1184 = arith.mulf %get3A_1182, %mul3A_1183 : vector<16xf32>
        %add3A_1185 = arith.addf %add3A_1178, %mul3A_1184 : vector<16xf32>
        %get3A_1186 = arith.index_cast %add3A_1063 : i32 to index
        %get3A_1187 = arith.constant 48 : index
        %get3A_1188 = tpu.vector_load %arg21[%get3A_1186, %get3A_1187] {strides = array<i32>} : memref<128x96xf32, #tpu.memory_space<vmem>>, vector<1x16xf32>,
        %get3A_1189 = vector.shape_cast %get3A_1188 : vector<1x16xf32> to vector<16xf32>
        %mul3A_1190 = vector.broadcast %squeeze3A_1069 : f32 to vector<16xf32>
        %mul3A_1191 = arith.mulf %get3A_1189, %mul3A_1190 : vector<16xf32>
        %add3A_1192 = arith.addf %add3A_1185, %mul3A_1191 : vector<16xf32>
        %swap3A_1193 = arith.index_cast %add3A_1063 : i32 to index
        %swap3A_1194 = arith.constant 48 : index
        %swap3A_1195 = tpu.vector_load %arg22[%swap3A_1193, %swap3A_1194] {strides = array<i32>} : memref<128x96xf32, #tpu.memory_space<vmem>>, vector<1x16xf32>,
        %swap3A_1196 = vector.shape_cast %swap3A_1195 : vector<1x16xf32> to vector<16xf32>
        %swap3A_1197 = vector.shape_cast %add3A_1192 : vector<16xf32> to vector<1x16xf32>
        tpu.vector_store %arg22[%swap3A_1193, %swap3A_1194], %swap3A_1197 {strides = array<i32>} : memref<128x96xf32, #tpu.memory_space<vmem>>, vector<1x16xf32>,
        %get3A_1198 = arith.index_cast %add3A_1063 : i32 to index
        %get3A_1199 = arith.constant 64 : index
        %get3A_1200 = tpu.vector_load %arg18[%get3A_1198, %get3A_1199] {strides = array<i32>} : memref<128x96xf32, #tpu.memory_space<vmem>>, vector<1x16xf32>,
        %get3A_1201 = vector.shape_cast %get3A_1200 : vector<1x16xf32> to vector<16xf32>
        %mul3A_1202 = vector.broadcast %squeeze3A : f32 to vector<16xf32>
        %mul3A_1203 = arith.mulf %get3A_1201, %mul3A_1202 : vector<16xf32>
        %get3A_1204 = arith.index_cast %add3A_1063 : i32 to index
        %get3A_1205 = arith.constant 64 : index
        %get3A_1206 = tpu.vector_load %arg19[%get3A_1204, %get3A_1205] {strides = array<i32>} : memref<128x96xf32, #tpu.memory_space<vmem>>, vector<1x16xf32>,
        %get3A_1207 = vector.shape_cast %get3A_1206 : vector<1x16xf32> to vector<16xf32>
        %mul3A_1208 = vector.broadcast %squeeze3A_1065 : f32 to vector<16xf32>
        %mul3A_1209 = arith.mulf %get3A_1207, %mul3A_1208 : vector<16xf32>
        %add3A_1210 = arith.addf %mul3A_1203, %mul3A_1209 : vector<16xf32>
        %get3A_1211 = arith.index_cast %add3A_1063 : i32 to index
        %get3A_1212 = arith.constant 64 : index
        %get3A_1213 = tpu.vector_load %arg20[%get3A_1211, %get3A_1212] {strides = array<i32>} : memref<128x96xf32, #tpu.memory_space<vmem>>, vector<1x16xf32>,
        %get3A_1214 = vector.shape_cast %get3A_1213 : vector<1x16xf32> to vector<16xf32>
        %mul3A_1215 = vector.broadcast %squeeze3A_1067 : f32 to vector<16xf32>
        %mul3A_1216 = arith.mulf %get3A_1214, %mul3A_1215 : vector<16xf32>
        %add3A_1217 = arith.addf %add3A_1210, %mul3A_1216 : vector<16xf32>
        %get3A_1218 = arith.index_cast %add3A_1063 : i32 to index
        %get3A_1219 = arith.constant 64 : index
        %get3A_1220 = tpu.vector_load %arg21[%get3A_1218, %get3A_1219] {strides = array<i32>} : memref<128x96xf32, #tpu.memory_space<vmem>>, vector<1x16xf32>,
        %get3A_1221 = vector.shape_cast %get3A_1220 : vector<1x16xf32> to vector<16xf32>
        %mul3A_1222 = vector.broadcast %squeeze3A_1069 : f32 to vector<16xf32>
        %mul3A_1223 = arith.mulf %get3A_1221, %mul3A_1222 : vector<16xf32>
        %add3A_1224 = arith.addf %add3A_1217, %mul3A_1223 : vector<16xf32>
        %swap3A_1225 = arith.index_cast %add3A_1063 : i32 to index
        %swap3A_1226 = arith.constant 64 : index
        %swap3A_1227 = tpu.vector_load %arg22[%swap3A_1225, %swap3A_1226] {strides = array<i32>} : memref<128x96xf32, #tpu.memory_space<vmem>>, vector<1x16xf32>,
        %swap3A_1228 = vector.shape_cast %swap3A_1227 : vector<1x16xf32> to vector<16xf32>
        %swap3A_1229 = vector.shape_cast %add3A_1224 : vector<16xf32> to vector<1x16xf32>
        tpu.vector_store %arg22[%swap3A_1225, %swap3A_1226], %swap3A_1229 {strides = array<i32>} : memref<128x96xf32, #tpu.memory_space<vmem>>, vector<1x16xf32>,
        %get3A_1230 = arith.index_cast %add3A_1063 : i32 to index
        %get3A_1231 = arith.constant 80 : index
        %get3A_1232 = tpu.vector_load %arg18[%get3A_1230, %get3A_1231] {strides = array<i32>} : memref<128x96xf32, #tpu.memory_space<vmem>>, vector<1x16xf32>,
        %get3A_1233 = vector.shape_cast %get3A_1232 : vector<1x16xf32> to vector<16xf32>
        %mul3A_1234 = vector.broadcast %squeeze3A : f32 to vector<16xf32>
        %mul3A_1235 = arith.mulf %get3A_1233, %mul3A_1234 : vector<16xf32>
        %get3A_1236 = arith.index_cast %add3A_1063 : i32 to index
        %get3A_1237 = arith.constant 80 : index
        %get3A_1238 = tpu.vector_load %arg19[%get3A_1236, %get3A_1237] {strides = array<i32>} : memref<128x96xf32, #tpu.memory_space<vmem>>, vector<1x16xf32>,
        %get3A_1239 = vector.shape_cast %get3A_1238 : vector<1x16xf32> to vector<16xf32>
        %mul3A_1240 = vector.broadcast %squeeze3A_1065 : f32 to vector<16xf32>
        %mul3A_1241 = arith.mulf %get3A_1239, %mul3A_1240 : vector<16xf32>
        %add3A_1242 = arith.addf %mul3A_1235, %mul3A_1241 : vector<16xf32>
        %get3A_1243 = arith.index_cast %add3A_1063 : i32 to index
        %get3A_1244 = arith.constant 80 : index
        %get3A_1245 = tpu.vector_load %arg20[%get3A_1243, %get3A_1244] {strides = array<i32>} : memref<128x96xf32, #tpu.memory_space<vmem>>, vector<1x16xf32>,
        %get3A_1246 = vector.shape_cast %get3A_1245 : vector<1x16xf32> to vector<16xf32>
        %mul3A_1247 = vector.broadcast %squeeze3A_1067 : f32 to vector<16xf32>
        %mul3A_1248 = arith.mulf %get3A_1246, %mul3A_1247 : vector<16xf32>
        %add3A_1249 = arith.addf %add3A_1242, %mul3A_1248 : vector<16xf32>
        %get3A_1250 = arith.index_cast %add3A_1063 : i32 to index
        %get3A_1251 = arith.constant 80 : index
        %get3A_1252 = tpu.vector_load %arg21[%get3A_1250, %get3A_1251] {strides = array<i32>} : memref<128x96xf32, #tpu.memory_space<vmem>>, vector<1x16xf32>,
        %get3A_1253 = vector.shape_cast %get3A_1252 : vector<1x16xf32> to vector<16xf32>
        %mul3A_1254 = vector.broadcast %squeeze3A_1069 : f32 to vector<16xf32>
        %mul3A_1255 = arith.mulf %get3A_1253, %mul3A_1254 : vector<16xf32>
        %add3A_1256 = arith.addf %add3A_1249, %mul3A_1255 : vector<16xf32>
        %swap3A_1257 = arith.index_cast %add3A_1063 : i32 to index
        %swap3A_1258 = arith.constant 80 : index
        %swap3A_1259 = tpu.vector_load %arg22[%swap3A_1257, %swap3A_1258] {strides = array<i32>} : memref<128x96xf32, #tpu.memory_space<vmem>>, vector<1x16xf32>,
        %swap3A_1260 = vector.shape_cast %swap3A_1259 : vector<1x16xf32> to vector<16xf32>
        %swap3A_1261 = vector.shape_cast %add3A_1256 : vector<16xf32> to vector<1x16xf32>
        tpu.vector_store %arg22[%swap3A_1257, %swap3A_1258], %swap3A_1261 {strides = array<i32>} : memref<128x96xf32, #tpu.memory_space<vmem>>, vector<1x16xf32>,
        %add3A_1262 = arith.constant 1 : i32
        %add3A_1263 = arith.addi %mul3A_1049, %add3A_1262 : i32
        %slice3A_1264 = vector.extract_strided_slice %get3A_1052 {offsets = [1], sizes = [1], strides = [1]} : vector<16xf32> to vector<1xf32>
        %squeeze3A_1265 = vector.extract %slice3A_1264[0] : f32 from vector<1xf32>
        %slice3A_1266 = vector.extract_strided_slice %get3A_1055 {offsets = [1], sizes = [1], strides = [1]} : vector<16xf32> to vector<1xf32>
        %squeeze3A_1267 = vector.extract %slice3A_1266[0] : f32 from vector<1xf32>
        %slice3A_1268 = vector.extract_strided_slice %get3A_1058 {offsets = [1], sizes = [1], strides = [1]} : vector<16xf32> to vector<1xf32>
        %squeeze3A_1269 = vector.extract %slice3A_1268[0] : f32 from vector<1xf32>
        %slice3A_1270 = vector.extract_strided_slice %get3A_1061 {offsets = [1], sizes = [1], strides = [1]} : vector<16xf32> to vector<1xf32>
        %squeeze3A_1271 = vector.extract %slice3A_1270[0] : f32 from vector<1xf32>
        %get3A_1272 = arith.index_cast %add3A_1263 : i32 to index
        %get3A_1273 = arith.constant 0 : index
        %get3A_1274 = tpu.vector_load %arg18[%get3A_1272, %get3A_1273] {strides = array<i32>} : memref<128x96xf32, #tpu.memory_space<vmem>>, vector<1x16xf32>,
        %get3A_1275 = vector.shape_cast %get3A_1274 : vector<1x16xf32> to vector<16xf32>
        %mul3A_1276 = vector.broadcast %squeeze3A_1265 : f32 to vector<16xf32>
        %mul3A_1277 = arith.mulf %get3A_1275, %mul3A_1276 : vector<16xf32>
        %get3A_1278 = arith.index_cast %add3A_1263 : i32 to index
        %get3A_1279 = arith.constant 0 : index
        %get3A_1280 = tpu.vector_load %arg19[%get3A_1278, %get3A_1279] {strides = array<i32>} : memref<128x96xf32, #tpu.memory_space<vmem>>, vector<1x16xf32>,
        %get3A_1281 = vector.shape_cast %get3A_1280 : vector<1x16xf32> to vector<16xf32>
        %mul3A_1282 = vector.broadcast %squeeze3A_1267 : f32 to vector<16xf32>
        %mul3A_1283 = arith.mulf %get3A_1281, %mul3A_1282 : vector<16xf32>
        %add3A_1284 = arith.addf %mul3A_1277, %mul3A_1283 : vector<16xf32>
        %get3A_1285 = arith.index_cast %add3A_1263 : i32 to index
        %get3A_1286 = arith.constant 0 : index
        %get3A_1287 = tpu.vector_load %arg20[%get3A_1285, %get3A_1286] {strides = array<i32>} : memref<128x96xf32, #tpu.memory_space<vmem>>, vector<1x16xf32>,
        %get3A_1288 = vector.shape_cast %get3A_1287 : vector<1x16xf32> to vector<16xf32>
        %mul3A_1289 = vector.broadcast %squeeze3A_1269 : f32 to vector<16xf32>
        %mul3A_1290 = arith.mulf %get3A_1288, %mul3A_1289 : vector<16xf32>
        %add3A_1291 = arith.addf %add3A_1284, %mul3A_1290 : vector<16xf32>
        %get3A_1292 = arith.index_cast %add3A_1263 : i32 to index
        %get3A_1293 = arith.constant 0 : index
        %get3A_1294 = tpu.vector_load %arg21[%get3A_1292, %get3A_1293] {strides = array<i32>} : memref<128x96xf32, #tpu.memory_space<vmem>>, vector<1x16xf32>,
        %get3A_1295 = vector.shape_cast %get3A_1294 : vector<1x16xf32> to vector<16xf32>
        %mul3A_1296 = vector.broadcast %squeeze3A_1271 : f32 to vector<16xf32>
        %mul3A_1297 = arith.mulf %get3A_1295, %mul3A_1296 : vector<16xf32>
        %add3A_1298 = arith.addf %add3A_1291, %mul3A_1297 : vector<16xf32>
        %swap3A_1299 = arith.index_cast %add3A_1263 : i32 to index
        %swap3A_1300 = arith.constant 0 : index
        %swap3A_1301 = tpu.vector_load %arg22[%swap3A_1299, %swap3A_1300] {strides = array<i32>} : memref<128x96xf32, #tpu.memory_space<vmem>>, vector<1x16xf32>,
        %swap3A_1302 = vector.shape_cast %swap3A_1301 : vector<1x16xf32> to vector<16xf32>
        %swap3A_1303 = vector.shape_cast %add3A_1298 : vector<16xf32> to vector<1x16xf32>
        tpu.vector_store %arg22[%swap3A_1299, %swap3A_1300], %swap3A_1303 {strides = array<i32>} : memref<128x96xf32, #tpu.memory_space<vmem>>, vector<1x16xf32>,
        %get3A_1304 = arith.index_cast %add3A_1263 : i32 to index
        %get3A_1305 = arith.constant 16 : index
        %get3A_1306 = tpu.vector_load %arg18[%get3A_1304, %get3A_1305] {strides = array<i32>} : memref<128x96xf32, #tpu.memory_space<vmem>>, vector<1x16xf32>,
        %get3A_1307 = vector.shape_cast %get3A_1306 : vector<1x16xf32> to vector<16xf32>
        %mul3A_1308 = vector.broadcast %squeeze3A_1265 : f32 to vector<16xf32>
        %mul3A_1309 = arith.mulf %get3A_1307, %mul3A_1308 : vector<16xf32>
        %get3A_1310 = arith.index_cast %add3A_1263 : i32 to index
        %get3A_1311 = arith.constant 16 : index
        %get3A_1312 = tpu.vector_load %arg19[%get3A_1310, %get3A_1311] {strides = array<i32>} : memref<128x96xf32, #tpu.memory_space<vmem>>, vector<1x16xf32>,
        %get3A_1313 = vector.shape_cast %get3A_1312 : vector<1x16xf32> to vector<16xf32>
        %mul3A_1314 = vector.broadcast %squeeze3A_1267 : f32 to vector<16xf32>
        %mul3A_1315 = arith.mulf %get3A_1313, %mul3A_1314 : vector<16xf32>
        %add3A_1316 = arith.addf %mul3A_1309, %mul3A_1315 : vector<16xf32>
        %get3A_1317 = arith.index_cast %add3A_1263 : i32 to index
        %get3A_1318 = arith.constant 16 : index
        %get3A_1319 = tpu.vector_load %arg20[%get3A_1317, %get3A_1318] {strides = array<i32>} : memref<128x96xf32, #tpu.memory_space<vmem>>, vector<1x16xf32>,
        %get3A_1320 = vector.shape_cast %get3A_1319 : vector<1x16xf32> to vector<16xf32>
        %mul3A_1321 = vector.broadcast %squeeze3A_1269 : f32 to vector<16xf32>
        %mul3A_1322 = arith.mulf %get3A_1320, %mul3A_1321 : vector<16xf32>
        %add3A_1323 = arith.addf %add3A_1316, %mul3A_1322 : vector<16xf32>
        %get3A_1324 = arith.index_cast %add3A_1263 : i32 to index
        %get3A_1325 = arith.constant 16 : index
        %get3A_1326 = tpu.vector_load %arg21[%get3A_1324, %get3A_1325] {strides = array<i32>} : memref<128x96xf32, #tpu.memory_space<vmem>>, vector<1x16xf32>,
        %get3A_1327 = vector.shape_cast %get3A_1326 : vector<1x16xf32> to vector<16xf32>
        %mul3A_1328 = vector.broadcast %squeeze3A_1271 : f32 to vector<16xf32>
        %mul3A_1329 = arith.mulf %get3A_1327, %mul3A_1328 : vector<16xf32>
        %add3A_1330 = arith.addf %add3A_1323, %mul3A_1329 : vector<16xf32>
        %swap3A_1331 = arith.index_cast %add3A_1263 : i32 to index
        %swap3A_1332 = arith.constant 16 : index
        %swap3A_1333 = tpu.vector_load %arg22[%swap3A_1331, %swap3A_1332] {strides = array<i32>} : memref<128x96xf32, #tpu.memory_space<vmem>>, vector<1x16xf32>,
        %swap3A_1334 = vector.shape_cast %swap3A_1333 : vector<1x16xf32> to vector<16xf32>
        %swap3A_1335 = vector.shape_cast %add3A_1330 : vector<16xf32> to vector<1x16xf32>
        tpu.vector_store %arg22[%swap3A_1331, %swap3A_1332], %swap3A_1335 {strides = array<i32>} : memref<128x96xf32, #tpu.memory_space<vmem>>, vector<1x16xf32>,
        %get3A_1336 = arith.index_cast %add3A_1263 : i32 to index
        %get3A_1337 = arith.constant 32 : index
        %get3A_1338 = tpu.vector_load %arg18[%get3A_1336, %get3A_1337] {strides = array<i32>} : memref<128x96xf32, #tpu.memory_space<vmem>>, vector<1x16xf32>,
        %get3A_1339 = vector.shape_cast %get3A_1338 : vector<1x16xf32> to vector<16xf32>
        %mul3A_1340 = vector.broadcast %squeeze3A_1265 : f32 to vector<16xf32>
        %mul3A_1341 = arith.mulf %get3A_1339, %mul3A_1340 : vector<16xf32>
        %get3A_1342 = arith.index_cast %add3A_1263 : i32 to index
        %get3A_1343 = arith.constant 32 : index
        %get3A_1344 = tpu.vector_load %arg19[%get3A_1342, %get3A_1343] {strides = array<i32>} : memref<128x96xf32, #tpu.memory_space<vmem>>, vector<1x16xf32>,
        %get3A_1345 = vector.shape_cast %get3A_1344 : vector<1x16xf32> to vector<16xf32>
        %mul3A_1346 = vector.broadcast %squeeze3A_1267 : f32 to vector<16xf32>
        %mul3A_1347 = arith.mulf %get3A_1345, %mul3A_1346 : vector<16xf32>
        %add3A_1348 = arith.addf %mul3A_1341, %mul3A_1347 : vector<16xf32>
        %get3A_1349 = arith.index_cast %add3A_1263 : i32 to index
        %get3A_1350 = arith.constant 32 : index
        %get3A_1351 = tpu.vector_load %arg20[%get3A_1349, %get3A_1350] {strides = array<i32>} : memref<128x96xf32, #tpu.memory_space<vmem>>, vector<1x16xf32>,
        %get3A_1352 = vector.shape_cast %get3A_1351 : vector<1x16xf32> to vector<16xf32>
        %mul3A_1353 = vector.broadcast %squeeze3A_1269 : f32 to vector<16xf32>
        %mul3A_1354 = arith.mulf %get3A_1352, %mul3A_1353 : vector<16xf32>
        %add3A_1355 = arith.addf %add3A_1348, %mul3A_1354 : vector<16xf32>
        %get3A_1356 = arith.index_cast %add3A_1263 : i32 to index
        %get3A_1357 = arith.constant 32 : index
        %get3A_1358 = tpu.vector_load %arg21[%get3A_1356, %get3A_1357] {strides = array<i32>} : memref<128x96xf32, #tpu.memory_space<vmem>>, vector<1x16xf32>,
        %get3A_1359 = vector.shape_cast %get3A_1358 : vector<1x16xf32> to vector<16xf32>
        %mul3A_1360 = vector.broadcast %squeeze3A_1271 : f32 to vector<16xf32>
        %mul3A_1361 = arith.mulf %get3A_1359, %mul3A_1360 : vector<16xf32>
        %add3A_1362 = arith.addf %add3A_1355, %mul3A_1361 : vector<16xf32>
        %swap3A_1363 = arith.index_cast %add3A_1263 : i32 to index
        %swap3A_1364 = arith.constant 32 : index
        %swap3A_1365 = tpu.vector_load %arg22[%swap3A_1363, %swap3A_1364] {strides = array<i32>} : memref<128x96xf32, #tpu.memory_space<vmem>>, vector<1x16xf32>,
        %swap3A_1366 = vector.shape_cast %swap3A_1365 : vector<1x16xf32> to vector<16xf32>
        %swap3A_1367 = vector.shape_cast %add3A_1362 : vector<16xf32> to vector<1x16xf32>
        tpu.vector_store %arg22[%swap3A_1363, %swap3A_1364], %swap3A_1367 {strides = array<i32>} : memref<128x96xf32, #tpu.memory_space<vmem>>, vector<1x16xf32>,
        %get3A_1368 = arith.index_cast %add3A_1263 : i32 to index
        %get3A_1369 = arith.constant 48 : index
        %get3A_1370 = tpu.vector_load %arg18[%get3A_1368, %get3A_1369] {strides = array<i32>} : memref<128x96xf32, #tpu.memory_space<vmem>>, vector<1x16xf32>,
        %get3A_1371 = vector.shape_cast %get3A_1370 : vector<1x16xf32> to vector<16xf32>
        %mul3A_1372 = vector.broadcast %squeeze3A_1265 : f32 to vector<16xf32>
        %mul3A_1373 = arith.mulf %get3A_1371, %mul3A_1372 : vector<16xf32>
        %get3A_1374 = arith.index_cast %add3A_1263 : i32 to index
        %get3A_1375 = arith.constant 48 : index
        %get3A_1376 = tpu.vector_load %arg19[%get3A_1374, %get3A_1375] {strides = array<i32>} : memref<128x96xf32, #tpu.memory_space<vmem>>, vector<1x16xf32>,
        %get3A_1377 = vector.shape_cast %get3A_1376 : vector<1x16xf32> to vector<16xf32>
        %mul3A_1378 = vector.broadcast %squeeze3A_1267 : f32 to vector<16xf32>
        %mul3A_1379 = arith.mulf %get3A_1377, %mul3A_1378 : vector<16xf32>
        %add3A_1380 = arith.addf %mul3A_1373, %mul3A_1379 : vector<16xf32>
        %get3A_1381 = arith.index_cast %add3A_1263 : i32 to index
        %get3A_1382 = arith.constant 48 : index
        %get3A_1383 = tpu.vector_load %arg20[%get3A_1381, %get3A_1382] {strides = array<i32>} : memref<128x96xf32, #tpu.memory_space<vmem>>, vector<1x16xf32>,
        %get3A_1384 = vector.shape_cast %get3A_1383 : vector<1x16xf32> to vector<16xf32>
        %mul3A_1385 = vector.broadcast %squeeze3A_1269 : f32 to vector<16xf32>
        %mul3A_1386 = arith.mulf %get3A_1384, %mul3A_1385 : vector<16xf32>
        %add3A_1387 = arith.addf %add3A_1380, %mul3A_1386 : vector<16xf32>
        %get3A_1388 = arith.index_cast %add3A_1263 : i32 to index
        %get3A_1389 = arith.constant 48 : index
        %get3A_1390 = tpu.vector_load %arg21[%get3A_1388, %get3A_1389] {strides = array<i32>} : memref<128x96xf32, #tpu.memory_space<vmem>>, vector<1x16xf32>,
        %get3A_1391 = vector.shape_cast %get3A_1390 : vector<1x16xf32> to vector<16xf32>
        %mul3A_1392 = vector.broadcast %squeeze3A_1271 : f32 to vector<16xf32>
        %mul3A_1393 = arith.mulf %get3A_1391, %mul3A_1392 : vector<16xf32>
        %add3A_1394 = arith.addf %add3A_1387, %mul3A_1393 : vector<16xf32>
        %swap3A_1395 = arith.index_cast %add3A_1263 : i32 to index
        %swap3A_1396 = arith.constant 48 : index
        %swap3A_1397 = tpu.vector_load %arg22[%swap3A_1395, %swap3A_1396] {strides = array<i32>} : memref<128x96xf32, #tpu.memory_space<vmem>>, vector<1x16xf32>,
        %swap3A_1398 = vector.shape_cast %swap3A_1397 : vector<1x16xf32> to vector<16xf32>
        %swap3A_1399 = vector.shape_cast %add3A_1394 : vector<16xf32> to vector<1x16xf32>
        tpu.vector_store %arg22[%swap3A_1395, %swap3A_1396], %swap3A_1399 {strides = array<i32>} : memref<128x96xf32, #tpu.memory_space<vmem>>, vector<1x16xf32>,
        %get3A_1400 = arith.index_cast %add3A_1263 : i32 to index
        %get3A_1401 = arith.constant 64 : index
        %get3A_1402 = tpu.vector_load %arg18[%get3A_1400, %get3A_1401] {strides = array<i32>} : memref<128x96xf32, #tpu.memory_space<vmem>>, vector<1x16xf32>,
        %get3A_1403 = vector.shape_cast %get3A_1402 : vector<1x16xf32> to vector<16xf32>
        %mul3A_1404 = vector.broadcast %squeeze3A_1265 : f32 to vector<16xf32>
        %mul3A_1405 = arith.mulf %get3A_1403, %mul3A_1404 : vector<16xf32>
        %get3A_1406 = arith.index_cast %add3A_1263 : i32 to index
        %get3A_1407 = arith.constant 64 : index
        %get3A_1408 = tpu.vector_load %arg19[%get3A_1406, %get3A_1407] {strides = array<i32>} : memref<128x96xf32, #tpu.memory_space<vmem>>, vector<1x16xf32>,
        %get3A_1409 = vector.shape_cast %get3A_1408 : vector<1x16xf32> to vector<16xf32>
        %mul3A_1410 = vector.broadcast %squeeze3A_1267 : f32 to vector<16xf32>
        %mul3A_1411 = arith.mulf %get3A_1409, %mul3A_1410 : vector<16xf32>
        %add3A_1412 = arith.addf %mul3A_1405, %mul3A_1411 : vector<16xf32>
        %get3A_1413 = arith.index_cast %add3A_1263 : i32 to index
        %get3A_1414 = arith.constant 64 : index
        %get3A_1415 = tpu.vector_load %arg20[%get3A_1413, %get3A_1414] {strides = array<i32>} : memref<128x96xf32, #tpu.memory_space<vmem>>, vector<1x16xf32>,
        %get3A_1416 = vector.shape_cast %get3A_1415 : vector<1x16xf32> to vector<16xf32>
        %mul3A_1417 = vector.broadcast %squeeze3A_1269 : f32 to vector<16xf32>
        %mul3A_1418 = arith.mulf %get3A_1416, %mul3A_1417 : vector<16xf32>
        %add3A_1419 = arith.addf %add3A_1412, %mul3A_1418 : vector<16xf32>
        %get3A_1420 = arith.index_cast %add3A_1263 : i32 to index
        %get3A_1421 = arith.constant 64 : index
        %get3A_1422 = tpu.vector_load %arg21[%get3A_1420, %get3A_1421] {strides = array<i32>} : memref<128x96xf32, #tpu.memory_space<vmem>>, vector<1x16xf32>,
        %get3A_1423 = vector.shape_cast %get3A_1422 : vector<1x16xf32> to vector<16xf32>
        %mul3A_1424 = vector.broadcast %squeeze3A_1271 : f32 to vector<16xf32>
        %mul3A_1425 = arith.mulf %get3A_1423, %mul3A_1424 : vector<16xf32>
        %add3A_1426 = arith.addf %add3A_1419, %mul3A_1425 : vector<16xf32>
        %swap3A_1427 = arith.index_cast %add3A_1263 : i32 to index
        %swap3A_1428 = arith.constant 64 : index
        %swap3A_1429 = tpu.vector_load %arg22[%swap3A_1427, %swap3A_1428] {strides = array<i32>} : memref<128x96xf32, #tpu.memory_space<vmem>>, vector<1x16xf32>,
        %swap3A_1430 = vector.shape_cast %swap3A_1429 : vector<1x16xf32> to vector<16xf32>
        %swap3A_1431 = vector.shape_cast %add3A_1426 : vector<16xf32> to vector<1x16xf32>
        tpu.vector_store %arg22[%swap3A_1427, %swap3A_1428], %swap3A_1431 {strides = array<i32>} : memref<128x96xf32, #tpu.memory_space<vmem>>, vector<1x16xf32>,
        %get3A_1432 = arith.index_cast %add3A_1263 : i32 to index
        %get3A_1433 = arith.constant 80 : index
        %get3A_1434 = tpu.vector_load %arg18[%get3A_1432, %get3A_1433] {strides = array<i32>} : memref<128x96xf32, #tpu.memory_space<vmem>>, vector<1x16xf32>,
        %get3A_1435 = vector.shape_cast %get3A_1434 : vector<1x16xf32> to vector<16xf32>
        %mul3A_1436 = vector.broadcast %squeeze3A_1265 : f32 to vector<16xf32>
        %mul3A_1437 = arith.mulf %get3A_1435, %mul3A_1436 : vector<16xf32>
        %get3A_1438 = arith.index_cast %add3A_1263 : i32 to index
        %get3A_1439 = arith.constant 80 : index
        %get3A_1440 = tpu.vector_load %arg19[%get3A_1438, %get3A_1439] {strides = array<i32>} : memref<128x96xf32, #tpu.memory_space<vmem>>, vector<1x16xf32>,
        %get3A_1441 = vector.shape_cast %get3A_1440 : vector<1x16xf32> to vector<16xf32>
        %mul3A_1442 = vector.broadcast %squeeze3A_1267 : f32 to vector<16xf32>
        %mul3A_1443 = arith.mulf %get3A_1441, %mul3A_1442 : vector<16xf32>
        %add3A_1444 = arith.addf %mul3A_1437, %mul3A_1443 : vector<16xf32>
        %get3A_1445 = arith.index_cast %add3A_1263 : i32 to index
        %get3A_1446 = arith.constant 80 : index
        %get3A_1447 = tpu.vector_load %arg20[%get3A_1445, %get3A_1446] {strides = array<i32>} : memref<128x96xf32, #tpu.memory_space<vmem>>, vector<1x16xf32>,
        %get3A_1448 = vector.shape_cast %get3A_1447 : vector<1x16xf32> to vector<16xf32>
        %mul3A_1449 = vector.broadcast %squeeze3A_1269 : f32 to vector<16xf32>
        %mul3A_1450 = arith.mulf %get3A_1448, %mul3A_1449 : vector<16xf32>
        %add3A_1451 = arith.addf %add3A_1444, %mul3A_1450 : vector<16xf32>
        %get3A_1452 = arith.index_cast %add3A_1263 : i32 to index
        %get3A_1453 = arith.constant 80 : index
        %get3A_1454 = tpu.vector_load %arg21[%get3A_1452, %get3A_1453] {strides = array<i32>} : memref<128x96xf32, #tpu.memory_space<vmem>>, vector<1x16xf32>,
        %get3A_1455 = vector.shape_cast %get3A_1454 : vector<1x16xf32> to vector<16xf32>
        %mul3A_1456 = vector.broadcast %squeeze3A_1271 : f32 to vector<16xf32>
        %mul3A_1457 = arith.mulf %get3A_1455, %mul3A_1456 : vector<16xf32>
        %add3A_1458 = arith.addf %add3A_1451, %mul3A_1457 : vector<16xf32>
        %swap3A_1459 = arith.index_cast %add3A_1263 : i32 to index
        %swap3A_1460 = arith.constant 80 : index
        %swap3A_1461 = tpu.vector_load %arg22[%swap3A_1459, %swap3A_1460] {strides = array<i32>} : memref<128x96xf32, #tpu.memory_space<vmem>>, vector<1x16xf32>,
        %swap3A_1462 = vector.shape_cast %swap3A_1461 : vector<1x16xf32> to vector<16xf32>
        %swap3A_1463 = vector.shape_cast %add3A_1458 : vector<16xf32> to vector<1x16xf32>
        tpu.vector_store %arg22[%swap3A_1459, %swap3A_1460], %swap3A_1463 {strides = array<i32>} : memref<128x96xf32, #tpu.memory_space<vmem>>, vector<1x16xf32>,
        %add3A_1464 = arith.constant 2 : i32
        %add3A_1465 = arith.addi %mul3A_1049, %add3A_1464 : i32
        %slice3A_1466 = vector.extract_strided_slice %get3A_1052 {offsets = [2], sizes = [1], strides = [1]} : vector<16xf32> to vector<1xf32>
        %squeeze3A_1467 = vector.extract %slice3A_1466[0] : f32 from vector<1xf32>
        %slice3A_1468 = vector.extract_strided_slice %get3A_1055 {offsets = [2], sizes = [1], strides = [1]} : vector<16xf32> to vector<1xf32>
        %squeeze3A_1469 = vector.extract %slice3A_1468[0] : f32 from vector<1xf32>
        %slice3A_1470 = vector.extract_strided_slice %get3A_1058 {offsets = [2], sizes = [1], strides = [1]} : vector<16xf32> to vector<1xf32>
        %squeeze3A_1471 = vector.extract %slice3A_1470[0] : f32 from vector<1xf32>
        %slice3A_1472 = vector.extract_strided_slice %get3A_1061 {offsets = [2], sizes = [1], strides = [1]} : vector<16xf32> to vector<1xf32>
        %squeeze3A_1473 = vector.extract %slice3A_1472[0] : f32 from vector<1xf32>
        %get3A_1474 = arith.index_cast %add3A_1465 : i32 to index
        %get3A_1475 = arith.constant 0 : index
        %get3A_1476 = tpu.vector_load %arg18[%get3A_1474, %get3A_1475] {strides = array<i32>} : memref<128x96xf32, #tpu.memory_space<vmem>>, vector<1x16xf32>,
        %get3A_1477 = vector.shape_cast %get3A_1476 : vector<1x16xf32> to vector<16xf32>
        %mul3A_1478 = vector.broadcast %squeeze3A_1467 : f32 to vector<16xf32>
        %mul3A_1479 = arith.mulf %get3A_1477, %mul3A_1478 : vector<16xf32>
        %get3A_1480 = arith.index_cast %add3A_1465 : i32 to index
        %get3A_1481 = arith.constant 0 : index
        %get3A_1482 = tpu.vector_load %arg19[%get3A_1480, %get3A_1481] {strides = array<i32>} : memref<128x96xf32, #tpu.memory_space<vmem>>, vector<1x16xf32>,
        %get3A_1483 = vector.shape_cast %get3A_1482 : vector<1x16xf32> to vector<16xf32>
        %mul3A_1484 = vector.broadcast %squeeze3A_1469 : f32 to vector<16xf32>
        %mul3A_1485 = arith.mulf %get3A_1483, %mul3A_1484 : vector<16xf32>
        %add3A_1486 = arith.addf %mul3A_1479, %mul3A_1485 : vector<16xf32>
        %get3A_1487 = arith.index_cast %add3A_1465 : i32 to index
        %get3A_1488 = arith.constant 0 : index
        %get3A_1489 = tpu.vector_load %arg20[%get3A_1487, %get3A_1488] {strides = array<i32>} : memref<128x96xf32, #tpu.memory_space<vmem>>, vector<1x16xf32>,
        %get3A_1490 = vector.shape_cast %get3A_1489 : vector<1x16xf32> to vector<16xf32>
        %mul3A_1491 = vector.broadcast %squeeze3A_1471 : f32 to vector<16xf32>
        %mul3A_1492 = arith.mulf %get3A_1490, %mul3A_1491 : vector<16xf32>
        %add3A_1493 = arith.addf %add3A_1486, %mul3A_1492 : vector<16xf32>
        %get3A_1494 = arith.index_cast %add3A_1465 : i32 to index
        %get3A_1495 = arith.constant 0 : index
        %get3A_1496 = tpu.vector_load %arg21[%get3A_1494, %get3A_1495] {strides = array<i32>} : memref<128x96xf32, #tpu.memory_space<vmem>>, vector<1x16xf32>,
        %get3A_1497 = vector.shape_cast %get3A_1496 : vector<1x16xf32> to vector<16xf32>
        %mul3A_1498 = vector.broadcast %squeeze3A_1473 : f32 to vector<16xf32>
        %mul3A_1499 = arith.mulf %get3A_1497, %mul3A_1498 : vector<16xf32>
        %add3A_1500 = arith.addf %add3A_1493, %mul3A_1499 : vector<16xf32>
        %swap3A_1501 = arith.index_cast %add3A_1465 : i32 to index
        %swap3A_1502 = arith.constant 0 : index
        %swap3A_1503 = tpu.vector_load %arg22[%swap3A_1501, %swap3A_1502] {strides = array<i32>} : memref<128x96xf32, #tpu.memory_space<vmem>>, vector<1x16xf32>,
        %swap3A_1504 = vector.shape_cast %swap3A_1503 : vector<1x16xf32> to vector<16xf32>
        %swap3A_1505 = vector.shape_cast %add3A_1500 : vector<16xf32> to vector<1x16xf32>
        tpu.vector_store %arg22[%swap3A_1501, %swap3A_1502], %swap3A_1505 {strides = array<i32>} : memref<128x96xf32, #tpu.memory_space<vmem>>, vector<1x16xf32>,
        %get3A_1506 = arith.index_cast %add3A_1465 : i32 to index
        %get3A_1507 = arith.constant 16 : index
        %get3A_1508 = tpu.vector_load %arg18[%get3A_1506, %get3A_1507] {strides = array<i32>} : memref<128x96xf32, #tpu.memory_space<vmem>>, vector<1x16xf32>,
        %get3A_1509 = vector.shape_cast %get3A_1508 : vector<1x16xf32> to vector<16xf32>
        %mul3A_1510 = vector.broadcast %squeeze3A_1467 : f32 to vector<16xf32>
        %mul3A_1511 = arith.mulf %get3A_1509, %mul3A_1510 : vector<16xf32>
        %get3A_1512 = arith.index_cast %add3A_1465 : i32 to index
        %get3A_1513 = arith.constant 16 : index
        %get3A_1514 = tpu.vector_load %arg19[%get3A_1512, %get3A_1513] {strides = array<i32>} : memref<128x96xf32, #tpu.memory_space<vmem>>, vector<1x16xf32>,
        %get3A_1515 = vector.shape_cast %get3A_1514 : vector<1x16xf32> to vector<16xf32>
        %mul3A_1516 = vector.broadcast %squeeze3A_1469 : f32 to vector<16xf32>
        %mul3A_1517 = arith.mulf %get3A_1515, %mul3A_1516 : vector<16xf32>
        %add3A_1518 = arith.addf %mul3A_1511, %mul3A_1517 : vector<16xf32>
        %get3A_1519 = arith.index_cast %add3A_1465 : i32 to index
        %get3A_1520 = arith.constant 16 : index
        %get3A_1521 = tpu.vector_load %arg20[%get3A_1519, %get3A_1520] {strides = array<i32>} : memref<128x96xf32, #tpu.memory_space<vmem>>, vector<1x16xf32>,
        %get3A_1522 = vector.shape_cast %get3A_1521 : vector<1x16xf32> to vector<16xf32>
        %mul3A_1523 = vector.broadcast %squeeze3A_1471 : f32 to vector<16xf32>
        %mul3A_1524 = arith.mulf %get3A_1522, %mul3A_1523 : vector<16xf32>
        %add3A_1525 = arith.addf %add3A_1518, %mul3A_1524 : vector<16xf32>
        %get3A_1526 = arith.index_cast %add3A_1465 : i32 to index
        %get3A_1527 = arith.constant 16 : index
        %get3A_1528 = tpu.vector_load %arg21[%get3A_1526, %get3A_1527] {strides = array<i32>} : memref<128x96xf32, #tpu.memory_space<vmem>>, vector<1x16xf32>,
        %get3A_1529 = vector.shape_cast %get3A_1528 : vector<1x16xf32> to vector<16xf32>
        %mul3A_1530 = vector.broadcast %squeeze3A_1473 : f32 to vector<16xf32>
        %mul3A_1531 = arith.mulf %get3A_1529, %mul3A_1530 : vector<16xf32>
        %add3A_1532 = arith.addf %add3A_1525, %mul3A_1531 : vector<16xf32>
        %swap3A_1533 = arith.index_cast %add3A_1465 : i32 to index
        %swap3A_1534 = arith.constant 16 : index
        %swap3A_1535 = tpu.vector_load %arg22[%swap3A_1533, %swap3A_1534] {strides = array<i32>} : memref<128x96xf32, #tpu.memory_space<vmem>>, vector<1x16xf32>,
        %swap3A_1536 = vector.shape_cast %swap3A_1535 : vector<1x16xf32> to vector<16xf32>
        %swap3A_1537 = vector.shape_cast %add3A_1532 : vector<16xf32> to vector<1x16xf32>
        tpu.vector_store %arg22[%swap3A_1533, %swap3A_1534], %swap3A_1537 {strides = array<i32>} : memref<128x96xf32, #tpu.memory_space<vmem>>, vector<1x16xf32>,
        %get3A_1538 = arith.index_cast %add3A_1465 : i32 to index
        %get3A_1539 = arith.constant 32 : index
        %get3A_1540 = tpu.vector_load %arg18[%get3A_1538, %get3A_1539] {strides = array<i32>} : memref<128x96xf32, #tpu.memory_space<vmem>>, vector<1x16xf32>,
        %get3A_1541 = vector.shape_cast %get3A_1540 : vector<1x16xf32> to vector<16xf32>
        %mul3A_1542 = vector.broadcast %squeeze3A_1467 : f32 to vector<16xf32>
        %mul3A_1543 = arith.mulf %get3A_1541, %mul3A_1542 : vector<16xf32>
        %get3A_1544 = arith.index_cast %add3A_1465 : i32 to index
        %get3A_1545 = arith.constant 32 : index
        %get3A_1546 = tpu.vector_load %arg19[%get3A_1544, %get3A_1545] {strides = array<i32>} : memref<128x96xf32, #tpu.memory_space<vmem>>, vector<1x16xf32>,
        %get3A_1547 = vector.shape_cast %get3A_1546 : vector<1x16xf32> to vector<16xf32>
        %mul3A_1548 = vector.broadcast %squeeze3A_1469 : f32 to vector<16xf32>
        %mul3A_1549 = arith.mulf %get3A_1547, %mul3A_1548 : vector<16xf32>
        %add3A_1550 = arith.addf %mul3A_1543, %mul3A_1549 : vector<16xf32>
        %get3A_1551 = arith.index_cast %add3A_1465 : i32 to index
        %get3A_1552 = arith.constant 32 : index
        %get3A_1553 = tpu.vector_load %arg20[%get3A_1551, %get3A_1552] {strides = array<i32>} : memref<128x96xf32, #tpu.memory_space<vmem>>, vector<1x16xf32>,
        %get3A_1554 = vector.shape_cast %get3A_1553 : vector<1x16xf32> to vector<16xf32>
        %mul3A_1555 = vector.broadcast %squeeze3A_1471 : f32 to vector<16xf32>
        %mul3A_1556 = arith.mulf %get3A_1554, %mul3A_1555 : vector<16xf32>
        %add3A_1557 = arith.addf %add3A_1550, %mul3A_1556 : vector<16xf32>
        %get3A_1558 = arith.index_cast %add3A_1465 : i32 to index
        %get3A_1559 = arith.constant 32 : index
        %get3A_1560 = tpu.vector_load %arg21[%get3A_1558, %get3A_1559] {strides = array<i32>} : memref<128x96xf32, #tpu.memory_space<vmem>>, vector<1x16xf32>,
        %get3A_1561 = vector.shape_cast %get3A_1560 : vector<1x16xf32> to vector<16xf32>
        %mul3A_1562 = vector.broadcast %squeeze3A_1473 : f32 to vector<16xf32>
        %mul3A_1563 = arith.mulf %get3A_1561, %mul3A_1562 : vector<16xf32>
        %add3A_1564 = arith.addf %add3A_1557, %mul3A_1563 : vector<16xf32>
        %swap3A_1565 = arith.index_cast %add3A_1465 : i32 to index
        %swap3A_1566 = arith.constant 32 : index
        %swap3A_1567 = tpu.vector_load %arg22[%swap3A_1565, %swap3A_1566] {strides = array<i32>} : memref<128x96xf32, #tpu.memory_space<vmem>>, vector<1x16xf32>,
        %swap3A_1568 = vector.shape_cast %swap3A_1567 : vector<1x16xf32> to vector<16xf32>
        %swap3A_1569 = vector.shape_cast %add3A_1564 : vector<16xf32> to vector<1x16xf32>
        tpu.vector_store %arg22[%swap3A_1565, %swap3A_1566], %swap3A_1569 {strides = array<i32>} : memref<128x96xf32, #tpu.memory_space<vmem>>, vector<1x16xf32>,
        %get3A_1570 = arith.index_cast %add3A_1465 : i32 to index
        %get3A_1571 = arith.constant 48 : index
        %get3A_1572 = tpu.vector_load %arg18[%get3A_1570, %get3A_1571] {strides = array<i32>} : memref<128x96xf32, #tpu.memory_space<vmem>>, vector<1x16xf32>,
        %get3A_1573 = vector.shape_cast %get3A_1572 : vector<1x16xf32> to vector<16xf32>
        %mul3A_1574 = vector.broadcast %squeeze3A_1467 : f32 to vector<16xf32>
        %mul3A_1575 = arith.mulf %get3A_1573, %mul3A_1574 : vector<16xf32>
        %get3A_1576 = arith.index_cast %add3A_1465 : i32 to index
        %get3A_1577 = arith.constant 48 : index
        %get3A_1578 = tpu.vector_load %arg19[%get3A_1576, %get3A_1577] {strides = array<i32>} : memref<128x96xf32, #tpu.memory_space<vmem>>, vector<1x16xf32>,
        %get3A_1579 = vector.shape_cast %get3A_1578 : vector<1x16xf32> to vector<16xf32>
        %mul3A_1580 = vector.broadcast %squeeze3A_1469 : f32 to vector<16xf32>
        %mul3A_1581 = arith.mulf %get3A_1579, %mul3A_1580 : vector<16xf32>
        %add3A_1582 = arith.addf %mul3A_1575, %mul3A_1581 : vector<16xf32>
        %get3A_1583 = arith.index_cast %add3A_1465 : i32 to index
        %get3A_1584 = arith.constant 48 : index
        %get3A_1585 = tpu.vector_load %arg20[%get3A_1583, %get3A_1584] {strides = array<i32>} : memref<128x96xf32, #tpu.memory_space<vmem>>, vector<1x16xf32>,
        %get3A_1586 = vector.shape_cast %get3A_1585 : vector<1x16xf32> to vector<16xf32>
        %mul3A_1587 = vector.broadcast %squeeze3A_1471 : f32 to vector<16xf32>
        %mul3A_1588 = arith.mulf %get3A_1586, %mul3A_1587 : vector<16xf32>
        %add3A_1589 = arith.addf %add3A_1582, %mul3A_1588 : vector<16xf32>
        %get3A_1590 = arith.index_cast %add3A_1465 : i32 to index
        %get3A_1591 = arith.constant 48 : index
        %get3A_1592 = tpu.vector_load %arg21[%get3A_1590, %get3A_1591] {strides = array<i32>} : memref<128x96xf32, #tpu.memory_space<vmem>>, vector<1x16xf32>,
        %get3A_1593 = vector.shape_cast %get3A_1592 : vector<1x16xf32> to vector<16xf32>
        %mul3A_1594 = vector.broadcast %squeeze3A_1473 : f32 to vector<16xf32>
        %mul3A_1595 = arith.mulf %get3A_1593, %mul3A_1594 : vector<16xf32>
        %add3A_1596 = arith.addf %add3A_1589, %mul3A_1595 : vector<16xf32>
        %swap3A_1597 = arith.index_cast %add3A_1465 : i32 to index
        %swap3A_1598 = arith.constant 48 : index
        %swap3A_1599 = tpu.vector_load %arg22[%swap3A_1597, %swap3A_1598] {strides = array<i32>} : memref<128x96xf32, #tpu.memory_space<vmem>>, vector<1x16xf32>,
        %swap3A_1600 = vector.shape_cast %swap3A_1599 : vector<1x16xf32> to vector<16xf32>
        %swap3A_1601 = vector.shape_cast %add3A_1596 : vector<16xf32> to vector<1x16xf32>
        tpu.vector_store %arg22[%swap3A_1597, %swap3A_1598], %swap3A_1601 {strides = array<i32>} : memref<128x96xf32, #tpu.memory_space<vmem>>, vector<1x16xf32>,
        %get3A_1602 = arith.index_cast %add3A_1465 : i32 to index
        %get3A_1603 = arith.constant 64 : index
        %get3A_1604 = tpu.vector_load %arg18[%get3A_1602, %get3A_1603] {strides = array<i32>} : memref<128x96xf32, #tpu.memory_space<vmem>>, vector<1x16xf32>,
        %get3A_1605 = vector.shape_cast %get3A_1604 : vector<1x16xf32> to vector<16xf32>
        %mul3A_1606 = vector.broadcast %squeeze3A_1467 : f32 to vector<16xf32>
        %mul3A_1607 = arith.mulf %get3A_1605, %mul3A_1606 : vector<16xf32>
        %get3A_1608 = arith.index_cast %add3A_1465 : i32 to index
        %get3A_1609 = arith.constant 64 : index
        %get3A_1610 = tpu.vector_load %arg19[%get3A_1608, %get3A_1609] {strides = array<i32>} : memref<128x96xf32, #tpu.memory_space<vmem>>, vector<1x16xf32>,
        %get3A_1611 = vector.shape_cast %get3A_1610 : vector<1x16xf32> to vector<16xf32>
        %mul3A_1612 = vector.broadcast %squeeze3A_1469 : f32 to vector<16xf32>
        %mul3A_1613 = arith.mulf %get3A_1611, %mul3A_1612 : vector<16xf32>
        %add3A_1614 = arith.addf %mul3A_1607, %mul3A_1613 : vector<16xf32>
        %get3A_1615 = arith.index_cast %add3A_1465 : i32 to index
        %get3A_1616 = arith.constant 64 : index
        %get3A_1617 = tpu.vector_load %arg20[%get3A_1615, %get3A_1616] {strides = array<i32>} : memref<128x96xf32, #tpu.memory_space<vmem>>, vector<1x16xf32>,
        %get3A_1618 = vector.shape_cast %get3A_1617 : vector<1x16xf32> to vector<16xf32>
        %mul3A_1619 = vector.broadcast %squeeze3A_1471 : f32 to vector<16xf32>
        %mul3A_1620 = arith.mulf %get3A_1618, %mul3A_1619 : vector<16xf32>
        %add3A_1621 = arith.addf %add3A_1614, %mul3A_1620 : vector<16xf32>
        %get3A_1622 = arith.index_cast %add3A_1465 : i32 to index
        %get3A_1623 = arith.constant 64 : index
        %get3A_1624 = tpu.vector_load %arg21[%get3A_1622, %get3A_1623] {strides = array<i32>} : memref<128x96xf32, #tpu.memory_space<vmem>>, vector<1x16xf32>,
        %get3A_1625 = vector.shape_cast %get3A_1624 : vector<1x16xf32> to vector<16xf32>
        %mul3A_1626 = vector.broadcast %squeeze3A_1473 : f32 to vector<16xf32>
        %mul3A_1627 = arith.mulf %get3A_1625, %mul3A_1626 : vector<16xf32>
        %add3A_1628 = arith.addf %add3A_1621, %mul3A_1627 : vector<16xf32>
        %swap3A_1629 = arith.index_cast %add3A_1465 : i32 to index
        %swap3A_1630 = arith.constant 64 : index
        %swap3A_1631 = tpu.vector_load %arg22[%swap3A_1629, %swap3A_1630] {strides = array<i32>} : memref<128x96xf32, #tpu.memory_space<vmem>>, vector<1x16xf32>,
        %swap3A_1632 = vector.shape_cast %swap3A_1631 : vector<1x16xf32> to vector<16xf32>
        %swap3A_1633 = vector.shape_cast %add3A_1628 : vector<16xf32> to vector<1x16xf32>
        tpu.vector_store %arg22[%swap3A_1629, %swap3A_1630], %swap3A_1633 {strides = array<i32>} : memref<128x96xf32, #tpu.memory_space<vmem>>, vector<1x16xf32>,
        %get3A_1634 = arith.index_cast %add3A_1465 : i32 to index
        %get3A_1635 = arith.constant 80 : index
        %get3A_1636 = tpu.vector_load %arg18[%get3A_1634, %get3A_1635] {strides = array<i32>} : memref<128x96xf32, #tpu.memory_space<vmem>>, vector<1x16xf32>,
        %get3A_1637 = vector.shape_cast %get3A_1636 : vector<1x16xf32> to vector<16xf32>
        %mul3A_1638 = vector.broadcast %squeeze3A_1467 : f32 to vector<16xf32>
        %mul3A_1639 = arith.mulf %get3A_1637, %mul3A_1638 : vector<16xf32>
        %get3A_1640 = arith.index_cast %add3A_1465 : i32 to index
        %get3A_1641 = arith.constant 80 : index
        %get3A_1642 = tpu.vector_load %arg19[%get3A_1640, %get3A_1641] {strides = array<i32>} : memref<128x96xf32, #tpu.memory_space<vmem>>, vector<1x16xf32>,
        %get3A_1643 = vector.shape_cast %get3A_1642 : vector<1x16xf32> to vector<16xf32>
        %mul3A_1644 = vector.broadcast %squeeze3A_1469 : f32 to vector<16xf32>
        %mul3A_1645 = arith.mulf %get3A_1643, %mul3A_1644 : vector<16xf32>
        %add3A_1646 = arith.addf %mul3A_1639, %mul3A_1645 : vector<16xf32>
        %get3A_1647 = arith.index_cast %add3A_1465 : i32 to index
        %get3A_1648 = arith.constant 80 : index
        %get3A_1649 = tpu.vector_load %arg20[%get3A_1647, %get3A_1648] {strides = array<i32>} : memref<128x96xf32, #tpu.memory_space<vmem>>, vector<1x16xf32>,
        %get3A_1650 = vector.shape_cast %get3A_1649 : vector<1x16xf32> to vector<16xf32>
        %mul3A_1651 = vector.broadcast %squeeze3A_1471 : f32 to vector<16xf32>
        %mul3A_1652 = arith.mulf %get3A_1650, %mul3A_1651 : vector<16xf32>
        %add3A_1653 = arith.addf %add3A_1646, %mul3A_1652 : vector<16xf32>
        %get3A_1654 = arith.index_cast %add3A_1465 : i32 to index
        %get3A_1655 = arith.constant 80 : index
        %get3A_1656 = tpu.vector_load %arg21[%get3A_1654, %get3A_1655] {strides = array<i32>} : memref<128x96xf32, #tpu.memory_space<vmem>>, vector<1x16xf32>,
        %get3A_1657 = vector.shape_cast %get3A_1656 : vector<1x16xf32> to vector<16xf32>
        %mul3A_1658 = vector.broadcast %squeeze3A_1473 : f32 to vector<16xf32>
        %mul3A_1659 = arith.mulf %get3A_1657, %mul3A_1658 : vector<16xf32>
        %add3A_1660 = arith.addf %add3A_1653, %mul3A_1659 : vector<16xf32>
        %swap3A_1661 = arith.index_cast %add3A_1465 : i32 to index
        %swap3A_1662 = arith.constant 80 : index
        %swap3A_1663 = tpu.vector_load %arg22[%swap3A_1661, %swap3A_1662] {strides = array<i32>} : memref<128x96xf32, #tpu.memory_space<vmem>>, vector<1x16xf32>,
        %swap3A_1664 = vector.shape_cast %swap3A_1663 : vector<1x16xf32> to vector<16xf32>
        %swap3A_1665 = vector.shape_cast %add3A_1660 : vector<16xf32> to vector<1x16xf32>
        tpu.vector_store %arg22[%swap3A_1661, %swap3A_1662], %swap3A_1665 {strides = array<i32>} : memref<128x96xf32, #tpu.memory_space<vmem>>, vector<1x16xf32>,
        %add3A_1666 = arith.constant 3 : i32
        %add3A_1667 = arith.addi %mul3A_1049, %add3A_1666 : i32
        %slice3A_1668 = vector.extract_strided_slice %get3A_1052 {offsets = [3], sizes = [1], strides = [1]} : vector<16xf32> to vector<1xf32>
        %squeeze3A_1669 = vector.extract %slice3A_1668[0] : f32 from vector<1xf32>
        %slice3A_1670 = vector.extract_strided_slice %get3A_1055 {offsets = [3], sizes = [1], strides = [1]} : vector<16xf32> to vector<1xf32>
        %squeeze3A_1671 = vector.extract %slice3A_1670[0] : f32 from vector<1xf32>
        %slice3A_1672 = vector.extract_strided_slice %get3A_1058 {offsets = [3], sizes = [1], strides = [1]} : vector<16xf32> to vector<1xf32>
        %squeeze3A_1673 = vector.extract %slice3A_1672[0] : f32 from vector<1xf32>
        %slice3A_1674 = vector.extract_strided_slice %get3A_1061 {offsets = [3], sizes = [1], strides = [1]} : vector<16xf32> to vector<1xf32>
        %squeeze3A_1675 = vector.extract %slice3A_1674[0] : f32 from vector<1xf32>
        %get3A_1676 = arith.index_cast %add3A_1667 : i32 to index
        %get3A_1677 = arith.constant 0 : index
        %get3A_1678 = tpu.vector_load %arg18[%get3A_1676, %get3A_1677] {strides = array<i32>} : memref<128x96xf32, #tpu.memory_space<vmem>>, vector<1x16xf32>,
        %get3A_1679 = vector.shape_cast %get3A_1678 : vector<1x16xf32> to vector<16xf32>
        %mul3A_1680 = vector.broadcast %squeeze3A_1669 : f32 to vector<16xf32>
        %mul3A_1681 = arith.mulf %get3A_1679, %mul3A_1680 : vector<16xf32>
        %get3A_1682 = arith.index_cast %add3A_1667 : i32 to index
        %get3A_1683 = arith.constant 0 : index
        %get3A_1684 = tpu.vector_load %arg19[%get3A_1682, %get3A_1683] {strides = array<i32>} : memref<128x96xf32, #tpu.memory_space<vmem>>, vector<1x16xf32>,
        %get3A_1685 = vector.shape_cast %get3A_1684 : vector<1x16xf32> to vector<16xf32>
        %mul3A_1686 = vector.broadcast %squeeze3A_1671 : f32 to vector<16xf32>
        %mul3A_1687 = arith.mulf %get3A_1685, %mul3A_1686 : vector<16xf32>
        %add3A_1688 = arith.addf %mul3A_1681, %mul3A_1687 : vector<16xf32>
        %get3A_1689 = arith.index_cast %add3A_1667 : i32 to index
        %get3A_1690 = arith.constant 0 : index
        %get3A_1691 = tpu.vector_load %arg20[%get3A_1689, %get3A_1690] {strides = array<i32>} : memref<128x96xf32, #tpu.memory_space<vmem>>, vector<1x16xf32>,
        %get3A_1692 = vector.shape_cast %get3A_1691 : vector<1x16xf32> to vector<16xf32>
        %mul3A_1693 = vector.broadcast %squeeze3A_1673 : f32 to vector<16xf32>
        %mul3A_1694 = arith.mulf %get3A_1692, %mul3A_1693 : vector<16xf32>
        %add3A_1695 = arith.addf %add3A_1688, %mul3A_1694 : vector<16xf32>
        %get3A_1696 = arith.index_cast %add3A_1667 : i32 to index
        %get3A_1697 = arith.constant 0 : index
        %get3A_1698 = tpu.vector_load %arg21[%get3A_1696, %get3A_1697] {strides = array<i32>} : memref<128x96xf32, #tpu.memory_space<vmem>>, vector<1x16xf32>,
        %get3A_1699 = vector.shape_cast %get3A_1698 : vector<1x16xf32> to vector<16xf32>
        %mul3A_1700 = vector.broadcast %squeeze3A_1675 : f32 to vector<16xf32>
        %mul3A_1701 = arith.mulf %get3A_1699, %mul3A_1700 : vector<16xf32>
        %add3A_1702 = arith.addf %add3A_1695, %mul3A_1701 : vector<16xf32>
        %swap3A_1703 = arith.index_cast %add3A_1667 : i32 to index
        %swap3A_1704 = arith.constant 0 : index
        %swap3A_1705 = tpu.vector_load %arg22[%swap3A_1703, %swap3A_1704] {strides = array<i32>} : memref<128x96xf32, #tpu.memory_space<vmem>>, vector<1x16xf32>,
        %swap3A_1706 = vector.shape_cast %swap3A_1705 : vector<1x16xf32> to vector<16xf32>
        %swap3A_1707 = vector.shape_cast %add3A_1702 : vector<16xf32> to vector<1x16xf32>
        tpu.vector_store %arg22[%swap3A_1703, %swap3A_1704], %swap3A_1707 {strides = array<i32>} : memref<128x96xf32, #tpu.memory_space<vmem>>, vector<1x16xf32>,
        %get3A_1708 = arith.index_cast %add3A_1667 : i32 to index
        %get3A_1709 = arith.constant 16 : index
        %get3A_1710 = tpu.vector_load %arg18[%get3A_1708, %get3A_1709] {strides = array<i32>} : memref<128x96xf32, #tpu.memory_space<vmem>>, vector<1x16xf32>,
        %get3A_1711 = vector.shape_cast %get3A_1710 : vector<1x16xf32> to vector<16xf32>
        %mul3A_1712 = vector.broadcast %squeeze3A_1669 : f32 to vector<16xf32>
        %mul3A_1713 = arith.mulf %get3A_1711, %mul3A_1712 : vector<16xf32>
        %get3A_1714 = arith.index_cast %add3A_1667 : i32 to index
        %get3A_1715 = arith.constant 16 : index
        %get3A_1716 = tpu.vector_load %arg19[%get3A_1714, %get3A_1715] {strides = array<i32>} : memref<128x96xf32, #tpu.memory_space<vmem>>, vector<1x16xf32>,
        %get3A_1717 = vector.shape_cast %get3A_1716 : vector<1x16xf32> to vector<16xf32>
        %mul3A_1718 = vector.broadcast %squeeze3A_1671 : f32 to vector<16xf32>
        %mul3A_1719 = arith.mulf %get3A_1717, %mul3A_1718 : vector<16xf32>
        %add3A_1720 = arith.addf %mul3A_1713, %mul3A_1719 : vector<16xf32>
        %get3A_1721 = arith.index_cast %add3A_1667 : i32 to index
        %get3A_1722 = arith.constant 16 : index
        %get3A_1723 = tpu.vector_load %arg20[%get3A_1721, %get3A_1722] {strides = array<i32>} : memref<128x96xf32, #tpu.memory_space<vmem>>, vector<1x16xf32>,
        %get3A_1724 = vector.shape_cast %get3A_1723 : vector<1x16xf32> to vector<16xf32>
        %mul3A_1725 = vector.broadcast %squeeze3A_1673 : f32 to vector<16xf32>
        %mul3A_1726 = arith.mulf %get3A_1724, %mul3A_1725 : vector<16xf32>
        %add3A_1727 = arith.addf %add3A_1720, %mul3A_1726 : vector<16xf32>
        %get3A_1728 = arith.index_cast %add3A_1667 : i32 to index
        %get3A_1729 = arith.constant 16 : index
        %get3A_1730 = tpu.vector_load %arg21[%get3A_1728, %get3A_1729] {strides = array<i32>} : memref<128x96xf32, #tpu.memory_space<vmem>>, vector<1x16xf32>,
        %get3A_1731 = vector.shape_cast %get3A_1730 : vector<1x16xf32> to vector<16xf32>
        %mul3A_1732 = vector.broadcast %squeeze3A_1675 : f32 to vector<16xf32>
        %mul3A_1733 = arith.mulf %get3A_1731, %mul3A_1732 : vector<16xf32>
        %add3A_1734 = arith.addf %add3A_1727, %mul3A_1733 : vector<16xf32>
        %swap3A_1735 = arith.index_cast %add3A_1667 : i32 to index
        %swap3A_1736 = arith.constant 16 : index
        %swap3A_1737 = tpu.vector_load %arg22[%swap3A_1735, %swap3A_1736] {strides = array<i32>} : memref<128x96xf32, #tpu.memory_space<vmem>>, vector<1x16xf32>,
        %swap3A_1738 = vector.shape_cast %swap3A_1737 : vector<1x16xf32> to vector<16xf32>
        %swap3A_1739 = vector.shape_cast %add3A_1734 : vector<16xf32> to vector<1x16xf32>
        tpu.vector_store %arg22[%swap3A_1735, %swap3A_1736], %swap3A_1739 {strides = array<i32>} : memref<128x96xf32, #tpu.memory_space<vmem>>, vector<1x16xf32>,
        %get3A_1740 = arith.index_cast %add3A_1667 : i32 to index
        %get3A_1741 = arith.constant 32 : index
        %get3A_1742 = tpu.vector_load %arg18[%get3A_1740, %get3A_1741] {strides = array<i32>} : memref<128x96xf32, #tpu.memory_space<vmem>>, vector<1x16xf32>,
        %get3A_1743 = vector.shape_cast %get3A_1742 : vector<1x16xf32> to vector<16xf32>
        %mul3A_1744 = vector.broadcast %squeeze3A_1669 : f32 to vector<16xf32>
        %mul3A_1745 = arith.mulf %get3A_1743, %mul3A_1744 : vector<16xf32>
        %get3A_1746 = arith.index_cast %add3A_1667 : i32 to index
        %get3A_1747 = arith.constant 32 : index
        %get3A_1748 = tpu.vector_load %arg19[%get3A_1746, %get3A_1747] {strides = array<i32>} : memref<128x96xf32, #tpu.memory_space<vmem>>, vector<1x16xf32>,
        %get3A_1749 = vector.shape_cast %get3A_1748 : vector<1x16xf32> to vector<16xf32>
        %mul3A_1750 = vector.broadcast %squeeze3A_1671 : f32 to vector<16xf32>
        %mul3A_1751 = arith.mulf %get3A_1749, %mul3A_1750 : vector<16xf32>
        %add3A_1752 = arith.addf %mul3A_1745, %mul3A_1751 : vector<16xf32>
        %get3A_1753 = arith.index_cast %add3A_1667 : i32 to index
        %get3A_1754 = arith.constant 32 : index
        %get3A_1755 = tpu.vector_load %arg20[%get3A_1753, %get3A_1754] {strides = array<i32>} : memref<128x96xf32, #tpu.memory_space<vmem>>, vector<1x16xf32>,
        %get3A_1756 = vector.shape_cast %get3A_1755 : vector<1x16xf32> to vector<16xf32>
        %mul3A_1757 = vector.broadcast %squeeze3A_1673 : f32 to vector<16xf32>
        %mul3A_1758 = arith.mulf %get3A_1756, %mul3A_1757 : vector<16xf32>
        %add3A_1759 = arith.addf %add3A_1752, %mul3A_1758 : vector<16xf32>
        %get3A_1760 = arith.index_cast %add3A_1667 : i32 to index
        %get3A_1761 = arith.constant 32 : index
        %get3A_1762 = tpu.vector_load %arg21[%get3A_1760, %get3A_1761] {strides = array<i32>} : memref<128x96xf32, #tpu.memory_space<vmem>>, vector<1x16xf32>,
        %get3A_1763 = vector.shape_cast %get3A_1762 : vector<1x16xf32> to vector<16xf32>
        %mul3A_1764 = vector.broadcast %squeeze3A_1675 : f32 to vector<16xf32>
        %mul3A_1765 = arith.mulf %get3A_1763, %mul3A_1764 : vector<16xf32>
        %add3A_1766 = arith.addf %add3A_1759, %mul3A_1765 : vector<16xf32>
        %swap3A_1767 = arith.index_cast %add3A_1667 : i32 to index
        %swap3A_1768 = arith.constant 32 : index
        %swap3A_1769 = tpu.vector_load %arg22[%swap3A_1767, %swap3A_1768] {strides = array<i32>} : memref<128x96xf32, #tpu.memory_space<vmem>>, vector<1x16xf32>,
        %swap3A_1770 = vector.shape_cast %swap3A_1769 : vector<1x16xf32> to vector<16xf32>
        %swap3A_1771 = vector.shape_cast %add3A_1766 : vector<16xf32> to vector<1x16xf32>
        tpu.vector_store %arg22[%swap3A_1767, %swap3A_1768], %swap3A_1771 {strides = array<i32>} : memref<128x96xf32, #tpu.memory_space<vmem>>, vector<1x16xf32>,
        %get3A_1772 = arith.index_cast %add3A_1667 : i32 to index
        %get3A_1773 = arith.constant 48 : index
        %get3A_1774 = tpu.vector_load %arg18[%get3A_1772, %get3A_1773] {strides = array<i32>} : memref<128x96xf32, #tpu.memory_space<vmem>>, vector<1x16xf32>,
        %get3A_1775 = vector.shape_cast %get3A_1774 : vector<1x16xf32> to vector<16xf32>
        %mul3A_1776 = vector.broadcast %squeeze3A_1669 : f32 to vector<16xf32>
        %mul3A_1777 = arith.mulf %get3A_1775, %mul3A_1776 : vector<16xf32>
        %get3A_1778 = arith.index_cast %add3A_1667 : i32 to index
        %get3A_1779 = arith.constant 48 : index
        %get3A_1780 = tpu.vector_load %arg19[%get3A_1778, %get3A_1779] {strides = array<i32>} : memref<128x96xf32, #tpu.memory_space<vmem>>, vector<1x16xf32>,
        %get3A_1781 = vector.shape_cast %get3A_1780 : vector<1x16xf32> to vector<16xf32>
        %mul3A_1782 = vector.broadcast %squeeze3A_1671 : f32 to vector<16xf32>
        %mul3A_1783 = arith.mulf %get3A_1781, %mul3A_1782 : vector<16xf32>
        %add3A_1784 = arith.addf %mul3A_1777, %mul3A_1783 : vector<16xf32>
        %get3A_1785 = arith.index_cast %add3A_1667 : i32 to index
        %get3A_1786 = arith.constant 48 : index
        %get3A_1787 = tpu.vector_load %arg20[%get3A_1785, %get3A_1786] {strides = array<i32>} : memref<128x96xf32, #tpu.memory_space<vmem>>, vector<1x16xf32>,
        %get3A_1788 = vector.shape_cast %get3A_1787 : vector<1x16xf32> to vector<16xf32>
        %mul3A_1789 = vector.broadcast %squeeze3A_1673 : f32 to vector<16xf32>
        %mul3A_1790 = arith.mulf %get3A_1788, %mul3A_1789 : vector<16xf32>
        %add3A_1791 = arith.addf %add3A_1784, %mul3A_1790 : vector<16xf32>
        %get3A_1792 = arith.index_cast %add3A_1667 : i32 to index
        %get3A_1793 = arith.constant 48 : index
        %get3A_1794 = tpu.vector_load %arg21[%get3A_1792, %get3A_1793] {strides = array<i32>} : memref<128x96xf32, #tpu.memory_space<vmem>>, vector<1x16xf32>,
        %get3A_1795 = vector.shape_cast %get3A_1794 : vector<1x16xf32> to vector<16xf32>
        %mul3A_1796 = vector.broadcast %squeeze3A_1675 : f32 to vector<16xf32>
        %mul3A_1797 = arith.mulf %get3A_1795, %mul3A_1796 : vector<16xf32>
        %add3A_1798 = arith.addf %add3A_1791, %mul3A_1797 : vector<16xf32>
        %swap3A_1799 = arith.index_cast %add3A_1667 : i32 to index
        %swap3A_1800 = arith.constant 48 : index
        %swap3A_1801 = tpu.vector_load %arg22[%swap3A_1799, %swap3A_1800] {strides = array<i32>} : memref<128x96xf32, #tpu.memory_space<vmem>>, vector<1x16xf32>,
        %swap3A_1802 = vector.shape_cast %swap3A_1801 : vector<1x16xf32> to vector<16xf32>
        %swap3A_1803 = vector.shape_cast %add3A_1798 : vector<16xf32> to vector<1x16xf32>
        tpu.vector_store %arg22[%swap3A_1799, %swap3A_1800], %swap3A_1803 {strides = array<i32>} : memref<128x96xf32, #tpu.memory_space<vmem>>, vector<1x16xf32>,
        %get3A_1804 = arith.index_cast %add3A_1667 : i32 to index
        %get3A_1805 = arith.constant 64 : index
        %get3A_1806 = tpu.vector_load %arg18[%get3A_1804, %get3A_1805] {strides = array<i32>} : memref<128x96xf32, #tpu.memory_space<vmem>>, vector<1x16xf32>,
        %get3A_1807 = vector.shape_cast %get3A_1806 : vector<1x16xf32> to vector<16xf32>
        %mul3A_1808 = vector.broadcast %squeeze3A_1669 : f32 to vector<16xf32>
        %mul3A_1809 = arith.mulf %get3A_1807, %mul3A_1808 : vector<16xf32>
        %get3A_1810 = arith.index_cast %add3A_1667 : i32 to index
        %get3A_1811 = arith.constant 64 : index
        %get3A_1812 = tpu.vector_load %arg19[%get3A_1810, %get3A_1811] {strides = array<i32>} : memref<128x96xf32, #tpu.memory_space<vmem>>, vector<1x16xf32>,
        %get3A_1813 = vector.shape_cast %get3A_1812 : vector<1x16xf32> to vector<16xf32>
        %mul3A_1814 = vector.broadcast %squeeze3A_1671 : f32 to vector<16xf32>
        %mul3A_1815 = arith.mulf %get3A_1813, %mul3A_1814 : vector<16xf32>
        %add3A_1816 = arith.addf %mul3A_1809, %mul3A_1815 : vector<16xf32>
        %get3A_1817 = arith.index_cast %add3A_1667 : i32 to index
        %get3A_1818 = arith.constant 64 : index
        %get3A_1819 = tpu.vector_load %arg20[%get3A_1817, %get3A_1818] {strides = array<i32>} : memref<128x96xf32, #tpu.memory_space<vmem>>, vector<1x16xf32>,
        %get3A_1820 = vector.shape_cast %get3A_1819 : vector<1x16xf32> to vector<16xf32>
        %mul3A_1821 = vector.broadcast %squeeze3A_1673 : f32 to vector<16xf32>
        %mul3A_1822 = arith.mulf %get3A_1820, %mul3A_1821 : vector<16xf32>
        %add3A_1823 = arith.addf %add3A_1816, %mul3A_1822 : vector<16xf32>
        %get3A_1824 = arith.index_cast %add3A_1667 : i32 to index
        %get3A_1825 = arith.constant 64 : index
        %get3A_1826 = tpu.vector_load %arg21[%get3A_1824, %get3A_1825] {strides = array<i32>} : memref<128x96xf32, #tpu.memory_space<vmem>>, vector<1x16xf32>,
        %get3A_1827 = vector.shape_cast %get3A_1826 : vector<1x16xf32> to vector<16xf32>
        %mul3A_1828 = vector.broadcast %squeeze3A_1675 : f32 to vector<16xf32>
        %mul3A_1829 = arith.mulf %get3A_1827, %mul3A_1828 : vector<16xf32>
        %add3A_1830 = arith.addf %add3A_1823, %mul3A_1829 : vector<16xf32>
        %swap3A_1831 = arith.index_cast %add3A_1667 : i32 to index
        %swap3A_1832 = arith.constant 64 : index
        %swap3A_1833 = tpu.vector_load %arg22[%swap3A_1831, %swap3A_1832] {strides = array<i32>} : memref<128x96xf32, #tpu.memory_space<vmem>>, vector<1x16xf32>,
        %swap3A_1834 = vector.shape_cast %swap3A_1833 : vector<1x16xf32> to vector<16xf32>
        %swap3A_1835 = vector.shape_cast %add3A_1830 : vector<16xf32> to vector<1x16xf32>
        tpu.vector_store %arg22[%swap3A_1831, %swap3A_1832], %swap3A_1835 {strides = array<i32>} : memref<128x96xf32, #tpu.memory_space<vmem>>, vector<1x16xf32>,
        %get3A_1836 = arith.index_cast %add3A_1667 : i32 to index
        %get3A_1837 = arith.constant 80 : index
        %get3A_1838 = tpu.vector_load %arg18[%get3A_1836, %get3A_1837] {strides = array<i32>} : memref<128x96xf32, #tpu.memory_space<vmem>>, vector<1x16xf32>,
        %get3A_1839 = vector.shape_cast %get3A_1838 : vector<1x16xf32> to vector<16xf32>
        %mul3A_1840 = vector.broadcast %squeeze3A_1669 : f32 to vector<16xf32>
        %mul3A_1841 = arith.mulf %get3A_1839, %mul3A_1840 : vector<16xf32>
        %get3A_1842 = arith.index_cast %add3A_1667 : i32 to index
        %get3A_1843 = arith.constant 80 : index
        %get3A_1844 = tpu.vector_load %arg19[%get3A_1842, %get3A_1843] {strides = array<i32>} : memref<128x96xf32, #tpu.memory_space<vmem>>, vector<1x16xf32>,
        %get3A_1845 = vector.shape_cast %get3A_1844 : vector<1x16xf32> to vector<16xf32>
        %mul3A_1846 = vector.broadcast %squeeze3A_1671 : f32 to vector<16xf32>
        %mul3A_1847 = arith.mulf %get3A_1845, %mul3A_1846 : vector<16xf32>
        %add3A_1848 = arith.addf %mul3A_1841, %mul3A_1847 : vector<16xf32>
        %get3A_1849 = arith.index_cast %add3A_1667 : i32 to index
        %get3A_1850 = arith.constant 80 : index
        %get3A_1851 = tpu.vector_load %arg20[%get3A_1849, %get3A_1850] {strides = array<i32>} : memref<128x96xf32, #tpu.memory_space<vmem>>, vector<1x16xf32>,
        %get3A_1852 = vector.shape_cast %get3A_1851 : vector<1x16xf32> to vector<16xf32>
        %mul3A_1853 = vector.broadcast %squeeze3A_1673 : f32 to vector<16xf32>
        %mul3A_1854 = arith.mulf %get3A_1852, %mul3A_1853 : vector<16xf32>
        %add3A_1855 = arith.addf %add3A_1848, %mul3A_1854 : vector<16xf32>
        %get3A_1856 = arith.index_cast %add3A_1667 : i32 to index
        %get3A_1857 = arith.constant 80 : index
        %get3A_1858 = tpu.vector_load %arg21[%get3A_1856, %get3A_1857] {strides = array<i32>} : memref<128x96xf32, #tpu.memory_space<vmem>>, vector<1x16xf32>,
        %get3A_1859 = vector.shape_cast %get3A_1858 : vector<1x16xf32> to vector<16xf32>
        %mul3A_1860 = vector.broadcast %squeeze3A_1675 : f32 to vector<16xf32>
        %mul3A_1861 = arith.mulf %get3A_1859, %mul3A_1860 : vector<16xf32>
        %add3A_1862 = arith.addf %add3A_1855, %mul3A_1861 : vector<16xf32>
        %swap3A_1863 = arith.index_cast %add3A_1667 : i32 to index
        %swap3A_1864 = arith.constant 80 : index
        %swap3A_1865 = tpu.vector_load %arg22[%swap3A_1863, %swap3A_1864] {strides = array<i32>} : memref<128x96xf32, #tpu.memory_space<vmem>>, vector<1x16xf32>,
        %swap3A_1866 = vector.shape_cast %swap3A_1865 : vector<1x16xf32> to vector<16xf32>
        %swap3A_1867 = vector.shape_cast %add3A_1862 : vector<16xf32> to vector<1x16xf32>
        tpu.vector_store %arg22[%swap3A_1863, %swap3A_1864], %swap3A_1867 {strides = array<i32>} : memref<128x96xf32, #tpu.memory_space<vmem>>, vector<1x16xf32>,
        %add3A_1868 = arith.constant 4 : i32
        %add3A_1869 = arith.addi %mul3A_1049, %add3A_1868 : i32
        %slice3A_1870 = vector.extract_strided_slice %get3A_1052 {offsets = [4], sizes = [1], strides = [1]} : vector<16xf32> to vector<1xf32>
        %squeeze3A_1871 = vector.extract %slice3A_1870[0] : f32 from vector<1xf32>
        %slice3A_1872 = vector.extract_strided_slice %get3A_1055 {offsets = [4], sizes = [1], strides = [1]} : vector<16xf32> to vector<1xf32>
        %squeeze3A_1873 = vector.extract %slice3A_1872[0] : f32 from vector<1xf32>
        %slice3A_1874 = vector.extract_strided_slice %get3A_1058 {offsets = [4], sizes = [1], strides = [1]} : vector<16xf32> to vector<1xf32>
        %squeeze3A_1875 = vector.extract %slice3A_1874[0] : f32 from vector<1xf32>
        %slice3A_1876 = vector.extract_strided_slice %get3A_1061 {offsets = [4], sizes = [1], strides = [1]} : vector<16xf32> to vector<1xf32>
        %squeeze3A_1877 = vector.extract %slice3A_1876[0] : f32 from vector<1xf32>
        %get3A_1878 = arith.index_cast %add3A_1869 : i32 to index
        %get3A_1879 = arith.constant 0 : index
        %get3A_1880 = tpu.vector_load %arg18[%get3A_1878, %get3A_1879] {strides = array<i32>} : memref<128x96xf32, #tpu.memory_space<vmem>>, vector<1x16xf32>,
        %get3A_1881 = vector.shape_cast %get3A_1880 : vector<1x16xf32> to vector<16xf32>
        %mul3A_1882 = vector.broadcast %squeeze3A_1871 : f32 to vector<16xf32>
        %mul3A_1883 = arith.mulf %get3A_1881, %mul3A_1882 : vector<16xf32>
        %get3A_1884 = arith.index_cast %add3A_1869 : i32 to index
        %get3A_1885 = arith.constant 0 : index
        %get3A_1886 = tpu.vector_load %arg19[%get3A_1884, %get3A_1885] {strides = array<i32>} : memref<128x96xf32, #tpu.memory_space<vmem>>, vector<1x16xf32>,
        %get3A_1887 = vector.shape_cast %get3A_1886 : vector<1x16xf32> to vector<16xf32>
        %mul3A_1888 = vector.broadcast %squeeze3A_1873 : f32 to vector<16xf32>
        %mul3A_1889 = arith.mulf %get3A_1887, %mul3A_1888 : vector<16xf32>
        %add3A_1890 = arith.addf %mul3A_1883, %mul3A_1889 : vector<16xf32>
        %get3A_1891 = arith.index_cast %add3A_1869 : i32 to index
        %get3A_1892 = arith.constant 0 : index
        %get3A_1893 = tpu.vector_load %arg20[%get3A_1891, %get3A_1892] {strides = array<i32>} : memref<128x96xf32, #tpu.memory_space<vmem>>, vector<1x16xf32>,
        %get3A_1894 = vector.shape_cast %get3A_1893 : vector<1x16xf32> to vector<16xf32>
        %mul3A_1895 = vector.broadcast %squeeze3A_1875 : f32 to vector<16xf32>
        %mul3A_1896 = arith.mulf %get3A_1894, %mul3A_1895 : vector<16xf32>
        %add3A_1897 = arith.addf %add3A_1890, %mul3A_1896 : vector<16xf32>
        %get3A_1898 = arith.index_cast %add3A_1869 : i32 to index
        %get3A_1899 = arith.constant 0 : index
        %get3A_1900 = tpu.vector_load %arg21[%get3A_1898, %get3A_1899] {strides = array<i32>} : memref<128x96xf32, #tpu.memory_space<vmem>>, vector<1x16xf32>,
        %get3A_1901 = vector.shape_cast %get3A_1900 : vector<1x16xf32> to vector<16xf32>
        %mul3A_1902 = vector.broadcast %squeeze3A_1877 : f32 to vector<16xf32>
        %mul3A_1903 = arith.mulf %get3A_1901, %mul3A_1902 : vector<16xf32>
        %add3A_1904 = arith.addf %add3A_1897, %mul3A_1903 : vector<16xf32>
        %swap3A_1905 = arith.index_cast %add3A_1869 : i32 to index
        %swap3A_1906 = arith.constant 0 : index
        %swap3A_1907 = tpu.vector_load %arg22[%swap3A_1905, %swap3A_1906] {strides = array<i32>} : memref<128x96xf32, #tpu.memory_space<vmem>>, vector<1x16xf32>,
        %swap3A_1908 = vector.shape_cast %swap3A_1907 : vector<1x16xf32> to vector<16xf32>
        %swap3A_1909 = vector.shape_cast %add3A_1904 : vector<16xf32> to vector<1x16xf32>
        tpu.vector_store %arg22[%swap3A_1905, %swap3A_1906], %swap3A_1909 {strides = array<i32>} : memref<128x96xf32, #tpu.memory_space<vmem>>, vector<1x16xf32>,
        %get3A_1910 = arith.index_cast %add3A_1869 : i32 to index
        %get3A_1911 = arith.constant 16 : index
        %get3A_1912 = tpu.vector_load %arg18[%get3A_1910, %get3A_1911] {strides = array<i32>} : memref<128x96xf32, #tpu.memory_space<vmem>>, vector<1x16xf32>,
        %get3A_1913 = vector.shape_cast %get3A_1912 : vector<1x16xf32> to vector<16xf32>
        %mul3A_1914 = vector.broadcast %squeeze3A_1871 : f32 to vector<16xf32>
        %mul3A_1915 = arith.mulf %get3A_1913, %mul3A_1914 : vector<16xf32>
        %get3A_1916 = arith.index_cast %add3A_1869 : i32 to index
        %get3A_1917 = arith.constant 16 : index
        %get3A_1918 = tpu.vector_load %arg19[%get3A_1916, %get3A_1917] {strides = array<i32>} : memref<128x96xf32, #tpu.memory_space<vmem>>, vector<1x16xf32>,
        %get3A_1919 = vector.shape_cast %get3A_1918 : vector<1x16xf32> to vector<16xf32>
        %mul3A_1920 = vector.broadcast %squeeze3A_1873 : f32 to vector<16xf32>
        %mul3A_1921 = arith.mulf %get3A_1919, %mul3A_1920 : vector<16xf32>
        %add3A_1922 = arith.addf %mul3A_1915, %mul3A_1921 : vector<16xf32>
        %get3A_1923 = arith.index_cast %add3A_1869 : i32 to index
        %get3A_1924 = arith.constant 16 : index
        %get3A_1925 = tpu.vector_load %arg20[%get3A_1923, %get3A_1924] {strides = array<i32>} : memref<128x96xf32, #tpu.memory_space<vmem>>, vector<1x16xf32>,
        %get3A_1926 = vector.shape_cast %get3A_1925 : vector<1x16xf32> to vector<16xf32>
        %mul3A_1927 = vector.broadcast %squeeze3A_1875 : f32 to vector<16xf32>
        %mul3A_1928 = arith.mulf %get3A_1926, %mul3A_1927 : vector<16xf32>
        %add3A_1929 = arith.addf %add3A_1922, %mul3A_1928 : vector<16xf32>
        %get3A_1930 = arith.index_cast %add3A_1869 : i32 to index
        %get3A_1931 = arith.constant 16 : index
        %get3A_1932 = tpu.vector_load %arg21[%get3A_1930, %get3A_1931] {strides = array<i32>} : memref<128x96xf32, #tpu.memory_space<vmem>>, vector<1x16xf32>,
        %get3A_1933 = vector.shape_cast %get3A_1932 : vector<1x16xf32> to vector<16xf32>
        %mul3A_1934 = vector.broadcast %squeeze3A_1877 : f32 to vector<16xf32>
        %mul3A_1935 = arith.mulf %get3A_1933, %mul3A_1934 : vector<16xf32>
        %add3A_1936 = arith.addf %add3A_1929, %mul3A_1935 : vector<16xf32>
        %swap3A_1937 = arith.index_cast %add3A_1869 : i32 to index
        %swap3A_1938 = arith.constant 16 : index
        %swap3A_1939 = tpu.vector_load %arg22[%swap3A_1937, %swap3A_1938] {strides = array<i32>} : memref<128x96xf32, #tpu.memory_space<vmem>>, vector<1x16xf32>,
        %swap3A_1940 = vector.shape_cast %swap3A_1939 : vector<1x16xf32> to vector<16xf32>
        %swap3A_1941 = vector.shape_cast %add3A_1936 : vector<16xf32> to vector<1x16xf32>
        tpu.vector_store %arg22[%swap3A_1937, %swap3A_1938], %swap3A_1941 {strides = array<i32>} : memref<128x96xf32, #tpu.memory_space<vmem>>, vector<1x16xf32>,
        %get3A_1942 = arith.index_cast %add3A_1869 : i32 to index
        %get3A_1943 = arith.constant 32 : index
        %get3A_1944 = tpu.vector_load %arg18[%get3A_1942, %get3A_1943] {strides = array<i32>} : memref<128x96xf32, #tpu.memory_space<vmem>>, vector<1x16xf32>,
        %get3A_1945 = vector.shape_cast %get3A_1944 : vector<1x16xf32> to vector<16xf32>
        %mul3A_1946 = vector.broadcast %squeeze3A_1871 : f32 to vector<16xf32>
        %mul3A_1947 = arith.mulf %get3A_1945, %mul3A_1946 : vector<16xf32>
        %get3A_1948 = arith.index_cast %add3A_1869 : i32 to index
        %get3A_1949 = arith.constant 32 : index
        %get3A_1950 = tpu.vector_load %arg19[%get3A_1948, %get3A_1949] {strides = array<i32>} : memref<128x96xf32, #tpu.memory_space<vmem>>, vector<1x16xf32>,
        %get3A_1951 = vector.shape_cast %get3A_1950 : vector<1x16xf32> to vector<16xf32>
        %mul3A_1952 = vector.broadcast %squeeze3A_1873 : f32 to vector<16xf32>
        %mul3A_1953 = arith.mulf %get3A_1951, %mul3A_1952 : vector<16xf32>
        %add3A_1954 = arith.addf %mul3A_1947, %mul3A_1953 : vector<16xf32>
        %get3A_1955 = arith.index_cast %add3A_1869 : i32 to index
        %get3A_1956 = arith.constant 32 : index
        %get3A_1957 = tpu.vector_load %arg20[%get3A_1955, %get3A_1956] {strides = array<i32>} : memref<128x96xf32, #tpu.memory_space<vmem>>, vector<1x16xf32>,
        %get3A_1958 = vector.shape_cast %get3A_1957 : vector<1x16xf32> to vector<16xf32>
        %mul3A_1959 = vector.broadcast %squeeze3A_1875 : f32 to vector<16xf32>
        %mul3A_1960 = arith.mulf %get3A_1958, %mul3A_1959 : vector<16xf32>
        %add3A_1961 = arith.addf %add3A_1954, %mul3A_1960 : vector<16xf32>
        %get3A_1962 = arith.index_cast %add3A_1869 : i32 to index
        %get3A_1963 = arith.constant 32 : index
        %get3A_1964 = tpu.vector_load %arg21[%get3A_1962, %get3A_1963] {strides = array<i32>} : memref<128x96xf32, #tpu.memory_space<vmem>>, vector<1x16xf32>,
        %get3A_1965 = vector.shape_cast %get3A_1964 : vector<1x16xf32> to vector<16xf32>
        %mul3A_1966 = vector.broadcast %squeeze3A_1877 : f32 to vector<16xf32>
        %mul3A_1967 = arith.mulf %get3A_1965, %mul3A_1966 : vector<16xf32>
        %add3A_1968 = arith.addf %add3A_1961, %mul3A_1967 : vector<16xf32>
        %swap3A_1969 = arith.index_cast %add3A_1869 : i32 to index
        %swap3A_1970 = arith.constant 32 : index
        %swap3A_1971 = tpu.vector_load %arg22[%swap3A_1969, %swap3A_1970] {strides = array<i32>} : memref<128x96xf32, #tpu.memory_space<vmem>>, vector<1x16xf32>,
        %swap3A_1972 = vector.shape_cast %swap3A_1971 : vector<1x16xf32> to vector<16xf32>
        %swap3A_1973 = vector.shape_cast %add3A_1968 : vector<16xf32> to vector<1x16xf32>
        tpu.vector_store %arg22[%swap3A_1969, %swap3A_1970], %swap3A_1973 {strides = array<i32>} : memref<128x96xf32, #tpu.memory_space<vmem>>, vector<1x16xf32>,
        %get3A_1974 = arith.index_cast %add3A_1869 : i32 to index
        %get3A_1975 = arith.constant 48 : index
        %get3A_1976 = tpu.vector_load %arg18[%get3A_1974, %get3A_1975] {strides = array<i32>} : memref<128x96xf32, #tpu.memory_space<vmem>>, vector<1x16xf32>,
        %get3A_1977 = vector.shape_cast %get3A_1976 : vector<1x16xf32> to vector<16xf32>
        %mul3A_1978 = vector.broadcast %squeeze3A_1871 : f32 to vector<16xf32>
        %mul3A_1979 = arith.mulf %get3A_1977, %mul3A_1978 : vector<16xf32>
        %get3A_1980 = arith.index_cast %add3A_1869 : i32 to index
        %get3A_1981 = arith.constant 48 : index
        %get3A_1982 = tpu.vector_load %arg19[%get3A_1980, %get3A_1981] {strides = array<i32>} : memref<128x96xf32, #tpu.memory_space<vmem>>, vector<1x16xf32>,
        %get3A_1983 = vector.shape_cast %get3A_1982 : vector<1x16xf32> to vector<16xf32>
        %mul3A_1984 = vector.broadcast %squeeze3A_1873 : f32 to vector<16xf32>
        %mul3A_1985 = arith.mulf %get3A_1983, %mul3A_1984 : vector<16xf32>
        %add3A_1986 = arith.addf %mul3A_1979, %mul3A_1985 : vector<16xf32>
        %get3A_1987 = arith.index_cast %add3A_1869 : i32 to index
        %get3A_1988 = arith.constant 48 : index
        %get3A_1989 = tpu.vector_load %arg20[%get3A_1987, %get3A_1988] {strides = array<i32>} : memref<128x96xf32, #tpu.memory_space<vmem>>, vector<1x16xf32>,
        %get3A_1990 = vector.shape_cast %get3A_1989 : vector<1x16xf32> to vector<16xf32>
        %mul3A_1991 = vector.broadcast %squeeze3A_1875 : f32 to vector<16xf32>
        %mul3A_1992 = arith.mulf %get3A_1990, %mul3A_1991 : vector<16xf32>
        %add3A_1993 = arith.addf %add3A_1986, %mul3A_1992 : vector<16xf32>
        %get3A_1994 = arith.index_cast %add3A_1869 : i32 to index
        %get3A_1995 = arith.constant 48 : index
        %get3A_1996 = tpu.vector_load %arg21[%get3A_1994, %get3A_1995] {strides = array<i32>} : memref<128x96xf32, #tpu.memory_space<vmem>>, vector<1x16xf32>,
        %get3A_1997 = vector.shape_cast %get3A_1996 : vector<1x16xf32> to vector<16xf32>
        %mul3A_1998 = vector.broadcast %squeeze3A_1877 : f32 to vector<16xf32>
        %mul3A_1999 = arith.mulf %get3A_1997, %mul3A_1998 : vector<16xf32>
        %add3A_2000 = arith.addf %add3A_1993, %mul3A_1999 : vector<16xf32>
        %swap3A_2001 = arith.index_cast %add3A_1869 : i32 to index
        %swap3A_2002 = arith.constant 48 : index
        %swap3A_2003 = tpu.vector_load %arg22[%swap3A_2001, %swap3A_2002] {strides = array<i32>} : memref<128x96xf32, #tpu.memory_space<vmem>>, vector<1x16xf32>,
        %swap3A_2004 = vector.shape_cast %swap3A_2003 : vector<1x16xf32> to vector<16xf32>
        %swap3A_2005 = vector.shape_cast %add3A_2000 : vector<16xf32> to vector<1x16xf32>
        tpu.vector_store %arg22[%swap3A_2001, %swap3A_2002], %swap3A_2005 {strides = array<i32>} : memref<128x96xf32, #tpu.memory_space<vmem>>, vector<1x16xf32>,
        %get3A_2006 = arith.index_cast %add3A_1869 : i32 to index
        %get3A_2007 = arith.constant 64 : index
        %get3A_2008 = tpu.vector_load %arg18[%get3A_2006, %get3A_2007] {strides = array<i32>} : memref<128x96xf32, #tpu.memory_space<vmem>>, vector<1x16xf32>,
        %get3A_2009 = vector.shape_cast %get3A_2008 : vector<1x16xf32> to vector<16xf32>
        %mul3A_2010 = vector.broadcast %squeeze3A_1871 : f32 to vector<16xf32>
        %mul3A_2011 = arith.mulf %get3A_2009, %mul3A_2010 : vector<16xf32>
        %get3A_2012 = arith.index_cast %add3A_1869 : i32 to index
        %get3A_2013 = arith.constant 64 : index
        %get3A_2014 = tpu.vector_load %arg19[%get3A_2012, %get3A_2013] {strides = array<i32>} : memref<128x96xf32, #tpu.memory_space<vmem>>, vector<1x16xf32>,
        %get3A_2015 = vector.shape_cast %get3A_2014 : vector<1x16xf32> to vector<16xf32>
        %mul3A_2016 = vector.broadcast %squeeze3A_1873 : f32 to vector<16xf32>
        %mul3A_2017 = arith.mulf %get3A_2015, %mul3A_2016 : vector<16xf32>
        %add3A_2018 = arith.addf %mul3A_2011, %mul3A_2017 : vector<16xf32>
        %get3A_2019 = arith.index_cast %add3A_1869 : i32 to index
        %get3A_2020 = arith.constant 64 : index
        %get3A_2021 = tpu.vector_load %arg20[%get3A_2019, %get3A_2020] {strides = array<i32>} : memref<128x96xf32, #tpu.memory_space<vmem>>, vector<1x16xf32>,
        %get3A_2022 = vector.shape_cast %get3A_2021 : vector<1x16xf32> to vector<16xf32>
        %mul3A_2023 = vector.broadcast %squeeze3A_1875 : f32 to vector<16xf32>
        %mul3A_2024 = arith.mulf %get3A_2022, %mul3A_2023 : vector<16xf32>
        %add3A_2025 = arith.addf %add3A_2018, %mul3A_2024 : vector<16xf32>
        %get3A_2026 = arith.index_cast %add3A_1869 : i32 to index
        %get3A_2027 = arith.constant 64 : index
        %get3A_2028 = tpu.vector_load %arg21[%get3A_2026, %get3A_2027] {strides = array<i32>} : memref<128x96xf32, #tpu.memory_space<vmem>>, vector<1x16xf32>,
        %get3A_2029 = vector.shape_cast %get3A_2028 : vector<1x16xf32> to vector<16xf32>
        %mul3A_2030 = vector.broadcast %squeeze3A_1877 : f32 to vector<16xf32>
        %mul3A_2031 = arith.mulf %get3A_2029, %mul3A_2030 : vector<16xf32>
        %add3A_2032 = arith.addf %add3A_2025, %mul3A_2031 : vector<16xf32>
        %swap3A_2033 = arith.index_cast %add3A_1869 : i32 to index
        %swap3A_2034 = arith.constant 64 : index
        %swap3A_2035 = tpu.vector_load %arg22[%swap3A_2033, %swap3A_2034] {strides = array<i32>} : memref<128x96xf32, #tpu.memory_space<vmem>>, vector<1x16xf32>,
        %swap3A_2036 = vector.shape_cast %swap3A_2035 : vector<1x16xf32> to vector<16xf32>
        %swap3A_2037 = vector.shape_cast %add3A_2032 : vector<16xf32> to vector<1x16xf32>
        tpu.vector_store %arg22[%swap3A_2033, %swap3A_2034], %swap3A_2037 {strides = array<i32>} : memref<128x96xf32, #tpu.memory_space<vmem>>, vector<1x16xf32>,
        %get3A_2038 = arith.index_cast %add3A_1869 : i32 to index
        %get3A_2039 = arith.constant 80 : index
        %get3A_2040 = tpu.vector_load %arg18[%get3A_2038, %get3A_2039] {strides = array<i32>} : memref<128x96xf32, #tpu.memory_space<vmem>>, vector<1x16xf32>,
        %get3A_2041 = vector.shape_cast %get3A_2040 : vector<1x16xf32> to vector<16xf32>
        %mul3A_2042 = vector.broadcast %squeeze3A_1871 : f32 to vector<16xf32>
        %mul3A_2043 = arith.mulf %get3A_2041, %mul3A_2042 : vector<16xf32>
        %get3A_2044 = arith.index_cast %add3A_1869 : i32 to index
        %get3A_2045 = arith.constant 80 : index
        %get3A_2046 = tpu.vector_load %arg19[%get3A_2044, %get3A_2045] {strides = array<i32>} : memref<128x96xf32, #tpu.memory_space<vmem>>, vector<1x16xf32>,
        %get3A_2047 = vector.shape_cast %get3A_2046 : vector<1x16xf32> to vector<16xf32>
        %mul3A_2048 = vector.broadcast %squeeze3A_1873 : f32 to vector<16xf32>
        %mul3A_2049 = arith.mulf %get3A_2047, %mul3A_2048 : vector<16xf32>
        %add3A_2050 = arith.addf %mul3A_2043, %mul3A_2049 : vector<16xf32>
        %get3A_2051 = arith.index_cast %add3A_1869 : i32 to index
        %get3A_2052 = arith.constant 80 : index
        %get3A_2053 = tpu.vector_load %arg20[%get3A_2051, %get3A_2052] {strides = array<i32>} : memref<128x96xf32, #tpu.memory_space<vmem>>, vector<1x16xf32>,
        %get3A_2054 = vector.shape_cast %get3A_2053 : vector<1x16xf32> to vector<16xf32>
        %mul3A_2055 = vector.broadcast %squeeze3A_1875 : f32 to vector<16xf32>
        %mul3A_2056 = arith.mulf %get3A_2054, %mul3A_2055 : vector<16xf32>
        %add3A_2057 = arith.addf %add3A_2050, %mul3A_2056 : vector<16xf32>
        %get3A_2058 = arith.index_cast %add3A_1869 : i32 to index
        %get3A_2059 = arith.constant 80 : index
        %get3A_2060 = tpu.vector_load %arg21[%get3A_2058, %get3A_2059] {strides = array<i32>} : memref<128x96xf32, #tpu.memory_space<vmem>>, vector<1x16xf32>,
        %get3A_2061 = vector.shape_cast %get3A_2060 : vector<1x16xf32> to vector<16xf32>
        %mul3A_2062 = vector.broadcast %squeeze3A_1877 : f32 to vector<16xf32>
        %mul3A_2063 = arith.mulf %get3A_2061, %mul3A_2062 : vector<16xf32>
        %add3A_2064 = arith.addf %add3A_2057, %mul3A_2063 : vector<16xf32>
        %swap3A_2065 = arith.index_cast %add3A_1869 : i32 to index
        %swap3A_2066 = arith.constant 80 : index
        %swap3A_2067 = tpu.vector_load %arg22[%swap3A_2065, %swap3A_2066] {strides = array<i32>} : memref<128x96xf32, #tpu.memory_space<vmem>>, vector<1x16xf32>,
        %swap3A_2068 = vector.shape_cast %swap3A_2067 : vector<1x16xf32> to vector<16xf32>
        %swap3A_2069 = vector.shape_cast %add3A_2064 : vector<16xf32> to vector<1x16xf32>
        tpu.vector_store %arg22[%swap3A_2065, %swap3A_2066], %swap3A_2069 {strides = array<i32>} : memref<128x96xf32, #tpu.memory_space<vmem>>, vector<1x16xf32>,
        %add3A_2070 = arith.constant 5 : i32
        %add3A_2071 = arith.addi %mul3A_1049, %add3A_2070 : i32
        %slice3A_2072 = vector.extract_strided_slice %get3A_1052 {offsets = [5], sizes = [1], strides = [1]} : vector<16xf32> to vector<1xf32>
        %squeeze3A_2073 = vector.extract %slice3A_2072[0] : f32 from vector<1xf32>
        %slice3A_2074 = vector.extract_strided_slice %get3A_1055 {offsets = [5], sizes = [1], strides = [1]} : vector<16xf32> to vector<1xf32>
        %squeeze3A_2075 = vector.extract %slice3A_2074[0] : f32 from vector<1xf32>
        %slice3A_2076 = vector.extract_strided_slice %get3A_1058 {offsets = [5], sizes = [1], strides = [1]} : vector<16xf32> to vector<1xf32>
        %squeeze3A_2077 = vector.extract %slice3A_2076[0] : f32 from vector<1xf32>
        %slice3A_2078 = vector.extract_strided_slice %get3A_1061 {offsets = [5], sizes = [1], strides = [1]} : vector<16xf32> to vector<1xf32>
        %squeeze3A_2079 = vector.extract %slice3A_2078[0] : f32 from vector<1xf32>
        %get3A_2080 = arith.index_cast %add3A_2071 : i32 to index
        %get3A_2081 = arith.constant 0 : index
        %get3A_2082 = tpu.vector_load %arg18[%get3A_2080, %get3A_2081] {strides = array<i32>} : memref<128x96xf32, #tpu.memory_space<vmem>>, vector<1x16xf32>,
        %get3A_2083 = vector.shape_cast %get3A_2082 : vector<1x16xf32> to vector<16xf32>
        %mul3A_2084 = vector.broadcast %squeeze3A_2073 : f32 to vector<16xf32>
        %mul3A_2085 = arith.mulf %get3A_2083, %mul3A_2084 : vector<16xf32>
        %get3A_2086 = arith.index_cast %add3A_2071 : i32 to index
        %get3A_2087 = arith.constant 0 : index
        %get3A_2088 = tpu.vector_load %arg19[%get3A_2086, %get3A_2087] {strides = array<i32>} : memref<128x96xf32, #tpu.memory_space<vmem>>, vector<1x16xf32>,
        %get3A_2089 = vector.shape_cast %get3A_2088 : vector<1x16xf32> to vector<16xf32>
        %mul3A_2090 = vector.broadcast %squeeze3A_2075 : f32 to vector<16xf32>
        %mul3A_2091 = arith.mulf %get3A_2089, %mul3A_2090 : vector<16xf32>
        %add3A_2092 = arith.addf %mul3A_2085, %mul3A_2091 : vector<16xf32>
        %get3A_2093 = arith.index_cast %add3A_2071 : i32 to index
        %get3A_2094 = arith.constant 0 : index
        %get3A_2095 = tpu.vector_load %arg20[%get3A_2093, %get3A_2094] {strides = array<i32>} : memref<128x96xf32, #tpu.memory_space<vmem>>, vector<1x16xf32>,
        %get3A_2096 = vector.shape_cast %get3A_2095 : vector<1x16xf32> to vector<16xf32>
        %mul3A_2097 = vector.broadcast %squeeze3A_2077 : f32 to vector<16xf32>
        %mul3A_2098 = arith.mulf %get3A_2096, %mul3A_2097 : vector<16xf32>
        %add3A_2099 = arith.addf %add3A_2092, %mul3A_2098 : vector<16xf32>
        %get3A_2100 = arith.index_cast %add3A_2071 : i32 to index
        %get3A_2101 = arith.constant 0 : index
        %get3A_2102 = tpu.vector_load %arg21[%get3A_2100, %get3A_2101] {strides = array<i32>} : memref<128x96xf32, #tpu.memory_space<vmem>>, vector<1x16xf32>,
        %get3A_2103 = vector.shape_cast %get3A_2102 : vector<1x16xf32> to vector<16xf32>
        %mul3A_2104 = vector.broadcast %squeeze3A_2079 : f32 to vector<16xf32>
        %mul3A_2105 = arith.mulf %get3A_2103, %mul3A_2104 : vector<16xf32>
        %add3A_2106 = arith.addf %add3A_2099, %mul3A_2105 : vector<16xf32>
        %swap3A_2107 = arith.index_cast %add3A_2071 : i32 to index
        %swap3A_2108 = arith.constant 0 : index
        %swap3A_2109 = tpu.vector_load %arg22[%swap3A_2107, %swap3A_2108] {strides = array<i32>} : memref<128x96xf32, #tpu.memory_space<vmem>>, vector<1x16xf32>,
        %swap3A_2110 = vector.shape_cast %swap3A_2109 : vector<1x16xf32> to vector<16xf32>
        %swap3A_2111 = vector.shape_cast %add3A_2106 : vector<16xf32> to vector<1x16xf32>
        tpu.vector_store %arg22[%swap3A_2107, %swap3A_2108], %swap3A_2111 {strides = array<i32>} : memref<128x96xf32, #tpu.memory_space<vmem>>, vector<1x16xf32>,
        %get3A_2112 = arith.index_cast %add3A_2071 : i32 to index
        %get3A_2113 = arith.constant 16 : index
        %get3A_2114 = tpu.vector_load %arg18[%get3A_2112, %get3A_2113] {strides = array<i32>} : memref<128x96xf32, #tpu.memory_space<vmem>>, vector<1x16xf32>,
        %get3A_2115 = vector.shape_cast %get3A_2114 : vector<1x16xf32> to vector<16xf32>
        %mul3A_2116 = vector.broadcast %squeeze3A_2073 : f32 to vector<16xf32>
        %mul3A_2117 = arith.mulf %get3A_2115, %mul3A_2116 : vector<16xf32>
        %get3A_2118 = arith.index_cast %add3A_2071 : i32 to index
        %get3A_2119 = arith.constant 16 : index
        %get3A_2120 = tpu.vector_load %arg19[%get3A_2118, %get3A_2119] {strides = array<i32>} : memref<128x96xf32, #tpu.memory_space<vmem>>, vector<1x16xf32>,
        %get3A_2121 = vector.shape_cast %get3A_2120 : vector<1x16xf32> to vector<16xf32>
        %mul3A_2122 = vector.broadcast %squeeze3A_2075 : f32 to vector<16xf32>
        %mul3A_2123 = arith.mulf %get3A_2121, %mul3A_2122 : vector<16xf32>
        %add3A_2124 = arith.addf %mul3A_2117, %mul3A_2123 : vector<16xf32>
        %get3A_2125 = arith.index_cast %add3A_2071 : i32 to index
        %get3A_2126 = arith.constant 16 : index
        %get3A_2127 = tpu.vector_load %arg20[%get3A_2125, %get3A_2126] {strides = array<i32>} : memref<128x96xf32, #tpu.memory_space<vmem>>, vector<1x16xf32>,
        %get3A_2128 = vector.shape_cast %get3A_2127 : vector<1x16xf32> to vector<16xf32>
        %mul3A_2129 = vector.broadcast %squeeze3A_2077 : f32 to vector<16xf32>
        %mul3A_2130 = arith.mulf %get3A_2128, %mul3A_2129 : vector<16xf32>
        %add3A_2131 = arith.addf %add3A_2124, %mul3A_2130 : vector<16xf32>
        %get3A_2132 = arith.index_cast %add3A_2071 : i32 to index
        %get3A_2133 = arith.constant 16 : index
        %get3A_2134 = tpu.vector_load %arg21[%get3A_2132, %get3A_2133] {strides = array<i32>} : memref<128x96xf32, #tpu.memory_space<vmem>>, vector<1x16xf32>,
        %get3A_2135 = vector.shape_cast %get3A_2134 : vector<1x16xf32> to vector<16xf32>
        %mul3A_2136 = vector.broadcast %squeeze3A_2079 : f32 to vector<16xf32>
        %mul3A_2137 = arith.mulf %get3A_2135, %mul3A_2136 : vector<16xf32>
        %add3A_2138 = arith.addf %add3A_2131, %mul3A_2137 : vector<16xf32>
        %swap3A_2139 = arith.index_cast %add3A_2071 : i32 to index
        %swap3A_2140 = arith.constant 16 : index
        %swap3A_2141 = tpu.vector_load %arg22[%swap3A_2139, %swap3A_2140] {strides = array<i32>} : memref<128x96xf32, #tpu.memory_space<vmem>>, vector<1x16xf32>,
        %swap3A_2142 = vector.shape_cast %swap3A_2141 : vector<1x16xf32> to vector<16xf32>
        %swap3A_2143 = vector.shape_cast %add3A_2138 : vector<16xf32> to vector<1x16xf32>
        tpu.vector_store %arg22[%swap3A_2139, %swap3A_2140], %swap3A_2143 {strides = array<i32>} : memref<128x96xf32, #tpu.memory_space<vmem>>, vector<1x16xf32>,
        %get3A_2144 = arith.index_cast %add3A_2071 : i32 to index
        %get3A_2145 = arith.constant 32 : index
        %get3A_2146 = tpu.vector_load %arg18[%get3A_2144, %get3A_2145] {strides = array<i32>} : memref<128x96xf32, #tpu.memory_space<vmem>>, vector<1x16xf32>,
        %get3A_2147 = vector.shape_cast %get3A_2146 : vector<1x16xf32> to vector<16xf32>
        %mul3A_2148 = vector.broadcast %squeeze3A_2073 : f32 to vector<16xf32>
        %mul3A_2149 = arith.mulf %get3A_2147, %mul3A_2148 : vector<16xf32>
        %get3A_2150 = arith.index_cast %add3A_2071 : i32 to index
        %get3A_2151 = arith.constant 32 : index
        %get3A_2152 = tpu.vector_load %arg19[%get3A_2150, %get3A_2151] {strides = array<i32>} : memref<128x96xf32, #tpu.memory_space<vmem>>, vector<1x16xf32>,
        %get3A_2153 = vector.shape_cast %get3A_2152 : vector<1x16xf32> to vector<16xf32>
        %mul3A_2154 = vector.broadcast %squeeze3A_2075 : f32 to vector<16xf32>
        %mul3A_2155 = arith.mulf %get3A_2153, %mul3A_2154 : vector<16xf32>
        %add3A_2156 = arith.addf %mul3A_2149, %mul3A_2155 : vector<16xf32>
        %get3A_2157 = arith.index_cast %add3A_2071 : i32 to index
        %get3A_2158 = arith.constant 32 : index
        %get3A_2159 = tpu.vector_load %arg20[%get3A_2157, %get3A_2158] {strides = array<i32>} : memref<128x96xf32, #tpu.memory_space<vmem>>, vector<1x16xf32>,
        %get3A_2160 = vector.shape_cast %get3A_2159 : vector<1x16xf32> to vector<16xf32>
        %mul3A_2161 = vector.broadcast %squeeze3A_2077 : f32 to vector<16xf32>
        %mul3A_2162 = arith.mulf %get3A_2160, %mul3A_2161 : vector<16xf32>
        %add3A_2163 = arith.addf %add3A_2156, %mul3A_2162 : vector<16xf32>
        %get3A_2164 = arith.index_cast %add3A_2071 : i32 to index
        %get3A_2165 = arith.constant 32 : index
        %get3A_2166 = tpu.vector_load %arg21[%get3A_2164, %get3A_2165] {strides = array<i32>} : memref<128x96xf32, #tpu.memory_space<vmem>>, vector<1x16xf32>,
        %get3A_2167 = vector.shape_cast %get3A_2166 : vector<1x16xf32> to vector<16xf32>
        %mul3A_2168 = vector.broadcast %squeeze3A_2079 : f32 to vector<16xf32>
        %mul3A_2169 = arith.mulf %get3A_2167, %mul3A_2168 : vector<16xf32>
        %add3A_2170 = arith.addf %add3A_2163, %mul3A_2169 : vector<16xf32>
        %swap3A_2171 = arith.index_cast %add3A_2071 : i32 to index
        %swap3A_2172 = arith.constant 32 : index
        %swap3A_2173 = tpu.vector_load %arg22[%swap3A_2171, %swap3A_2172] {strides = array<i32>} : memref<128x96xf32, #tpu.memory_space<vmem>>, vector<1x16xf32>,
        %swap3A_2174 = vector.shape_cast %swap3A_2173 : vector<1x16xf32> to vector<16xf32>
        %swap3A_2175 = vector.shape_cast %add3A_2170 : vector<16xf32> to vector<1x16xf32>
        tpu.vector_store %arg22[%swap3A_2171, %swap3A_2172], %swap3A_2175 {strides = array<i32>} : memref<128x96xf32, #tpu.memory_space<vmem>>, vector<1x16xf32>,
        %get3A_2176 = arith.index_cast %add3A_2071 : i32 to index
        %get3A_2177 = arith.constant 48 : index
        %get3A_2178 = tpu.vector_load %arg18[%get3A_2176, %get3A_2177] {strides = array<i32>} : memref<128x96xf32, #tpu.memory_space<vmem>>, vector<1x16xf32>,
        %get3A_2179 = vector.shape_cast %get3A_2178 : vector<1x16xf32> to vector<16xf32>
        %mul3A_2180 = vector.broadcast %squeeze3A_2073 : f32 to vector<16xf32>
        %mul3A_2181 = arith.mulf %get3A_2179, %mul3A_2180 : vector<16xf32>
        %get3A_2182 = arith.index_cast %add3A_2071 : i32 to index
        %get3A_2183 = arith.constant 48 : index
        %get3A_2184 = tpu.vector_load %arg19[%get3A_2182, %get3A_2183] {strides = array<i32>} : memref<128x96xf32, #tpu.memory_space<vmem>>, vector<1x16xf32>,
        %get3A_2185 = vector.shape_cast %get3A_2184 : vector<1x16xf32> to vector<16xf32>
        %mul3A_2186 = vector.broadcast %squeeze3A_2075 : f32 to vector<16xf32>
        %mul3A_2187 = arith.mulf %get3A_2185, %mul3A_2186 : vector<16xf32>
        %add3A_2188 = arith.addf %mul3A_2181, %mul3A_2187 : vector<16xf32>
        %get3A_2189 = arith.index_cast %add3A_2071 : i32 to index
        %get3A_2190 = arith.constant 48 : index
        %get3A_2191 = tpu.vector_load %arg20[%get3A_2189, %get3A_2190] {strides = array<i32>} : memref<128x96xf32, #tpu.memory_space<vmem>>, vector<1x16xf32>,
        %get3A_2192 = vector.shape_cast %get3A_2191 : vector<1x16xf32> to vector<16xf32>
        %mul3A_2193 = vector.broadcast %squeeze3A_2077 : f32 to vector<16xf32>
        %mul3A_2194 = arith.mulf %get3A_2192, %mul3A_2193 : vector<16xf32>
        %add3A_2195 = arith.addf %add3A_2188, %mul3A_2194 : vector<16xf32>
        %get3A_2196 = arith.index_cast %add3A_2071 : i32 to index
        %get3A_2197 = arith.constant 48 : index
        %get3A_2198 = tpu.vector_load %arg21[%get3A_2196, %get3A_2197] {strides = array<i32>} : memref<128x96xf32, #tpu.memory_space<vmem>>, vector<1x16xf32>,
        %get3A_2199 = vector.shape_cast %get3A_2198 : vector<1x16xf32> to vector<16xf32>
        %mul3A_2200 = vector.broadcast %squeeze3A_2079 : f32 to vector<16xf32>
        %mul3A_2201 = arith.mulf %get3A_2199, %mul3A_2200 : vector<16xf32>
        %add3A_2202 = arith.addf %add3A_2195, %mul3A_2201 : vector<16xf32>
        %swap3A_2203 = arith.index_cast %add3A_2071 : i32 to index
        %swap3A_2204 = arith.constant 48 : index
        %swap3A_2205 = tpu.vector_load %arg22[%swap3A_2203, %swap3A_2204] {strides = array<i32>} : memref<128x96xf32, #tpu.memory_space<vmem>>, vector<1x16xf32>,
        %swap3A_2206 = vector.shape_cast %swap3A_2205 : vector<1x16xf32> to vector<16xf32>
        %swap3A_2207 = vector.shape_cast %add3A_2202 : vector<16xf32> to vector<1x16xf32>
        tpu.vector_store %arg22[%swap3A_2203, %swap3A_2204], %swap3A_2207 {strides = array<i32>} : memref<128x96xf32, #tpu.memory_space<vmem>>, vector<1x16xf32>,
        %get3A_2208 = arith.index_cast %add3A_2071 : i32 to index
        %get3A_2209 = arith.constant 64 : index
        %get3A_2210 = tpu.vector_load %arg18[%get3A_2208, %get3A_2209] {strides = array<i32>} : memref<128x96xf32, #tpu.memory_space<vmem>>, vector<1x16xf32>,
        %get3A_2211 = vector.shape_cast %get3A_2210 : vector<1x16xf32> to vector<16xf32>
        %mul3A_2212 = vector.broadcast %squeeze3A_2073 : f32 to vector<16xf32>
        %mul3A_2213 = arith.mulf %get3A_2211, %mul3A_2212 : vector<16xf32>
        %get3A_2214 = arith.index_cast %add3A_2071 : i32 to index
        %get3A_2215 = arith.constant 64 : index
        %get3A_2216 = tpu.vector_load %arg19[%get3A_2214, %get3A_2215] {strides = array<i32>} : memref<128x96xf32, #tpu.memory_space<vmem>>, vector<1x16xf32>,
        %get3A_2217 = vector.shape_cast %get3A_2216 : vector<1x16xf32> to vector<16xf32>
        %mul3A_2218 = vector.broadcast %squeeze3A_2075 : f32 to vector<16xf32>
        %mul3A_2219 = arith.mulf %get3A_2217, %mul3A_2218 : vector<16xf32>
        %add3A_2220 = arith.addf %mul3A_2213, %mul3A_2219 : vector<16xf32>
        %get3A_2221 = arith.index_cast %add3A_2071 : i32 to index
        %get3A_2222 = arith.constant 64 : index
        %get3A_2223 = tpu.vector_load %arg20[%get3A_2221, %get3A_2222] {strides = array<i32>} : memref<128x96xf32, #tpu.memory_space<vmem>>, vector<1x16xf32>,
        %get3A_2224 = vector.shape_cast %get3A_2223 : vector<1x16xf32> to vector<16xf32>
        %mul3A_2225 = vector.broadcast %squeeze3A_2077 : f32 to vector<16xf32>
        %mul3A_2226 = arith.mulf %get3A_2224, %mul3A_2225 : vector<16xf32>
        %add3A_2227 = arith.addf %add3A_2220, %mul3A_2226 : vector<16xf32>
        %get3A_2228 = arith.index_cast %add3A_2071 : i32 to index
        %get3A_2229 = arith.constant 64 : index
        %get3A_2230 = tpu.vector_load %arg21[%get3A_2228, %get3A_2229] {strides = array<i32>} : memref<128x96xf32, #tpu.memory_space<vmem>>, vector<1x16xf32>,
        %get3A_2231 = vector.shape_cast %get3A_2230 : vector<1x16xf32> to vector<16xf32>
        %mul3A_2232 = vector.broadcast %squeeze3A_2079 : f32 to vector<16xf32>
        %mul3A_2233 = arith.mulf %get3A_2231, %mul3A_2232 : vector<16xf32>
        %add3A_2234 = arith.addf %add3A_2227, %mul3A_2233 : vector<16xf32>
        %swap3A_2235 = arith.index_cast %add3A_2071 : i32 to index
        %swap3A_2236 = arith.constant 64 : index
        %swap3A_2237 = tpu.vector_load %arg22[%swap3A_2235, %swap3A_2236] {strides = array<i32>} : memref<128x96xf32, #tpu.memory_space<vmem>>, vector<1x16xf32>,
        %swap3A_2238 = vector.shape_cast %swap3A_2237 : vector<1x16xf32> to vector<16xf32>
        %swap3A_2239 = vector.shape_cast %add3A_2234 : vector<16xf32> to vector<1x16xf32>
        tpu.vector_store %arg22[%swap3A_2235, %swap3A_2236], %swap3A_2239 {strides = array<i32>} : memref<128x96xf32, #tpu.memory_space<vmem>>, vector<1x16xf32>,
        %get3A_2240 = arith.index_cast %add3A_2071 : i32 to index
        %get3A_2241 = arith.constant 80 : index
        %get3A_2242 = tpu.vector_load %arg18[%get3A_2240, %get3A_2241] {strides = array<i32>} : memref<128x96xf32, #tpu.memory_space<vmem>>, vector<1x16xf32>,
        %get3A_2243 = vector.shape_cast %get3A_2242 : vector<1x16xf32> to vector<16xf32>
        %mul3A_2244 = vector.broadcast %squeeze3A_2073 : f32 to vector<16xf32>
        %mul3A_2245 = arith.mulf %get3A_2243, %mul3A_2244 : vector<16xf32>
        %get3A_2246 = arith.index_cast %add3A_2071 : i32 to index
        %get3A_2247 = arith.constant 80 : index
        %get3A_2248 = tpu.vector_load %arg19[%get3A_2246, %get3A_2247] {strides = array<i32>} : memref<128x96xf32, #tpu.memory_space<vmem>>, vector<1x16xf32>,
        %get3A_2249 = vector.shape_cast %get3A_2248 : vector<1x16xf32> to vector<16xf32>
        %mul3A_2250 = vector.broadcast %squeeze3A_2075 : f32 to vector<16xf32>
        %mul3A_2251 = arith.mulf %get3A_2249, %mul3A_2250 : vector<16xf32>
        %add3A_2252 = arith.addf %mul3A_2245, %mul3A_2251 : vector<16xf32>
        %get3A_2253 = arith.index_cast %add3A_2071 : i32 to index
        %get3A_2254 = arith.constant 80 : index
        %get3A_2255 = tpu.vector_load %arg20[%get3A_2253, %get3A_2254] {strides = array<i32>} : memref<128x96xf32, #tpu.memory_space<vmem>>, vector<1x16xf32>,
        %get3A_2256 = vector.shape_cast %get3A_2255 : vector<1x16xf32> to vector<16xf32>
        %mul3A_2257 = vector.broadcast %squeeze3A_2077 : f32 to vector<16xf32>
        %mul3A_2258 = arith.mulf %get3A_2256, %mul3A_2257 : vector<16xf32>
        %add3A_2259 = arith.addf %add3A_2252, %mul3A_2258 : vector<16xf32>
        %get3A_2260 = arith.index_cast %add3A_2071 : i32 to index
        %get3A_2261 = arith.constant 80 : index
        %get3A_2262 = tpu.vector_load %arg21[%get3A_2260, %get3A_2261] {strides = array<i32>} : memref<128x96xf32, #tpu.memory_space<vmem>>, vector<1x16xf32>,
        %get3A_2263 = vector.shape_cast %get3A_2262 : vector<1x16xf32> to vector<16xf32>
        %mul3A_2264 = vector.broadcast %squeeze3A_2079 : f32 to vector<16xf32>
        %mul3A_2265 = arith.mulf %get3A_2263, %mul3A_2264 : vector<16xf32>
        %add3A_2266 = arith.addf %add3A_2259, %mul3A_2265 : vector<16xf32>
        %swap3A_2267 = arith.index_cast %add3A_2071 : i32 to index
        %swap3A_2268 = arith.constant 80 : index
        %swap3A_2269 = tpu.vector_load %arg22[%swap3A_2267, %swap3A_2268] {strides = array<i32>} : memref<128x96xf32, #tpu.memory_space<vmem>>, vector<1x16xf32>,
        %swap3A_2270 = vector.shape_cast %swap3A_2269 : vector<1x16xf32> to vector<16xf32>
        %swap3A_2271 = vector.shape_cast %add3A_2266 : vector<16xf32> to vector<1x16xf32>
        tpu.vector_store %arg22[%swap3A_2267, %swap3A_2268], %swap3A_2271 {strides = array<i32>} : memref<128x96xf32, #tpu.memory_space<vmem>>, vector<1x16xf32>,
        %add3A_2272 = arith.constant 6 : i32
        %add3A_2273 = arith.addi %mul3A_1049, %add3A_2272 : i32
        %slice3A_2274 = vector.extract_strided_slice %get3A_1052 {offsets = [6], sizes = [1], strides = [1]} : vector<16xf32> to vector<1xf32>
        %squeeze3A_2275 = vector.extract %slice3A_2274[0] : f32 from vector<1xf32>
        %slice3A_2276 = vector.extract_strided_slice %get3A_1055 {offsets = [6], sizes = [1], strides = [1]} : vector<16xf32> to vector<1xf32>
        %squeeze3A_2277 = vector.extract %slice3A_2276[0] : f32 from vector<1xf32>
        %slice3A_2278 = vector.extract_strided_slice %get3A_1058 {offsets = [6], sizes = [1], strides = [1]} : vector<16xf32> to vector<1xf32>
        %squeeze3A_2279 = vector.extract %slice3A_2278[0] : f32 from vector<1xf32>
        %slice3A_2280 = vector.extract_strided_slice %get3A_1061 {offsets = [6], sizes = [1], strides = [1]} : vector<16xf32> to vector<1xf32>
        %squeeze3A_2281 = vector.extract %slice3A_2280[0] : f32 from vector<1xf32>
        %get3A_2282 = arith.index_cast %add3A_2273 : i32 to index
        %get3A_2283 = arith.constant 0 : index
        %get3A_2284 = tpu.vector_load %arg18[%get3A_2282, %get3A_2283] {strides = array<i32>} : memref<128x96xf32, #tpu.memory_space<vmem>>, vector<1x16xf32>,
        %get3A_2285 = vector.shape_cast %get3A_2284 : vector<1x16xf32> to vector<16xf32>
        %mul3A_2286 = vector.broadcast %squeeze3A_2275 : f32 to vector<16xf32>
        %mul3A_2287 = arith.mulf %get3A_2285, %mul3A_2286 : vector<16xf32>
        %get3A_2288 = arith.index_cast %add3A_2273 : i32 to index
        %get3A_2289 = arith.constant 0 : index
        %get3A_2290 = tpu.vector_load %arg19[%get3A_2288, %get3A_2289] {strides = array<i32>} : memref<128x96xf32, #tpu.memory_space<vmem>>, vector<1x16xf32>,
        %get3A_2291 = vector.shape_cast %get3A_2290 : vector<1x16xf32> to vector<16xf32>
        %mul3A_2292 = vector.broadcast %squeeze3A_2277 : f32 to vector<16xf32>
        %mul3A_2293 = arith.mulf %get3A_2291, %mul3A_2292 : vector<16xf32>
        %add3A_2294 = arith.addf %mul3A_2287, %mul3A_2293 : vector<16xf32>
        %get3A_2295 = arith.index_cast %add3A_2273 : i32 to index
        %get3A_2296 = arith.constant 0 : index
        %get3A_2297 = tpu.vector_load %arg20[%get3A_2295, %get3A_2296] {strides = array<i32>} : memref<128x96xf32, #tpu.memory_space<vmem>>, vector<1x16xf32>,
        %get3A_2298 = vector.shape_cast %get3A_2297 : vector<1x16xf32> to vector<16xf32>
        %mul3A_2299 = vector.broadcast %squeeze3A_2279 : f32 to vector<16xf32>
        %mul3A_2300 = arith.mulf %get3A_2298, %mul3A_2299 : vector<16xf32>
        %add3A_2301 = arith.addf %add3A_2294, %mul3A_2300 : vector<16xf32>
        %get3A_2302 = arith.index_cast %add3A_2273 : i32 to index
        %get3A_2303 = arith.constant 0 : index
        %get3A_2304 = tpu.vector_load %arg21[%get3A_2302, %get3A_2303] {strides = array<i32>} : memref<128x96xf32, #tpu.memory_space<vmem>>, vector<1x16xf32>,
        %get3A_2305 = vector.shape_cast %get3A_2304 : vector<1x16xf32> to vector<16xf32>
        %mul3A_2306 = vector.broadcast %squeeze3A_2281 : f32 to vector<16xf32>
        %mul3A_2307 = arith.mulf %get3A_2305, %mul3A_2306 : vector<16xf32>
        %add3A_2308 = arith.addf %add3A_2301, %mul3A_2307 : vector<16xf32>
        %swap3A_2309 = arith.index_cast %add3A_2273 : i32 to index
        %swap3A_2310 = arith.constant 0 : index
        %swap3A_2311 = tpu.vector_load %arg22[%swap3A_2309, %swap3A_2310] {strides = array<i32>} : memref<128x96xf32, #tpu.memory_space<vmem>>, vector<1x16xf32>,
        %swap3A_2312 = vector.shape_cast %swap3A_2311 : vector<1x16xf32> to vector<16xf32>
        %swap3A_2313 = vector.shape_cast %add3A_2308 : vector<16xf32> to vector<1x16xf32>
        tpu.vector_store %arg22[%swap3A_2309, %swap3A_2310], %swap3A_2313 {strides = array<i32>} : memref<128x96xf32, #tpu.memory_space<vmem>>, vector<1x16xf32>,
        %get3A_2314 = arith.index_cast %add3A_2273 : i32 to index
        %get3A_2315 = arith.constant 16 : index
        %get3A_2316 = tpu.vector_load %arg18[%get3A_2314, %get3A_2315] {strides = array<i32>} : memref<128x96xf32, #tpu.memory_space<vmem>>, vector<1x16xf32>,
        %get3A_2317 = vector.shape_cast %get3A_2316 : vector<1x16xf32> to vector<16xf32>
        %mul3A_2318 = vector.broadcast %squeeze3A_2275 : f32 to vector<16xf32>
        %mul3A_2319 = arith.mulf %get3A_2317, %mul3A_2318 : vector<16xf32>
        %get3A_2320 = arith.index_cast %add3A_2273 : i32 to index
        %get3A_2321 = arith.constant 16 : index
        %get3A_2322 = tpu.vector_load %arg19[%get3A_2320, %get3A_2321] {strides = array<i32>} : memref<128x96xf32, #tpu.memory_space<vmem>>, vector<1x16xf32>,
        %get3A_2323 = vector.shape_cast %get3A_2322 : vector<1x16xf32> to vector<16xf32>
        %mul3A_2324 = vector.broadcast %squeeze3A_2277 : f32 to vector<16xf32>
        %mul3A_2325 = arith.mulf %get3A_2323, %mul3A_2324 : vector<16xf32>
        %add3A_2326 = arith.addf %mul3A_2319, %mul3A_2325 : vector<16xf32>
        %get3A_2327 = arith.index_cast %add3A_2273 : i32 to index
        %get3A_2328 = arith.constant 16 : index
        %get3A_2329 = tpu.vector_load %arg20[%get3A_2327, %get3A_2328] {strides = array<i32>} : memref<128x96xf32, #tpu.memory_space<vmem>>, vector<1x16xf32>,
        %get3A_2330 = vector.shape_cast %get3A_2329 : vector<1x16xf32> to vector<16xf32>
        %mul3A_2331 = vector.broadcast %squeeze3A_2279 : f32 to vector<16xf32>
        %mul3A_2332 = arith.mulf %get3A_2330, %mul3A_2331 : vector<16xf32>
        %add3A_2333 = arith.addf %add3A_2326, %mul3A_2332 : vector<16xf32>
        %get3A_2334 = arith.index_cast %add3A_2273 : i32 to index
        %get3A_2335 = arith.constant 16 : index
        %get3A_2336 = tpu.vector_load %arg21[%get3A_2334, %get3A_2335] {strides = array<i32>} : memref<128x96xf32, #tpu.memory_space<vmem>>, vector<1x16xf32>,
        %get3A_2337 = vector.shape_cast %get3A_2336 : vector<1x16xf32> to vector<16xf32>
        %mul3A_2338 = vector.broadcast %squeeze3A_2281 : f32 to vector<16xf32>
        %mul3A_2339 = arith.mulf %get3A_2337, %mul3A_2338 : vector<16xf32>
        %add3A_2340 = arith.addf %add3A_2333, %mul3A_2339 : vector<16xf32>
        %swap3A_2341 = arith.index_cast %add3A_2273 : i32 to index
        %swap3A_2342 = arith.constant 16 : index
        %swap3A_2343 = tpu.vector_load %arg22[%swap3A_2341, %swap3A_2342] {strides = array<i32>} : memref<128x96xf32, #tpu.memory_space<vmem>>, vector<1x16xf32>,
        %swap3A_2344 = vector.shape_cast %swap3A_2343 : vector<1x16xf32> to vector<16xf32>
        %swap3A_2345 = vector.shape_cast %add3A_2340 : vector<16xf32> to vector<1x16xf32>
        tpu.vector_store %arg22[%swap3A_2341, %swap3A_2342], %swap3A_2345 {strides = array<i32>} : memref<128x96xf32, #tpu.memory_space<vmem>>, vector<1x16xf32>,
        %get3A_2346 = arith.index_cast %add3A_2273 : i32 to index
        %get3A_2347 = arith.constant 32 : index
        %get3A_2348 = tpu.vector_load %arg18[%get3A_2346, %get3A_2347] {strides = array<i32>} : memref<128x96xf32, #tpu.memory_space<vmem>>, vector<1x16xf32>,
        %get3A_2349 = vector.shape_cast %get3A_2348 : vector<1x16xf32> to vector<16xf32>
        %mul3A_2350 = vector.broadcast %squeeze3A_2275 : f32 to vector<16xf32>
        %mul3A_2351 = arith.mulf %get3A_2349, %mul3A_2350 : vector<16xf32>
        %get3A_2352 = arith.index_cast %add3A_2273 : i32 to index
        %get3A_2353 = arith.constant 32 : index
        %get3A_2354 = tpu.vector_load %arg19[%get3A_2352, %get3A_2353] {strides = array<i32>} : memref<128x96xf32, #tpu.memory_space<vmem>>, vector<1x16xf32>,
        %get3A_2355 = vector.shape_cast %get3A_2354 : vector<1x16xf32> to vector<16xf32>
        %mul3A_2356 = vector.broadcast %squeeze3A_2277 : f32 to vector<16xf32>
        %mul3A_2357 = arith.mulf %get3A_2355, %mul3A_2356 : vector<16xf32>
        %add3A_2358 = arith.addf %mul3A_2351, %mul3A_2357 : vector<16xf32>
        %get3A_2359 = arith.index_cast %add3A_2273 : i32 to index
        %get3A_2360 = arith.constant 32 : index
        %get3A_2361 = tpu.vector_load %arg20[%get3A_2359, %get3A_2360] {strides = array<i32>} : memref<128x96xf32, #tpu.memory_space<vmem>>, vector<1x16xf32>,
        %get3A_2362 = vector.shape_cast %get3A_2361 : vector<1x16xf32> to vector<16xf32>
        %mul3A_2363 = vector.broadcast %squeeze3A_2279 : f32 to vector<16xf32>
        %mul3A_2364 = arith.mulf %get3A_2362, %mul3A_2363 : vector<16xf32>
        %add3A_2365 = arith.addf %add3A_2358, %mul3A_2364 : vector<16xf32>
        %get3A_2366 = arith.index_cast %add3A_2273 : i32 to index
        %get3A_2367 = arith.constant 32 : index
        %get3A_2368 = tpu.vector_load %arg21[%get3A_2366, %get3A_2367] {strides = array<i32>} : memref<128x96xf32, #tpu.memory_space<vmem>>, vector<1x16xf32>,
        %get3A_2369 = vector.shape_cast %get3A_2368 : vector<1x16xf32> to vector<16xf32>
        %mul3A_2370 = vector.broadcast %squeeze3A_2281 : f32 to vector<16xf32>
        %mul3A_2371 = arith.mulf %get3A_2369, %mul3A_2370 : vector<16xf32>
        %add3A_2372 = arith.addf %add3A_2365, %mul3A_2371 : vector<16xf32>
        %swap3A_2373 = arith.index_cast %add3A_2273 : i32 to index
        %swap3A_2374 = arith.constant 32 : index
        %swap3A_2375 = tpu.vector_load %arg22[%swap3A_2373, %swap3A_2374] {strides = array<i32>} : memref<128x96xf32, #tpu.memory_space<vmem>>, vector<1x16xf32>,
        %swap3A_2376 = vector.shape_cast %swap3A_2375 : vector<1x16xf32> to vector<16xf32>
        %swap3A_2377 = vector.shape_cast %add3A_2372 : vector<16xf32> to vector<1x16xf32>
        tpu.vector_store %arg22[%swap3A_2373, %swap3A_2374], %swap3A_2377 {strides = array<i32>} : memref<128x96xf32, #tpu.memory_space<vmem>>, vector<1x16xf32>,
        %get3A_2378 = arith.index_cast %add3A_2273 : i32 to index
        %get3A_2379 = arith.constant 48 : index
        %get3A_2380 = tpu.vector_load %arg18[%get3A_2378, %get3A_2379] {strides = array<i32>} : memref<128x96xf32, #tpu.memory_space<vmem>>, vector<1x16xf32>,
        %get3A_2381 = vector.shape_cast %get3A_2380 : vector<1x16xf32> to vector<16xf32>
        %mul3A_2382 = vector.broadcast %squeeze3A_2275 : f32 to vector<16xf32>
        %mul3A_2383 = arith.mulf %get3A_2381, %mul3A_2382 : vector<16xf32>
        %get3A_2384 = arith.index_cast %add3A_2273 : i32 to index
        %get3A_2385 = arith.constant 48 : index
        %get3A_2386 = tpu.vector_load %arg19[%get3A_2384, %get3A_2385] {strides = array<i32>} : memref<128x96xf32, #tpu.memory_space<vmem>>, vector<1x16xf32>,
        %get3A_2387 = vector.shape_cast %get3A_2386 : vector<1x16xf32> to vector<16xf32>
        %mul3A_2388 = vector.broadcast %squeeze3A_2277 : f32 to vector<16xf32>
        %mul3A_2389 = arith.mulf %get3A_2387, %mul3A_2388 : vector<16xf32>
        %add3A_2390 = arith.addf %mul3A_2383, %mul3A_2389 : vector<16xf32>
        %get3A_2391 = arith.index_cast %add3A_2273 : i32 to index
        %get3A_2392 = arith.constant 48 : index
        %get3A_2393 = tpu.vector_load %arg20[%get3A_2391, %get3A_2392] {strides = array<i32>} : memref<128x96xf32, #tpu.memory_space<vmem>>, vector<1x16xf32>,
        %get3A_2394 = vector.shape_cast %get3A_2393 : vector<1x16xf32> to vector<16xf32>
        %mul3A_2395 = vector.broadcast %squeeze3A_2279 : f32 to vector<16xf32>
        %mul3A_2396 = arith.mulf %get3A_2394, %mul3A_2395 : vector<16xf32>
        %add3A_2397 = arith.addf %add3A_2390, %mul3A_2396 : vector<16xf32>
        %get3A_2398 = arith.index_cast %add3A_2273 : i32 to index
        %get3A_2399 = arith.constant 48 : index
        %get3A_2400 = tpu.vector_load %arg21[%get3A_2398, %get3A_2399] {strides = array<i32>} : memref<128x96xf32, #tpu.memory_space<vmem>>, vector<1x16xf32>,
        %get3A_2401 = vector.shape_cast %get3A_2400 : vector<1x16xf32> to vector<16xf32>
        %mul3A_2402 = vector.broadcast %squeeze3A_2281 : f32 to vector<16xf32>
        %mul3A_2403 = arith.mulf %get3A_2401, %mul3A_2402 : vector<16xf32>
        %add3A_2404 = arith.addf %add3A_2397, %mul3A_2403 : vector<16xf32>
        %swap3A_2405 = arith.index_cast %add3A_2273 : i32 to index
        %swap3A_2406 = arith.constant 48 : index
        %swap3A_2407 = tpu.vector_load %arg22[%swap3A_2405, %swap3A_2406] {strides = array<i32>} : memref<128x96xf32, #tpu.memory_space<vmem>>, vector<1x16xf32>,
        %swap3A_2408 = vector.shape_cast %swap3A_2407 : vector<1x16xf32> to vector<16xf32>
        %swap3A_2409 = vector.shape_cast %add3A_2404 : vector<16xf32> to vector<1x16xf32>
        tpu.vector_store %arg22[%swap3A_2405, %swap3A_2406], %swap3A_2409 {strides = array<i32>} : memref<128x96xf32, #tpu.memory_space<vmem>>, vector<1x16xf32>,
        %get3A_2410 = arith.index_cast %add3A_2273 : i32 to index
        %get3A_2411 = arith.constant 64 : index
        %get3A_2412 = tpu.vector_load %arg18[%get3A_2410, %get3A_2411] {strides = array<i32>} : memref<128x96xf32, #tpu.memory_space<vmem>>, vector<1x16xf32>,
        %get3A_2413 = vector.shape_cast %get3A_2412 : vector<1x16xf32> to vector<16xf32>
        %mul3A_2414 = vector.broadcast %squeeze3A_2275 : f32 to vector<16xf32>
        %mul3A_2415 = arith.mulf %get3A_2413, %mul3A_2414 : vector<16xf32>
        %get3A_2416 = arith.index_cast %add3A_2273 : i32 to index
        %get3A_2417 = arith.constant 64 : index
        %get3A_2418 = tpu.vector_load %arg19[%get3A_2416, %get3A_2417] {strides = array<i32>} : memref<128x96xf32, #tpu.memory_space<vmem>>, vector<1x16xf32>,
        %get3A_2419 = vector.shape_cast %get3A_2418 : vector<1x16xf32> to vector<16xf32>
        %mul3A_2420 = vector.broadcast %squeeze3A_2277 : f32 to vector<16xf32>
        %mul3A_2421 = arith.mulf %get3A_2419, %mul3A_2420 : vector<16xf32>
        %add3A_2422 = arith.addf %mul3A_2415, %mul3A_2421 : vector<16xf32>
        %get3A_2423 = arith.index_cast %add3A_2273 : i32 to index
        %get3A_2424 = arith.constant 64 : index
        %get3A_2425 = tpu.vector_load %arg20[%get3A_2423, %get3A_2424] {strides = array<i32>} : memref<128x96xf32, #tpu.memory_space<vmem>>, vector<1x16xf32>,
        %get3A_2426 = vector.shape_cast %get3A_2425 : vector<1x16xf32> to vector<16xf32>
        %mul3A_2427 = vector.broadcast %squeeze3A_2279 : f32 to vector<16xf32>
        %mul3A_2428 = arith.mulf %get3A_2426, %mul3A_2427 : vector<16xf32>
        %add3A_2429 = arith.addf %add3A_2422, %mul3A_2428 : vector<16xf32>
        %get3A_2430 = arith.index_cast %add3A_2273 : i32 to index
        %get3A_2431 = arith.constant 64 : index
        %get3A_2432 = tpu.vector_load %arg21[%get3A_2430, %get3A_2431] {strides = array<i32>} : memref<128x96xf32, #tpu.memory_space<vmem>>, vector<1x16xf32>,
        %get3A_2433 = vector.shape_cast %get3A_2432 : vector<1x16xf32> to vector<16xf32>
        %mul3A_2434 = vector.broadcast %squeeze3A_2281 : f32 to vector<16xf32>
        %mul3A_2435 = arith.mulf %get3A_2433, %mul3A_2434 : vector<16xf32>
        %add3A_2436 = arith.addf %add3A_2429, %mul3A_2435 : vector<16xf32>
        %swap3A_2437 = arith.index_cast %add3A_2273 : i32 to index
        %swap3A_2438 = arith.constant 64 : index
        %swap3A_2439 = tpu.vector_load %arg22[%swap3A_2437, %swap3A_2438] {strides = array<i32>} : memref<128x96xf32, #tpu.memory_space<vmem>>, vector<1x16xf32>,
        %swap3A_2440 = vector.shape_cast %swap3A_2439 : vector<1x16xf32> to vector<16xf32>
        %swap3A_2441 = vector.shape_cast %add3A_2436 : vector<16xf32> to vector<1x16xf32>
        tpu.vector_store %arg22[%swap3A_2437, %swap3A_2438], %swap3A_2441 {strides = array<i32>} : memref<128x96xf32, #tpu.memory_space<vmem>>, vector<1x16xf32>,
        %get3A_2442 = arith.index_cast %add3A_2273 : i32 to index
        %get3A_2443 = arith.constant 80 : index
        %get3A_2444 = tpu.vector_load %arg18[%get3A_2442, %get3A_2443] {strides = array<i32>} : memref<128x96xf32, #tpu.memory_space<vmem>>, vector<1x16xf32>,
        %get3A_2445 = vector.shape_cast %get3A_2444 : vector<1x16xf32> to vector<16xf32>
        %mul3A_2446 = vector.broadcast %squeeze3A_2275 : f32 to vector<16xf32>
        %mul3A_2447 = arith.mulf %get3A_2445, %mul3A_2446 : vector<16xf32>
        %get3A_2448 = arith.index_cast %add3A_2273 : i32 to index
        %get3A_2449 = arith.constant 80 : index
        %get3A_2450 = tpu.vector_load %arg19[%get3A_2448, %get3A_2449] {strides = array<i32>} : memref<128x96xf32, #tpu.memory_space<vmem>>, vector<1x16xf32>,
        %get3A_2451 = vector.shape_cast %get3A_2450 : vector<1x16xf32> to vector<16xf32>
        %mul3A_2452 = vector.broadcast %squeeze3A_2277 : f32 to vector<16xf32>
        %mul3A_2453 = arith.mulf %get3A_2451, %mul3A_2452 : vector<16xf32>
        %add3A_2454 = arith.addf %mul3A_2447, %mul3A_2453 : vector<16xf32>
        %get3A_2455 = arith.index_cast %add3A_2273 : i32 to index
        %get3A_2456 = arith.constant 80 : index
        %get3A_2457 = tpu.vector_load %arg20[%get3A_2455, %get3A_2456] {strides = array<i32>} : memref<128x96xf32, #tpu.memory_space<vmem>>, vector<1x16xf32>,
        %get3A_2458 = vector.shape_cast %get3A_2457 : vector<1x16xf32> to vector<16xf32>
        %mul3A_2459 = vector.broadcast %squeeze3A_2279 : f32 to vector<16xf32>
        %mul3A_2460 = arith.mulf %get3A_2458, %mul3A_2459 : vector<16xf32>
        %add3A_2461 = arith.addf %add3A_2454, %mul3A_2460 : vector<16xf32>
        %get3A_2462 = arith.index_cast %add3A_2273 : i32 to index
        %get3A_2463 = arith.constant 80 : index
        %get3A_2464 = tpu.vector_load %arg21[%get3A_2462, %get3A_2463] {strides = array<i32>} : memref<128x96xf32, #tpu.memory_space<vmem>>, vector<1x16xf32>,
        %get3A_2465 = vector.shape_cast %get3A_2464 : vector<1x16xf32> to vector<16xf32>
        %mul3A_2466 = vector.broadcast %squeeze3A_2281 : f32 to vector<16xf32>
        %mul3A_2467 = arith.mulf %get3A_2465, %mul3A_2466 : vector<16xf32>
        %add3A_2468 = arith.addf %add3A_2461, %mul3A_2467 : vector<16xf32>
        %swap3A_2469 = arith.index_cast %add3A_2273 : i32 to index
        %swap3A_2470 = arith.constant 80 : index
        %swap3A_2471 = tpu.vector_load %arg22[%swap3A_2469, %swap3A_2470] {strides = array<i32>} : memref<128x96xf32, #tpu.memory_space<vmem>>, vector<1x16xf32>,
        %swap3A_2472 = vector.shape_cast %swap3A_2471 : vector<1x16xf32> to vector<16xf32>
        %swap3A_2473 = vector.shape_cast %add3A_2468 : vector<16xf32> to vector<1x16xf32>
        tpu.vector_store %arg22[%swap3A_2469, %swap3A_2470], %swap3A_2473 {strides = array<i32>} : memref<128x96xf32, #tpu.memory_space<vmem>>, vector<1x16xf32>,
        %add3A_2474 = arith.constant 7 : i32
        %add3A_2475 = arith.addi %mul3A_1049, %add3A_2474 : i32
        %slice3A_2476 = vector.extract_strided_slice %get3A_1052 {offsets = [7], sizes = [1], strides = [1]} : vector<16xf32> to vector<1xf32>
        %squeeze3A_2477 = vector.extract %slice3A_2476[0] : f32 from vector<1xf32>
        %slice3A_2478 = vector.extract_strided_slice %get3A_1055 {offsets = [7], sizes = [1], strides = [1]} : vector<16xf32> to vector<1xf32>
        %squeeze3A_2479 = vector.extract %slice3A_2478[0] : f32 from vector<1xf32>
        %slice3A_2480 = vector.extract_strided_slice %get3A_1058 {offsets = [7], sizes = [1], strides = [1]} : vector<16xf32> to vector<1xf32>
        %squeeze3A_2481 = vector.extract %slice3A_2480[0] : f32 from vector<1xf32>
        %slice3A_2482 = vector.extract_strided_slice %get3A_1061 {offsets = [7], sizes = [1], strides = [1]} : vector<16xf32> to vector<1xf32>
        %squeeze3A_2483 = vector.extract %slice3A_2482[0] : f32 from vector<1xf32>
        %get3A_2484 = arith.index_cast %add3A_2475 : i32 to index
        %get3A_2485 = arith.constant 0 : index
        %get3A_2486 = tpu.vector_load %arg18[%get3A_2484, %get3A_2485] {strides = array<i32>} : memref<128x96xf32, #tpu.memory_space<vmem>>, vector<1x16xf32>,
        %get3A_2487 = vector.shape_cast %get3A_2486 : vector<1x16xf32> to vector<16xf32>
        %mul3A_2488 = vector.broadcast %squeeze3A_2477 : f32 to vector<16xf32>
        %mul3A_2489 = arith.mulf %get3A_2487, %mul3A_2488 : vector<16xf32>
        %get3A_2490 = arith.index_cast %add3A_2475 : i32 to index
        %get3A_2491 = arith.constant 0 : index
        %get3A_2492 = tpu.vector_load %arg19[%get3A_2490, %get3A_2491] {strides = array<i32>} : memref<128x96xf32, #tpu.memory_space<vmem>>, vector<1x16xf32>,
        %get3A_2493 = vector.shape_cast %get3A_2492 : vector<1x16xf32> to vector<16xf32>
        %mul3A_2494 = vector.broadcast %squeeze3A_2479 : f32 to vector<16xf32>
        %mul3A_2495 = arith.mulf %get3A_2493, %mul3A_2494 : vector<16xf32>
        %add3A_2496 = arith.addf %mul3A_2489, %mul3A_2495 : vector<16xf32>
        %get3A_2497 = arith.index_cast %add3A_2475 : i32 to index
        %get3A_2498 = arith.constant 0 : index
        %get3A_2499 = tpu.vector_load %arg20[%get3A_2497, %get3A_2498] {strides = array<i32>} : memref<128x96xf32, #tpu.memory_space<vmem>>, vector<1x16xf32>,
        %get3A_2500 = vector.shape_cast %get3A_2499 : vector<1x16xf32> to vector<16xf32>
        %mul3A_2501 = vector.broadcast %squeeze3A_2481 : f32 to vector<16xf32>
        %mul3A_2502 = arith.mulf %get3A_2500, %mul3A_2501 : vector<16xf32>
        %add3A_2503 = arith.addf %add3A_2496, %mul3A_2502 : vector<16xf32>
        %get3A_2504 = arith.index_cast %add3A_2475 : i32 to index
        %get3A_2505 = arith.constant 0 : index
        %get3A_2506 = tpu.vector_load %arg21[%get3A_2504, %get3A_2505] {strides = array<i32>} : memref<128x96xf32, #tpu.memory_space<vmem>>, vector<1x16xf32>,
        %get3A_2507 = vector.shape_cast %get3A_2506 : vector<1x16xf32> to vector<16xf32>
        %mul3A_2508 = vector.broadcast %squeeze3A_2483 : f32 to vector<16xf32>
        %mul3A_2509 = arith.mulf %get3A_2507, %mul3A_2508 : vector<16xf32>
        %add3A_2510 = arith.addf %add3A_2503, %mul3A_2509 : vector<16xf32>
        %swap3A_2511 = arith.index_cast %add3A_2475 : i32 to index
        %swap3A_2512 = arith.constant 0 : index
        %swap3A_2513 = tpu.vector_load %arg22[%swap3A_2511, %swap3A_2512] {strides = array<i32>} : memref<128x96xf32, #tpu.memory_space<vmem>>, vector<1x16xf32>,
        %swap3A_2514 = vector.shape_cast %swap3A_2513 : vector<1x16xf32> to vector<16xf32>
        %swap3A_2515 = vector.shape_cast %add3A_2510 : vector<16xf32> to vector<1x16xf32>
        tpu.vector_store %arg22[%swap3A_2511, %swap3A_2512], %swap3A_2515 {strides = array<i32>} : memref<128x96xf32, #tpu.memory_space<vmem>>, vector<1x16xf32>,
        %get3A_2516 = arith.index_cast %add3A_2475 : i32 to index
        %get3A_2517 = arith.constant 16 : index
        %get3A_2518 = tpu.vector_load %arg18[%get3A_2516, %get3A_2517] {strides = array<i32>} : memref<128x96xf32, #tpu.memory_space<vmem>>, vector<1x16xf32>,
        %get3A_2519 = vector.shape_cast %get3A_2518 : vector<1x16xf32> to vector<16xf32>
        %mul3A_2520 = vector.broadcast %squeeze3A_2477 : f32 to vector<16xf32>
        %mul3A_2521 = arith.mulf %get3A_2519, %mul3A_2520 : vector<16xf32>
        %get3A_2522 = arith.index_cast %add3A_2475 : i32 to index
        %get3A_2523 = arith.constant 16 : index
        %get3A_2524 = tpu.vector_load %arg19[%get3A_2522, %get3A_2523] {strides = array<i32>} : memref<128x96xf32, #tpu.memory_space<vmem>>, vector<1x16xf32>,
        %get3A_2525 = vector.shape_cast %get3A_2524 : vector<1x16xf32> to vector<16xf32>
        %mul3A_2526 = vector.broadcast %squeeze3A_2479 : f32 to vector<16xf32>
        %mul3A_2527 = arith.mulf %get3A_2525, %mul3A_2526 : vector<16xf32>
        %add3A_2528 = arith.addf %mul3A_2521, %mul3A_2527 : vector<16xf32>
        %get3A_2529 = arith.index_cast %add3A_2475 : i32 to index
        %get3A_2530 = arith.constant 16 : index
        %get3A_2531 = tpu.vector_load %arg20[%get3A_2529, %get3A_2530] {strides = array<i32>} : memref<128x96xf32, #tpu.memory_space<vmem>>, vector<1x16xf32>,
        %get3A_2532 = vector.shape_cast %get3A_2531 : vector<1x16xf32> to vector<16xf32>
        %mul3A_2533 = vector.broadcast %squeeze3A_2481 : f32 to vector<16xf32>
        %mul3A_2534 = arith.mulf %get3A_2532, %mul3A_2533 : vector<16xf32>
        %add3A_2535 = arith.addf %add3A_2528, %mul3A_2534 : vector<16xf32>
        %get3A_2536 = arith.index_cast %add3A_2475 : i32 to index
        %get3A_2537 = arith.constant 16 : index
        %get3A_2538 = tpu.vector_load %arg21[%get3A_2536, %get3A_2537] {strides = array<i32>} : memref<128x96xf32, #tpu.memory_space<vmem>>, vector<1x16xf32>,
        %get3A_2539 = vector.shape_cast %get3A_2538 : vector<1x16xf32> to vector<16xf32>
        %mul3A_2540 = vector.broadcast %squeeze3A_2483 : f32 to vector<16xf32>
        %mul3A_2541 = arith.mulf %get3A_2539, %mul3A_2540 : vector<16xf32>
        %add3A_2542 = arith.addf %add3A_2535, %mul3A_2541 : vector<16xf32>
        %swap3A_2543 = arith.index_cast %add3A_2475 : i32 to index
        %swap3A_2544 = arith.constant 16 : index
        %swap3A_2545 = tpu.vector_load %arg22[%swap3A_2543, %swap3A_2544] {strides = array<i32>} : memref<128x96xf32, #tpu.memory_space<vmem>>, vector<1x16xf32>,
        %swap3A_2546 = vector.shape_cast %swap3A_2545 : vector<1x16xf32> to vector<16xf32>
        %swap3A_2547 = vector.shape_cast %add3A_2542 : vector<16xf32> to vector<1x16xf32>
        tpu.vector_store %arg22[%swap3A_2543, %swap3A_2544], %swap3A_2547 {strides = array<i32>} : memref<128x96xf32, #tpu.memory_space<vmem>>, vector<1x16xf32>,
        %get3A_2548 = arith.index_cast %add3A_2475 : i32 to index
        %get3A_2549 = arith.constant 32 : index
        %get3A_2550 = tpu.vector_load %arg18[%get3A_2548, %get3A_2549] {strides = array<i32>} : memref<128x96xf32, #tpu.memory_space<vmem>>, vector<1x16xf32>,
        %get3A_2551 = vector.shape_cast %get3A_2550 : vector<1x16xf32> to vector<16xf32>
        %mul3A_2552 = vector.broadcast %squeeze3A_2477 : f32 to vector<16xf32>
        %mul3A_2553 = arith.mulf %get3A_2551, %mul3A_2552 : vector<16xf32>
        %get3A_2554 = arith.index_cast %add3A_2475 : i32 to index
        %get3A_2555 = arith.constant 32 : index
        %get3A_2556 = tpu.vector_load %arg19[%get3A_2554, %get3A_2555] {strides = array<i32>} : memref<128x96xf32, #tpu.memory_space<vmem>>, vector<1x16xf32>,
        %get3A_2557 = vector.shape_cast %get3A_2556 : vector<1x16xf32> to vector<16xf32>
        %mul3A_2558 = vector.broadcast %squeeze3A_2479 : f32 to vector<16xf32>
        %mul3A_2559 = arith.mulf %get3A_2557, %mul3A_2558 : vector<16xf32>
        %add3A_2560 = arith.addf %mul3A_2553, %mul3A_2559 : vector<16xf32>
        %get3A_2561 = arith.index_cast %add3A_2475 : i32 to index
        %get3A_2562 = arith.constant 32 : index
        %get3A_2563 = tpu.vector_load %arg20[%get3A_2561, %get3A_2562] {strides = array<i32>} : memref<128x96xf32, #tpu.memory_space<vmem>>, vector<1x16xf32>,
        %get3A_2564 = vector.shape_cast %get3A_2563 : vector<1x16xf32> to vector<16xf32>
        %mul3A_2565 = vector.broadcast %squeeze3A_2481 : f32 to vector<16xf32>
        %mul3A_2566 = arith.mulf %get3A_2564, %mul3A_2565 : vector<16xf32>
        %add3A_2567 = arith.addf %add3A_2560, %mul3A_2566 : vector<16xf32>
        %get3A_2568 = arith.index_cast %add3A_2475 : i32 to index
        %get3A_2569 = arith.constant 32 : index
        %get3A_2570 = tpu.vector_load %arg21[%get3A_2568, %get3A_2569] {strides = array<i32>} : memref<128x96xf32, #tpu.memory_space<vmem>>, vector<1x16xf32>,
        %get3A_2571 = vector.shape_cast %get3A_2570 : vector<1x16xf32> to vector<16xf32>
        %mul3A_2572 = vector.broadcast %squeeze3A_2483 : f32 to vector<16xf32>
        %mul3A_2573 = arith.mulf %get3A_2571, %mul3A_2572 : vector<16xf32>
        %add3A_2574 = arith.addf %add3A_2567, %mul3A_2573 : vector<16xf32>
        %swap3A_2575 = arith.index_cast %add3A_2475 : i32 to index
        %swap3A_2576 = arith.constant 32 : index
        %swap3A_2577 = tpu.vector_load %arg22[%swap3A_2575, %swap3A_2576] {strides = array<i32>} : memref<128x96xf32, #tpu.memory_space<vmem>>, vector<1x16xf32>,
        %swap3A_2578 = vector.shape_cast %swap3A_2577 : vector<1x16xf32> to vector<16xf32>
        %swap3A_2579 = vector.shape_cast %add3A_2574 : vector<16xf32> to vector<1x16xf32>
        tpu.vector_store %arg22[%swap3A_2575, %swap3A_2576], %swap3A_2579 {strides = array<i32>} : memref<128x96xf32, #tpu.memory_space<vmem>>, vector<1x16xf32>,
        %get3A_2580 = arith.index_cast %add3A_2475 : i32 to index
        %get3A_2581 = arith.constant 48 : index
        %get3A_2582 = tpu.vector_load %arg18[%get3A_2580, %get3A_2581] {strides = array<i32>} : memref<128x96xf32, #tpu.memory_space<vmem>>, vector<1x16xf32>,
        %get3A_2583 = vector.shape_cast %get3A_2582 : vector<1x16xf32> to vector<16xf32>
        %mul3A_2584 = vector.broadcast %squeeze3A_2477 : f32 to vector<16xf32>
        %mul3A_2585 = arith.mulf %get3A_2583, %mul3A_2584 : vector<16xf32>
        %get3A_2586 = arith.index_cast %add3A_2475 : i32 to index
        %get3A_2587 = arith.constant 48 : index
        %get3A_2588 = tpu.vector_load %arg19[%get3A_2586, %get3A_2587] {strides = array<i32>} : memref<128x96xf32, #tpu.memory_space<vmem>>, vector<1x16xf32>,
        %get3A_2589 = vector.shape_cast %get3A_2588 : vector<1x16xf32> to vector<16xf32>
        %mul3A_2590 = vector.broadcast %squeeze3A_2479 : f32 to vector<16xf32>
        %mul3A_2591 = arith.mulf %get3A_2589, %mul3A_2590 : vector<16xf32>
        %add3A_2592 = arith.addf %mul3A_2585, %mul3A_2591 : vector<16xf32>
        %get3A_2593 = arith.index_cast %add3A_2475 : i32 to index
        %get3A_2594 = arith.constant 48 : index
        %get3A_2595 = tpu.vector_load %arg20[%get3A_2593, %get3A_2594] {strides = array<i32>} : memref<128x96xf32, #tpu.memory_space<vmem>>, vector<1x16xf32>,
        %get3A_2596 = vector.shape_cast %get3A_2595 : vector<1x16xf32> to vector<16xf32>
        %mul3A_2597 = vector.broadcast %squeeze3A_2481 : f32 to vector<16xf32>
        %mul3A_2598 = arith.mulf %get3A_2596, %mul3A_2597 : vector<16xf32>
        %add3A_2599 = arith.addf %add3A_2592, %mul3A_2598 : vector<16xf32>
        %get3A_2600 = arith.index_cast %add3A_2475 : i32 to index
        %get3A_2601 = arith.constant 48 : index
        %get3A_2602 = tpu.vector_load %arg21[%get3A_2600, %get3A_2601] {strides = array<i32>} : memref<128x96xf32, #tpu.memory_space<vmem>>, vector<1x16xf32>,
        %get3A_2603 = vector.shape_cast %get3A_2602 : vector<1x16xf32> to vector<16xf32>
        %mul3A_2604 = vector.broadcast %squeeze3A_2483 : f32 to vector<16xf32>
        %mul3A_2605 = arith.mulf %get3A_2603, %mul3A_2604 : vector<16xf32>
        %add3A_2606 = arith.addf %add3A_2599, %mul3A_2605 : vector<16xf32>
        %swap3A_2607 = arith.index_cast %add3A_2475 : i32 to index
        %swap3A_2608 = arith.constant 48 : index
        %swap3A_2609 = tpu.vector_load %arg22[%swap3A_2607, %swap3A_2608] {strides = array<i32>} : memref<128x96xf32, #tpu.memory_space<vmem>>, vector<1x16xf32>,
        %swap3A_2610 = vector.shape_cast %swap3A_2609 : vector<1x16xf32> to vector<16xf32>
        %swap3A_2611 = vector.shape_cast %add3A_2606 : vector<16xf32> to vector<1x16xf32>
        tpu.vector_store %arg22[%swap3A_2607, %swap3A_2608], %swap3A_2611 {strides = array<i32>} : memref<128x96xf32, #tpu.memory_space<vmem>>, vector<1x16xf32>,
        %get3A_2612 = arith.index_cast %add3A_2475 : i32 to index
        %get3A_2613 = arith.constant 64 : index
        %get3A_2614 = tpu.vector_load %arg18[%get3A_2612, %get3A_2613] {strides = array<i32>} : memref<128x96xf32, #tpu.memory_space<vmem>>, vector<1x16xf32>,
        %get3A_2615 = vector.shape_cast %get3A_2614 : vector<1x16xf32> to vector<16xf32>
        %mul3A_2616 = vector.broadcast %squeeze3A_2477 : f32 to vector<16xf32>
        %mul3A_2617 = arith.mulf %get3A_2615, %mul3A_2616 : vector<16xf32>
        %get3A_2618 = arith.index_cast %add3A_2475 : i32 to index
        %get3A_2619 = arith.constant 64 : index
        %get3A_2620 = tpu.vector_load %arg19[%get3A_2618, %get3A_2619] {strides = array<i32>} : memref<128x96xf32, #tpu.memory_space<vmem>>, vector<1x16xf32>,
        %get3A_2621 = vector.shape_cast %get3A_2620 : vector<1x16xf32> to vector<16xf32>
        %mul3A_2622 = vector.broadcast %squeeze3A_2479 : f32 to vector<16xf32>
        %mul3A_2623 = arith.mulf %get3A_2621, %mul3A_2622 : vector<16xf32>
        %add3A_2624 = arith.addf %mul3A_2617, %mul3A_2623 : vector<16xf32>
        %get3A_2625 = arith.index_cast %add3A_2475 : i32 to index
        %get3A_2626 = arith.constant 64 : index
        %get3A_2627 = tpu.vector_load %arg20[%get3A_2625, %get3A_2626] {strides = array<i32>} : memref<128x96xf32, #tpu.memory_space<vmem>>, vector<1x16xf32>,
        %get3A_2628 = vector.shape_cast %get3A_2627 : vector<1x16xf32> to vector<16xf32>
        %mul3A_2629 = vector.broadcast %squeeze3A_2481 : f32 to vector<16xf32>
        %mul3A_2630 = arith.mulf %get3A_2628, %mul3A_2629 : vector<16xf32>
        %add3A_2631 = arith.addf %add3A_2624, %mul3A_2630 : vector<16xf32>
        %get3A_2632 = arith.index_cast %add3A_2475 : i32 to index
        %get3A_2633 = arith.constant 64 : index
        %get3A_2634 = tpu.vector_load %arg21[%get3A_2632, %get3A_2633] {strides = array<i32>} : memref<128x96xf32, #tpu.memory_space<vmem>>, vector<1x16xf32>,
        %get3A_2635 = vector.shape_cast %get3A_2634 : vector<1x16xf32> to vector<16xf32>
        %mul3A_2636 = vector.broadcast %squeeze3A_2483 : f32 to vector<16xf32>
        %mul3A_2637 = arith.mulf %get3A_2635, %mul3A_2636 : vector<16xf32>
        %add3A_2638 = arith.addf %add3A_2631, %mul3A_2637 : vector<16xf32>
        %swap3A_2639 = arith.index_cast %add3A_2475 : i32 to index
        %swap3A_2640 = arith.constant 64 : index
        %swap3A_2641 = tpu.vector_load %arg22[%swap3A_2639, %swap3A_2640] {strides = array<i32>} : memref<128x96xf32, #tpu.memory_space<vmem>>, vector<1x16xf32>,
        %swap3A_2642 = vector.shape_cast %swap3A_2641 : vector<1x16xf32> to vector<16xf32>
        %swap3A_2643 = vector.shape_cast %add3A_2638 : vector<16xf32> to vector<1x16xf32>
        tpu.vector_store %arg22[%swap3A_2639, %swap3A_2640], %swap3A_2643 {strides = array<i32>} : memref<128x96xf32, #tpu.memory_space<vmem>>, vector<1x16xf32>,
        %get3A_2644 = arith.index_cast %add3A_2475 : i32 to index
        %get3A_2645 = arith.constant 80 : index
        %get3A_2646 = tpu.vector_load %arg18[%get3A_2644, %get3A_2645] {strides = array<i32>} : memref<128x96xf32, #tpu.memory_space<vmem>>, vector<1x16xf32>,
        %get3A_2647 = vector.shape_cast %get3A_2646 : vector<1x16xf32> to vector<16xf32>
        %mul3A_2648 = vector.broadcast %squeeze3A_2477 : f32 to vector<16xf32>
        %mul3A_2649 = arith.mulf %get3A_2647, %mul3A_2648 : vector<16xf32>
        %get3A_2650 = arith.index_cast %add3A_2475 : i32 to index
        %get3A_2651 = arith.constant 80 : index
        %get3A_2652 = tpu.vector_load %arg19[%get3A_2650, %get3A_2651] {strides = array<i32>} : memref<128x96xf32, #tpu.memory_space<vmem>>, vector<1x16xf32>,
        %get3A_2653 = vector.shape_cast %get3A_2652 : vector<1x16xf32> to vector<16xf32>
        %mul3A_2654 = vector.broadcast %squeeze3A_2479 : f32 to vector<16xf32>
        %mul3A_2655 = arith.mulf %get3A_2653, %mul3A_2654 : vector<16xf32>
        %add3A_2656 = arith.addf %mul3A_2649, %mul3A_2655 : vector<16xf32>
        %get3A_2657 = arith.index_cast %add3A_2475 : i32 to index
        %get3A_2658 = arith.constant 80 : index
        %get3A_2659 = tpu.vector_load %arg20[%get3A_2657, %get3A_2658] {strides = array<i32>} : memref<128x96xf32, #tpu.memory_space<vmem>>, vector<1x16xf32>,
        %get3A_2660 = vector.shape_cast %get3A_2659 : vector<1x16xf32> to vector<16xf32>
        %mul3A_2661 = vector.broadcast %squeeze3A_2481 : f32 to vector<16xf32>
        %mul3A_2662 = arith.mulf %get3A_2660, %mul3A_2661 : vector<16xf32>
        %add3A_2663 = arith.addf %add3A_2656, %mul3A_2662 : vector<16xf32>
        %get3A_2664 = arith.index_cast %add3A_2475 : i32 to index
        %get3A_2665 = arith.constant 80 : index
        %get3A_2666 = tpu.vector_load %arg21[%get3A_2664, %get3A_2665] {strides = array<i32>} : memref<128x96xf32, #tpu.memory_space<vmem>>, vector<1x16xf32>,
        %get3A_2667 = vector.shape_cast %get3A_2666 : vector<1x16xf32> to vector<16xf32>
        %mul3A_2668 = vector.broadcast %squeeze3A_2483 : f32 to vector<16xf32>
        %mul3A_2669 = arith.mulf %get3A_2667, %mul3A_2668 : vector<16xf32>
        %add3A_2670 = arith.addf %add3A_2663, %mul3A_2669 : vector<16xf32>
        %swap3A_2671 = arith.index_cast %add3A_2475 : i32 to index
        %swap3A_2672 = arith.constant 80 : index
        %swap3A_2673 = tpu.vector_load %arg22[%swap3A_2671, %swap3A_2672] {strides = array<i32>} : memref<128x96xf32, #tpu.memory_space<vmem>>, vector<1x16xf32>,
        %swap3A_2674 = vector.shape_cast %swap3A_2673 : vector<1x16xf32> to vector<16xf32>
        %swap3A_2675 = vector.shape_cast %add3A_2670 : vector<16xf32> to vector<1x16xf32>
        tpu.vector_store %arg22[%swap3A_2671, %swap3A_2672], %swap3A_2675 {strides = array<i32>} : memref<128x96xf32, #tpu.memory_space<vmem>>, vector<1x16xf32>,
        %add3A_2676 = arith.constant 8 : i32
        %add3A_2677 = arith.addi %mul3A_1049, %add3A_2676 : i32
        %slice3A_2678 = vector.extract_strided_slice %get3A_1052 {offsets = [8], sizes = [1], strides = [1]} : vector<16xf32> to vector<1xf32>
        %squeeze3A_2679 = vector.extract %slice3A_2678[0] : f32 from vector<1xf32>
        %slice3A_2680 = vector.extract_strided_slice %get3A_1055 {offsets = [8], sizes = [1], strides = [1]} : vector<16xf32> to vector<1xf32>
        %squeeze3A_2681 = vector.extract %slice3A_2680[0] : f32 from vector<1xf32>
        %slice3A_2682 = vector.extract_strided_slice %get3A_1058 {offsets = [8], sizes = [1], strides = [1]} : vector<16xf32> to vector<1xf32>
        %squeeze3A_2683 = vector.extract %slice3A_2682[0] : f32 from vector<1xf32>
        %slice3A_2684 = vector.extract_strided_slice %get3A_1061 {offsets = [8], sizes = [1], strides = [1]} : vector<16xf32> to vector<1xf32>
        %squeeze3A_2685 = vector.extract %slice3A_2684[0] : f32 from vector<1xf32>
        %get3A_2686 = arith.index_cast %add3A_2677 : i32 to index
        %get3A_2687 = arith.constant 0 : index
        %get3A_2688 = tpu.vector_load %arg18[%get3A_2686, %get3A_2687] {strides = array<i32>} : memref<128x96xf32, #tpu.memory_space<vmem>>, vector<1x16xf32>,
        %get3A_2689 = vector.shape_cast %get3A_2688 : vector<1x16xf32> to vector<16xf32>
        %mul3A_2690 = vector.broadcast %squeeze3A_2679 : f32 to vector<16xf32>
        %mul3A_2691 = arith.mulf %get3A_2689, %mul3A_2690 : vector<16xf32>
        %get3A_2692 = arith.index_cast %add3A_2677 : i32 to index
        %get3A_2693 = arith.constant 0 : index
        %get3A_2694 = tpu.vector_load %arg19[%get3A_2692, %get3A_2693] {strides = array<i32>} : memref<128x96xf32, #tpu.memory_space<vmem>>, vector<1x16xf32>,
        %get3A_2695 = vector.shape_cast %get3A_2694 : vector<1x16xf32> to vector<16xf32>
        %mul3A_2696 = vector.broadcast %squeeze3A_2681 : f32 to vector<16xf32>
        %mul3A_2697 = arith.mulf %get3A_2695, %mul3A_2696 : vector<16xf32>
        %add3A_2698 = arith.addf %mul3A_2691, %mul3A_2697 : vector<16xf32>
        %get3A_2699 = arith.index_cast %add3A_2677 : i32 to index
        %get3A_2700 = arith.constant 0 : index
        %get3A_2701 = tpu.vector_load %arg20[%get3A_2699, %get3A_2700] {strides = array<i32>} : memref<128x96xf32, #tpu.memory_space<vmem>>, vector<1x16xf32>,
        %get3A_2702 = vector.shape_cast %get3A_2701 : vector<1x16xf32> to vector<16xf32>
        %mul3A_2703 = vector.broadcast %squeeze3A_2683 : f32 to vector<16xf32>
        %mul3A_2704 = arith.mulf %get3A_2702, %mul3A_2703 : vector<16xf32>
        %add3A_2705 = arith.addf %add3A_2698, %mul3A_2704 : vector<16xf32>
        %get3A_2706 = arith.index_cast %add3A_2677 : i32 to index
        %get3A_2707 = arith.constant 0 : index
        %get3A_2708 = tpu.vector_load %arg21[%get3A_2706, %get3A_2707] {strides = array<i32>} : memref<128x96xf32, #tpu.memory_space<vmem>>, vector<1x16xf32>,
        %get3A_2709 = vector.shape_cast %get3A_2708 : vector<1x16xf32> to vector<16xf32>
        %mul3A_2710 = vector.broadcast %squeeze3A_2685 : f32 to vector<16xf32>
        %mul3A_2711 = arith.mulf %get3A_2709, %mul3A_2710 : vector<16xf32>
        %add3A_2712 = arith.addf %add3A_2705, %mul3A_2711 : vector<16xf32>
        %swap3A_2713 = arith.index_cast %add3A_2677 : i32 to index
        %swap3A_2714 = arith.constant 0 : index
        %swap3A_2715 = tpu.vector_load %arg22[%swap3A_2713, %swap3A_2714] {strides = array<i32>} : memref<128x96xf32, #tpu.memory_space<vmem>>, vector<1x16xf32>,
        %swap3A_2716 = vector.shape_cast %swap3A_2715 : vector<1x16xf32> to vector<16xf32>
        %swap3A_2717 = vector.shape_cast %add3A_2712 : vector<16xf32> to vector<1x16xf32>
        tpu.vector_store %arg22[%swap3A_2713, %swap3A_2714], %swap3A_2717 {strides = array<i32>} : memref<128x96xf32, #tpu.memory_space<vmem>>, vector<1x16xf32>,
        %get3A_2718 = arith.index_cast %add3A_2677 : i32 to index
        %get3A_2719 = arith.constant 16 : index
        %get3A_2720 = tpu.vector_load %arg18[%get3A_2718, %get3A_2719] {strides = array<i32>} : memref<128x96xf32, #tpu.memory_space<vmem>>, vector<1x16xf32>,
        %get3A_2721 = vector.shape_cast %get3A_2720 : vector<1x16xf32> to vector<16xf32>
        %mul3A_2722 = vector.broadcast %squeeze3A_2679 : f32 to vector<16xf32>
        %mul3A_2723 = arith.mulf %get3A_2721, %mul3A_2722 : vector<16xf32>
        %get3A_2724 = arith.index_cast %add3A_2677 : i32 to index
        %get3A_2725 = arith.constant 16 : index
        %get3A_2726 = tpu.vector_load %arg19[%get3A_2724, %get3A_2725] {strides = array<i32>} : memref<128x96xf32, #tpu.memory_space<vmem>>, vector<1x16xf32>,
        %get3A_2727 = vector.shape_cast %get3A_2726 : vector<1x16xf32> to vector<16xf32>
        %mul3A_2728 = vector.broadcast %squeeze3A_2681 : f32 to vector<16xf32>
        %mul3A_2729 = arith.mulf %get3A_2727, %mul3A_2728 : vector<16xf32>
        %add3A_2730 = arith.addf %mul3A_2723, %mul3A_2729 : vector<16xf32>
        %get3A_2731 = arith.index_cast %add3A_2677 : i32 to index
        %get3A_2732 = arith.constant 16 : index
        %get3A_2733 = tpu.vector_load %arg20[%get3A_2731, %get3A_2732] {strides = array<i32>} : memref<128x96xf32, #tpu.memory_space<vmem>>, vector<1x16xf32>,
        %get3A_2734 = vector.shape_cast %get3A_2733 : vector<1x16xf32> to vector<16xf32>
        %mul3A_2735 = vector.broadcast %squeeze3A_2683 : f32 to vector<16xf32>
        %mul3A_2736 = arith.mulf %get3A_2734, %mul3A_2735 : vector<16xf32>
        %add3A_2737 = arith.addf %add3A_2730, %mul3A_2736 : vector<16xf32>
        %get3A_2738 = arith.index_cast %add3A_2677 : i32 to index
        %get3A_2739 = arith.constant 16 : index
        %get3A_2740 = tpu.vector_load %arg21[%get3A_2738, %get3A_2739] {strides = array<i32>} : memref<128x96xf32, #tpu.memory_space<vmem>>, vector<1x16xf32>,
        %get3A_2741 = vector.shape_cast %get3A_2740 : vector<1x16xf32> to vector<16xf32>
        %mul3A_2742 = vector.broadcast %squeeze3A_2685 : f32 to vector<16xf32>
        %mul3A_2743 = arith.mulf %get3A_2741, %mul3A_2742 : vector<16xf32>
        %add3A_2744 = arith.addf %add3A_2737, %mul3A_2743 : vector<16xf32>
        %swap3A_2745 = arith.index_cast %add3A_2677 : i32 to index
        %swap3A_2746 = arith.constant 16 : index
        %swap3A_2747 = tpu.vector_load %arg22[%swap3A_2745, %swap3A_2746] {strides = array<i32>} : memref<128x96xf32, #tpu.memory_space<vmem>>, vector<1x16xf32>,
        %swap3A_2748 = vector.shape_cast %swap3A_2747 : vector<1x16xf32> to vector<16xf32>
        %swap3A_2749 = vector.shape_cast %add3A_2744 : vector<16xf32> to vector<1x16xf32>
        tpu.vector_store %arg22[%swap3A_2745, %swap3A_2746], %swap3A_2749 {strides = array<i32>} : memref<128x96xf32, #tpu.memory_space<vmem>>, vector<1x16xf32>,
        %get3A_2750 = arith.index_cast %add3A_2677 : i32 to index
        %get3A_2751 = arith.constant 32 : index
        %get3A_2752 = tpu.vector_load %arg18[%get3A_2750, %get3A_2751] {strides = array<i32>} : memref<128x96xf32, #tpu.memory_space<vmem>>, vector<1x16xf32>,
        %get3A_2753 = vector.shape_cast %get3A_2752 : vector<1x16xf32> to vector<16xf32>
        %mul3A_2754 = vector.broadcast %squeeze3A_2679 : f32 to vector<16xf32>
        %mul3A_2755 = arith.mulf %get3A_2753, %mul3A_2754 : vector<16xf32>
        %get3A_2756 = arith.index_cast %add3A_2677 : i32 to index
        %get3A_2757 = arith.constant 32 : index
        %get3A_2758 = tpu.vector_load %arg19[%get3A_2756, %get3A_2757] {strides = array<i32>} : memref<128x96xf32, #tpu.memory_space<vmem>>, vector<1x16xf32>,
        %get3A_2759 = vector.shape_cast %get3A_2758 : vector<1x16xf32> to vector<16xf32>
        %mul3A_2760 = vector.broadcast %squeeze3A_2681 : f32 to vector<16xf32>
        %mul3A_2761 = arith.mulf %get3A_2759, %mul3A_2760 : vector<16xf32>
        %add3A_2762 = arith.addf %mul3A_2755, %mul3A_2761 : vector<16xf32>
        %get3A_2763 = arith.index_cast %add3A_2677 : i32 to index
        %get3A_2764 = arith.constant 32 : index
        %get3A_2765 = tpu.vector_load %arg20[%get3A_2763, %get3A_2764] {strides = array<i32>} : memref<128x96xf32, #tpu.memory_space<vmem>>, vector<1x16xf32>,
        %get3A_2766 = vector.shape_cast %get3A_2765 : vector<1x16xf32> to vector<16xf32>
        %mul3A_2767 = vector.broadcast %squeeze3A_2683 : f32 to vector<16xf32>
        %mul3A_2768 = arith.mulf %get3A_2766, %mul3A_2767 : vector<16xf32>
        %add3A_2769 = arith.addf %add3A_2762, %mul3A_2768 : vector<16xf32>
        %get3A_2770 = arith.index_cast %add3A_2677 : i32 to index
        %get3A_2771 = arith.constant 32 : index
        %get3A_2772 = tpu.vector_load %arg21[%get3A_2770, %get3A_2771] {strides = array<i32>} : memref<128x96xf32, #tpu.memory_space<vmem>>, vector<1x16xf32>,
        %get3A_2773 = vector.shape_cast %get3A_2772 : vector<1x16xf32> to vector<16xf32>
        %mul3A_2774 = vector.broadcast %squeeze3A_2685 : f32 to vector<16xf32>
        %mul3A_2775 = arith.mulf %get3A_2773, %mul3A_2774 : vector<16xf32>
        %add3A_2776 = arith.addf %add3A_2769, %mul3A_2775 : vector<16xf32>
        %swap3A_2777 = arith.index_cast %add3A_2677 : i32 to index
        %swap3A_2778 = arith.constant 32 : index
        %swap3A_2779 = tpu.vector_load %arg22[%swap3A_2777, %swap3A_2778] {strides = array<i32>} : memref<128x96xf32, #tpu.memory_space<vmem>>, vector<1x16xf32>,
        %swap3A_2780 = vector.shape_cast %swap3A_2779 : vector<1x16xf32> to vector<16xf32>
        %swap3A_2781 = vector.shape_cast %add3A_2776 : vector<16xf32> to vector<1x16xf32>
        tpu.vector_store %arg22[%swap3A_2777, %swap3A_2778], %swap3A_2781 {strides = array<i32>} : memref<128x96xf32, #tpu.memory_space<vmem>>, vector<1x16xf32>,
        %get3A_2782 = arith.index_cast %add3A_2677 : i32 to index
        %get3A_2783 = arith.constant 48 : index
        %get3A_2784 = tpu.vector_load %arg18[%get3A_2782, %get3A_2783] {strides = array<i32>} : memref<128x96xf32, #tpu.memory_space<vmem>>, vector<1x16xf32>,
        %get3A_2785 = vector.shape_cast %get3A_2784 : vector<1x16xf32> to vector<16xf32>
        %mul3A_2786 = vector.broadcast %squeeze3A_2679 : f32 to vector<16xf32>
        %mul3A_2787 = arith.mulf %get3A_2785, %mul3A_2786 : vector<16xf32>
        %get3A_2788 = arith.index_cast %add3A_2677 : i32 to index
        %get3A_2789 = arith.constant 48 : index
        %get3A_2790 = tpu.vector_load %arg19[%get3A_2788, %get3A_2789] {strides = array<i32>} : memref<128x96xf32, #tpu.memory_space<vmem>>, vector<1x16xf32>,
        %get3A_2791 = vector.shape_cast %get3A_2790 : vector<1x16xf32> to vector<16xf32>
        %mul3A_2792 = vector.broadcast %squeeze3A_2681 : f32 to vector<16xf32>
        %mul3A_2793 = arith.mulf %get3A_2791, %mul3A_2792 : vector<16xf32>
        %add3A_2794 = arith.addf %mul3A_2787, %mul3A_2793 : vector<16xf32>
        %get3A_2795 = arith.index_cast %add3A_2677 : i32 to index
        %get3A_2796 = arith.constant 48 : index
        %get3A_2797 = tpu.vector_load %arg20[%get3A_2795, %get3A_2796] {strides = array<i32>} : memref<128x96xf32, #tpu.memory_space<vmem>>, vector<1x16xf32>,
        %get3A_2798 = vector.shape_cast %get3A_2797 : vector<1x16xf32> to vector<16xf32>
        %mul3A_2799 = vector.broadcast %squeeze3A_2683 : f32 to vector<16xf32>
        %mul3A_2800 = arith.mulf %get3A_2798, %mul3A_2799 : vector<16xf32>
        %add3A_2801 = arith.addf %add3A_2794, %mul3A_2800 : vector<16xf32>
        %get3A_2802 = arith.index_cast %add3A_2677 : i32 to index
        %get3A_2803 = arith.constant 48 : index
        %get3A_2804 = tpu.vector_load %arg21[%get3A_2802, %get3A_2803] {strides = array<i32>} : memref<128x96xf32, #tpu.memory_space<vmem>>, vector<1x16xf32>,
        %get3A_2805 = vector.shape_cast %get3A_2804 : vector<1x16xf32> to vector<16xf32>
        %mul3A_2806 = vector.broadcast %squeeze3A_2685 : f32 to vector<16xf32>
        %mul3A_2807 = arith.mulf %get3A_2805, %mul3A_2806 : vector<16xf32>
        %add3A_2808 = arith.addf %add3A_2801, %mul3A_2807 : vector<16xf32>
        %swap3A_2809 = arith.index_cast %add3A_2677 : i32 to index
        %swap3A_2810 = arith.constant 48 : index
        %swap3A_2811 = tpu.vector_load %arg22[%swap3A_2809, %swap3A_2810] {strides = array<i32>} : memref<128x96xf32, #tpu.memory_space<vmem>>, vector<1x16xf32>,
        %swap3A_2812 = vector.shape_cast %swap3A_2811 : vector<1x16xf32> to vector<16xf32>
        %swap3A_2813 = vector.shape_cast %add3A_2808 : vector<16xf32> to vector<1x16xf32>
        tpu.vector_store %arg22[%swap3A_2809, %swap3A_2810], %swap3A_2813 {strides = array<i32>} : memref<128x96xf32, #tpu.memory_space<vmem>>, vector<1x16xf32>,
        %get3A_2814 = arith.index_cast %add3A_2677 : i32 to index
        %get3A_2815 = arith.constant 64 : index
        %get3A_2816 = tpu.vector_load %arg18[%get3A_2814, %get3A_2815] {strides = array<i32>} : memref<128x96xf32, #tpu.memory_space<vmem>>, vector<1x16xf32>,
        %get3A_2817 = vector.shape_cast %get3A_2816 : vector<1x16xf32> to vector<16xf32>
        %mul3A_2818 = vector.broadcast %squeeze3A_2679 : f32 to vector<16xf32>
        %mul3A_2819 = arith.mulf %get3A_2817, %mul3A_2818 : vector<16xf32>
        %get3A_2820 = arith.index_cast %add3A_2677 : i32 to index
        %get3A_2821 = arith.constant 64 : index
        %get3A_2822 = tpu.vector_load %arg19[%get3A_2820, %get3A_2821] {strides = array<i32>} : memref<128x96xf32, #tpu.memory_space<vmem>>, vector<1x16xf32>,
        %get3A_2823 = vector.shape_cast %get3A_2822 : vector<1x16xf32> to vector<16xf32>
        %mul3A_2824 = vector.broadcast %squeeze3A_2681 : f32 to vector<16xf32>
        %mul3A_2825 = arith.mulf %get3A_2823, %mul3A_2824 : vector<16xf32>
        %add3A_2826 = arith.addf %mul3A_2819, %mul3A_2825 : vector<16xf32>
        %get3A_2827 = arith.index_cast %add3A_2677 : i32 to index
        %get3A_2828 = arith.constant 64 : index
        %get3A_2829 = tpu.vector_load %arg20[%get3A_2827, %get3A_2828] {strides = array<i32>} : memref<128x96xf32, #tpu.memory_space<vmem>>, vector<1x16xf32>,
        %get3A_2830 = vector.shape_cast %get3A_2829 : vector<1x16xf32> to vector<16xf32>
        %mul3A_2831 = vector.broadcast %squeeze3A_2683 : f32 to vector<16xf32>
        %mul3A_2832 = arith.mulf %get3A_2830, %mul3A_2831 : vector<16xf32>
        %add3A_2833 = arith.addf %add3A_2826, %mul3A_2832 : vector<16xf32>
        %get3A_2834 = arith.index_cast %add3A_2677 : i32 to index
        %get3A_2835 = arith.constant 64 : index
        %get3A_2836 = tpu.vector_load %arg21[%get3A_2834, %get3A_2835] {strides = array<i32>} : memref<128x96xf32, #tpu.memory_space<vmem>>, vector<1x16xf32>,
        %get3A_2837 = vector.shape_cast %get3A_2836 : vector<1x16xf32> to vector<16xf32>
        %mul3A_2838 = vector.broadcast %squeeze3A_2685 : f32 to vector<16xf32>
        %mul3A_2839 = arith.mulf %get3A_2837, %mul3A_2838 : vector<16xf32>
        %add3A_2840 = arith.addf %add3A_2833, %mul3A_2839 : vector<16xf32>
        %swap3A_2841 = arith.index_cast %add3A_2677 : i32 to index
        %swap3A_2842 = arith.constant 64 : index
        %swap3A_2843 = tpu.vector_load %arg22[%swap3A_2841, %swap3A_2842] {strides = array<i32>} : memref<128x96xf32, #tpu.memory_space<vmem>>, vector<1x16xf32>,
        %swap3A_2844 = vector.shape_cast %swap3A_2843 : vector<1x16xf32> to vector<16xf32>
        %swap3A_2845 = vector.shape_cast %add3A_2840 : vector<16xf32> to vector<1x16xf32>
        tpu.vector_store %arg22[%swap3A_2841, %swap3A_2842], %swap3A_2845 {strides = array<i32>} : memref<128x96xf32, #tpu.memory_space<vmem>>, vector<1x16xf32>,
        %get3A_2846 = arith.index_cast %add3A_2677 : i32 to index
        %get3A_2847 = arith.constant 80 : index
        %get3A_2848 = tpu.vector_load %arg18[%get3A_2846, %get3A_2847] {strides = array<i32>} : memref<128x96xf32, #tpu.memory_space<vmem>>, vector<1x16xf32>,
        %get3A_2849 = vector.shape_cast %get3A_2848 : vector<1x16xf32> to vector<16xf32>
        %mul3A_2850 = vector.broadcast %squeeze3A_2679 : f32 to vector<16xf32>
        %mul3A_2851 = arith.mulf %get3A_2849, %mul3A_2850 : vector<16xf32>
        %get3A_2852 = arith.index_cast %add3A_2677 : i32 to index
        %get3A_2853 = arith.constant 80 : index
        %get3A_2854 = tpu.vector_load %arg19[%get3A_2852, %get3A_2853] {strides = array<i32>} : memref<128x96xf32, #tpu.memory_space<vmem>>, vector<1x16xf32>,
        %get3A_2855 = vector.shape_cast %get3A_2854 : vector<1x16xf32> to vector<16xf32>
        %mul3A_2856 = vector.broadcast %squeeze3A_2681 : f32 to vector<16xf32>
        %mul3A_2857 = arith.mulf %get3A_2855, %mul3A_2856 : vector<16xf32>
        %add3A_2858 = arith.addf %mul3A_2851, %mul3A_2857 : vector<16xf32>
        %get3A_2859 = arith.index_cast %add3A_2677 : i32 to index
        %get3A_2860 = arith.constant 80 : index
        %get3A_2861 = tpu.vector_load %arg20[%get3A_2859, %get3A_2860] {strides = array<i32>} : memref<128x96xf32, #tpu.memory_space<vmem>>, vector<1x16xf32>,
        %get3A_2862 = vector.shape_cast %get3A_2861 : vector<1x16xf32> to vector<16xf32>
        %mul3A_2863 = vector.broadcast %squeeze3A_2683 : f32 to vector<16xf32>
        %mul3A_2864 = arith.mulf %get3A_2862, %mul3A_2863 : vector<16xf32>
        %add3A_2865 = arith.addf %add3A_2858, %mul3A_2864 : vector<16xf32>
        %get3A_2866 = arith.index_cast %add3A_2677 : i32 to index
        %get3A_2867 = arith.constant 80 : index
        %get3A_2868 = tpu.vector_load %arg21[%get3A_2866, %get3A_2867] {strides = array<i32>} : memref<128x96xf32, #tpu.memory_space<vmem>>, vector<1x16xf32>,
        %get3A_2869 = vector.shape_cast %get3A_2868 : vector<1x16xf32> to vector<16xf32>
        %mul3A_2870 = vector.broadcast %squeeze3A_2685 : f32 to vector<16xf32>
        %mul3A_2871 = arith.mulf %get3A_2869, %mul3A_2870 : vector<16xf32>
        %add3A_2872 = arith.addf %add3A_2865, %mul3A_2871 : vector<16xf32>
        %swap3A_2873 = arith.index_cast %add3A_2677 : i32 to index
        %swap3A_2874 = arith.constant 80 : index
        %swap3A_2875 = tpu.vector_load %arg22[%swap3A_2873, %swap3A_2874] {strides = array<i32>} : memref<128x96xf32, #tpu.memory_space<vmem>>, vector<1x16xf32>,
        %swap3A_2876 = vector.shape_cast %swap3A_2875 : vector<1x16xf32> to vector<16xf32>
        %swap3A_2877 = vector.shape_cast %add3A_2872 : vector<16xf32> to vector<1x16xf32>
        tpu.vector_store %arg22[%swap3A_2873, %swap3A_2874], %swap3A_2877 {strides = array<i32>} : memref<128x96xf32, #tpu.memory_space<vmem>>, vector<1x16xf32>,
        %add3A_2878 = arith.constant 9 : i32
        %add3A_2879 = arith.addi %mul3A_1049, %add3A_2878 : i32
        %slice3A_2880 = vector.extract_strided_slice %get3A_1052 {offsets = [9], sizes = [1], strides = [1]} : vector<16xf32> to vector<1xf32>
        %squeeze3A_2881 = vector.extract %slice3A_2880[0] : f32 from vector<1xf32>
        %slice3A_2882 = vector.extract_strided_slice %get3A_1055 {offsets = [9], sizes = [1], strides = [1]} : vector<16xf32> to vector<1xf32>
        %squeeze3A_2883 = vector.extract %slice3A_2882[0] : f32 from vector<1xf32>
        %slice3A_2884 = vector.extract_strided_slice %get3A_1058 {offsets = [9], sizes = [1], strides = [1]} : vector<16xf32> to vector<1xf32>
        %squeeze3A_2885 = vector.extract %slice3A_2884[0] : f32 from vector<1xf32>
        %slice3A_2886 = vector.extract_strided_slice %get3A_1061 {offsets = [9], sizes = [1], strides = [1]} : vector<16xf32> to vector<1xf32>
        %squeeze3A_2887 = vector.extract %slice3A_2886[0] : f32 from vector<1xf32>
        %get3A_2888 = arith.index_cast %add3A_2879 : i32 to index
        %get3A_2889 = arith.constant 0 : index
        %get3A_2890 = tpu.vector_load %arg18[%get3A_2888, %get3A_2889] {strides = array<i32>} : memref<128x96xf32, #tpu.memory_space<vmem>>, vector<1x16xf32>,
        %get3A_2891 = vector.shape_cast %get3A_2890 : vector<1x16xf32> to vector<16xf32>
        %mul3A_2892 = vector.broadcast %squeeze3A_2881 : f32 to vector<16xf32>
        %mul3A_2893 = arith.mulf %get3A_2891, %mul3A_2892 : vector<16xf32>
        %get3A_2894 = arith.index_cast %add3A_2879 : i32 to index
        %get3A_2895 = arith.constant 0 : index
        %get3A_2896 = tpu.vector_load %arg19[%get3A_2894, %get3A_2895] {strides = array<i32>} : memref<128x96xf32, #tpu.memory_space<vmem>>, vector<1x16xf32>,
        %get3A_2897 = vector.shape_cast %get3A_2896 : vector<1x16xf32> to vector<16xf32>
        %mul3A_2898 = vector.broadcast %squeeze3A_2883 : f32 to vector<16xf32>
        %mul3A_2899 = arith.mulf %get3A_2897, %mul3A_2898 : vector<16xf32>
        %add3A_2900 = arith.addf %mul3A_2893, %mul3A_2899 : vector<16xf32>
        %get3A_2901 = arith.index_cast %add3A_2879 : i32 to index
        %get3A_2902 = arith.constant 0 : index
        %get3A_2903 = tpu.vector_load %arg20[%get3A_2901, %get3A_2902] {strides = array<i32>} : memref<128x96xf32, #tpu.memory_space<vmem>>, vector<1x16xf32>,
        %get3A_2904 = vector.shape_cast %get3A_2903 : vector<1x16xf32> to vector<16xf32>
        %mul3A_2905 = vector.broadcast %squeeze3A_2885 : f32 to vector<16xf32>
        %mul3A_2906 = arith.mulf %get3A_2904, %mul3A_2905 : vector<16xf32>
        %add3A_2907 = arith.addf %add3A_2900, %mul3A_2906 : vector<16xf32>
        %get3A_2908 = arith.index_cast %add3A_2879 : i32 to index
        %get3A_2909 = arith.constant 0 : index
        %get3A_2910 = tpu.vector_load %arg21[%get3A_2908, %get3A_2909] {strides = array<i32>} : memref<128x96xf32, #tpu.memory_space<vmem>>, vector<1x16xf32>,
        %get3A_2911 = vector.shape_cast %get3A_2910 : vector<1x16xf32> to vector<16xf32>
        %mul3A_2912 = vector.broadcast %squeeze3A_2887 : f32 to vector<16xf32>
        %mul3A_2913 = arith.mulf %get3A_2911, %mul3A_2912 : vector<16xf32>
        %add3A_2914 = arith.addf %add3A_2907, %mul3A_2913 : vector<16xf32>
        %swap3A_2915 = arith.index_cast %add3A_2879 : i32 to index
        %swap3A_2916 = arith.constant 0 : index
        %swap3A_2917 = tpu.vector_load %arg22[%swap3A_2915, %swap3A_2916] {strides = array<i32>} : memref<128x96xf32, #tpu.memory_space<vmem>>, vector<1x16xf32>,
        %swap3A_2918 = vector.shape_cast %swap3A_2917 : vector<1x16xf32> to vector<16xf32>
        %swap3A_2919 = vector.shape_cast %add3A_2914 : vector<16xf32> to vector<1x16xf32>
        tpu.vector_store %arg22[%swap3A_2915, %swap3A_2916], %swap3A_2919 {strides = array<i32>} : memref<128x96xf32, #tpu.memory_space<vmem>>, vector<1x16xf32>,
        %get3A_2920 = arith.index_cast %add3A_2879 : i32 to index
        %get3A_2921 = arith.constant 16 : index
        %get3A_2922 = tpu.vector_load %arg18[%get3A_2920, %get3A_2921] {strides = array<i32>} : memref<128x96xf32, #tpu.memory_space<vmem>>, vector<1x16xf32>,
        %get3A_2923 = vector.shape_cast %get3A_2922 : vector<1x16xf32> to vector<16xf32>
        %mul3A_2924 = vector.broadcast %squeeze3A_2881 : f32 to vector<16xf32>
        %mul3A_2925 = arith.mulf %get3A_2923, %mul3A_2924 : vector<16xf32>
        %get3A_2926 = arith.index_cast %add3A_2879 : i32 to index
        %get3A_2927 = arith.constant 16 : index
        %get3A_2928 = tpu.vector_load %arg19[%get3A_2926, %get3A_2927] {strides = array<i32>} : memref<128x96xf32, #tpu.memory_space<vmem>>, vector<1x16xf32>,
        %get3A_2929 = vector.shape_cast %get3A_2928 : vector<1x16xf32> to vector<16xf32>
        %mul3A_2930 = vector.broadcast %squeeze3A_2883 : f32 to vector<16xf32>
        %mul3A_2931 = arith.mulf %get3A_2929, %mul3A_2930 : vector<16xf32>
        %add3A_2932 = arith.addf %mul3A_2925, %mul3A_2931 : vector<16xf32>
        %get3A_2933 = arith.index_cast %add3A_2879 : i32 to index
        %get3A_2934 = arith.constant 16 : index
        %get3A_2935 = tpu.vector_load %arg20[%get3A_2933, %get3A_2934] {strides = array<i32>} : memref<128x96xf32, #tpu.memory_space<vmem>>, vector<1x16xf32>,
        %get3A_2936 = vector.shape_cast %get3A_2935 : vector<1x16xf32> to vector<16xf32>
        %mul3A_2937 = vector.broadcast %squeeze3A_2885 : f32 to vector<16xf32>
        %mul3A_2938 = arith.mulf %get3A_2936, %mul3A_2937 : vector<16xf32>
        %add3A_2939 = arith.addf %add3A_2932, %mul3A_2938 : vector<16xf32>
        %get3A_2940 = arith.index_cast %add3A_2879 : i32 to index
        %get3A_2941 = arith.constant 16 : index
        %get3A_2942 = tpu.vector_load %arg21[%get3A_2940, %get3A_2941] {strides = array<i32>} : memref<128x96xf32, #tpu.memory_space<vmem>>, vector<1x16xf32>,
        %get3A_2943 = vector.shape_cast %get3A_2942 : vector<1x16xf32> to vector<16xf32>
        %mul3A_2944 = vector.broadcast %squeeze3A_2887 : f32 to vector<16xf32>
        %mul3A_2945 = arith.mulf %get3A_2943, %mul3A_2944 : vector<16xf32>
        %add3A_2946 = arith.addf %add3A_2939, %mul3A_2945 : vector<16xf32>
        %swap3A_2947 = arith.index_cast %add3A_2879 : i32 to index
        %swap3A_2948 = arith.constant 16 : index
        %swap3A_2949 = tpu.vector_load %arg22[%swap3A_2947, %swap3A_2948] {strides = array<i32>} : memref<128x96xf32, #tpu.memory_space<vmem>>, vector<1x16xf32>,
        %swap3A_2950 = vector.shape_cast %swap3A_2949 : vector<1x16xf32> to vector<16xf32>
        %swap3A_2951 = vector.shape_cast %add3A_2946 : vector<16xf32> to vector<1x16xf32>
        tpu.vector_store %arg22[%swap3A_2947, %swap3A_2948], %swap3A_2951 {strides = array<i32>} : memref<128x96xf32, #tpu.memory_space<vmem>>, vector<1x16xf32>,
        %get3A_2952 = arith.index_cast %add3A_2879 : i32 to index
        %get3A_2953 = arith.constant 32 : index
        %get3A_2954 = tpu.vector_load %arg18[%get3A_2952, %get3A_2953] {strides = array<i32>} : memref<128x96xf32, #tpu.memory_space<vmem>>, vector<1x16xf32>,
        %get3A_2955 = vector.shape_cast %get3A_2954 : vector<1x16xf32> to vector<16xf32>
        %mul3A_2956 = vector.broadcast %squeeze3A_2881 : f32 to vector<16xf32>
        %mul3A_2957 = arith.mulf %get3A_2955, %mul3A_2956 : vector<16xf32>
        %get3A_2958 = arith.index_cast %add3A_2879 : i32 to index
        %get3A_2959 = arith.constant 32 : index
        %get3A_2960 = tpu.vector_load %arg19[%get3A_2958, %get3A_2959] {strides = array<i32>} : memref<128x96xf32, #tpu.memory_space<vmem>>, vector<1x16xf32>,
        %get3A_2961 = vector.shape_cast %get3A_2960 : vector<1x16xf32> to vector<16xf32>
        %mul3A_2962 = vector.broadcast %squeeze3A_2883 : f32 to vector<16xf32>
        %mul3A_2963 = arith.mulf %get3A_2961, %mul3A_2962 : vector<16xf32>
        %add3A_2964 = arith.addf %mul3A_2957, %mul3A_2963 : vector<16xf32>
        %get3A_2965 = arith.index_cast %add3A_2879 : i32 to index
        %get3A_2966 = arith.constant 32 : index
        %get3A_2967 = tpu.vector_load %arg20[%get3A_2965, %get3A_2966] {strides = array<i32>} : memref<128x96xf32, #tpu.memory_space<vmem>>, vector<1x16xf32>,
        %get3A_2968 = vector.shape_cast %get3A_2967 : vector<1x16xf32> to vector<16xf32>
        %mul3A_2969 = vector.broadcast %squeeze3A_2885 : f32 to vector<16xf32>
        %mul3A_2970 = arith.mulf %get3A_2968, %mul3A_2969 : vector<16xf32>
        %add3A_2971 = arith.addf %add3A_2964, %mul3A_2970 : vector<16xf32>
        %get3A_2972 = arith.index_cast %add3A_2879 : i32 to index
        %get3A_2973 = arith.constant 32 : index
        %get3A_2974 = tpu.vector_load %arg21[%get3A_2972, %get3A_2973] {strides = array<i32>} : memref<128x96xf32, #tpu.memory_space<vmem>>, vector<1x16xf32>,
        %get3A_2975 = vector.shape_cast %get3A_2974 : vector<1x16xf32> to vector<16xf32>
        %mul3A_2976 = vector.broadcast %squeeze3A_2887 : f32 to vector<16xf32>
        %mul3A_2977 = arith.mulf %get3A_2975, %mul3A_2976 : vector<16xf32>
        %add3A_2978 = arith.addf %add3A_2971, %mul3A_2977 : vector<16xf32>
        %swap3A_2979 = arith.index_cast %add3A_2879 : i32 to index
        %swap3A_2980 = arith.constant 32 : index
        %swap3A_2981 = tpu.vector_load %arg22[%swap3A_2979, %swap3A_2980] {strides = array<i32>} : memref<128x96xf32, #tpu.memory_space<vmem>>, vector<1x16xf32>,
        %swap3A_2982 = vector.shape_cast %swap3A_2981 : vector<1x16xf32> to vector<16xf32>
        %swap3A_2983 = vector.shape_cast %add3A_2978 : vector<16xf32> to vector<1x16xf32>
        tpu.vector_store %arg22[%swap3A_2979, %swap3A_2980], %swap3A_2983 {strides = array<i32>} : memref<128x96xf32, #tpu.memory_space<vmem>>, vector<1x16xf32>,
        %get3A_2984 = arith.index_cast %add3A_2879 : i32 to index
        %get3A_2985 = arith.constant 48 : index
        %get3A_2986 = tpu.vector_load %arg18[%get3A_2984, %get3A_2985] {strides = array<i32>} : memref<128x96xf32, #tpu.memory_space<vmem>>, vector<1x16xf32>,
        %get3A_2987 = vector.shape_cast %get3A_2986 : vector<1x16xf32> to vector<16xf32>
        %mul3A_2988 = vector.broadcast %squeeze3A_2881 : f32 to vector<16xf32>
        %mul3A_2989 = arith.mulf %get3A_2987, %mul3A_2988 : vector<16xf32>
        %get3A_2990 = arith.index_cast %add3A_2879 : i32 to index
        %get3A_2991 = arith.constant 48 : index
        %get3A_2992 = tpu.vector_load %arg19[%get3A_2990, %get3A_2991] {strides = array<i32>} : memref<128x96xf32, #tpu.memory_space<vmem>>, vector<1x16xf32>,
        %get3A_2993 = vector.shape_cast %get3A_2992 : vector<1x16xf32> to vector<16xf32>
        %mul3A_2994 = vector.broadcast %squeeze3A_2883 : f32 to vector<16xf32>
        %mul3A_2995 = arith.mulf %get3A_2993, %mul3A_2994 : vector<16xf32>
        %add3A_2996 = arith.addf %mul3A_2989, %mul3A_2995 : vector<16xf32>
        %get3A_2997 = arith.index_cast %add3A_2879 : i32 to index
        %get3A_2998 = arith.constant 48 : index
        %get3A_2999 = tpu.vector_load %arg20[%get3A_2997, %get3A_2998] {strides = array<i32>} : memref<128x96xf32, #tpu.memory_space<vmem>>, vector<1x16xf32>,
        %get3A_3000 = vector.shape_cast %get3A_2999 : vector<1x16xf32> to vector<16xf32>
        %mul3A_3001 = vector.broadcast %squeeze3A_2885 : f32 to vector<16xf32>
        %mul3A_3002 = arith.mulf %get3A_3000, %mul3A_3001 : vector<16xf32>
        %add3A_3003 = arith.addf %add3A_2996, %mul3A_3002 : vector<16xf32>
        %get3A_3004 = arith.index_cast %add3A_2879 : i32 to index
        %get3A_3005 = arith.constant 48 : index
        %get3A_3006 = tpu.vector_load %arg21[%get3A_3004, %get3A_3005] {strides = array<i32>} : memref<128x96xf32, #tpu.memory_space<vmem>>, vector<1x16xf32>,
        %get3A_3007 = vector.shape_cast %get3A_3006 : vector<1x16xf32> to vector<16xf32>
        %mul3A_3008 = vector.broadcast %squeeze3A_2887 : f32 to vector<16xf32>
        %mul3A_3009 = arith.mulf %get3A_3007, %mul3A_3008 : vector<16xf32>
        %add3A_3010 = arith.addf %add3A_3003, %mul3A_3009 : vector<16xf32>
        %swap3A_3011 = arith.index_cast %add3A_2879 : i32 to index
        %swap3A_3012 = arith.constant 48 : index
        %swap3A_3013 = tpu.vector_load %arg22[%swap3A_3011, %swap3A_3012] {strides = array<i32>} : memref<128x96xf32, #tpu.memory_space<vmem>>, vector<1x16xf32>,
        %swap3A_3014 = vector.shape_cast %swap3A_3013 : vector<1x16xf32> to vector<16xf32>
        %swap3A_3015 = vector.shape_cast %add3A_3010 : vector<16xf32> to vector<1x16xf32>
        tpu.vector_store %arg22[%swap3A_3011, %swap3A_3012], %swap3A_3015 {strides = array<i32>} : memref<128x96xf32, #tpu.memory_space<vmem>>, vector<1x16xf32>,
        %get3A_3016 = arith.index_cast %add3A_2879 : i32 to index
        %get3A_3017 = arith.constant 64 : index
        %get3A_3018 = tpu.vector_load %arg18[%get3A_3016, %get3A_3017] {strides = array<i32>} : memref<128x96xf32, #tpu.memory_space<vmem>>, vector<1x16xf32>,
        %get3A_3019 = vector.shape_cast %get3A_3018 : vector<1x16xf32> to vector<16xf32>
        %mul3A_3020 = vector.broadcast %squeeze3A_2881 : f32 to vector<16xf32>
        %mul3A_3021 = arith.mulf %get3A_3019, %mul3A_3020 : vector<16xf32>
        %get3A_3022 = arith.index_cast %add3A_2879 : i32 to index
        %get3A_3023 = arith.constant 64 : index
        %get3A_3024 = tpu.vector_load %arg19[%get3A_3022, %get3A_3023] {strides = array<i32>} : memref<128x96xf32, #tpu.memory_space<vmem>>, vector<1x16xf32>,
        %get3A_3025 = vector.shape_cast %get3A_3024 : vector<1x16xf32> to vector<16xf32>
        %mul3A_3026 = vector.broadcast %squeeze3A_2883 : f32 to vector<16xf32>
        %mul3A_3027 = arith.mulf %get3A_3025, %mul3A_3026 : vector<16xf32>
        %add3A_3028 = arith.addf %mul3A_3021, %mul3A_3027 : vector<16xf32>
        %get3A_3029 = arith.index_cast %add3A_2879 : i32 to index
        %get3A_3030 = arith.constant 64 : index
        %get3A_3031 = tpu.vector_load %arg20[%get3A_3029, %get3A_3030] {strides = array<i32>} : memref<128x96xf32, #tpu.memory_space<vmem>>, vector<1x16xf32>,
        %get3A_3032 = vector.shape_cast %get3A_3031 : vector<1x16xf32> to vector<16xf32>
        %mul3A_3033 = vector.broadcast %squeeze3A_2885 : f32 to vector<16xf32>
        %mul3A_3034 = arith.mulf %get3A_3032, %mul3A_3033 : vector<16xf32>
        %add3A_3035 = arith.addf %add3A_3028, %mul3A_3034 : vector<16xf32>
        %get3A_3036 = arith.index_cast %add3A_2879 : i32 to index
        %get3A_3037 = arith.constant 64 : index
        %get3A_3038 = tpu.vector_load %arg21[%get3A_3036, %get3A_3037] {strides = array<i32>} : memref<128x96xf32, #tpu.memory_space<vmem>>, vector<1x16xf32>,
        %get3A_3039 = vector.shape_cast %get3A_3038 : vector<1x16xf32> to vector<16xf32>
        %mul3A_3040 = vector.broadcast %squeeze3A_2887 : f32 to vector<16xf32>
        %mul3A_3041 = arith.mulf %get3A_3039, %mul3A_3040 : vector<16xf32>
        %add3A_3042 = arith.addf %add3A_3035, %mul3A_3041 : vector<16xf32>
        %swap3A_3043 = arith.index_cast %add3A_2879 : i32 to index
        %swap3A_3044 = arith.constant 64 : index
        %swap3A_3045 = tpu.vector_load %arg22[%swap3A_3043, %swap3A_3044] {strides = array<i32>} : memref<128x96xf32, #tpu.memory_space<vmem>>, vector<1x16xf32>,
        %swap3A_3046 = vector.shape_cast %swap3A_3045 : vector<1x16xf32> to vector<16xf32>
        %swap3A_3047 = vector.shape_cast %add3A_3042 : vector<16xf32> to vector<1x16xf32>
        tpu.vector_store %arg22[%swap3A_3043, %swap3A_3044], %swap3A_3047 {strides = array<i32>} : memref<128x96xf32, #tpu.memory_space<vmem>>, vector<1x16xf32>,
        %get3A_3048 = arith.index_cast %add3A_2879 : i32 to index
        %get3A_3049 = arith.constant 80 : index
        %get3A_3050 = tpu.vector_load %arg18[%get3A_3048, %get3A_3049] {strides = array<i32>} : memref<128x96xf32, #tpu.memory_space<vmem>>, vector<1x16xf32>,
        %get3A_3051 = vector.shape_cast %get3A_3050 : vector<1x16xf32> to vector<16xf32>
        %mul3A_3052 = vector.broadcast %squeeze3A_2881 : f32 to vector<16xf32>
        %mul3A_3053 = arith.mulf %get3A_3051, %mul3A_3052 : vector<16xf32>
        %get3A_3054 = arith.index_cast %add3A_2879 : i32 to index
        %get3A_3055 = arith.constant 80 : index
        %get3A_3056 = tpu.vector_load %arg19[%get3A_3054, %get3A_3055] {strides = array<i32>} : memref<128x96xf32, #tpu.memory_space<vmem>>, vector<1x16xf32>,
        %get3A_3057 = vector.shape_cast %get3A_3056 : vector<1x16xf32> to vector<16xf32>
        %mul3A_3058 = vector.broadcast %squeeze3A_2883 : f32 to vector<16xf32>
        %mul3A_3059 = arith.mulf %get3A_3057, %mul3A_3058 : vector<16xf32>
        %add3A_3060 = arith.addf %mul3A_3053, %mul3A_3059 : vector<16xf32>
        %get3A_3061 = arith.index_cast %add3A_2879 : i32 to index
        %get3A_3062 = arith.constant 80 : index
        %get3A_3063 = tpu.vector_load %arg20[%get3A_3061, %get3A_3062] {strides = array<i32>} : memref<128x96xf32, #tpu.memory_space<vmem>>, vector<1x16xf32>,
        %get3A_3064 = vector.shape_cast %get3A_3063 : vector<1x16xf32> to vector<16xf32>
        %mul3A_3065 = vector.broadcast %squeeze3A_2885 : f32 to vector<16xf32>
        %mul3A_3066 = arith.mulf %get3A_3064, %mul3A_3065 : vector<16xf32>
        %add3A_3067 = arith.addf %add3A_3060, %mul3A_3066 : vector<16xf32>
        %get3A_3068 = arith.index_cast %add3A_2879 : i32 to index
        %get3A_3069 = arith.constant 80 : index
        %get3A_3070 = tpu.vector_load %arg21[%get3A_3068, %get3A_3069] {strides = array<i32>} : memref<128x96xf32, #tpu.memory_space<vmem>>, vector<1x16xf32>,
        %get3A_3071 = vector.shape_cast %get3A_3070 : vector<1x16xf32> to vector<16xf32>
        %mul3A_3072 = vector.broadcast %squeeze3A_2887 : f32 to vector<16xf32>
        %mul3A_3073 = arith.mulf %get3A_3071, %mul3A_3072 : vector<16xf32>
        %add3A_3074 = arith.addf %add3A_3067, %mul3A_3073 : vector<16xf32>
        %swap3A_3075 = arith.index_cast %add3A_2879 : i32 to index
        %swap3A_3076 = arith.constant 80 : index
        %swap3A_3077 = tpu.vector_load %arg22[%swap3A_3075, %swap3A_3076] {strides = array<i32>} : memref<128x96xf32, #tpu.memory_space<vmem>>, vector<1x16xf32>,
        %swap3A_3078 = vector.shape_cast %swap3A_3077 : vector<1x16xf32> to vector<16xf32>
        %swap3A_3079 = vector.shape_cast %add3A_3074 : vector<16xf32> to vector<1x16xf32>
        tpu.vector_store %arg22[%swap3A_3075, %swap3A_3076], %swap3A_3079 {strides = array<i32>} : memref<128x96xf32, #tpu.memory_space<vmem>>, vector<1x16xf32>,
        %add3A_3080 = arith.constant 10 : i32
        %add3A_3081 = arith.addi %mul3A_1049, %add3A_3080 : i32
        %slice3A_3082 = vector.extract_strided_slice %get3A_1052 {offsets = [10], sizes = [1], strides = [1]} : vector<16xf32> to vector<1xf32>
        %squeeze3A_3083 = vector.extract %slice3A_3082[0] : f32 from vector<1xf32>
        %slice3A_3084 = vector.extract_strided_slice %get3A_1055 {offsets = [10], sizes = [1], strides = [1]} : vector<16xf32> to vector<1xf32>
        %squeeze3A_3085 = vector.extract %slice3A_3084[0] : f32 from vector<1xf32>
        %slice3A_3086 = vector.extract_strided_slice %get3A_1058 {offsets = [10], sizes = [1], strides = [1]} : vector<16xf32> to vector<1xf32>
        %squeeze3A_3087 = vector.extract %slice3A_3086[0] : f32 from vector<1xf32>
        %slice3A_3088 = vector.extract_strided_slice %get3A_1061 {offsets = [10], sizes = [1], strides = [1]} : vector<16xf32> to vector<1xf32>
        %squeeze3A_3089 = vector.extract %slice3A_3088[0] : f32 from vector<1xf32>
        %get3A_3090 = arith.index_cast %add3A_3081 : i32 to index
        %get3A_3091 = arith.constant 0 : index
        %get3A_3092 = tpu.vector_load %arg18[%get3A_3090, %get3A_3091] {strides = array<i32>} : memref<128x96xf32, #tpu.memory_space<vmem>>, vector<1x16xf32>,
        %get3A_3093 = vector.shape_cast %get3A_3092 : vector<1x16xf32> to vector<16xf32>
        %mul3A_3094 = vector.broadcast %squeeze3A_3083 : f32 to vector<16xf32>
        %mul3A_3095 = arith.mulf %get3A_3093, %mul3A_3094 : vector<16xf32>
        %get3A_3096 = arith.index_cast %add3A_3081 : i32 to index
        %get3A_3097 = arith.constant 0 : index
        %get3A_3098 = tpu.vector_load %arg19[%get3A_3096, %get3A_3097] {strides = array<i32>} : memref<128x96xf32, #tpu.memory_space<vmem>>, vector<1x16xf32>,
        %get3A_3099 = vector.shape_cast %get3A_3098 : vector<1x16xf32> to vector<16xf32>
        %mul3A_3100 = vector.broadcast %squeeze3A_3085 : f32 to vector<16xf32>
        %mul3A_3101 = arith.mulf %get3A_3099, %mul3A_3100 : vector<16xf32>
        %add3A_3102 = arith.addf %mul3A_3095, %mul3A_3101 : vector<16xf32>
        %get3A_3103 = arith.index_cast %add3A_3081 : i32 to index
        %get3A_3104 = arith.constant 0 : index
        %get3A_3105 = tpu.vector_load %arg20[%get3A_3103, %get3A_3104] {strides = array<i32>} : memref<128x96xf32, #tpu.memory_space<vmem>>, vector<1x16xf32>,
        %get3A_3106 = vector.shape_cast %get3A_3105 : vector<1x16xf32> to vector<16xf32>
        %mul3A_3107 = vector.broadcast %squeeze3A_3087 : f32 to vector<16xf32>
        %mul3A_3108 = arith.mulf %get3A_3106, %mul3A_3107 : vector<16xf32>
        %add3A_3109 = arith.addf %add3A_3102, %mul3A_3108 : vector<16xf32>
        %get3A_3110 = arith.index_cast %add3A_3081 : i32 to index
        %get3A_3111 = arith.constant 0 : index
        %get3A_3112 = tpu.vector_load %arg21[%get3A_3110, %get3A_3111] {strides = array<i32>} : memref<128x96xf32, #tpu.memory_space<vmem>>, vector<1x16xf32>,
        %get3A_3113 = vector.shape_cast %get3A_3112 : vector<1x16xf32> to vector<16xf32>
        %mul3A_3114 = vector.broadcast %squeeze3A_3089 : f32 to vector<16xf32>
        %mul3A_3115 = arith.mulf %get3A_3113, %mul3A_3114 : vector<16xf32>
        %add3A_3116 = arith.addf %add3A_3109, %mul3A_3115 : vector<16xf32>
        %swap3A_3117 = arith.index_cast %add3A_3081 : i32 to index
        %swap3A_3118 = arith.constant 0 : index
        %swap3A_3119 = tpu.vector_load %arg22[%swap3A_3117, %swap3A_3118] {strides = array<i32>} : memref<128x96xf32, #tpu.memory_space<vmem>>, vector<1x16xf32>,
        %swap3A_3120 = vector.shape_cast %swap3A_3119 : vector<1x16xf32> to vector<16xf32>
        %swap3A_3121 = vector.shape_cast %add3A_3116 : vector<16xf32> to vector<1x16xf32>
        tpu.vector_store %arg22[%swap3A_3117, %swap3A_3118], %swap3A_3121 {strides = array<i32>} : memref<128x96xf32, #tpu.memory_space<vmem>>, vector<1x16xf32>,
        %get3A_3122 = arith.index_cast %add3A_3081 : i32 to index
        %get3A_3123 = arith.constant 16 : index
        %get3A_3124 = tpu.vector_load %arg18[%get3A_3122, %get3A_3123] {strides = array<i32>} : memref<128x96xf32, #tpu.memory_space<vmem>>, vector<1x16xf32>,
        %get3A_3125 = vector.shape_cast %get3A_3124 : vector<1x16xf32> to vector<16xf32>
        %mul3A_3126 = vector.broadcast %squeeze3A_3083 : f32 to vector<16xf32>
        %mul3A_3127 = arith.mulf %get3A_3125, %mul3A_3126 : vector<16xf32>
        %get3A_3128 = arith.index_cast %add3A_3081 : i32 to index
        %get3A_3129 = arith.constant 16 : index
        %get3A_3130 = tpu.vector_load %arg19[%get3A_3128, %get3A_3129] {strides = array<i32>} : memref<128x96xf32, #tpu.memory_space<vmem>>, vector<1x16xf32>,
        %get3A_3131 = vector.shape_cast %get3A_3130 : vector<1x16xf32> to vector<16xf32>
        %mul3A_3132 = vector.broadcast %squeeze3A_3085 : f32 to vector<16xf32>
        %mul3A_3133 = arith.mulf %get3A_3131, %mul3A_3132 : vector<16xf32>
        %add3A_3134 = arith.addf %mul3A_3127, %mul3A_3133 : vector<16xf32>
        %get3A_3135 = arith.index_cast %add3A_3081 : i32 to index
        %get3A_3136 = arith.constant 16 : index
        %get3A_3137 = tpu.vector_load %arg20[%get3A_3135, %get3A_3136] {strides = array<i32>} : memref<128x96xf32, #tpu.memory_space<vmem>>, vector<1x16xf32>,
        %get3A_3138 = vector.shape_cast %get3A_3137 : vector<1x16xf32> to vector<16xf32>
        %mul3A_3139 = vector.broadcast %squeeze3A_3087 : f32 to vector<16xf32>
        %mul3A_3140 = arith.mulf %get3A_3138, %mul3A_3139 : vector<16xf32>
        %add3A_3141 = arith.addf %add3A_3134, %mul3A_3140 : vector<16xf32>
        %get3A_3142 = arith.index_cast %add3A_3081 : i32 to index
        %get3A_3143 = arith.constant 16 : index
        %get3A_3144 = tpu.vector_load %arg21[%get3A_3142, %get3A_3143] {strides = array<i32>} : memref<128x96xf32, #tpu.memory_space<vmem>>, vector<1x16xf32>,
        %get3A_3145 = vector.shape_cast %get3A_3144 : vector<1x16xf32> to vector<16xf32>
        %mul3A_3146 = vector.broadcast %squeeze3A_3089 : f32 to vector<16xf32>
        %mul3A_3147 = arith.mulf %get3A_3145, %mul3A_3146 : vector<16xf32>
        %add3A_3148 = arith.addf %add3A_3141, %mul3A_3147 : vector<16xf32>
        %swap3A_3149 = arith.index_cast %add3A_3081 : i32 to index
        %swap3A_3150 = arith.constant 16 : index
        %swap3A_3151 = tpu.vector_load %arg22[%swap3A_3149, %swap3A_3150] {strides = array<i32>} : memref<128x96xf32, #tpu.memory_space<vmem>>, vector<1x16xf32>,
        %swap3A_3152 = vector.shape_cast %swap3A_3151 : vector<1x16xf32> to vector<16xf32>
        %swap3A_3153 = vector.shape_cast %add3A_3148 : vector<16xf32> to vector<1x16xf32>
        tpu.vector_store %arg22[%swap3A_3149, %swap3A_3150], %swap3A_3153 {strides = array<i32>} : memref<128x96xf32, #tpu.memory_space<vmem>>, vector<1x16xf32>,
        %get3A_3154 = arith.index_cast %add3A_3081 : i32 to index
        %get3A_3155 = arith.constant 32 : index
        %get3A_3156 = tpu.vector_load %arg18[%get3A_3154, %get3A_3155] {strides = array<i32>} : memref<128x96xf32, #tpu.memory_space<vmem>>, vector<1x16xf32>,
        %get3A_3157 = vector.shape_cast %get3A_3156 : vector<1x16xf32> to vector<16xf32>
        %mul3A_3158 = vector.broadcast %squeeze3A_3083 : f32 to vector<16xf32>
        %mul3A_3159 = arith.mulf %get3A_3157, %mul3A_3158 : vector<16xf32>
        %get3A_3160 = arith.index_cast %add3A_3081 : i32 to index
        %get3A_3161 = arith.constant 32 : index
        %get3A_3162 = tpu.vector_load %arg19[%get3A_3160, %get3A_3161] {strides = array<i32>} : memref<128x96xf32, #tpu.memory_space<vmem>>, vector<1x16xf32>,
        %get3A_3163 = vector.shape_cast %get3A_3162 : vector<1x16xf32> to vector<16xf32>
        %mul3A_3164 = vector.broadcast %squeeze3A_3085 : f32 to vector<16xf32>
        %mul3A_3165 = arith.mulf %get3A_3163, %mul3A_3164 : vector<16xf32>
        %add3A_3166 = arith.addf %mul3A_3159, %mul3A_3165 : vector<16xf32>
        %get3A_3167 = arith.index_cast %add3A_3081 : i32 to index
        %get3A_3168 = arith.constant 32 : index
        %get3A_3169 = tpu.vector_load %arg20[%get3A_3167, %get3A_3168] {strides = array<i32>} : memref<128x96xf32, #tpu.memory_space<vmem>>, vector<1x16xf32>,
        %get3A_3170 = vector.shape_cast %get3A_3169 : vector<1x16xf32> to vector<16xf32>
        %mul3A_3171 = vector.broadcast %squeeze3A_3087 : f32 to vector<16xf32>
        %mul3A_3172 = arith.mulf %get3A_3170, %mul3A_3171 : vector<16xf32>
        %add3A_3173 = arith.addf %add3A_3166, %mul3A_3172 : vector<16xf32>
        %get3A_3174 = arith.index_cast %add3A_3081 : i32 to index
        %get3A_3175 = arith.constant 32 : index
        %get3A_3176 = tpu.vector_load %arg21[%get3A_3174, %get3A_3175] {strides = array<i32>} : memref<128x96xf32, #tpu.memory_space<vmem>>, vector<1x16xf32>,
        %get3A_3177 = vector.shape_cast %get3A_3176 : vector<1x16xf32> to vector<16xf32>
        %mul3A_3178 = vector.broadcast %squeeze3A_3089 : f32 to vector<16xf32>
        %mul3A_3179 = arith.mulf %get3A_3177, %mul3A_3178 : vector<16xf32>
        %add3A_3180 = arith.addf %add3A_3173, %mul3A_3179 : vector<16xf32>
        %swap3A_3181 = arith.index_cast %add3A_3081 : i32 to index
        %swap3A_3182 = arith.constant 32 : index
        %swap3A_3183 = tpu.vector_load %arg22[%swap3A_3181, %swap3A_3182] {strides = array<i32>} : memref<128x96xf32, #tpu.memory_space<vmem>>, vector<1x16xf32>,
        %swap3A_3184 = vector.shape_cast %swap3A_3183 : vector<1x16xf32> to vector<16xf32>
        %swap3A_3185 = vector.shape_cast %add3A_3180 : vector<16xf32> to vector<1x16xf32>
        tpu.vector_store %arg22[%swap3A_3181, %swap3A_3182], %swap3A_3185 {strides = array<i32>} : memref<128x96xf32, #tpu.memory_space<vmem>>, vector<1x16xf32>,
        %get3A_3186 = arith.index_cast %add3A_3081 : i32 to index
        %get3A_3187 = arith.constant 48 : index
        %get3A_3188 = tpu.vector_load %arg18[%get3A_3186, %get3A_3187] {strides = array<i32>} : memref<128x96xf32, #tpu.memory_space<vmem>>, vector<1x16xf32>,
        %get3A_3189 = vector.shape_cast %get3A_3188 : vector<1x16xf32> to vector<16xf32>
        %mul3A_3190 = vector.broadcast %squeeze3A_3083 : f32 to vector<16xf32>
        %mul3A_3191 = arith.mulf %get3A_3189, %mul3A_3190 : vector<16xf32>
        %get3A_3192 = arith.index_cast %add3A_3081 : i32 to index
        %get3A_3193 = arith.constant 48 : index
        %get3A_3194 = tpu.vector_load %arg19[%get3A_3192, %get3A_3193] {strides = array<i32>} : memref<128x96xf32, #tpu.memory_space<vmem>>, vector<1x16xf32>,
        %get3A_3195 = vector.shape_cast %get3A_3194 : vector<1x16xf32> to vector<16xf32>
        %mul3A_3196 = vector.broadcast %squeeze3A_3085 : f32 to vector<16xf32>
        %mul3A_3197 = arith.mulf %get3A_3195, %mul3A_3196 : vector<16xf32>
        %add3A_3198 = arith.addf %mul3A_3191, %mul3A_3197 : vector<16xf32>
        %get3A_3199 = arith.index_cast %add3A_3081 : i32 to index
        %get3A_3200 = arith.constant 48 : index
        %get3A_3201 = tpu.vector_load %arg20[%get3A_3199, %get3A_3200] {strides = array<i32>} : memref<128x96xf32, #tpu.memory_space<vmem>>, vector<1x16xf32>,
        %get3A_3202 = vector.shape_cast %get3A_3201 : vector<1x16xf32> to vector<16xf32>
        %mul3A_3203 = vector.broadcast %squeeze3A_3087 : f32 to vector<16xf32>
        %mul3A_3204 = arith.mulf %get3A_3202, %mul3A_3203 : vector<16xf32>
        %add3A_3205 = arith.addf %add3A_3198, %mul3A_3204 : vector<16xf32>
        %get3A_3206 = arith.index_cast %add3A_3081 : i32 to index
        %get3A_3207 = arith.constant 48 : index
        %get3A_3208 = tpu.vector_load %arg21[%get3A_3206, %get3A_3207] {strides = array<i32>} : memref<128x96xf32, #tpu.memory_space<vmem>>, vector<1x16xf32>,
        %get3A_3209 = vector.shape_cast %get3A_3208 : vector<1x16xf32> to vector<16xf32>
        %mul3A_3210 = vector.broadcast %squeeze3A_3089 : f32 to vector<16xf32>
        %mul3A_3211 = arith.mulf %get3A_3209, %mul3A_3210 : vector<16xf32>
        %add3A_3212 = arith.addf %add3A_3205, %mul3A_3211 : vector<16xf32>
        %swap3A_3213 = arith.index_cast %add3A_3081 : i32 to index
        %swap3A_3214 = arith.constant 48 : index
        %swap3A_3215 = tpu.vector_load %arg22[%swap3A_3213, %swap3A_3214] {strides = array<i32>} : memref<128x96xf32, #tpu.memory_space<vmem>>, vector<1x16xf32>,
        %swap3A_3216 = vector.shape_cast %swap3A_3215 : vector<1x16xf32> to vector<16xf32>
        %swap3A_3217 = vector.shape_cast %add3A_3212 : vector<16xf32> to vector<1x16xf32>
        tpu.vector_store %arg22[%swap3A_3213, %swap3A_3214], %swap3A_3217 {strides = array<i32>} : memref<128x96xf32, #tpu.memory_space<vmem>>, vector<1x16xf32>,
        %get3A_3218 = arith.index_cast %add3A_3081 : i32 to index
        %get3A_3219 = arith.constant 64 : index
        %get3A_3220 = tpu.vector_load %arg18[%get3A_3218, %get3A_3219] {strides = array<i32>} : memref<128x96xf32, #tpu.memory_space<vmem>>, vector<1x16xf32>,
        %get3A_3221 = vector.shape_cast %get3A_3220 : vector<1x16xf32> to vector<16xf32>
        %mul3A_3222 = vector.broadcast %squeeze3A_3083 : f32 to vector<16xf32>
        %mul3A_3223 = arith.mulf %get3A_3221, %mul3A_3222 : vector<16xf32>
        %get3A_3224 = arith.index_cast %add3A_3081 : i32 to index
        %get3A_3225 = arith.constant 64 : index
        %get3A_3226 = tpu.vector_load %arg19[%get3A_3224, %get3A_3225] {strides = array<i32>} : memref<128x96xf32, #tpu.memory_space<vmem>>, vector<1x16xf32>,
        %get3A_3227 = vector.shape_cast %get3A_3226 : vector<1x16xf32> to vector<16xf32>
        %mul3A_3228 = vector.broadcast %squeeze3A_3085 : f32 to vector<16xf32>
        %mul3A_3229 = arith.mulf %get3A_3227, %mul3A_3228 : vector<16xf32>
        %add3A_3230 = arith.addf %mul3A_3223, %mul3A_3229 : vector<16xf32>
        %get3A_3231 = arith.index_cast %add3A_3081 : i32 to index
        %get3A_3232 = arith.constant 64 : index
        %get3A_3233 = tpu.vector_load %arg20[%get3A_3231, %get3A_3232] {strides = array<i32>} : memref<128x96xf32, #tpu.memory_space<vmem>>, vector<1x16xf32>,
        %get3A_3234 = vector.shape_cast %get3A_3233 : vector<1x16xf32> to vector<16xf32>
        %mul3A_3235 = vector.broadcast %squeeze3A_3087 : f32 to vector<16xf32>
        %mul3A_3236 = arith.mulf %get3A_3234, %mul3A_3235 : vector<16xf32>
        %add3A_3237 = arith.addf %add3A_3230, %mul3A_3236 : vector<16xf32>
        %get3A_3238 = arith.index_cast %add3A_3081 : i32 to index
        %get3A_3239 = arith.constant 64 : index
        %get3A_3240 = tpu.vector_load %arg21[%get3A_3238, %get3A_3239] {strides = array<i32>} : memref<128x96xf32, #tpu.memory_space<vmem>>, vector<1x16xf32>,
        %get3A_3241 = vector.shape_cast %get3A_3240 : vector<1x16xf32> to vector<16xf32>
        %mul3A_3242 = vector.broadcast %squeeze3A_3089 : f32 to vector<16xf32>
        %mul3A_3243 = arith.mulf %get3A_3241, %mul3A_3242 : vector<16xf32>
        %add3A_3244 = arith.addf %add3A_3237, %mul3A_3243 : vector<16xf32>
        %swap3A_3245 = arith.index_cast %add3A_3081 : i32 to index
        %swap3A_3246 = arith.constant 64 : index
        %swap3A_3247 = tpu.vector_load %arg22[%swap3A_3245, %swap3A_3246] {strides = array<i32>} : memref<128x96xf32, #tpu.memory_space<vmem>>, vector<1x16xf32>,
        %swap3A_3248 = vector.shape_cast %swap3A_3247 : vector<1x16xf32> to vector<16xf32>
        %swap3A_3249 = vector.shape_cast %add3A_3244 : vector<16xf32> to vector<1x16xf32>
        tpu.vector_store %arg22[%swap3A_3245, %swap3A_3246], %swap3A_3249 {strides = array<i32>} : memref<128x96xf32, #tpu.memory_space<vmem>>, vector<1x16xf32>,
        %get3A_3250 = arith.index_cast %add3A_3081 : i32 to index
        %get3A_3251 = arith.constant 80 : index
        %get3A_3252 = tpu.vector_load %arg18[%get3A_3250, %get3A_3251] {strides = array<i32>} : memref<128x96xf32, #tpu.memory_space<vmem>>, vector<1x16xf32>,
        %get3A_3253 = vector.shape_cast %get3A_3252 : vector<1x16xf32> to vector<16xf32>
        %mul3A_3254 = vector.broadcast %squeeze3A_3083 : f32 to vector<16xf32>
        %mul3A_3255 = arith.mulf %get3A_3253, %mul3A_3254 : vector<16xf32>
        %get3A_3256 = arith.index_cast %add3A_3081 : i32 to index
        %get3A_3257 = arith.constant 80 : index
        %get3A_3258 = tpu.vector_load %arg19[%get3A_3256, %get3A_3257] {strides = array<i32>} : memref<128x96xf32, #tpu.memory_space<vmem>>, vector<1x16xf32>,
        %get3A_3259 = vector.shape_cast %get3A_3258 : vector<1x16xf32> to vector<16xf32>
        %mul3A_3260 = vector.broadcast %squeeze3A_3085 : f32 to vector<16xf32>
        %mul3A_3261 = arith.mulf %get3A_3259, %mul3A_3260 : vector<16xf32>
        %add3A_3262 = arith.addf %mul3A_3255, %mul3A_3261 : vector<16xf32>
        %get3A_3263 = arith.index_cast %add3A_3081 : i32 to index
        %get3A_3264 = arith.constant 80 : index
        %get3A_3265 = tpu.vector_load %arg20[%get3A_3263, %get3A_3264] {strides = array<i32>} : memref<128x96xf32, #tpu.memory_space<vmem>>, vector<1x16xf32>,
        %get3A_3266 = vector.shape_cast %get3A_3265 : vector<1x16xf32> to vector<16xf32>
        %mul3A_3267 = vector.broadcast %squeeze3A_3087 : f32 to vector<16xf32>
        %mul3A_3268 = arith.mulf %get3A_3266, %mul3A_3267 : vector<16xf32>
        %add3A_3269 = arith.addf %add3A_3262, %mul3A_3268 : vector<16xf32>
        %get3A_3270 = arith.index_cast %add3A_3081 : i32 to index
        %get3A_3271 = arith.constant 80 : index
        %get3A_3272 = tpu.vector_load %arg21[%get3A_3270, %get3A_3271] {strides = array<i32>} : memref<128x96xf32, #tpu.memory_space<vmem>>, vector<1x16xf32>,
        %get3A_3273 = vector.shape_cast %get3A_3272 : vector<1x16xf32> to vector<16xf32>
        %mul3A_3274 = vector.broadcast %squeeze3A_3089 : f32 to vector<16xf32>
        %mul3A_3275 = arith.mulf %get3A_3273, %mul3A_3274 : vector<16xf32>
        %add3A_3276 = arith.addf %add3A_3269, %mul3A_3275 : vector<16xf32>
        %swap3A_3277 = arith.index_cast %add3A_3081 : i32 to index
        %swap3A_3278 = arith.constant 80 : index
        %swap3A_3279 = tpu.vector_load %arg22[%swap3A_3277, %swap3A_3278] {strides = array<i32>} : memref<128x96xf32, #tpu.memory_space<vmem>>, vector<1x16xf32>,
        %swap3A_3280 = vector.shape_cast %swap3A_3279 : vector<1x16xf32> to vector<16xf32>
        %swap3A_3281 = vector.shape_cast %add3A_3276 : vector<16xf32> to vector<1x16xf32>
        tpu.vector_store %arg22[%swap3A_3277, %swap3A_3278], %swap3A_3281 {strides = array<i32>} : memref<128x96xf32, #tpu.memory_space<vmem>>, vector<1x16xf32>,
        %add3A_3282 = arith.constant 11 : i32
        %add3A_3283 = arith.addi %mul3A_1049, %add3A_3282 : i32
        %slice3A_3284 = vector.extract_strided_slice %get3A_1052 {offsets = [11], sizes = [1], strides = [1]} : vector<16xf32> to vector<1xf32>
        %squeeze3A_3285 = vector.extract %slice3A_3284[0] : f32 from vector<1xf32>
        %slice3A_3286 = vector.extract_strided_slice %get3A_1055 {offsets = [11], sizes = [1], strides = [1]} : vector<16xf32> to vector<1xf32>
        %squeeze3A_3287 = vector.extract %slice3A_3286[0] : f32 from vector<1xf32>
        %slice3A_3288 = vector.extract_strided_slice %get3A_1058 {offsets = [11], sizes = [1], strides = [1]} : vector<16xf32> to vector<1xf32>
        %squeeze3A_3289 = vector.extract %slice3A_3288[0] : f32 from vector<1xf32>
        %slice3A_3290 = vector.extract_strided_slice %get3A_1061 {offsets = [11], sizes = [1], strides = [1]} : vector<16xf32> to vector<1xf32>
        %squeeze3A_3291 = vector.extract %slice3A_3290[0] : f32 from vector<1xf32>
        %get3A_3292 = arith.index_cast %add3A_3283 : i32 to index
        %get3A_3293 = arith.constant 0 : index
        %get3A_3294 = tpu.vector_load %arg18[%get3A_3292, %get3A_3293] {strides = array<i32>} : memref<128x96xf32, #tpu.memory_space<vmem>>, vector<1x16xf32>,
        %get3A_3295 = vector.shape_cast %get3A_3294 : vector<1x16xf32> to vector<16xf32>
        %mul3A_3296 = vector.broadcast %squeeze3A_3285 : f32 to vector<16xf32>
        %mul3A_3297 = arith.mulf %get3A_3295, %mul3A_3296 : vector<16xf32>
        %get3A_3298 = arith.index_cast %add3A_3283 : i32 to index
        %get3A_3299 = arith.constant 0 : index
        %get3A_3300 = tpu.vector_load %arg19[%get3A_3298, %get3A_3299] {strides = array<i32>} : memref<128x96xf32, #tpu.memory_space<vmem>>, vector<1x16xf32>,
        %get3A_3301 = vector.shape_cast %get3A_3300 : vector<1x16xf32> to vector<16xf32>
        %mul3A_3302 = vector.broadcast %squeeze3A_3287 : f32 to vector<16xf32>
        %mul3A_3303 = arith.mulf %get3A_3301, %mul3A_3302 : vector<16xf32>
        %add3A_3304 = arith.addf %mul3A_3297, %mul3A_3303 : vector<16xf32>
        %get3A_3305 = arith.index_cast %add3A_3283 : i32 to index
        %get3A_3306 = arith.constant 0 : index
        %get3A_3307 = tpu.vector_load %arg20[%get3A_3305, %get3A_3306] {strides = array<i32>} : memref<128x96xf32, #tpu.memory_space<vmem>>, vector<1x16xf32>,
        %get3A_3308 = vector.shape_cast %get3A_3307 : vector<1x16xf32> to vector<16xf32>
        %mul3A_3309 = vector.broadcast %squeeze3A_3289 : f32 to vector<16xf32>
        %mul3A_3310 = arith.mulf %get3A_3308, %mul3A_3309 : vector<16xf32>
        %add3A_3311 = arith.addf %add3A_3304, %mul3A_3310 : vector<16xf32>
        %get3A_3312 = arith.index_cast %add3A_3283 : i32 to index
        %get3A_3313 = arith.constant 0 : index
        %get3A_3314 = tpu.vector_load %arg21[%get3A_3312, %get3A_3313] {strides = array<i32>} : memref<128x96xf32, #tpu.memory_space<vmem>>, vector<1x16xf32>,
        %get3A_3315 = vector.shape_cast %get3A_3314 : vector<1x16xf32> to vector<16xf32>
        %mul3A_3316 = vector.broadcast %squeeze3A_3291 : f32 to vector<16xf32>
        %mul3A_3317 = arith.mulf %get3A_3315, %mul3A_3316 : vector<16xf32>
        %add3A_3318 = arith.addf %add3A_3311, %mul3A_3317 : vector<16xf32>
        %swap3A_3319 = arith.index_cast %add3A_3283 : i32 to index
        %swap3A_3320 = arith.constant 0 : index
        %swap3A_3321 = tpu.vector_load %arg22[%swap3A_3319, %swap3A_3320] {strides = array<i32>} : memref<128x96xf32, #tpu.memory_space<vmem>>, vector<1x16xf32>,
        %swap3A_3322 = vector.shape_cast %swap3A_3321 : vector<1x16xf32> to vector<16xf32>
        %swap3A_3323 = vector.shape_cast %add3A_3318 : vector<16xf32> to vector<1x16xf32>
        tpu.vector_store %arg22[%swap3A_3319, %swap3A_3320], %swap3A_3323 {strides = array<i32>} : memref<128x96xf32, #tpu.memory_space<vmem>>, vector<1x16xf32>,
        %get3A_3324 = arith.index_cast %add3A_3283 : i32 to index
        %get3A_3325 = arith.constant 16 : index
        %get3A_3326 = tpu.vector_load %arg18[%get3A_3324, %get3A_3325] {strides = array<i32>} : memref<128x96xf32, #tpu.memory_space<vmem>>, vector<1x16xf32>,
        %get3A_3327 = vector.shape_cast %get3A_3326 : vector<1x16xf32> to vector<16xf32>
        %mul3A_3328 = vector.broadcast %squeeze3A_3285 : f32 to vector<16xf32>
        %mul3A_3329 = arith.mulf %get3A_3327, %mul3A_3328 : vector<16xf32>
        %get3A_3330 = arith.index_cast %add3A_3283 : i32 to index
        %get3A_3331 = arith.constant 16 : index
        %get3A_3332 = tpu.vector_load %arg19[%get3A_3330, %get3A_3331] {strides = array<i32>} : memref<128x96xf32, #tpu.memory_space<vmem>>, vector<1x16xf32>,
        %get3A_3333 = vector.shape_cast %get3A_3332 : vector<1x16xf32> to vector<16xf32>
        %mul3A_3334 = vector.broadcast %squeeze3A_3287 : f32 to vector<16xf32>
        %mul3A_3335 = arith.mulf %get3A_3333, %mul3A_3334 : vector<16xf32>
        %add3A_3336 = arith.addf %mul3A_3329, %mul3A_3335 : vector<16xf32>
        %get3A_3337 = arith.index_cast %add3A_3283 : i32 to index
        %get3A_3338 = arith.constant 16 : index
        %get3A_3339 = tpu.vector_load %arg20[%get3A_3337, %get3A_3338] {strides = array<i32>} : memref<128x96xf32, #tpu.memory_space<vmem>>, vector<1x16xf32>,
        %get3A_3340 = vector.shape_cast %get3A_3339 : vector<1x16xf32> to vector<16xf32>
        %mul3A_3341 = vector.broadcast %squeeze3A_3289 : f32 to vector<16xf32>
        %mul3A_3342 = arith.mulf %get3A_3340, %mul3A_3341 : vector<16xf32>
        %add3A_3343 = arith.addf %add3A_3336, %mul3A_3342 : vector<16xf32>
        %get3A_3344 = arith.index_cast %add3A_3283 : i32 to index
        %get3A_3345 = arith.constant 16 : index
        %get3A_3346 = tpu.vector_load %arg21[%get3A_3344, %get3A_3345] {strides = array<i32>} : memref<128x96xf32, #tpu.memory_space<vmem>>, vector<1x16xf32>,
        %get3A_3347 = vector.shape_cast %get3A_3346 : vector<1x16xf32> to vector<16xf32>
        %mul3A_3348 = vector.broadcast %squeeze3A_3291 : f32 to vector<16xf32>
        %mul3A_3349 = arith.mulf %get3A_3347, %mul3A_3348 : vector<16xf32>
        %add3A_3350 = arith.addf %add3A_3343, %mul3A_3349 : vector<16xf32>
        %swap3A_3351 = arith.index_cast %add3A_3283 : i32 to index
        %swap3A_3352 = arith.constant 16 : index
        %swap3A_3353 = tpu.vector_load %arg22[%swap3A_3351, %swap3A_3352] {strides = array<i32>} : memref<128x96xf32, #tpu.memory_space<vmem>>, vector<1x16xf32>,
        %swap3A_3354 = vector.shape_cast %swap3A_3353 : vector<1x16xf32> to vector<16xf32>
        %swap3A_3355 = vector.shape_cast %add3A_3350 : vector<16xf32> to vector<1x16xf32>
        tpu.vector_store %arg22[%swap3A_3351, %swap3A_3352], %swap3A_3355 {strides = array<i32>} : memref<128x96xf32, #tpu.memory_space<vmem>>, vector<1x16xf32>,
        %get3A_3356 = arith.index_cast %add3A_3283 : i32 to index
        %get3A_3357 = arith.constant 32 : index
        %get3A_3358 = tpu.vector_load %arg18[%get3A_3356, %get3A_3357] {strides = array<i32>} : memref<128x96xf32, #tpu.memory_space<vmem>>, vector<1x16xf32>,
        %get3A_3359 = vector.shape_cast %get3A_3358 : vector<1x16xf32> to vector<16xf32>
        %mul3A_3360 = vector.broadcast %squeeze3A_3285 : f32 to vector<16xf32>
        %mul3A_3361 = arith.mulf %get3A_3359, %mul3A_3360 : vector<16xf32>
        %get3A_3362 = arith.index_cast %add3A_3283 : i32 to index
        %get3A_3363 = arith.constant 32 : index
        %get3A_3364 = tpu.vector_load %arg19[%get3A_3362, %get3A_3363] {strides = array<i32>} : memref<128x96xf32, #tpu.memory_space<vmem>>, vector<1x16xf32>,
        %get3A_3365 = vector.shape_cast %get3A_3364 : vector<1x16xf32> to vector<16xf32>
        %mul3A_3366 = vector.broadcast %squeeze3A_3287 : f32 to vector<16xf32>
        %mul3A_3367 = arith.mulf %get3A_3365, %mul3A_3366 : vector<16xf32>
        %add3A_3368 = arith.addf %mul3A_3361, %mul3A_3367 : vector<16xf32>
        %get3A_3369 = arith.index_cast %add3A_3283 : i32 to index
        %get3A_3370 = arith.constant 32 : index
        %get3A_3371 = tpu.vector_load %arg20[%get3A_3369, %get3A_3370] {strides = array<i32>} : memref<128x96xf32, #tpu.memory_space<vmem>>, vector<1x16xf32>,
        %get3A_3372 = vector.shape_cast %get3A_3371 : vector<1x16xf32> to vector<16xf32>
        %mul3A_3373 = vector.broadcast %squeeze3A_3289 : f32 to vector<16xf32>
        %mul3A_3374 = arith.mulf %get3A_3372, %mul3A_3373 : vector<16xf32>
        %add3A_3375 = arith.addf %add3A_3368, %mul3A_3374 : vector<16xf32>
        %get3A_3376 = arith.index_cast %add3A_3283 : i32 to index
        %get3A_3377 = arith.constant 32 : index
        %get3A_3378 = tpu.vector_load %arg21[%get3A_3376, %get3A_3377] {strides = array<i32>} : memref<128x96xf32, #tpu.memory_space<vmem>>, vector<1x16xf32>,
        %get3A_3379 = vector.shape_cast %get3A_3378 : vector<1x16xf32> to vector<16xf32>
        %mul3A_3380 = vector.broadcast %squeeze3A_3291 : f32 to vector<16xf32>
        %mul3A_3381 = arith.mulf %get3A_3379, %mul3A_3380 : vector<16xf32>
        %add3A_3382 = arith.addf %add3A_3375, %mul3A_3381 : vector<16xf32>
        %swap3A_3383 = arith.index_cast %add3A_3283 : i32 to index
        %swap3A_3384 = arith.constant 32 : index
        %swap3A_3385 = tpu.vector_load %arg22[%swap3A_3383, %swap3A_3384] {strides = array<i32>} : memref<128x96xf32, #tpu.memory_space<vmem>>, vector<1x16xf32>,
        %swap3A_3386 = vector.shape_cast %swap3A_3385 : vector<1x16xf32> to vector<16xf32>
        %swap3A_3387 = vector.shape_cast %add3A_3382 : vector<16xf32> to vector<1x16xf32>
        tpu.vector_store %arg22[%swap3A_3383, %swap3A_3384], %swap3A_3387 {strides = array<i32>} : memref<128x96xf32, #tpu.memory_space<vmem>>, vector<1x16xf32>,
        %get3A_3388 = arith.index_cast %add3A_3283 : i32 to index
        %get3A_3389 = arith.constant 48 : index
        %get3A_3390 = tpu.vector_load %arg18[%get3A_3388, %get3A_3389] {strides = array<i32>} : memref<128x96xf32, #tpu.memory_space<vmem>>, vector<1x16xf32>,
        %get3A_3391 = vector.shape_cast %get3A_3390 : vector<1x16xf32> to vector<16xf32>
        %mul3A_3392 = vector.broadcast %squeeze3A_3285 : f32 to vector<16xf32>
        %mul3A_3393 = arith.mulf %get3A_3391, %mul3A_3392 : vector<16xf32>
        %get3A_3394 = arith.index_cast %add3A_3283 : i32 to index
        %get3A_3395 = arith.constant 48 : index
        %get3A_3396 = tpu.vector_load %arg19[%get3A_3394, %get3A_3395] {strides = array<i32>} : memref<128x96xf32, #tpu.memory_space<vmem>>, vector<1x16xf32>,
        %get3A_3397 = vector.shape_cast %get3A_3396 : vector<1x16xf32> to vector<16xf32>
        %mul3A_3398 = vector.broadcast %squeeze3A_3287 : f32 to vector<16xf32>
        %mul3A_3399 = arith.mulf %get3A_3397, %mul3A_3398 : vector<16xf32>
        %add3A_3400 = arith.addf %mul3A_3393, %mul3A_3399 : vector<16xf32>
        %get3A_3401 = arith.index_cast %add3A_3283 : i32 to index
        %get3A_3402 = arith.constant 48 : index
        %get3A_3403 = tpu.vector_load %arg20[%get3A_3401, %get3A_3402] {strides = array<i32>} : memref<128x96xf32, #tpu.memory_space<vmem>>, vector<1x16xf32>,
        %get3A_3404 = vector.shape_cast %get3A_3403 : vector<1x16xf32> to vector<16xf32>
        %mul3A_3405 = vector.broadcast %squeeze3A_3289 : f32 to vector<16xf32>
        %mul3A_3406 = arith.mulf %get3A_3404, %mul3A_3405 : vector<16xf32>
        %add3A_3407 = arith.addf %add3A_3400, %mul3A_3406 : vector<16xf32>
        %get3A_3408 = arith.index_cast %add3A_3283 : i32 to index
        %get3A_3409 = arith.constant 48 : index
        %get3A_3410 = tpu.vector_load %arg21[%get3A_3408, %get3A_3409] {strides = array<i32>} : memref<128x96xf32, #tpu.memory_space<vmem>>, vector<1x16xf32>,
        %get3A_3411 = vector.shape_cast %get3A_3410 : vector<1x16xf32> to vector<16xf32>
        %mul3A_3412 = vector.broadcast %squeeze3A_3291 : f32 to vector<16xf32>
        %mul3A_3413 = arith.mulf %get3A_3411, %mul3A_3412 : vector<16xf32>
        %add3A_3414 = arith.addf %add3A_3407, %mul3A_3413 : vector<16xf32>
        %swap3A_3415 = arith.index_cast %add3A_3283 : i32 to index
        %swap3A_3416 = arith.constant 48 : index
        %swap3A_3417 = tpu.vector_load %arg22[%swap3A_3415, %swap3A_3416] {strides = array<i32>} : memref<128x96xf32, #tpu.memory_space<vmem>>, vector<1x16xf32>,
        %swap3A_3418 = vector.shape_cast %swap3A_3417 : vector<1x16xf32> to vector<16xf32>
        %swap3A_3419 = vector.shape_cast %add3A_3414 : vector<16xf32> to vector<1x16xf32>
        tpu.vector_store %arg22[%swap3A_3415, %swap3A_3416], %swap3A_3419 {strides = array<i32>} : memref<128x96xf32, #tpu.memory_space<vmem>>, vector<1x16xf32>,
        %get3A_3420 = arith.index_cast %add3A_3283 : i32 to index
        %get3A_3421 = arith.constant 64 : index
        %get3A_3422 = tpu.vector_load %arg18[%get3A_3420, %get3A_3421] {strides = array<i32>} : memref<128x96xf32, #tpu.memory_space<vmem>>, vector<1x16xf32>,
        %get3A_3423 = vector.shape_cast %get3A_3422 : vector<1x16xf32> to vector<16xf32>
        %mul3A_3424 = vector.broadcast %squeeze3A_3285 : f32 to vector<16xf32>
        %mul3A_3425 = arith.mulf %get3A_3423, %mul3A_3424 : vector<16xf32>
        %get3A_3426 = arith.index_cast %add3A_3283 : i32 to index
        %get3A_3427 = arith.constant 64 : index
        %get3A_3428 = tpu.vector_load %arg19[%get3A_3426, %get3A_3427] {strides = array<i32>} : memref<128x96xf32, #tpu.memory_space<vmem>>, vector<1x16xf32>,
        %get3A_3429 = vector.shape_cast %get3A_3428 : vector<1x16xf32> to vector<16xf32>
        %mul3A_3430 = vector.broadcast %squeeze3A_3287 : f32 to vector<16xf32>
        %mul3A_3431 = arith.mulf %get3A_3429, %mul3A_3430 : vector<16xf32>
        %add3A_3432 = arith.addf %mul3A_3425, %mul3A_3431 : vector<16xf32>
        %get3A_3433 = arith.index_cast %add3A_3283 : i32 to index
        %get3A_3434 = arith.constant 64 : index
        %get3A_3435 = tpu.vector_load %arg20[%get3A_3433, %get3A_3434] {strides = array<i32>} : memref<128x96xf32, #tpu.memory_space<vmem>>, vector<1x16xf32>,
        %get3A_3436 = vector.shape_cast %get3A_3435 : vector<1x16xf32> to vector<16xf32>
        %mul3A_3437 = vector.broadcast %squeeze3A_3289 : f32 to vector<16xf32>
        %mul3A_3438 = arith.mulf %get3A_3436, %mul3A_3437 : vector<16xf32>
        %add3A_3439 = arith.addf %add3A_3432, %mul3A_3438 : vector<16xf32>
        %get3A_3440 = arith.index_cast %add3A_3283 : i32 to index
        %get3A_3441 = arith.constant 64 : index
        %get3A_3442 = tpu.vector_load %arg21[%get3A_3440, %get3A_3441] {strides = array<i32>} : memref<128x96xf32, #tpu.memory_space<vmem>>, vector<1x16xf32>,
        %get3A_3443 = vector.shape_cast %get3A_3442 : vector<1x16xf32> to vector<16xf32>
        %mul3A_3444 = vector.broadcast %squeeze3A_3291 : f32 to vector<16xf32>
        %mul3A_3445 = arith.mulf %get3A_3443, %mul3A_3444 : vector<16xf32>
        %add3A_3446 = arith.addf %add3A_3439, %mul3A_3445 : vector<16xf32>
        %swap3A_3447 = arith.index_cast %add3A_3283 : i32 to index
        %swap3A_3448 = arith.constant 64 : index
        %swap3A_3449 = tpu.vector_load %arg22[%swap3A_3447, %swap3A_3448] {strides = array<i32>} : memref<128x96xf32, #tpu.memory_space<vmem>>, vector<1x16xf32>,
        %swap3A_3450 = vector.shape_cast %swap3A_3449 : vector<1x16xf32> to vector<16xf32>
        %swap3A_3451 = vector.shape_cast %add3A_3446 : vector<16xf32> to vector<1x16xf32>
        tpu.vector_store %arg22[%swap3A_3447, %swap3A_3448], %swap3A_3451 {strides = array<i32>} : memref<128x96xf32, #tpu.memory_space<vmem>>, vector<1x16xf32>,
        %get3A_3452 = arith.index_cast %add3A_3283 : i32 to index
        %get3A_3453 = arith.constant 80 : index
        %get3A_3454 = tpu.vector_load %arg18[%get3A_3452, %get3A_3453] {strides = array<i32>} : memref<128x96xf32, #tpu.memory_space<vmem>>, vector<1x16xf32>,
        %get3A_3455 = vector.shape_cast %get3A_3454 : vector<1x16xf32> to vector<16xf32>
        %mul3A_3456 = vector.broadcast %squeeze3A_3285 : f32 to vector<16xf32>
        %mul3A_3457 = arith.mulf %get3A_3455, %mul3A_3456 : vector<16xf32>
        %get3A_3458 = arith.index_cast %add3A_3283 : i32 to index
        %get3A_3459 = arith.constant 80 : index
        %get3A_3460 = tpu.vector_load %arg19[%get3A_3458, %get3A_3459] {strides = array<i32>} : memref<128x96xf32, #tpu.memory_space<vmem>>, vector<1x16xf32>,
        %get3A_3461 = vector.shape_cast %get3A_3460 : vector<1x16xf32> to vector<16xf32>
        %mul3A_3462 = vector.broadcast %squeeze3A_3287 : f32 to vector<16xf32>
        %mul3A_3463 = arith.mulf %get3A_3461, %mul3A_3462 : vector<16xf32>
        %add3A_3464 = arith.addf %mul3A_3457, %mul3A_3463 : vector<16xf32>
        %get3A_3465 = arith.index_cast %add3A_3283 : i32 to index
        %get3A_3466 = arith.constant 80 : index
        %get3A_3467 = tpu.vector_load %arg20[%get3A_3465, %get3A_3466] {strides = array<i32>} : memref<128x96xf32, #tpu.memory_space<vmem>>, vector<1x16xf32>,
        %get3A_3468 = vector.shape_cast %get3A_3467 : vector<1x16xf32> to vector<16xf32>
        %mul3A_3469 = vector.broadcast %squeeze3A_3289 : f32 to vector<16xf32>
        %mul3A_3470 = arith.mulf %get3A_3468, %mul3A_3469 : vector<16xf32>
        %add3A_3471 = arith.addf %add3A_3464, %mul3A_3470 : vector<16xf32>
        %get3A_3472 = arith.index_cast %add3A_3283 : i32 to index
        %get3A_3473 = arith.constant 80 : index
        %get3A_3474 = tpu.vector_load %arg21[%get3A_3472, %get3A_3473] {strides = array<i32>} : memref<128x96xf32, #tpu.memory_space<vmem>>, vector<1x16xf32>,
        %get3A_3475 = vector.shape_cast %get3A_3474 : vector<1x16xf32> to vector<16xf32>
        %mul3A_3476 = vector.broadcast %squeeze3A_3291 : f32 to vector<16xf32>
        %mul3A_3477 = arith.mulf %get3A_3475, %mul3A_3476 : vector<16xf32>
        %add3A_3478 = arith.addf %add3A_3471, %mul3A_3477 : vector<16xf32>
        %swap3A_3479 = arith.index_cast %add3A_3283 : i32 to index
        %swap3A_3480 = arith.constant 80 : index
        %swap3A_3481 = tpu.vector_load %arg22[%swap3A_3479, %swap3A_3480] {strides = array<i32>} : memref<128x96xf32, #tpu.memory_space<vmem>>, vector<1x16xf32>,
        %swap3A_3482 = vector.shape_cast %swap3A_3481 : vector<1x16xf32> to vector<16xf32>
        %swap3A_3483 = vector.shape_cast %add3A_3478 : vector<16xf32> to vector<1x16xf32>
        tpu.vector_store %arg22[%swap3A_3479, %swap3A_3480], %swap3A_3483 {strides = array<i32>} : memref<128x96xf32, #tpu.memory_space<vmem>>, vector<1x16xf32>,
        %add3A_3484 = arith.constant 12 : i32
        %add3A_3485 = arith.addi %mul3A_1049, %add3A_3484 : i32
        %slice3A_3486 = vector.extract_strided_slice %get3A_1052 {offsets = [12], sizes = [1], strides = [1]} : vector<16xf32> to vector<1xf32>
        %squeeze3A_3487 = vector.extract %slice3A_3486[0] : f32 from vector<1xf32>
        %slice3A_3488 = vector.extract_strided_slice %get3A_1055 {offsets = [12], sizes = [1], strides = [1]} : vector<16xf32> to vector<1xf32>
        %squeeze3A_3489 = vector.extract %slice3A_3488[0] : f32 from vector<1xf32>
        %slice3A_3490 = vector.extract_strided_slice %get3A_1058 {offsets = [12], sizes = [1], strides = [1]} : vector<16xf32> to vector<1xf32>
        %squeeze3A_3491 = vector.extract %slice3A_3490[0] : f32 from vector<1xf32>
        %slice3A_3492 = vector.extract_strided_slice %get3A_1061 {offsets = [12], sizes = [1], strides = [1]} : vector<16xf32> to vector<1xf32>
        %squeeze3A_3493 = vector.extract %slice3A_3492[0] : f32 from vector<1xf32>
        %get3A_3494 = arith.index_cast %add3A_3485 : i32 to index
        %get3A_3495 = arith.constant 0 : index
        %get3A_3496 = tpu.vector_load %arg18[%get3A_3494, %get3A_3495] {strides = array<i32>} : memref<128x96xf32, #tpu.memory_space<vmem>>, vector<1x16xf32>,
        %get3A_3497 = vector.shape_cast %get3A_3496 : vector<1x16xf32> to vector<16xf32>
        %mul3A_3498 = vector.broadcast %squeeze3A_3487 : f32 to vector<16xf32>
        %mul3A_3499 = arith.mulf %get3A_3497, %mul3A_3498 : vector<16xf32>
        %get3A_3500 = arith.index_cast %add3A_3485 : i32 to index
        %get3A_3501 = arith.constant 0 : index
        %get3A_3502 = tpu.vector_load %arg19[%get3A_3500, %get3A_3501] {strides = array<i32>} : memref<128x96xf32, #tpu.memory_space<vmem>>, vector<1x16xf32>,
        %get3A_3503 = vector.shape_cast %get3A_3502 : vector<1x16xf32> to vector<16xf32>
        %mul3A_3504 = vector.broadcast %squeeze3A_3489 : f32 to vector<16xf32>
        %mul3A_3505 = arith.mulf %get3A_3503, %mul3A_3504 : vector<16xf32>
        %add3A_3506 = arith.addf %mul3A_3499, %mul3A_3505 : vector<16xf32>
        %get3A_3507 = arith.index_cast %add3A_3485 : i32 to index
        %get3A_3508 = arith.constant 0 : index
        %get3A_3509 = tpu.vector_load %arg20[%get3A_3507, %get3A_3508] {strides = array<i32>} : memref<128x96xf32, #tpu.memory_space<vmem>>, vector<1x16xf32>,
        %get3A_3510 = vector.shape_cast %get3A_3509 : vector<1x16xf32> to vector<16xf32>
        %mul3A_3511 = vector.broadcast %squeeze3A_3491 : f32 to vector<16xf32>
        %mul3A_3512 = arith.mulf %get3A_3510, %mul3A_3511 : vector<16xf32>
        %add3A_3513 = arith.addf %add3A_3506, %mul3A_3512 : vector<16xf32>
        %get3A_3514 = arith.index_cast %add3A_3485 : i32 to index
        %get3A_3515 = arith.constant 0 : index
        %get3A_3516 = tpu.vector_load %arg21[%get3A_3514, %get3A_3515] {strides = array<i32>} : memref<128x96xf32, #tpu.memory_space<vmem>>, vector<1x16xf32>,
        %get3A_3517 = vector.shape_cast %get3A_3516 : vector<1x16xf32> to vector<16xf32>
        %mul3A_3518 = vector.broadcast %squeeze3A_3493 : f32 to vector<16xf32>
        %mul3A_3519 = arith.mulf %get3A_3517, %mul3A_3518 : vector<16xf32>
        %add3A_3520 = arith.addf %add3A_3513, %mul3A_3519 : vector<16xf32>
        %swap3A_3521 = arith.index_cast %add3A_3485 : i32 to index
        %swap3A_3522 = arith.constant 0 : index
        %swap3A_3523 = tpu.vector_load %arg22[%swap3A_3521, %swap3A_3522] {strides = array<i32>} : memref<128x96xf32, #tpu.memory_space<vmem>>, vector<1x16xf32>,
        %swap3A_3524 = vector.shape_cast %swap3A_3523 : vector<1x16xf32> to vector<16xf32>
        %swap3A_3525 = vector.shape_cast %add3A_3520 : vector<16xf32> to vector<1x16xf32>
        tpu.vector_store %arg22[%swap3A_3521, %swap3A_3522], %swap3A_3525 {strides = array<i32>} : memref<128x96xf32, #tpu.memory_space<vmem>>, vector<1x16xf32>,
        %get3A_3526 = arith.index_cast %add3A_3485 : i32 to index
        %get3A_3527 = arith.constant 16 : index
        %get3A_3528 = tpu.vector_load %arg18[%get3A_3526, %get3A_3527] {strides = array<i32>} : memref<128x96xf32, #tpu.memory_space<vmem>>, vector<1x16xf32>,
        %get3A_3529 = vector.shape_cast %get3A_3528 : vector<1x16xf32> to vector<16xf32>
        %mul3A_3530 = vector.broadcast %squeeze3A_3487 : f32 to vector<16xf32>
        %mul3A_3531 = arith.mulf %get3A_3529, %mul3A_3530 : vector<16xf32>
        %get3A_3532 = arith.index_cast %add3A_3485 : i32 to index
        %get3A_3533 = arith.constant 16 : index
        %get3A_3534 = tpu.vector_load %arg19[%get3A_3532, %get3A_3533] {strides = array<i32>} : memref<128x96xf32, #tpu.memory_space<vmem>>, vector<1x16xf32>,
        %get3A_3535 = vector.shape_cast %get3A_3534 : vector<1x16xf32> to vector<16xf32>
        %mul3A_3536 = vector.broadcast %squeeze3A_3489 : f32 to vector<16xf32>
        %mul3A_3537 = arith.mulf %get3A_3535, %mul3A_3536 : vector<16xf32>
        %add3A_3538 = arith.addf %mul3A_3531, %mul3A_3537 : vector<16xf32>
        %get3A_3539 = arith.index_cast %add3A_3485 : i32 to index
        %get3A_3540 = arith.constant 16 : index
        %get3A_3541 = tpu.vector_load %arg20[%get3A_3539, %get3A_3540] {strides = array<i32>} : memref<128x96xf32, #tpu.memory_space<vmem>>, vector<1x16xf32>,
        %get3A_3542 = vector.shape_cast %get3A_3541 : vector<1x16xf32> to vector<16xf32>
        %mul3A_3543 = vector.broadcast %squeeze3A_3491 : f32 to vector<16xf32>
        %mul3A_3544 = arith.mulf %get3A_3542, %mul3A_3543 : vector<16xf32>
        %add3A_3545 = arith.addf %add3A_3538, %mul3A_3544 : vector<16xf32>
        %get3A_3546 = arith.index_cast %add3A_3485 : i32 to index
        %get3A_3547 = arith.constant 16 : index
        %get3A_3548 = tpu.vector_load %arg21[%get3A_3546, %get3A_3547] {strides = array<i32>} : memref<128x96xf32, #tpu.memory_space<vmem>>, vector<1x16xf32>,
        %get3A_3549 = vector.shape_cast %get3A_3548 : vector<1x16xf32> to vector<16xf32>
        %mul3A_3550 = vector.broadcast %squeeze3A_3493 : f32 to vector<16xf32>
        %mul3A_3551 = arith.mulf %get3A_3549, %mul3A_3550 : vector<16xf32>
        %add3A_3552 = arith.addf %add3A_3545, %mul3A_3551 : vector<16xf32>
        %swap3A_3553 = arith.index_cast %add3A_3485 : i32 to index
        %swap3A_3554 = arith.constant 16 : index
        %swap3A_3555 = tpu.vector_load %arg22[%swap3A_3553, %swap3A_3554] {strides = array<i32>} : memref<128x96xf32, #tpu.memory_space<vmem>>, vector<1x16xf32>,
        %swap3A_3556 = vector.shape_cast %swap3A_3555 : vector<1x16xf32> to vector<16xf32>
        %swap3A_3557 = vector.shape_cast %add3A_3552 : vector<16xf32> to vector<1x16xf32>
        tpu.vector_store %arg22[%swap3A_3553, %swap3A_3554], %swap3A_3557 {strides = array<i32>} : memref<128x96xf32, #tpu.memory_space<vmem>>, vector<1x16xf32>,
        %get3A_3558 = arith.index_cast %add3A_3485 : i32 to index
        %get3A_3559 = arith.constant 32 : index
        %get3A_3560 = tpu.vector_load %arg18[%get3A_3558, %get3A_3559] {strides = array<i32>} : memref<128x96xf32, #tpu.memory_space<vmem>>, vector<1x16xf32>,
        %get3A_3561 = vector.shape_cast %get3A_3560 : vector<1x16xf32> to vector<16xf32>
        %mul3A_3562 = vector.broadcast %squeeze3A_3487 : f32 to vector<16xf32>
        %mul3A_3563 = arith.mulf %get3A_3561, %mul3A_3562 : vector<16xf32>
        %get3A_3564 = arith.index_cast %add3A_3485 : i32 to index
        %get3A_3565 = arith.constant 32 : index
        %get3A_3566 = tpu.vector_load %arg19[%get3A_3564, %get3A_3565] {strides = array<i32>} : memref<128x96xf32, #tpu.memory_space<vmem>>, vector<1x16xf32>,
        %get3A_3567 = vector.shape_cast %get3A_3566 : vector<1x16xf32> to vector<16xf32>
        %mul3A_3568 = vector.broadcast %squeeze3A_3489 : f32 to vector<16xf32>
        %mul3A_3569 = arith.mulf %get3A_3567, %mul3A_3568 : vector<16xf32>
        %add3A_3570 = arith.addf %mul3A_3563, %mul3A_3569 : vector<16xf32>
        %get3A_3571 = arith.index_cast %add3A_3485 : i32 to index
        %get3A_3572 = arith.constant 32 : index
        %get3A_3573 = tpu.vector_load %arg20[%get3A_3571, %get3A_3572] {strides = array<i32>} : memref<128x96xf32, #tpu.memory_space<vmem>>, vector<1x16xf32>,
        %get3A_3574 = vector.shape_cast %get3A_3573 : vector<1x16xf32> to vector<16xf32>
        %mul3A_3575 = vector.broadcast %squeeze3A_3491 : f32 to vector<16xf32>
        %mul3A_3576 = arith.mulf %get3A_3574, %mul3A_3575 : vector<16xf32>
        %add3A_3577 = arith.addf %add3A_3570, %mul3A_3576 : vector<16xf32>
        %get3A_3578 = arith.index_cast %add3A_3485 : i32 to index
        %get3A_3579 = arith.constant 32 : index
        %get3A_3580 = tpu.vector_load %arg21[%get3A_3578, %get3A_3579] {strides = array<i32>} : memref<128x96xf32, #tpu.memory_space<vmem>>, vector<1x16xf32>,
        %get3A_3581 = vector.shape_cast %get3A_3580 : vector<1x16xf32> to vector<16xf32>
        %mul3A_3582 = vector.broadcast %squeeze3A_3493 : f32 to vector<16xf32>
        %mul3A_3583 = arith.mulf %get3A_3581, %mul3A_3582 : vector<16xf32>
        %add3A_3584 = arith.addf %add3A_3577, %mul3A_3583 : vector<16xf32>
        %swap3A_3585 = arith.index_cast %add3A_3485 : i32 to index
        %swap3A_3586 = arith.constant 32 : index
        %swap3A_3587 = tpu.vector_load %arg22[%swap3A_3585, %swap3A_3586] {strides = array<i32>} : memref<128x96xf32, #tpu.memory_space<vmem>>, vector<1x16xf32>,
        %swap3A_3588 = vector.shape_cast %swap3A_3587 : vector<1x16xf32> to vector<16xf32>
        %swap3A_3589 = vector.shape_cast %add3A_3584 : vector<16xf32> to vector<1x16xf32>
        tpu.vector_store %arg22[%swap3A_3585, %swap3A_3586], %swap3A_3589 {strides = array<i32>} : memref<128x96xf32, #tpu.memory_space<vmem>>, vector<1x16xf32>,
        %get3A_3590 = arith.index_cast %add3A_3485 : i32 to index
        %get3A_3591 = arith.constant 48 : index
        %get3A_3592 = tpu.vector_load %arg18[%get3A_3590, %get3A_3591] {strides = array<i32>} : memref<128x96xf32, #tpu.memory_space<vmem>>, vector<1x16xf32>,
        %get3A_3593 = vector.shape_cast %get3A_3592 : vector<1x16xf32> to vector<16xf32>
        %mul3A_3594 = vector.broadcast %squeeze3A_3487 : f32 to vector<16xf32>
        %mul3A_3595 = arith.mulf %get3A_3593, %mul3A_3594 : vector<16xf32>
        %get3A_3596 = arith.index_cast %add3A_3485 : i32 to index
        %get3A_3597 = arith.constant 48 : index
        %get3A_3598 = tpu.vector_load %arg19[%get3A_3596, %get3A_3597] {strides = array<i32>} : memref<128x96xf32, #tpu.memory_space<vmem>>, vector<1x16xf32>,
        %get3A_3599 = vector.shape_cast %get3A_3598 : vector<1x16xf32> to vector<16xf32>
        %mul3A_3600 = vector.broadcast %squeeze3A_3489 : f32 to vector<16xf32>
        %mul3A_3601 = arith.mulf %get3A_3599, %mul3A_3600 : vector<16xf32>
        %add3A_3602 = arith.addf %mul3A_3595, %mul3A_3601 : vector<16xf32>
        %get3A_3603 = arith.index_cast %add3A_3485 : i32 to index
        %get3A_3604 = arith.constant 48 : index
        %get3A_3605 = tpu.vector_load %arg20[%get3A_3603, %get3A_3604] {strides = array<i32>} : memref<128x96xf32, #tpu.memory_space<vmem>>, vector<1x16xf32>,
        %get3A_3606 = vector.shape_cast %get3A_3605 : vector<1x16xf32> to vector<16xf32>
        %mul3A_3607 = vector.broadcast %squeeze3A_3491 : f32 to vector<16xf32>
        %mul3A_3608 = arith.mulf %get3A_3606, %mul3A_3607 : vector<16xf32>
        %add3A_3609 = arith.addf %add3A_3602, %mul3A_3608 : vector<16xf32>
        %get3A_3610 = arith.index_cast %add3A_3485 : i32 to index
        %get3A_3611 = arith.constant 48 : index
        %get3A_3612 = tpu.vector_load %arg21[%get3A_3610, %get3A_3611] {strides = array<i32>} : memref<128x96xf32, #tpu.memory_space<vmem>>, vector<1x16xf32>,
        %get3A_3613 = vector.shape_cast %get3A_3612 : vector<1x16xf32> to vector<16xf32>
        %mul3A_3614 = vector.broadcast %squeeze3A_3493 : f32 to vector<16xf32>
        %mul3A_3615 = arith.mulf %get3A_3613, %mul3A_3614 : vector<16xf32>
        %add3A_3616 = arith.addf %add3A_3609, %mul3A_3615 : vector<16xf32>
        %swap3A_3617 = arith.index_cast %add3A_3485 : i32 to index
        %swap3A_3618 = arith.constant 48 : index
        %swap3A_3619 = tpu.vector_load %arg22[%swap3A_3617, %swap3A_3618] {strides = array<i32>} : memref<128x96xf32, #tpu.memory_space<vmem>>, vector<1x16xf32>,
        %swap3A_3620 = vector.shape_cast %swap3A_3619 : vector<1x16xf32> to vector<16xf32>
        %swap3A_3621 = vector.shape_cast %add3A_3616 : vector<16xf32> to vector<1x16xf32>
        tpu.vector_store %arg22[%swap3A_3617, %swap3A_3618], %swap3A_3621 {strides = array<i32>} : memref<128x96xf32, #tpu.memory_space<vmem>>, vector<1x16xf32>,
        %get3A_3622 = arith.index_cast %add3A_3485 : i32 to index
        %get3A_3623 = arith.constant 64 : index
        %get3A_3624 = tpu.vector_load %arg18[%get3A_3622, %get3A_3623] {strides = array<i32>} : memref<128x96xf32, #tpu.memory_space<vmem>>, vector<1x16xf32>,
        %get3A_3625 = vector.shape_cast %get3A_3624 : vector<1x16xf32> to vector<16xf32>
        %mul3A_3626 = vector.broadcast %squeeze3A_3487 : f32 to vector<16xf32>
        %mul3A_3627 = arith.mulf %get3A_3625, %mul3A_3626 : vector<16xf32>
        %get3A_3628 = arith.index_cast %add3A_3485 : i32 to index
        %get3A_3629 = arith.constant 64 : index
        %get3A_3630 = tpu.vector_load %arg19[%get3A_3628, %get3A_3629] {strides = array<i32>} : memref<128x96xf32, #tpu.memory_space<vmem>>, vector<1x16xf32>,
        %get3A_3631 = vector.shape_cast %get3A_3630 : vector<1x16xf32> to vector<16xf32>
        %mul3A_3632 = vector.broadcast %squeeze3A_3489 : f32 to vector<16xf32>
        %mul3A_3633 = arith.mulf %get3A_3631, %mul3A_3632 : vector<16xf32>
        %add3A_3634 = arith.addf %mul3A_3627, %mul3A_3633 : vector<16xf32>
        %get3A_3635 = arith.index_cast %add3A_3485 : i32 to index
        %get3A_3636 = arith.constant 64 : index
        %get3A_3637 = tpu.vector_load %arg20[%get3A_3635, %get3A_3636] {strides = array<i32>} : memref<128x96xf32, #tpu.memory_space<vmem>>, vector<1x16xf32>,
        %get3A_3638 = vector.shape_cast %get3A_3637 : vector<1x16xf32> to vector<16xf32>
        %mul3A_3639 = vector.broadcast %squeeze3A_3491 : f32 to vector<16xf32>
        %mul3A_3640 = arith.mulf %get3A_3638, %mul3A_3639 : vector<16xf32>
        %add3A_3641 = arith.addf %add3A_3634, %mul3A_3640 : vector<16xf32>
        %get3A_3642 = arith.index_cast %add3A_3485 : i32 to index
        %get3A_3643 = arith.constant 64 : index
        %get3A_3644 = tpu.vector_load %arg21[%get3A_3642, %get3A_3643] {strides = array<i32>} : memref<128x96xf32, #tpu.memory_space<vmem>>, vector<1x16xf32>,
        %get3A_3645 = vector.shape_cast %get3A_3644 : vector<1x16xf32> to vector<16xf32>
        %mul3A_3646 = vector.broadcast %squeeze3A_3493 : f32 to vector<16xf32>
        %mul3A_3647 = arith.mulf %get3A_3645, %mul3A_3646 : vector<16xf32>
        %add3A_3648 = arith.addf %add3A_3641, %mul3A_3647 : vector<16xf32>
        %swap3A_3649 = arith.index_cast %add3A_3485 : i32 to index
        %swap3A_3650 = arith.constant 64 : index
        %swap3A_3651 = tpu.vector_load %arg22[%swap3A_3649, %swap3A_3650] {strides = array<i32>} : memref<128x96xf32, #tpu.memory_space<vmem>>, vector<1x16xf32>,
        %swap3A_3652 = vector.shape_cast %swap3A_3651 : vector<1x16xf32> to vector<16xf32>
        %swap3A_3653 = vector.shape_cast %add3A_3648 : vector<16xf32> to vector<1x16xf32>
        tpu.vector_store %arg22[%swap3A_3649, %swap3A_3650], %swap3A_3653 {strides = array<i32>} : memref<128x96xf32, #tpu.memory_space<vmem>>, vector<1x16xf32>,
        %get3A_3654 = arith.index_cast %add3A_3485 : i32 to index
        %get3A_3655 = arith.constant 80 : index
        %get3A_3656 = tpu.vector_load %arg18[%get3A_3654, %get3A_3655] {strides = array<i32>} : memref<128x96xf32, #tpu.memory_space<vmem>>, vector<1x16xf32>,
        %get3A_3657 = vector.shape_cast %get3A_3656 : vector<1x16xf32> to vector<16xf32>
        %mul3A_3658 = vector.broadcast %squeeze3A_3487 : f32 to vector<16xf32>
        %mul3A_3659 = arith.mulf %get3A_3657, %mul3A_3658 : vector<16xf32>
        %get3A_3660 = arith.index_cast %add3A_3485 : i32 to index
        %get3A_3661 = arith.constant 80 : index
        %get3A_3662 = tpu.vector_load %arg19[%get3A_3660, %get3A_3661] {strides = array<i32>} : memref<128x96xf32, #tpu.memory_space<vmem>>, vector<1x16xf32>,
        %get3A_3663 = vector.shape_cast %get3A_3662 : vector<1x16xf32> to vector<16xf32>
        %mul3A_3664 = vector.broadcast %squeeze3A_3489 : f32 to vector<16xf32>
        %mul3A_3665 = arith.mulf %get3A_3663, %mul3A_3664 : vector<16xf32>
        %add3A_3666 = arith.addf %mul3A_3659, %mul3A_3665 : vector<16xf32>
        %get3A_3667 = arith.index_cast %add3A_3485 : i32 to index
        %get3A_3668 = arith.constant 80 : index
        %get3A_3669 = tpu.vector_load %arg20[%get3A_3667, %get3A_3668] {strides = array<i32>} : memref<128x96xf32, #tpu.memory_space<vmem>>, vector<1x16xf32>,
        %get3A_3670 = vector.shape_cast %get3A_3669 : vector<1x16xf32> to vector<16xf32>
        %mul3A_3671 = vector.broadcast %squeeze3A_3491 : f32 to vector<16xf32>
        %mul3A_3672 = arith.mulf %get3A_3670, %mul3A_3671 : vector<16xf32>
        %add3A_3673 = arith.addf %add3A_3666, %mul3A_3672 : vector<16xf32>
        %get3A_3674 = arith.index_cast %add3A_3485 : i32 to index
        %get3A_3675 = arith.constant 80 : index
        %get3A_3676 = tpu.vector_load %arg21[%get3A_3674, %get3A_3675] {strides = array<i32>} : memref<128x96xf32, #tpu.memory_space<vmem>>, vector<1x16xf32>,
        %get3A_3677 = vector.shape_cast %get3A_3676 : vector<1x16xf32> to vector<16xf32>
        %mul3A_3678 = vector.broadcast %squeeze3A_3493 : f32 to vector<16xf32>
        %mul3A_3679 = arith.mulf %get3A_3677, %mul3A_3678 : vector<16xf32>
        %add3A_3680 = arith.addf %add3A_3673, %mul3A_3679 : vector<16xf32>
        %swap3A_3681 = arith.index_cast %add3A_3485 : i32 to index
        %swap3A_3682 = arith.constant 80 : index
        %swap3A_3683 = tpu.vector_load %arg22[%swap3A_3681, %swap3A_3682] {strides = array<i32>} : memref<128x96xf32, #tpu.memory_space<vmem>>, vector<1x16xf32>,
        %swap3A_3684 = vector.shape_cast %swap3A_3683 : vector<1x16xf32> to vector<16xf32>
        %swap3A_3685 = vector.shape_cast %add3A_3680 : vector<16xf32> to vector<1x16xf32>
        tpu.vector_store %arg22[%swap3A_3681, %swap3A_3682], %swap3A_3685 {strides = array<i32>} : memref<128x96xf32, #tpu.memory_space<vmem>>, vector<1x16xf32>,
        %add3A_3686 = arith.constant 13 : i32
        %add3A_3687 = arith.addi %mul3A_1049, %add3A_3686 : i32
        %slice3A_3688 = vector.extract_strided_slice %get3A_1052 {offsets = [13], sizes = [1], strides = [1]} : vector<16xf32> to vector<1xf32>
        %squeeze3A_3689 = vector.extract %slice3A_3688[0] : f32 from vector<1xf32>
        %slice3A_3690 = vector.extract_strided_slice %get3A_1055 {offsets = [13], sizes = [1], strides = [1]} : vector<16xf32> to vector<1xf32>
        %squeeze3A_3691 = vector.extract %slice3A_3690[0] : f32 from vector<1xf32>
        %slice3A_3692 = vector.extract_strided_slice %get3A_1058 {offsets = [13], sizes = [1], strides = [1]} : vector<16xf32> to vector<1xf32>
        %squeeze3A_3693 = vector.extract %slice3A_3692[0] : f32 from vector<1xf32>
        %slice3A_3694 = vector.extract_strided_slice %get3A_1061 {offsets = [13], sizes = [1], strides = [1]} : vector<16xf32> to vector<1xf32>
        %squeeze3A_3695 = vector.extract %slice3A_3694[0] : f32 from vector<1xf32>
        %get3A_3696 = arith.index_cast %add3A_3687 : i32 to index
        %get3A_3697 = arith.constant 0 : index
        %get3A_3698 = tpu.vector_load %arg18[%get3A_3696, %get3A_3697] {strides = array<i32>} : memref<128x96xf32, #tpu.memory_space<vmem>>, vector<1x16xf32>,
        %get3A_3699 = vector.shape_cast %get3A_3698 : vector<1x16xf32> to vector<16xf32>
        %mul3A_3700 = vector.broadcast %squeeze3A_3689 : f32 to vector<16xf32>
        %mul3A_3701 = arith.mulf %get3A_3699, %mul3A_3700 : vector<16xf32>
        %get3A_3702 = arith.index_cast %add3A_3687 : i32 to index
        %get3A_3703 = arith.constant 0 : index
        %get3A_3704 = tpu.vector_load %arg19[%get3A_3702, %get3A_3703] {strides = array<i32>} : memref<128x96xf32, #tpu.memory_space<vmem>>, vector<1x16xf32>,
        %get3A_3705 = vector.shape_cast %get3A_3704 : vector<1x16xf32> to vector<16xf32>
        %mul3A_3706 = vector.broadcast %squeeze3A_3691 : f32 to vector<16xf32>
        %mul3A_3707 = arith.mulf %get3A_3705, %mul3A_3706 : vector<16xf32>
        %add3A_3708 = arith.addf %mul3A_3701, %mul3A_3707 : vector<16xf32>
        %get3A_3709 = arith.index_cast %add3A_3687 : i32 to index
        %get3A_3710 = arith.constant 0 : index
        %get3A_3711 = tpu.vector_load %arg20[%get3A_3709, %get3A_3710] {strides = array<i32>} : memref<128x96xf32, #tpu.memory_space<vmem>>, vector<1x16xf32>,
        %get3A_3712 = vector.shape_cast %get3A_3711 : vector<1x16xf32> to vector<16xf32>
        %mul3A_3713 = vector.broadcast %squeeze3A_3693 : f32 to vector<16xf32>
        %mul3A_3714 = arith.mulf %get3A_3712, %mul3A_3713 : vector<16xf32>
        %add3A_3715 = arith.addf %add3A_3708, %mul3A_3714 : vector<16xf32>
        %get3A_3716 = arith.index_cast %add3A_3687 : i32 to index
        %get3A_3717 = arith.constant 0 : index
        %get3A_3718 = tpu.vector_load %arg21[%get3A_3716, %get3A_3717] {strides = array<i32>} : memref<128x96xf32, #tpu.memory_space<vmem>>, vector<1x16xf32>,
        %get3A_3719 = vector.shape_cast %get3A_3718 : vector<1x16xf32> to vector<16xf32>
        %mul3A_3720 = vector.broadcast %squeeze3A_3695 : f32 to vector<16xf32>
        %mul3A_3721 = arith.mulf %get3A_3719, %mul3A_3720 : vector<16xf32>
        %add3A_3722 = arith.addf %add3A_3715, %mul3A_3721 : vector<16xf32>
        %swap3A_3723 = arith.index_cast %add3A_3687 : i32 to index
        %swap3A_3724 = arith.constant 0 : index
        %swap3A_3725 = tpu.vector_load %arg22[%swap3A_3723, %swap3A_3724] {strides = array<i32>} : memref<128x96xf32, #tpu.memory_space<vmem>>, vector<1x16xf32>,
        %swap3A_3726 = vector.shape_cast %swap3A_3725 : vector<1x16xf32> to vector<16xf32>
        %swap3A_3727 = vector.shape_cast %add3A_3722 : vector<16xf32> to vector<1x16xf32>
        tpu.vector_store %arg22[%swap3A_3723, %swap3A_3724], %swap3A_3727 {strides = array<i32>} : memref<128x96xf32, #tpu.memory_space<vmem>>, vector<1x16xf32>,
        %get3A_3728 = arith.index_cast %add3A_3687 : i32 to index
        %get3A_3729 = arith.constant 16 : index
        %get3A_3730 = tpu.vector_load %arg18[%get3A_3728, %get3A_3729] {strides = array<i32>} : memref<128x96xf32, #tpu.memory_space<vmem>>, vector<1x16xf32>,
        %get3A_3731 = vector.shape_cast %get3A_3730 : vector<1x16xf32> to vector<16xf32>
        %mul3A_3732 = vector.broadcast %squeeze3A_3689 : f32 to vector<16xf32>
        %mul3A_3733 = arith.mulf %get3A_3731, %mul3A_3732 : vector<16xf32>
        %get3A_3734 = arith.index_cast %add3A_3687 : i32 to index
        %get3A_3735 = arith.constant 16 : index
        %get3A_3736 = tpu.vector_load %arg19[%get3A_3734, %get3A_3735] {strides = array<i32>} : memref<128x96xf32, #tpu.memory_space<vmem>>, vector<1x16xf32>,
        %get3A_3737 = vector.shape_cast %get3A_3736 : vector<1x16xf32> to vector<16xf32>
        %mul3A_3738 = vector.broadcast %squeeze3A_3691 : f32 to vector<16xf32>
        %mul3A_3739 = arith.mulf %get3A_3737, %mul3A_3738 : vector<16xf32>
        %add3A_3740 = arith.addf %mul3A_3733, %mul3A_3739 : vector<16xf32>
        %get3A_3741 = arith.index_cast %add3A_3687 : i32 to index
        %get3A_3742 = arith.constant 16 : index
        %get3A_3743 = tpu.vector_load %arg20[%get3A_3741, %get3A_3742] {strides = array<i32>} : memref<128x96xf32, #tpu.memory_space<vmem>>, vector<1x16xf32>,
        %get3A_3744 = vector.shape_cast %get3A_3743 : vector<1x16xf32> to vector<16xf32>
        %mul3A_3745 = vector.broadcast %squeeze3A_3693 : f32 to vector<16xf32>
        %mul3A_3746 = arith.mulf %get3A_3744, %mul3A_3745 : vector<16xf32>
        %add3A_3747 = arith.addf %add3A_3740, %mul3A_3746 : vector<16xf32>
        %get3A_3748 = arith.index_cast %add3A_3687 : i32 to index
        %get3A_3749 = arith.constant 16 : index
        %get3A_3750 = tpu.vector_load %arg21[%get3A_3748, %get3A_3749] {strides = array<i32>} : memref<128x96xf32, #tpu.memory_space<vmem>>, vector<1x16xf32>,
        %get3A_3751 = vector.shape_cast %get3A_3750 : vector<1x16xf32> to vector<16xf32>
        %mul3A_3752 = vector.broadcast %squeeze3A_3695 : f32 to vector<16xf32>
        %mul3A_3753 = arith.mulf %get3A_3751, %mul3A_3752 : vector<16xf32>
        %add3A_3754 = arith.addf %add3A_3747, %mul3A_3753 : vector<16xf32>
        %swap3A_3755 = arith.index_cast %add3A_3687 : i32 to index
        %swap3A_3756 = arith.constant 16 : index
        %swap3A_3757 = tpu.vector_load %arg22[%swap3A_3755, %swap3A_3756] {strides = array<i32>} : memref<128x96xf32, #tpu.memory_space<vmem>>, vector<1x16xf32>,
        %swap3A_3758 = vector.shape_cast %swap3A_3757 : vector<1x16xf32> to vector<16xf32>
        %swap3A_3759 = vector.shape_cast %add3A_3754 : vector<16xf32> to vector<1x16xf32>
        tpu.vector_store %arg22[%swap3A_3755, %swap3A_3756], %swap3A_3759 {strides = array<i32>} : memref<128x96xf32, #tpu.memory_space<vmem>>, vector<1x16xf32>,
        %get3A_3760 = arith.index_cast %add3A_3687 : i32 to index
        %get3A_3761 = arith.constant 32 : index
        %get3A_3762 = tpu.vector_load %arg18[%get3A_3760, %get3A_3761] {strides = array<i32>} : memref<128x96xf32, #tpu.memory_space<vmem>>, vector<1x16xf32>,
        %get3A_3763 = vector.shape_cast %get3A_3762 : vector<1x16xf32> to vector<16xf32>
        %mul3A_3764 = vector.broadcast %squeeze3A_3689 : f32 to vector<16xf32>
        %mul3A_3765 = arith.mulf %get3A_3763, %mul3A_3764 : vector<16xf32>
        %get3A_3766 = arith.index_cast %add3A_3687 : i32 to index
        %get3A_3767 = arith.constant 32 : index
        %get3A_3768 = tpu.vector_load %arg19[%get3A_3766, %get3A_3767] {strides = array<i32>} : memref<128x96xf32, #tpu.memory_space<vmem>>, vector<1x16xf32>,
        %get3A_3769 = vector.shape_cast %get3A_3768 : vector<1x16xf32> to vector<16xf32>
        %mul3A_3770 = vector.broadcast %squeeze3A_3691 : f32 to vector<16xf32>
        %mul3A_3771 = arith.mulf %get3A_3769, %mul3A_3770 : vector<16xf32>
        %add3A_3772 = arith.addf %mul3A_3765, %mul3A_3771 : vector<16xf32>
        %get3A_3773 = arith.index_cast %add3A_3687 : i32 to index
        %get3A_3774 = arith.constant 32 : index
        %get3A_3775 = tpu.vector_load %arg20[%get3A_3773, %get3A_3774] {strides = array<i32>} : memref<128x96xf32, #tpu.memory_space<vmem>>, vector<1x16xf32>,
        %get3A_3776 = vector.shape_cast %get3A_3775 : vector<1x16xf32> to vector<16xf32>
        %mul3A_3777 = vector.broadcast %squeeze3A_3693 : f32 to vector<16xf32>
        %mul3A_3778 = arith.mulf %get3A_3776, %mul3A_3777 : vector<16xf32>
        %add3A_3779 = arith.addf %add3A_3772, %mul3A_3778 : vector<16xf32>
        %get3A_3780 = arith.index_cast %add3A_3687 : i32 to index
        %get3A_3781 = arith.constant 32 : index
        %get3A_3782 = tpu.vector_load %arg21[%get3A_3780, %get3A_3781] {strides = array<i32>} : memref<128x96xf32, #tpu.memory_space<vmem>>, vector<1x16xf32>,
        %get3A_3783 = vector.shape_cast %get3A_3782 : vector<1x16xf32> to vector<16xf32>
        %mul3A_3784 = vector.broadcast %squeeze3A_3695 : f32 to vector<16xf32>
        %mul3A_3785 = arith.mulf %get3A_3783, %mul3A_3784 : vector<16xf32>
        %add3A_3786 = arith.addf %add3A_3779, %mul3A_3785 : vector<16xf32>
        %swap3A_3787 = arith.index_cast %add3A_3687 : i32 to index
        %swap3A_3788 = arith.constant 32 : index
        %swap3A_3789 = tpu.vector_load %arg22[%swap3A_3787, %swap3A_3788] {strides = array<i32>} : memref<128x96xf32, #tpu.memory_space<vmem>>, vector<1x16xf32>,
        %swap3A_3790 = vector.shape_cast %swap3A_3789 : vector<1x16xf32> to vector<16xf32>
        %swap3A_3791 = vector.shape_cast %add3A_3786 : vector<16xf32> to vector<1x16xf32>
        tpu.vector_store %arg22[%swap3A_3787, %swap3A_3788], %swap3A_3791 {strides = array<i32>} : memref<128x96xf32, #tpu.memory_space<vmem>>, vector<1x16xf32>,
        %get3A_3792 = arith.index_cast %add3A_3687 : i32 to index
        %get3A_3793 = arith.constant 48 : index
        %get3A_3794 = tpu.vector_load %arg18[%get3A_3792, %get3A_3793] {strides = array<i32>} : memref<128x96xf32, #tpu.memory_space<vmem>>, vector<1x16xf32>,
        %get3A_3795 = vector.shape_cast %get3A_3794 : vector<1x16xf32> to vector<16xf32>
        %mul3A_3796 = vector.broadcast %squeeze3A_3689 : f32 to vector<16xf32>
        %mul3A_3797 = arith.mulf %get3A_3795, %mul3A_3796 : vector<16xf32>
        %get3A_3798 = arith.index_cast %add3A_3687 : i32 to index
        %get3A_3799 = arith.constant 48 : index
        %get3A_3800 = tpu.vector_load %arg19[%get3A_3798, %get3A_3799] {strides = array<i32>} : memref<128x96xf32, #tpu.memory_space<vmem>>, vector<1x16xf32>,
        %get3A_3801 = vector.shape_cast %get3A_3800 : vector<1x16xf32> to vector<16xf32>
        %mul3A_3802 = vector.broadcast %squeeze3A_3691 : f32 to vector<16xf32>
        %mul3A_3803 = arith.mulf %get3A_3801, %mul3A_3802 : vector<16xf32>
        %add3A_3804 = arith.addf %mul3A_3797, %mul3A_3803 : vector<16xf32>
        %get3A_3805 = arith.index_cast %add3A_3687 : i32 to index
        %get3A_3806 = arith.constant 48 : index
        %get3A_3807 = tpu.vector_load %arg20[%get3A_3805, %get3A_3806] {strides = array<i32>} : memref<128x96xf32, #tpu.memory_space<vmem>>, vector<1x16xf32>,
        %get3A_3808 = vector.shape_cast %get3A_3807 : vector<1x16xf32> to vector<16xf32>
        %mul3A_3809 = vector.broadcast %squeeze3A_3693 : f32 to vector<16xf32>
        %mul3A_3810 = arith.mulf %get3A_3808, %mul3A_3809 : vector<16xf32>
        %add3A_3811 = arith.addf %add3A_3804, %mul3A_3810 : vector<16xf32>
        %get3A_3812 = arith.index_cast %add3A_3687 : i32 to index
        %get3A_3813 = arith.constant 48 : index
        %get3A_3814 = tpu.vector_load %arg21[%get3A_3812, %get3A_3813] {strides = array<i32>} : memref<128x96xf32, #tpu.memory_space<vmem>>, vector<1x16xf32>,
        %get3A_3815 = vector.shape_cast %get3A_3814 : vector<1x16xf32> to vector<16xf32>
        %mul3A_3816 = vector.broadcast %squeeze3A_3695 : f32 to vector<16xf32>
        %mul3A_3817 = arith.mulf %get3A_3815, %mul3A_3816 : vector<16xf32>
        %add3A_3818 = arith.addf %add3A_3811, %mul3A_3817 : vector<16xf32>
        %swap3A_3819 = arith.index_cast %add3A_3687 : i32 to index
        %swap3A_3820 = arith.constant 48 : index
        %swap3A_3821 = tpu.vector_load %arg22[%swap3A_3819, %swap3A_3820] {strides = array<i32>} : memref<128x96xf32, #tpu.memory_space<vmem>>, vector<1x16xf32>,
        %swap3A_3822 = vector.shape_cast %swap3A_3821 : vector<1x16xf32> to vector<16xf32>
        %swap3A_3823 = vector.shape_cast %add3A_3818 : vector<16xf32> to vector<1x16xf32>
        tpu.vector_store %arg22[%swap3A_3819, %swap3A_3820], %swap3A_3823 {strides = array<i32>} : memref<128x96xf32, #tpu.memory_space<vmem>>, vector<1x16xf32>,
        %get3A_3824 = arith.index_cast %add3A_3687 : i32 to index
        %get3A_3825 = arith.constant 64 : index
        %get3A_3826 = tpu.vector_load %arg18[%get3A_3824, %get3A_3825] {strides = array<i32>} : memref<128x96xf32, #tpu.memory_space<vmem>>, vector<1x16xf32>,
        %get3A_3827 = vector.shape_cast %get3A_3826 : vector<1x16xf32> to vector<16xf32>
        %mul3A_3828 = vector.broadcast %squeeze3A_3689 : f32 to vector<16xf32>
        %mul3A_3829 = arith.mulf %get3A_3827, %mul3A_3828 : vector<16xf32>
        %get3A_3830 = arith.index_cast %add3A_3687 : i32 to index
        %get3A_3831 = arith.constant 64 : index
        %get3A_3832 = tpu.vector_load %arg19[%get3A_3830, %get3A_3831] {strides = array<i32>} : memref<128x96xf32, #tpu.memory_space<vmem>>, vector<1x16xf32>,
        %get3A_3833 = vector.shape_cast %get3A_3832 : vector<1x16xf32> to vector<16xf32>
        %mul3A_3834 = vector.broadcast %squeeze3A_3691 : f32 to vector<16xf32>
        %mul3A_3835 = arith.mulf %get3A_3833, %mul3A_3834 : vector<16xf32>
        %add3A_3836 = arith.addf %mul3A_3829, %mul3A_3835 : vector<16xf32>
        %get3A_3837 = arith.index_cast %add3A_3687 : i32 to index
        %get3A_3838 = arith.constant 64 : index
        %get3A_3839 = tpu.vector_load %arg20[%get3A_3837, %get3A_3838] {strides = array<i32>} : memref<128x96xf32, #tpu.memory_space<vmem>>, vector<1x16xf32>,
        %get3A_3840 = vector.shape_cast %get3A_3839 : vector<1x16xf32> to vector<16xf32>
        %mul3A_3841 = vector.broadcast %squeeze3A_3693 : f32 to vector<16xf32>
        %mul3A_3842 = arith.mulf %get3A_3840, %mul3A_3841 : vector<16xf32>
        %add3A_3843 = arith.addf %add3A_3836, %mul3A_3842 : vector<16xf32>
        %get3A_3844 = arith.index_cast %add3A_3687 : i32 to index
        %get3A_3845 = arith.constant 64 : index
        %get3A_3846 = tpu.vector_load %arg21[%get3A_3844, %get3A_3845] {strides = array<i32>} : memref<128x96xf32, #tpu.memory_space<vmem>>, vector<1x16xf32>,
        %get3A_3847 = vector.shape_cast %get3A_3846 : vector<1x16xf32> to vector<16xf32>
        %mul3A_3848 = vector.broadcast %squeeze3A_3695 : f32 to vector<16xf32>
        %mul3A_3849 = arith.mulf %get3A_3847, %mul3A_3848 : vector<16xf32>
        %add3A_3850 = arith.addf %add3A_3843, %mul3A_3849 : vector<16xf32>
        %swap3A_3851 = arith.index_cast %add3A_3687 : i32 to index
        %swap3A_3852 = arith.constant 64 : index
        %swap3A_3853 = tpu.vector_load %arg22[%swap3A_3851, %swap3A_3852] {strides = array<i32>} : memref<128x96xf32, #tpu.memory_space<vmem>>, vector<1x16xf32>,
        %swap3A_3854 = vector.shape_cast %swap3A_3853 : vector<1x16xf32> to vector<16xf32>
        %swap3A_3855 = vector.shape_cast %add3A_3850 : vector<16xf32> to vector<1x16xf32>
        tpu.vector_store %arg22[%swap3A_3851, %swap3A_3852], %swap3A_3855 {strides = array<i32>} : memref<128x96xf32, #tpu.memory_space<vmem>>, vector<1x16xf32>,
        %get3A_3856 = arith.index_cast %add3A_3687 : i32 to index
        %get3A_3857 = arith.constant 80 : index
        %get3A_3858 = tpu.vector_load %arg18[%get3A_3856, %get3A_3857] {strides = array<i32>} : memref<128x96xf32, #tpu.memory_space<vmem>>, vector<1x16xf32>,
        %get3A_3859 = vector.shape_cast %get3A_3858 : vector<1x16xf32> to vector<16xf32>
        %mul3A_3860 = vector.broadcast %squeeze3A_3689 : f32 to vector<16xf32>
        %mul3A_3861 = arith.mulf %get3A_3859, %mul3A_3860 : vector<16xf32>
        %get3A_3862 = arith.index_cast %add3A_3687 : i32 to index
        %get3A_3863 = arith.constant 80 : index
        %get3A_3864 = tpu.vector_load %arg19[%get3A_3862, %get3A_3863] {strides = array<i32>} : memref<128x96xf32, #tpu.memory_space<vmem>>, vector<1x16xf32>,
        %get3A_3865 = vector.shape_cast %get3A_3864 : vector<1x16xf32> to vector<16xf32>
        %mul3A_3866 = vector.broadcast %squeeze3A_3691 : f32 to vector<16xf32>
        %mul3A_3867 = arith.mulf %get3A_3865, %mul3A_3866 : vector<16xf32>
        %add3A_3868 = arith.addf %mul3A_3861, %mul3A_3867 : vector<16xf32>
        %get3A_3869 = arith.index_cast %add3A_3687 : i32 to index
        %get3A_3870 = arith.constant 80 : index
        %get3A_3871 = tpu.vector_load %arg20[%get3A_3869, %get3A_3870] {strides = array<i32>} : memref<128x96xf32, #tpu.memory_space<vmem>>, vector<1x16xf32>,
        %get3A_3872 = vector.shape_cast %get3A_3871 : vector<1x16xf32> to vector<16xf32>
        %mul3A_3873 = vector.broadcast %squeeze3A_3693 : f32 to vector<16xf32>
        %mul3A_3874 = arith.mulf %get3A_3872, %mul3A_3873 : vector<16xf32>
        %add3A_3875 = arith.addf %add3A_3868, %mul3A_3874 : vector<16xf32>
        %get3A_3876 = arith.index_cast %add3A_3687 : i32 to index
        %get3A_3877 = arith.constant 80 : index
        %get3A_3878 = tpu.vector_load %arg21[%get3A_3876, %get3A_3877] {strides = array<i32>} : memref<128x96xf32, #tpu.memory_space<vmem>>, vector<1x16xf32>,
        %get3A_3879 = vector.shape_cast %get3A_3878 : vector<1x16xf32> to vector<16xf32>
        %mul3A_3880 = vector.broadcast %squeeze3A_3695 : f32 to vector<16xf32>
        %mul3A_3881 = arith.mulf %get3A_3879, %mul3A_3880 : vector<16xf32>
        %add3A_3882 = arith.addf %add3A_3875, %mul3A_3881 : vector<16xf32>
        %swap3A_3883 = arith.index_cast %add3A_3687 : i32 to index
        %swap3A_3884 = arith.constant 80 : index
        %swap3A_3885 = tpu.vector_load %arg22[%swap3A_3883, %swap3A_3884] {strides = array<i32>} : memref<128x96xf32, #tpu.memory_space<vmem>>, vector<1x16xf32>,
        %swap3A_3886 = vector.shape_cast %swap3A_3885 : vector<1x16xf32> to vector<16xf32>
        %swap3A_3887 = vector.shape_cast %add3A_3882 : vector<16xf32> to vector<1x16xf32>
        tpu.vector_store %arg22[%swap3A_3883, %swap3A_3884], %swap3A_3887 {strides = array<i32>} : memref<128x96xf32, #tpu.memory_space<vmem>>, vector<1x16xf32>,
        %add3A_3888 = arith.constant 14 : i32
        %add3A_3889 = arith.addi %mul3A_1049, %add3A_3888 : i32
        %slice3A_3890 = vector.extract_strided_slice %get3A_1052 {offsets = [14], sizes = [1], strides = [1]} : vector<16xf32> to vector<1xf32>
        %squeeze3A_3891 = vector.extract %slice3A_3890[0] : f32 from vector<1xf32>
        %slice3A_3892 = vector.extract_strided_slice %get3A_1055 {offsets = [14], sizes = [1], strides = [1]} : vector<16xf32> to vector<1xf32>
        %squeeze3A_3893 = vector.extract %slice3A_3892[0] : f32 from vector<1xf32>
        %slice3A_3894 = vector.extract_strided_slice %get3A_1058 {offsets = [14], sizes = [1], strides = [1]} : vector<16xf32> to vector<1xf32>
        %squeeze3A_3895 = vector.extract %slice3A_3894[0] : f32 from vector<1xf32>
        %slice3A_3896 = vector.extract_strided_slice %get3A_1061 {offsets = [14], sizes = [1], strides = [1]} : vector<16xf32> to vector<1xf32>
        %squeeze3A_3897 = vector.extract %slice3A_3896[0] : f32 from vector<1xf32>
        %get3A_3898 = arith.index_cast %add3A_3889 : i32 to index
        %get3A_3899 = arith.constant 0 : index
        %get3A_3900 = tpu.vector_load %arg18[%get3A_3898, %get3A_3899] {strides = array<i32>} : memref<128x96xf32, #tpu.memory_space<vmem>>, vector<1x16xf32>,
        %get3A_3901 = vector.shape_cast %get3A_3900 : vector<1x16xf32> to vector<16xf32>
        %mul3A_3902 = vector.broadcast %squeeze3A_3891 : f32 to vector<16xf32>
        %mul3A_3903 = arith.mulf %get3A_3901, %mul3A_3902 : vector<16xf32>
        %get3A_3904 = arith.index_cast %add3A_3889 : i32 to index
        %get3A_3905 = arith.constant 0 : index
        %get3A_3906 = tpu.vector_load %arg19[%get3A_3904, %get3A_3905] {strides = array<i32>} : memref<128x96xf32, #tpu.memory_space<vmem>>, vector<1x16xf32>,
        %get3A_3907 = vector.shape_cast %get3A_3906 : vector<1x16xf32> to vector<16xf32>
        %mul3A_3908 = vector.broadcast %squeeze3A_3893 : f32 to vector<16xf32>
        %mul3A_3909 = arith.mulf %get3A_3907, %mul3A_3908 : vector<16xf32>
        %add3A_3910 = arith.addf %mul3A_3903, %mul3A_3909 : vector<16xf32>
        %get3A_3911 = arith.index_cast %add3A_3889 : i32 to index
        %get3A_3912 = arith.constant 0 : index
        %get3A_3913 = tpu.vector_load %arg20[%get3A_3911, %get3A_3912] {strides = array<i32>} : memref<128x96xf32, #tpu.memory_space<vmem>>, vector<1x16xf32>,
        %get3A_3914 = vector.shape_cast %get3A_3913 : vector<1x16xf32> to vector<16xf32>
        %mul3A_3915 = vector.broadcast %squeeze3A_3895 : f32 to vector<16xf32>
        %mul3A_3916 = arith.mulf %get3A_3914, %mul3A_3915 : vector<16xf32>
        %add3A_3917 = arith.addf %add3A_3910, %mul3A_3916 : vector<16xf32>
        %get3A_3918 = arith.index_cast %add3A_3889 : i32 to index
        %get3A_3919 = arith.constant 0 : index
        %get3A_3920 = tpu.vector_load %arg21[%get3A_3918, %get3A_3919] {strides = array<i32>} : memref<128x96xf32, #tpu.memory_space<vmem>>, vector<1x16xf32>,
        %get3A_3921 = vector.shape_cast %get3A_3920 : vector<1x16xf32> to vector<16xf32>
        %mul3A_3922 = vector.broadcast %squeeze3A_3897 : f32 to vector<16xf32>
        %mul3A_3923 = arith.mulf %get3A_3921, %mul3A_3922 : vector<16xf32>
        %add3A_3924 = arith.addf %add3A_3917, %mul3A_3923 : vector<16xf32>
        %swap3A_3925 = arith.index_cast %add3A_3889 : i32 to index
        %swap3A_3926 = arith.constant 0 : index
        %swap3A_3927 = tpu.vector_load %arg22[%swap3A_3925, %swap3A_3926] {strides = array<i32>} : memref<128x96xf32, #tpu.memory_space<vmem>>, vector<1x16xf32>,
        %swap3A_3928 = vector.shape_cast %swap3A_3927 : vector<1x16xf32> to vector<16xf32>
        %swap3A_3929 = vector.shape_cast %add3A_3924 : vector<16xf32> to vector<1x16xf32>
        tpu.vector_store %arg22[%swap3A_3925, %swap3A_3926], %swap3A_3929 {strides = array<i32>} : memref<128x96xf32, #tpu.memory_space<vmem>>, vector<1x16xf32>,
        %get3A_3930 = arith.index_cast %add3A_3889 : i32 to index
        %get3A_3931 = arith.constant 16 : index
        %get3A_3932 = tpu.vector_load %arg18[%get3A_3930, %get3A_3931] {strides = array<i32>} : memref<128x96xf32, #tpu.memory_space<vmem>>, vector<1x16xf32>,
        %get3A_3933 = vector.shape_cast %get3A_3932 : vector<1x16xf32> to vector<16xf32>
        %mul3A_3934 = vector.broadcast %squeeze3A_3891 : f32 to vector<16xf32>
        %mul3A_3935 = arith.mulf %get3A_3933, %mul3A_3934 : vector<16xf32>
        %get3A_3936 = arith.index_cast %add3A_3889 : i32 to index
        %get3A_3937 = arith.constant 16 : index
        %get3A_3938 = tpu.vector_load %arg19[%get3A_3936, %get3A_3937] {strides = array<i32>} : memref<128x96xf32, #tpu.memory_space<vmem>>, vector<1x16xf32>,
        %get3A_3939 = vector.shape_cast %get3A_3938 : vector<1x16xf32> to vector<16xf32>
        %mul3A_3940 = vector.broadcast %squeeze3A_3893 : f32 to vector<16xf32>
        %mul3A_3941 = arith.mulf %get3A_3939, %mul3A_3940 : vector<16xf32>
        %add3A_3942 = arith.addf %mul3A_3935, %mul3A_3941 : vector<16xf32>
        %get3A_3943 = arith.index_cast %add3A_3889 : i32 to index
        %get3A_3944 = arith.constant 16 : index
        %get3A_3945 = tpu.vector_load %arg20[%get3A_3943, %get3A_3944] {strides = array<i32>} : memref<128x96xf32, #tpu.memory_space<vmem>>, vector<1x16xf32>,
        %get3A_3946 = vector.shape_cast %get3A_3945 : vector<1x16xf32> to vector<16xf32>
        %mul3A_3947 = vector.broadcast %squeeze3A_3895 : f32 to vector<16xf32>
        %mul3A_3948 = arith.mulf %get3A_3946, %mul3A_3947 : vector<16xf32>
        %add3A_3949 = arith.addf %add3A_3942, %mul3A_3948 : vector<16xf32>
        %get3A_3950 = arith.index_cast %add3A_3889 : i32 to index
        %get3A_3951 = arith.constant 16 : index
        %get3A_3952 = tpu.vector_load %arg21[%get3A_3950, %get3A_3951] {strides = array<i32>} : memref<128x96xf32, #tpu.memory_space<vmem>>, vector<1x16xf32>,
        %get3A_3953 = vector.shape_cast %get3A_3952 : vector<1x16xf32> to vector<16xf32>
        %mul3A_3954 = vector.broadcast %squeeze3A_3897 : f32 to vector<16xf32>
        %mul3A_3955 = arith.mulf %get3A_3953, %mul3A_3954 : vector<16xf32>
        %add3A_3956 = arith.addf %add3A_3949, %mul3A_3955 : vector<16xf32>
        %swap3A_3957 = arith.index_cast %add3A_3889 : i32 to index
        %swap3A_3958 = arith.constant 16 : index
        %swap3A_3959 = tpu.vector_load %arg22[%swap3A_3957, %swap3A_3958] {strides = array<i32>} : memref<128x96xf32, #tpu.memory_space<vmem>>, vector<1x16xf32>,
        %swap3A_3960 = vector.shape_cast %swap3A_3959 : vector<1x16xf32> to vector<16xf32>
        %swap3A_3961 = vector.shape_cast %add3A_3956 : vector<16xf32> to vector<1x16xf32>
        tpu.vector_store %arg22[%swap3A_3957, %swap3A_3958], %swap3A_3961 {strides = array<i32>} : memref<128x96xf32, #tpu.memory_space<vmem>>, vector<1x16xf32>,
        %get3A_3962 = arith.index_cast %add3A_3889 : i32 to index
        %get3A_3963 = arith.constant 32 : index
        %get3A_3964 = tpu.vector_load %arg18[%get3A_3962, %get3A_3963] {strides = array<i32>} : memref<128x96xf32, #tpu.memory_space<vmem>>, vector<1x16xf32>,
        %get3A_3965 = vector.shape_cast %get3A_3964 : vector<1x16xf32> to vector<16xf32>
        %mul3A_3966 = vector.broadcast %squeeze3A_3891 : f32 to vector<16xf32>
        %mul3A_3967 = arith.mulf %get3A_3965, %mul3A_3966 : vector<16xf32>
        %get3A_3968 = arith.index_cast %add3A_3889 : i32 to index
        %get3A_3969 = arith.constant 32 : index
        %get3A_3970 = tpu.vector_load %arg19[%get3A_3968, %get3A_3969] {strides = array<i32>} : memref<128x96xf32, #tpu.memory_space<vmem>>, vector<1x16xf32>,
        %get3A_3971 = vector.shape_cast %get3A_3970 : vector<1x16xf32> to vector<16xf32>
        %mul3A_3972 = vector.broadcast %squeeze3A_3893 : f32 to vector<16xf32>
        %mul3A_3973 = arith.mulf %get3A_3971, %mul3A_3972 : vector<16xf32>
        %add3A_3974 = arith.addf %mul3A_3967, %mul3A_3973 : vector<16xf32>
        %get3A_3975 = arith.index_cast %add3A_3889 : i32 to index
        %get3A_3976 = arith.constant 32 : index
        %get3A_3977 = tpu.vector_load %arg20[%get3A_3975, %get3A_3976] {strides = array<i32>} : memref<128x96xf32, #tpu.memory_space<vmem>>, vector<1x16xf32>,
        %get3A_3978 = vector.shape_cast %get3A_3977 : vector<1x16xf32> to vector<16xf32>
        %mul3A_3979 = vector.broadcast %squeeze3A_3895 : f32 to vector<16xf32>
        %mul3A_3980 = arith.mulf %get3A_3978, %mul3A_3979 : vector<16xf32>
        %add3A_3981 = arith.addf %add3A_3974, %mul3A_3980 : vector<16xf32>
        %get3A_3982 = arith.index_cast %add3A_3889 : i32 to index
        %get3A_3983 = arith.constant 32 : index
        %get3A_3984 = tpu.vector_load %arg21[%get3A_3982, %get3A_3983] {strides = array<i32>} : memref<128x96xf32, #tpu.memory_space<vmem>>, vector<1x16xf32>,
        %get3A_3985 = vector.shape_cast %get3A_3984 : vector<1x16xf32> to vector<16xf32>
        %mul3A_3986 = vector.broadcast %squeeze3A_3897 : f32 to vector<16xf32>
        %mul3A_3987 = arith.mulf %get3A_3985, %mul3A_3986 : vector<16xf32>
        %add3A_3988 = arith.addf %add3A_3981, %mul3A_3987 : vector<16xf32>
        %swap3A_3989 = arith.index_cast %add3A_3889 : i32 to index
        %swap3A_3990 = arith.constant 32 : index
        %swap3A_3991 = tpu.vector_load %arg22[%swap3A_3989, %swap3A_3990] {strides = array<i32>} : memref<128x96xf32, #tpu.memory_space<vmem>>, vector<1x16xf32>,
        %swap3A_3992 = vector.shape_cast %swap3A_3991 : vector<1x16xf32> to vector<16xf32>
        %swap3A_3993 = vector.shape_cast %add3A_3988 : vector<16xf32> to vector<1x16xf32>
        tpu.vector_store %arg22[%swap3A_3989, %swap3A_3990], %swap3A_3993 {strides = array<i32>} : memref<128x96xf32, #tpu.memory_space<vmem>>, vector<1x16xf32>,
        %get3A_3994 = arith.index_cast %add3A_3889 : i32 to index
        %get3A_3995 = arith.constant 48 : index
        %get3A_3996 = tpu.vector_load %arg18[%get3A_3994, %get3A_3995] {strides = array<i32>} : memref<128x96xf32, #tpu.memory_space<vmem>>, vector<1x16xf32>,
        %get3A_3997 = vector.shape_cast %get3A_3996 : vector<1x16xf32> to vector<16xf32>
        %mul3A_3998 = vector.broadcast %squeeze3A_3891 : f32 to vector<16xf32>
        %mul3A_3999 = arith.mulf %get3A_3997, %mul3A_3998 : vector<16xf32>
        %get3A_4000 = arith.index_cast %add3A_3889 : i32 to index
        %get3A_4001 = arith.constant 48 : index
        %get3A_4002 = tpu.vector_load %arg19[%get3A_4000, %get3A_4001] {strides = array<i32>} : memref<128x96xf32, #tpu.memory_space<vmem>>, vector<1x16xf32>,
        %get3A_4003 = vector.shape_cast %get3A_4002 : vector<1x16xf32> to vector<16xf32>
        %mul3A_4004 = vector.broadcast %squeeze3A_3893 : f32 to vector<16xf32>
        %mul3A_4005 = arith.mulf %get3A_4003, %mul3A_4004 : vector<16xf32>
        %add3A_4006 = arith.addf %mul3A_3999, %mul3A_4005 : vector<16xf32>
        %get3A_4007 = arith.index_cast %add3A_3889 : i32 to index
        %get3A_4008 = arith.constant 48 : index
        %get3A_4009 = tpu.vector_load %arg20[%get3A_4007, %get3A_4008] {strides = array<i32>} : memref<128x96xf32, #tpu.memory_space<vmem>>, vector<1x16xf32>,
        %get3A_4010 = vector.shape_cast %get3A_4009 : vector<1x16xf32> to vector<16xf32>
        %mul3A_4011 = vector.broadcast %squeeze3A_3895 : f32 to vector<16xf32>
        %mul3A_4012 = arith.mulf %get3A_4010, %mul3A_4011 : vector<16xf32>
        %add3A_4013 = arith.addf %add3A_4006, %mul3A_4012 : vector<16xf32>
        %get3A_4014 = arith.index_cast %add3A_3889 : i32 to index
        %get3A_4015 = arith.constant 48 : index
        %get3A_4016 = tpu.vector_load %arg21[%get3A_4014, %get3A_4015] {strides = array<i32>} : memref<128x96xf32, #tpu.memory_space<vmem>>, vector<1x16xf32>,
        %get3A_4017 = vector.shape_cast %get3A_4016 : vector<1x16xf32> to vector<16xf32>
        %mul3A_4018 = vector.broadcast %squeeze3A_3897 : f32 to vector<16xf32>
        %mul3A_4019 = arith.mulf %get3A_4017, %mul3A_4018 : vector<16xf32>
        %add3A_4020 = arith.addf %add3A_4013, %mul3A_4019 : vector<16xf32>
        %swap3A_4021 = arith.index_cast %add3A_3889 : i32 to index
        %swap3A_4022 = arith.constant 48 : index
        %swap3A_4023 = tpu.vector_load %arg22[%swap3A_4021, %swap3A_4022] {strides = array<i32>} : memref<128x96xf32, #tpu.memory_space<vmem>>, vector<1x16xf32>,
        %swap3A_4024 = vector.shape_cast %swap3A_4023 : vector<1x16xf32> to vector<16xf32>
        %swap3A_4025 = vector.shape_cast %add3A_4020 : vector<16xf32> to vector<1x16xf32>
        tpu.vector_store %arg22[%swap3A_4021, %swap3A_4022], %swap3A_4025 {strides = array<i32>} : memref<128x96xf32, #tpu.memory_space<vmem>>, vector<1x16xf32>,
        %get3A_4026 = arith.index_cast %add3A_3889 : i32 to index
        %get3A_4027 = arith.constant 64 : index
        %get3A_4028 = tpu.vector_load %arg18[%get3A_4026, %get3A_4027] {strides = array<i32>} : memref<128x96xf32, #tpu.memory_space<vmem>>, vector<1x16xf32>,
        %get3A_4029 = vector.shape_cast %get3A_4028 : vector<1x16xf32> to vector<16xf32>
        %mul3A_4030 = vector.broadcast %squeeze3A_3891 : f32 to vector<16xf32>
        %mul3A_4031 = arith.mulf %get3A_4029, %mul3A_4030 : vector<16xf32>
        %get3A_4032 = arith.index_cast %add3A_3889 : i32 to index
        %get3A_4033 = arith.constant 64 : index
        %get3A_4034 = tpu.vector_load %arg19[%get3A_4032, %get3A_4033] {strides = array<i32>} : memref<128x96xf32, #tpu.memory_space<vmem>>, vector<1x16xf32>,
        %get3A_4035 = vector.shape_cast %get3A_4034 : vector<1x16xf32> to vector<16xf32>
        %mul3A_4036 = vector.broadcast %squeeze3A_3893 : f32 to vector<16xf32>
        %mul3A_4037 = arith.mulf %get3A_4035, %mul3A_4036 : vector<16xf32>
        %add3A_4038 = arith.addf %mul3A_4031, %mul3A_4037 : vector<16xf32>
        %get3A_4039 = arith.index_cast %add3A_3889 : i32 to index
        %get3A_4040 = arith.constant 64 : index
        %get3A_4041 = tpu.vector_load %arg20[%get3A_4039, %get3A_4040] {strides = array<i32>} : memref<128x96xf32, #tpu.memory_space<vmem>>, vector<1x16xf32>,
        %get3A_4042 = vector.shape_cast %get3A_4041 : vector<1x16xf32> to vector<16xf32>
        %mul3A_4043 = vector.broadcast %squeeze3A_3895 : f32 to vector<16xf32>
        %mul3A_4044 = arith.mulf %get3A_4042, %mul3A_4043 : vector<16xf32>
        %add3A_4045 = arith.addf %add3A_4038, %mul3A_4044 : vector<16xf32>
        %get3A_4046 = arith.index_cast %add3A_3889 : i32 to index
        %get3A_4047 = arith.constant 64 : index
        %get3A_4048 = tpu.vector_load %arg21[%get3A_4046, %get3A_4047] {strides = array<i32>} : memref<128x96xf32, #tpu.memory_space<vmem>>, vector<1x16xf32>,
        %get3A_4049 = vector.shape_cast %get3A_4048 : vector<1x16xf32> to vector<16xf32>
        %mul3A_4050 = vector.broadcast %squeeze3A_3897 : f32 to vector<16xf32>
        %mul3A_4051 = arith.mulf %get3A_4049, %mul3A_4050 : vector<16xf32>
        %add3A_4052 = arith.addf %add3A_4045, %mul3A_4051 : vector<16xf32>
        %swap3A_4053 = arith.index_cast %add3A_3889 : i32 to index
        %swap3A_4054 = arith.constant 64 : index
        %swap3A_4055 = tpu.vector_load %arg22[%swap3A_4053, %swap3A_4054] {strides = array<i32>} : memref<128x96xf32, #tpu.memory_space<vmem>>, vector<1x16xf32>,
        %swap3A_4056 = vector.shape_cast %swap3A_4055 : vector<1x16xf32> to vector<16xf32>
        %swap3A_4057 = vector.shape_cast %add3A_4052 : vector<16xf32> to vector<1x16xf32>
        tpu.vector_store %arg22[%swap3A_4053, %swap3A_4054], %swap3A_4057 {strides = array<i32>} : memref<128x96xf32, #tpu.memory_space<vmem>>, vector<1x16xf32>,
        %get3A_4058 = arith.index_cast %add3A_3889 : i32 to index
        %get3A_4059 = arith.constant 80 : index
        %get3A_4060 = tpu.vector_load %arg18[%get3A_4058, %get3A_4059] {strides = array<i32>} : memref<128x96xf32, #tpu.memory_space<vmem>>, vector<1x16xf32>,
        %get3A_4061 = vector.shape_cast %get3A_4060 : vector<1x16xf32> to vector<16xf32>
        %mul3A_4062 = vector.broadcast %squeeze3A_3891 : f32 to vector<16xf32>
        %mul3A_4063 = arith.mulf %get3A_4061, %mul3A_4062 : vector<16xf32>
        %get3A_4064 = arith.index_cast %add3A_3889 : i32 to index
        %get3A_4065 = arith.constant 80 : index
        %get3A_4066 = tpu.vector_load %arg19[%get3A_4064, %get3A_4065] {strides = array<i32>} : memref<128x96xf32, #tpu.memory_space<vmem>>, vector<1x16xf32>,
        %get3A_4067 = vector.shape_cast %get3A_4066 : vector<1x16xf32> to vector<16xf32>
        %mul3A_4068 = vector.broadcast %squeeze3A_3893 : f32 to vector<16xf32>
        %mul3A_4069 = arith.mulf %get3A_4067, %mul3A_4068 : vector<16xf32>
        %add3A_4070 = arith.addf %mul3A_4063, %mul3A_4069 : vector<16xf32>
        %get3A_4071 = arith.index_cast %add3A_3889 : i32 to index
        %get3A_4072 = arith.constant 80 : index
        %get3A_4073 = tpu.vector_load %arg20[%get3A_4071, %get3A_4072] {strides = array<i32>} : memref<128x96xf32, #tpu.memory_space<vmem>>, vector<1x16xf32>,
        %get3A_4074 = vector.shape_cast %get3A_4073 : vector<1x16xf32> to vector<16xf32>
        %mul3A_4075 = vector.broadcast %squeeze3A_3895 : f32 to vector<16xf32>
        %mul3A_4076 = arith.mulf %get3A_4074, %mul3A_4075 : vector<16xf32>
        %add3A_4077 = arith.addf %add3A_4070, %mul3A_4076 : vector<16xf32>
        %get3A_4078 = arith.index_cast %add3A_3889 : i32 to index
        %get3A_4079 = arith.constant 80 : index
        %get3A_4080 = tpu.vector_load %arg21[%get3A_4078, %get3A_4079] {strides = array<i32>} : memref<128x96xf32, #tpu.memory_space<vmem>>, vector<1x16xf32>,
        %get3A_4081 = vector.shape_cast %get3A_4080 : vector<1x16xf32> to vector<16xf32>
        %mul3A_4082 = vector.broadcast %squeeze3A_3897 : f32 to vector<16xf32>
        %mul3A_4083 = arith.mulf %get3A_4081, %mul3A_4082 : vector<16xf32>
        %add3A_4084 = arith.addf %add3A_4077, %mul3A_4083 : vector<16xf32>
        %swap3A_4085 = arith.index_cast %add3A_3889 : i32 to index
        %swap3A_4086 = arith.constant 80 : index
        %swap3A_4087 = tpu.vector_load %arg22[%swap3A_4085, %swap3A_4086] {strides = array<i32>} : memref<128x96xf32, #tpu.memory_space<vmem>>, vector<1x16xf32>,
        %swap3A_4088 = vector.shape_cast %swap3A_4087 : vector<1x16xf32> to vector<16xf32>
        %swap3A_4089 = vector.shape_cast %add3A_4084 : vector<16xf32> to vector<1x16xf32>
        tpu.vector_store %arg22[%swap3A_4085, %swap3A_4086], %swap3A_4089 {strides = array<i32>} : memref<128x96xf32, #tpu.memory_space<vmem>>, vector<1x16xf32>,
        %add3A_4090 = arith.constant 15 : i32
        %add3A_4091 = arith.addi %mul3A_1049, %add3A_4090 : i32
        %slice3A_4092 = vector.extract_strided_slice %get3A_1052 {offsets = [15], sizes = [1], strides = [1]} : vector<16xf32> to vector<1xf32>
        %squeeze3A_4093 = vector.extract %slice3A_4092[0] : f32 from vector<1xf32>
        %slice3A_4094 = vector.extract_strided_slice %get3A_1055 {offsets = [15], sizes = [1], strides = [1]} : vector<16xf32> to vector<1xf32>
        %squeeze3A_4095 = vector.extract %slice3A_4094[0] : f32 from vector<1xf32>
        %slice3A_4096 = vector.extract_strided_slice %get3A_1058 {offsets = [15], sizes = [1], strides = [1]} : vector<16xf32> to vector<1xf32>
        %squeeze3A_4097 = vector.extract %slice3A_4096[0] : f32 from vector<1xf32>
        %slice3A_4098 = vector.extract_strided_slice %get3A_1061 {offsets = [15], sizes = [1], strides = [1]} : vector<16xf32> to vector<1xf32>
        %squeeze3A_4099 = vector.extract %slice3A_4098[0] : f32 from vector<1xf32>
        %get3A_4100 = arith.index_cast %add3A_4091 : i32 to index
        %get3A_4101 = arith.constant 0 : index
        %get3A_4102 = tpu.vector_load %arg18[%get3A_4100, %get3A_4101] {strides = array<i32>} : memref<128x96xf32, #tpu.memory_space<vmem>>, vector<1x16xf32>,
        %get3A_4103 = vector.shape_cast %get3A_4102 : vector<1x16xf32> to vector<16xf32>
        %mul3A_4104 = vector.broadcast %squeeze3A_4093 : f32 to vector<16xf32>
        %mul3A_4105 = arith.mulf %get3A_4103, %mul3A_4104 : vector<16xf32>
        %get3A_4106 = arith.index_cast %add3A_4091 : i32 to index
        %get3A_4107 = arith.constant 0 : index
        %get3A_4108 = tpu.vector_load %arg19[%get3A_4106, %get3A_4107] {strides = array<i32>} : memref<128x96xf32, #tpu.memory_space<vmem>>, vector<1x16xf32>,
        %get3A_4109 = vector.shape_cast %get3A_4108 : vector<1x16xf32> to vector<16xf32>
        %mul3A_4110 = vector.broadcast %squeeze3A_4095 : f32 to vector<16xf32>
        %mul3A_4111 = arith.mulf %get3A_4109, %mul3A_4110 : vector<16xf32>
        %add3A_4112 = arith.addf %mul3A_4105, %mul3A_4111 : vector<16xf32>
        %get3A_4113 = arith.index_cast %add3A_4091 : i32 to index
        %get3A_4114 = arith.constant 0 : index
        %get3A_4115 = tpu.vector_load %arg20[%get3A_4113, %get3A_4114] {strides = array<i32>} : memref<128x96xf32, #tpu.memory_space<vmem>>, vector<1x16xf32>,
        %get3A_4116 = vector.shape_cast %get3A_4115 : vector<1x16xf32> to vector<16xf32>
        %mul3A_4117 = vector.broadcast %squeeze3A_4097 : f32 to vector<16xf32>
        %mul3A_4118 = arith.mulf %get3A_4116, %mul3A_4117 : vector<16xf32>
        %add3A_4119 = arith.addf %add3A_4112, %mul3A_4118 : vector<16xf32>
        %get3A_4120 = arith.index_cast %add3A_4091 : i32 to index
        %get3A_4121 = arith.constant 0 : index
        %get3A_4122 = tpu.vector_load %arg21[%get3A_4120, %get3A_4121] {strides = array<i32>} : memref<128x96xf32, #tpu.memory_space<vmem>>, vector<1x16xf32>,
        %get3A_4123 = vector.shape_cast %get3A_4122 : vector<1x16xf32> to vector<16xf32>
        %mul3A_4124 = vector.broadcast %squeeze3A_4099 : f32 to vector<16xf32>
        %mul3A_4125 = arith.mulf %get3A_4123, %mul3A_4124 : vector<16xf32>
        %add3A_4126 = arith.addf %add3A_4119, %mul3A_4125 : vector<16xf32>
        %swap3A_4127 = arith.index_cast %add3A_4091 : i32 to index
        %swap3A_4128 = arith.constant 0 : index
        %swap3A_4129 = tpu.vector_load %arg22[%swap3A_4127, %swap3A_4128] {strides = array<i32>} : memref<128x96xf32, #tpu.memory_space<vmem>>, vector<1x16xf32>,
        %swap3A_4130 = vector.shape_cast %swap3A_4129 : vector<1x16xf32> to vector<16xf32>
        %swap3A_4131 = vector.shape_cast %add3A_4126 : vector<16xf32> to vector<1x16xf32>
        tpu.vector_store %arg22[%swap3A_4127, %swap3A_4128], %swap3A_4131 {strides = array<i32>} : memref<128x96xf32, #tpu.memory_space<vmem>>, vector<1x16xf32>,
        %get3A_4132 = arith.index_cast %add3A_4091 : i32 to index
        %get3A_4133 = arith.constant 16 : index
        %get3A_4134 = tpu.vector_load %arg18[%get3A_4132, %get3A_4133] {strides = array<i32>} : memref<128x96xf32, #tpu.memory_space<vmem>>, vector<1x16xf32>,
        %get3A_4135 = vector.shape_cast %get3A_4134 : vector<1x16xf32> to vector<16xf32>
        %mul3A_4136 = vector.broadcast %squeeze3A_4093 : f32 to vector<16xf32>
        %mul3A_4137 = arith.mulf %get3A_4135, %mul3A_4136 : vector<16xf32>
        %get3A_4138 = arith.index_cast %add3A_4091 : i32 to index
        %get3A_4139 = arith.constant 16 : index
        %get3A_4140 = tpu.vector_load %arg19[%get3A_4138, %get3A_4139] {strides = array<i32>} : memref<128x96xf32, #tpu.memory_space<vmem>>, vector<1x16xf32>,
        %get3A_4141 = vector.shape_cast %get3A_4140 : vector<1x16xf32> to vector<16xf32>
        %mul3A_4142 = vector.broadcast %squeeze3A_4095 : f32 to vector<16xf32>
        %mul3A_4143 = arith.mulf %get3A_4141, %mul3A_4142 : vector<16xf32>
        %add3A_4144 = arith.addf %mul3A_4137, %mul3A_4143 : vector<16xf32>
        %get3A_4145 = arith.index_cast %add3A_4091 : i32 to index
        %get3A_4146 = arith.constant 16 : index
        %get3A_4147 = tpu.vector_load %arg20[%get3A_4145, %get3A_4146] {strides = array<i32>} : memref<128x96xf32, #tpu.memory_space<vmem>>, vector<1x16xf32>,
        %get3A_4148 = vector.shape_cast %get3A_4147 : vector<1x16xf32> to vector<16xf32>
        %mul3A_4149 = vector.broadcast %squeeze3A_4097 : f32 to vector<16xf32>
        %mul3A_4150 = arith.mulf %get3A_4148, %mul3A_4149 : vector<16xf32>
        %add3A_4151 = arith.addf %add3A_4144, %mul3A_4150 : vector<16xf32>
        %get3A_4152 = arith.index_cast %add3A_4091 : i32 to index
        %get3A_4153 = arith.constant 16 : index
        %get3A_4154 = tpu.vector_load %arg21[%get3A_4152, %get3A_4153] {strides = array<i32>} : memref<128x96xf32, #tpu.memory_space<vmem>>, vector<1x16xf32>,
        %get3A_4155 = vector.shape_cast %get3A_4154 : vector<1x16xf32> to vector<16xf32>
        %mul3A_4156 = vector.broadcast %squeeze3A_4099 : f32 to vector<16xf32>
        %mul3A_4157 = arith.mulf %get3A_4155, %mul3A_4156 : vector<16xf32>
        %add3A_4158 = arith.addf %add3A_4151, %mul3A_4157 : vector<16xf32>
        %swap3A_4159 = arith.index_cast %add3A_4091 : i32 to index
        %swap3A_4160 = arith.constant 16 : index
        %swap3A_4161 = tpu.vector_load %arg22[%swap3A_4159, %swap3A_4160] {strides = array<i32>} : memref<128x96xf32, #tpu.memory_space<vmem>>, vector<1x16xf32>,
        %swap3A_4162 = vector.shape_cast %swap3A_4161 : vector<1x16xf32> to vector<16xf32>
        %swap3A_4163 = vector.shape_cast %add3A_4158 : vector<16xf32> to vector<1x16xf32>
        tpu.vector_store %arg22[%swap3A_4159, %swap3A_4160], %swap3A_4163 {strides = array<i32>} : memref<128x96xf32, #tpu.memory_space<vmem>>, vector<1x16xf32>,
        %get3A_4164 = arith.index_cast %add3A_4091 : i32 to index
        %get3A_4165 = arith.constant 32 : index
        %get3A_4166 = tpu.vector_load %arg18[%get3A_4164, %get3A_4165] {strides = array<i32>} : memref<128x96xf32, #tpu.memory_space<vmem>>, vector<1x16xf32>,
        %get3A_4167 = vector.shape_cast %get3A_4166 : vector<1x16xf32> to vector<16xf32>
        %mul3A_4168 = vector.broadcast %squeeze3A_4093 : f32 to vector<16xf32>
        %mul3A_4169 = arith.mulf %get3A_4167, %mul3A_4168 : vector<16xf32>
        %get3A_4170 = arith.index_cast %add3A_4091 : i32 to index
        %get3A_4171 = arith.constant 32 : index
        %get3A_4172 = tpu.vector_load %arg19[%get3A_4170, %get3A_4171] {strides = array<i32>} : memref<128x96xf32, #tpu.memory_space<vmem>>, vector<1x16xf32>,
        %get3A_4173 = vector.shape_cast %get3A_4172 : vector<1x16xf32> to vector<16xf32>
        %mul3A_4174 = vector.broadcast %squeeze3A_4095 : f32 to vector<16xf32>
        %mul3A_4175 = arith.mulf %get3A_4173, %mul3A_4174 : vector<16xf32>
        %add3A_4176 = arith.addf %mul3A_4169, %mul3A_4175 : vector<16xf32>
        %get3A_4177 = arith.index_cast %add3A_4091 : i32 to index
        %get3A_4178 = arith.constant 32 : index
        %get3A_4179 = tpu.vector_load %arg20[%get3A_4177, %get3A_4178] {strides = array<i32>} : memref<128x96xf32, #tpu.memory_space<vmem>>, vector<1x16xf32>,
        %get3A_4180 = vector.shape_cast %get3A_4179 : vector<1x16xf32> to vector<16xf32>
        %mul3A_4181 = vector.broadcast %squeeze3A_4097 : f32 to vector<16xf32>
        %mul3A_4182 = arith.mulf %get3A_4180, %mul3A_4181 : vector<16xf32>
        %add3A_4183 = arith.addf %add3A_4176, %mul3A_4182 : vector<16xf32>
        %get3A_4184 = arith.index_cast %add3A_4091 : i32 to index
        %get3A_4185 = arith.constant 32 : index
        %get3A_4186 = tpu.vector_load %arg21[%get3A_4184, %get3A_4185] {strides = array<i32>} : memref<128x96xf32, #tpu.memory_space<vmem>>, vector<1x16xf32>,
        %get3A_4187 = vector.shape_cast %get3A_4186 : vector<1x16xf32> to vector<16xf32>
        %mul3A_4188 = vector.broadcast %squeeze3A_4099 : f32 to vector<16xf32>
        %mul3A_4189 = arith.mulf %get3A_4187, %mul3A_4188 : vector<16xf32>
        %add3A_4190 = arith.addf %add3A_4183, %mul3A_4189 : vector<16xf32>
        %swap3A_4191 = arith.index_cast %add3A_4091 : i32 to index
        %swap3A_4192 = arith.constant 32 : index
        %swap3A_4193 = tpu.vector_load %arg22[%swap3A_4191, %swap3A_4192] {strides = array<i32>} : memref<128x96xf32, #tpu.memory_space<vmem>>, vector<1x16xf32>,
        %swap3A_4194 = vector.shape_cast %swap3A_4193 : vector<1x16xf32> to vector<16xf32>
        %swap3A_4195 = vector.shape_cast %add3A_4190 : vector<16xf32> to vector<1x16xf32>
        tpu.vector_store %arg22[%swap3A_4191, %swap3A_4192], %swap3A_4195 {strides = array<i32>} : memref<128x96xf32, #tpu.memory_space<vmem>>, vector<1x16xf32>,
        %get3A_4196 = arith.index_cast %add3A_4091 : i32 to index
        %get3A_4197 = arith.constant 48 : index
        %get3A_4198 = tpu.vector_load %arg18[%get3A_4196, %get3A_4197] {strides = array<i32>} : memref<128x96xf32, #tpu.memory_space<vmem>>, vector<1x16xf32>,
        %get3A_4199 = vector.shape_cast %get3A_4198 : vector<1x16xf32> to vector<16xf32>
        %mul3A_4200 = vector.broadcast %squeeze3A_4093 : f32 to vector<16xf32>
        %mul3A_4201 = arith.mulf %get3A_4199, %mul3A_4200 : vector<16xf32>
        %get3A_4202 = arith.index_cast %add3A_4091 : i32 to index
        %get3A_4203 = arith.constant 48 : index
        %get3A_4204 = tpu.vector_load %arg19[%get3A_4202, %get3A_4203] {strides = array<i32>} : memref<128x96xf32, #tpu.memory_space<vmem>>, vector<1x16xf32>,
        %get3A_4205 = vector.shape_cast %get3A_4204 : vector<1x16xf32> to vector<16xf32>
        %mul3A_4206 = vector.broadcast %squeeze3A_4095 : f32 to vector<16xf32>
        %mul3A_4207 = arith.mulf %get3A_4205, %mul3A_4206 : vector<16xf32>
        %add3A_4208 = arith.addf %mul3A_4201, %mul3A_4207 : vector<16xf32>
        %get3A_4209 = arith.index_cast %add3A_4091 : i32 to index
        %get3A_4210 = arith.constant 48 : index
        %get3A_4211 = tpu.vector_load %arg20[%get3A_4209, %get3A_4210] {strides = array<i32>} : memref<128x96xf32, #tpu.memory_space<vmem>>, vector<1x16xf32>,
        %get3A_4212 = vector.shape_cast %get3A_4211 : vector<1x16xf32> to vector<16xf32>
        %mul3A_4213 = vector.broadcast %squeeze3A_4097 : f32 to vector<16xf32>
        %mul3A_4214 = arith.mulf %get3A_4212, %mul3A_4213 : vector<16xf32>
        %add3A_4215 = arith.addf %add3A_4208, %mul3A_4214 : vector<16xf32>
        %get3A_4216 = arith.index_cast %add3A_4091 : i32 to index
        %get3A_4217 = arith.constant 48 : index
        %get3A_4218 = tpu.vector_load %arg21[%get3A_4216, %get3A_4217] {strides = array<i32>} : memref<128x96xf32, #tpu.memory_space<vmem>>, vector<1x16xf32>,
        %get3A_4219 = vector.shape_cast %get3A_4218 : vector<1x16xf32> to vector<16xf32>
        %mul3A_4220 = vector.broadcast %squeeze3A_4099 : f32 to vector<16xf32>
        %mul3A_4221 = arith.mulf %get3A_4219, %mul3A_4220 : vector<16xf32>
        %add3A_4222 = arith.addf %add3A_4215, %mul3A_4221 : vector<16xf32>
        %swap3A_4223 = arith.index_cast %add3A_4091 : i32 to index
        %swap3A_4224 = arith.constant 48 : index
        %swap3A_4225 = tpu.vector_load %arg22[%swap3A_4223, %swap3A_4224] {strides = array<i32>} : memref<128x96xf32, #tpu.memory_space<vmem>>, vector<1x16xf32>,
        %swap3A_4226 = vector.shape_cast %swap3A_4225 : vector<1x16xf32> to vector<16xf32>
        %swap3A_4227 = vector.shape_cast %add3A_4222 : vector<16xf32> to vector<1x16xf32>
        tpu.vector_store %arg22[%swap3A_4223, %swap3A_4224], %swap3A_4227 {strides = array<i32>} : memref<128x96xf32, #tpu.memory_space<vmem>>, vector<1x16xf32>,
        %get3A_4228 = arith.index_cast %add3A_4091 : i32 to index
        %get3A_4229 = arith.constant 64 : index
        %get3A_4230 = tpu.vector_load %arg18[%get3A_4228, %get3A_4229] {strides = array<i32>} : memref<128x96xf32, #tpu.memory_space<vmem>>, vector<1x16xf32>,
        %get3A_4231 = vector.shape_cast %get3A_4230 : vector<1x16xf32> to vector<16xf32>
        %mul3A_4232 = vector.broadcast %squeeze3A_4093 : f32 to vector<16xf32>
        %mul3A_4233 = arith.mulf %get3A_4231, %mul3A_4232 : vector<16xf32>
        %get3A_4234 = arith.index_cast %add3A_4091 : i32 to index
        %get3A_4235 = arith.constant 64 : index
        %get3A_4236 = tpu.vector_load %arg19[%get3A_4234, %get3A_4235] {strides = array<i32>} : memref<128x96xf32, #tpu.memory_space<vmem>>, vector<1x16xf32>,
        %get3A_4237 = vector.shape_cast %get3A_4236 : vector<1x16xf32> to vector<16xf32>
        %mul3A_4238 = vector.broadcast %squeeze3A_4095 : f32 to vector<16xf32>
        %mul3A_4239 = arith.mulf %get3A_4237, %mul3A_4238 : vector<16xf32>
        %add3A_4240 = arith.addf %mul3A_4233, %mul3A_4239 : vector<16xf32>
        %get3A_4241 = arith.index_cast %add3A_4091 : i32 to index
        %get3A_4242 = arith.constant 64 : index
        %get3A_4243 = tpu.vector_load %arg20[%get3A_4241, %get3A_4242] {strides = array<i32>} : memref<128x96xf32, #tpu.memory_space<vmem>>, vector<1x16xf32>,
        %get3A_4244 = vector.shape_cast %get3A_4243 : vector<1x16xf32> to vector<16xf32>
        %mul3A_4245 = vector.broadcast %squeeze3A_4097 : f32 to vector<16xf32>
        %mul3A_4246 = arith.mulf %get3A_4244, %mul3A_4245 : vector<16xf32>
        %add3A_4247 = arith.addf %add3A_4240, %mul3A_4246 : vector<16xf32>
        %get3A_4248 = arith.index_cast %add3A_4091 : i32 to index
        %get3A_4249 = arith.constant 64 : index
        %get3A_4250 = tpu.vector_load %arg21[%get3A_4248, %get3A_4249] {strides = array<i32>} : memref<128x96xf32, #tpu.memory_space<vmem>>, vector<1x16xf32>,
        %get3A_4251 = vector.shape_cast %get3A_4250 : vector<1x16xf32> to vector<16xf32>
        %mul3A_4252 = vector.broadcast %squeeze3A_4099 : f32 to vector<16xf32>
        %mul3A_4253 = arith.mulf %get3A_4251, %mul3A_4252 : vector<16xf32>
        %add3A_4254 = arith.addf %add3A_4247, %mul3A_4253 : vector<16xf32>
        %swap3A_4255 = arith.index_cast %add3A_4091 : i32 to index
        %swap3A_4256 = arith.constant 64 : index
        %swap3A_4257 = tpu.vector_load %arg22[%swap3A_4255, %swap3A_4256] {strides = array<i32>} : memref<128x96xf32, #tpu.memory_space<vmem>>, vector<1x16xf32>,
        %swap3A_4258 = vector.shape_cast %swap3A_4257 : vector<1x16xf32> to vector<16xf32>
        %swap3A_4259 = vector.shape_cast %add3A_4254 : vector<16xf32> to vector<1x16xf32>
        tpu.vector_store %arg22[%swap3A_4255, %swap3A_4256], %swap3A_4259 {strides = array<i32>} : memref<128x96xf32, #tpu.memory_space<vmem>>, vector<1x16xf32>,
        %get3A_4260 = arith.index_cast %add3A_4091 : i32 to index
        %get3A_4261 = arith.constant 80 : index
        %get3A_4262 = tpu.vector_load %arg18[%get3A_4260, %get3A_4261] {strides = array<i32>} : memref<128x96xf32, #tpu.memory_space<vmem>>, vector<1x16xf32>,
        %get3A_4263 = vector.shape_cast %get3A_4262 : vector<1x16xf32> to vector<16xf32>
        %mul3A_4264 = vector.broadcast %squeeze3A_4093 : f32 to vector<16xf32>
        %mul3A_4265 = arith.mulf %get3A_4263, %mul3A_4264 : vector<16xf32>
        %get3A_4266 = arith.index_cast %add3A_4091 : i32 to index
        %get3A_4267 = arith.constant 80 : index
        %get3A_4268 = tpu.vector_load %arg19[%get3A_4266, %get3A_4267] {strides = array<i32>} : memref<128x96xf32, #tpu.memory_space<vmem>>, vector<1x16xf32>,
        %get3A_4269 = vector.shape_cast %get3A_4268 : vector<1x16xf32> to vector<16xf32>
        %mul3A_4270 = vector.broadcast %squeeze3A_4095 : f32 to vector<16xf32>
        %mul3A_4271 = arith.mulf %get3A_4269, %mul3A_4270 : vector<16xf32>
        %add3A_4272 = arith.addf %mul3A_4265, %mul3A_4271 : vector<16xf32>
        %get3A_4273 = arith.index_cast %add3A_4091 : i32 to index
        %get3A_4274 = arith.constant 80 : index
        %get3A_4275 = tpu.vector_load %arg20[%get3A_4273, %get3A_4274] {strides = array<i32>} : memref<128x96xf32, #tpu.memory_space<vmem>>, vector<1x16xf32>,
        %get3A_4276 = vector.shape_cast %get3A_4275 : vector<1x16xf32> to vector<16xf32>
        %mul3A_4277 = vector.broadcast %squeeze3A_4097 : f32 to vector<16xf32>
        %mul3A_4278 = arith.mulf %get3A_4276, %mul3A_4277 : vector<16xf32>
        %add3A_4279 = arith.addf %add3A_4272, %mul3A_4278 : vector<16xf32>
        %get3A_4280 = arith.index_cast %add3A_4091 : i32 to index
        %get3A_4281 = arith.constant 80 : index
        %get3A_4282 = tpu.vector_load %arg21[%get3A_4280, %get3A_4281] {strides = array<i32>} : memref<128x96xf32, #tpu.memory_space<vmem>>, vector<1x16xf32>,
        %get3A_4283 = vector.shape_cast %get3A_4282 : vector<1x16xf32> to vector<16xf32>
        %mul3A_4284 = vector.broadcast %squeeze3A_4099 : f32 to vector<16xf32>
        %mul3A_4285 = arith.mulf %get3A_4283, %mul3A_4284 : vector<16xf32>
        %add3A_4286 = arith.addf %add3A_4279, %mul3A_4285 : vector<16xf32>
        %swap3A_4287 = arith.index_cast %add3A_4091 : i32 to index
        %swap3A_4288 = arith.constant 80 : index
        %swap3A_4289 = tpu.vector_load %arg22[%swap3A_4287, %swap3A_4288] {strides = array<i32>} : memref<128x96xf32, #tpu.memory_space<vmem>>, vector<1x16xf32>,
        %swap3A_4290 = vector.shape_cast %swap3A_4289 : vector<1x16xf32> to vector<16xf32>
        %swap3A_4291 = vector.shape_cast %add3A_4286 : vector<16xf32> to vector<1x16xf32>
        tpu.vector_store %arg22[%swap3A_4287, %swap3A_4288], %swap3A_4291 {strides = array<i32>} : memref<128x96xf32, #tpu.memory_space<vmem>>, vector<1x16xf32>,
        %scan3A_4292 = arith.constant 0 : i32
        scf.yield %scan3A_4292 : i32
      }
      %scan3A_1044 = arith.constant 8 : i32
      "tpu.region"() ({
        %run_scoped3A = tpu.sem_alloc : memref<!tpu.dma_semaphore, #tpu.memory_space<semaphore_mem>>
        %dma_start3A_1046 = tpu.memref_slice %arg5[%add3A_31] : memref<262144xf32, #tpu.memory_space<hbm>> -> memref<128xf32, #tpu.memory_space<hbm>>
        %dma_start3A_1047 = tpu.memref_slice %arg5[%add3A_31] : memref<262144xf32, #tpu.memory_space<hbm>> -> memref<128xf32, #tpu.memory_space<hbm>>
        tpu.enqueue_dma source(%arg17 : memref<128xf32, #tpu.memory_space<vmem>>) target(%dma_start3A_1047 : memref<128xf32, #tpu.memory_space<hbm>>) target_semaphore(%run_scoped3A : memref<!tpu.dma_semaphore, #tpu.memory_space<semaphore_mem>>)
        %dma_wait3A_1048 = tpu.memref_slice %arg5[%add3A_31] : memref<262144xf32, #tpu.memory_space<hbm>> -> memref<128xf32, #tpu.memory_space<hbm>>
        %dma_wait3A_1049 = tpu.memref_slice %arg5[%add3A_31] : memref<262144xf32, #tpu.memory_space<hbm>> -> memref<128xf32, #tpu.memory_space<hbm>>
        tpu.wait_dma2 semaphore(%run_scoped3A : memref<!tpu.dma_semaphore, #tpu.memory_space<semaphore_mem>>) src(%arg17 : memref<128xf32, #tpu.memory_space<vmem>>) dst(%dma_wait3A_1049 : memref<128xf32, #tpu.memory_space<hbm>>)
        tpu.yield
      }) : () -> ()
      "tpu.region"() ({
        %run_scoped3A = tpu.sem_alloc : memref<!tpu.dma_semaphore, #tpu.memory_space<semaphore_mem>>
        %dma_start3A_1046 = arith.constant 0 : i32
        %dma_start3A_1047 = tpu.memref_slice %arg6[%add3A_31, %dma_start3A_1046] : memref<262144x96xf32, #tpu.memory_space<hbm>> -> memref<128x96xf32, #tpu.memory_space<hbm>>
        %dma_start3A_1048 = arith.constant 0 : i32
        %dma_start3A_1049 = tpu.memref_slice %arg6[%add3A_31, %dma_start3A_1048] : memref<262144x96xf32, #tpu.memory_space<hbm>> -> memref<128x96xf32, #tpu.memory_space<hbm>>
        tpu.enqueue_dma source(%arg22 : memref<128x96xf32, #tpu.memory_space<vmem>>) target(%dma_start3A_1049 : memref<128x96xf32, #tpu.memory_space<hbm>>) target_semaphore(%run_scoped3A : memref<!tpu.dma_semaphore, #tpu.memory_space<semaphore_mem>>)
        %dma_wait3A_1050 = arith.constant 0 : i32
        %dma_wait3A_1051 = tpu.memref_slice %arg6[%add3A_31, %dma_wait3A_1050] : memref<262144x96xf32, #tpu.memory_space<hbm>> -> memref<128x96xf32, #tpu.memory_space<hbm>>
        %dma_wait3A_1052 = arith.constant 0 : i32
        %dma_wait3A_1053 = tpu.memref_slice %arg6[%add3A_31, %dma_wait3A_1052] : memref<262144x96xf32, #tpu.memory_space<hbm>> -> memref<128x96xf32, #tpu.memory_space<hbm>>
        tpu.wait_dma2 semaphore(%run_scoped3A : memref<!tpu.dma_semaphore, #tpu.memory_space<semaphore_mem>>) src(%arg22 : memref<128x96xf32, #tpu.memory_space<vmem>>) dst(%dma_wait3A_1053 : memref<128x96xf32, #tpu.memory_space<hbm>>)
        tpu.yield
      }) : () -> ()
      %scan3A_1045 = arith.constant 0 : i32
      scf.yield %scan3A_1045 : i32
    }
    %scan3A_26 = arith.constant 64 : i32
    return
  }
}

</mosaic_0001>

<sc_bundles>
// kernel: kernel.3.cloned.1.call-start
scs
__scs_entry_jumppad:
0x0: {  	(pc) =	sbr.rel $0x88, $3  }
0x1: {  	(tag) =	ssettag $0x0;
	lr =	simm.s32 $0x1  }
0x2: {  	[smem:$0x3F9F] =	sst lr;
	_ =	strace $0xD0000000  }
0x3: {  	_ = 	snop  }
0x4: {  	_ = 	snop  }
0x5: {  	_ = 	snop  }
0x6: {  	_ = 	snop  }
0x7: {  	_ = 	snop  }
__scs_overlays_trampoline_lowered:
0x8: {  	[smem:$0x3FAE] =	sst s0  }
0x9: {  	[smem:$0x3FAF] =	sst s1  }
0xa: {  	[smem:$0x3FB0] =	sst s2  }
0xb: {  	[smem:$0x3FB1] =	sst s3  }
0xc: {  	[smem:$0x3FB2] =	sst s4  }
0xd: {  	[smem:$0x3FB3] =	sst s5  }
0xe: {  	[smem:$0x3FB4] =	sst s6  }
0xf: {  	[smem:$0x3FB5] =	sst s7  }
0x10: {  	[smem:$0x3FB6] =	sst s8  }
0x11: {  	[smem:$0x3FB7] =	sst s9;
	s0 =	simm.s32 @!p0 $0x0  }
0x12: {  	s1 =	sld [smem:$0x3F9D];
	s0 =	simm.s32 @p0 $0x1  }
0x13: {  	[smem:$0x3FB8] =	sst s0;
	s0 =	simm.s32 @!p1 $0x0  }
0x14: {  	s2 =	sld [smem:$0x3F9C];
	s0 =	simm.s32 @p1 $0x1  }
0x15: {  	[smem:$0x3FB9] =	sst s0;
	s0 =	simm.s32 @!p2 $0x0  }
0x16: {  	s3 =	sld [smem:$0x3FDB];
	s0 =	simm.s32 @p2 $0x1  }
0x17: {  	s4 =	simm.s32 $0x1BF5;
	[smem:$0x3FBB] =	sst s0  }
0x18: {  	s0 =	sld [smem:$0x3F9E];
	_ =	swait.ge [sflag:s4], $0x0  }
0x19: {  	s7 =	sld [smem:$0x3F9F]  }
0x1a: {  	s8 =	sadd.s32 $0xFFFFE003, lr  }
0x1b: {  	s9 =	sadd.s32 $0xFFFFFEF7, lr;
	s5 =	simm.s32 $0xFFFFFFFF;
	p2 =	slt.u32 s8, $0xFFFFF086  }
0x1c: {  	p1 =	slt.u32 s9, $0xF7A;
	s5 =	simm.s32 @!p2 $0x0  }
0x1d: {  	s5 =	simm.s32 @p1 $0x1;
	p0 =	seq.s32 s7, s2  }
0x1e: {  	s7 =	smul.u32 @!p0 $0xF7A, s2;
	p2 =	seq.s32 @!p0 s5, $0x0  }
0x1f: {  	s9 =	smul.u32 $0xF7A, s1;
	s8 =	simm.s32 @!p0 $0x1BF5;
	p2 =	por !p2, p0  }
0x20: {  	[sflag:s8] =	ssyncset.s32 @!p0 $0xFFFFF086;
	s6 =	sadd.s32 @!p0 s3, s7;
	s7 =	simm.s32 @!p0 $0x108  }
0x21: {  	s3 =	sadd.s32 s3, s9;
	s6 =	sadd.s32 @!p0 $0x88, s6;
	s7 =	simm.s32 @p2 $0x1082  }
0x22: {  	[simem:s7], [sflag:s8] =	dma.local @!p0 [hbm:s6], $0xF7A  }
0x23: {  	s9 =	sor.u32 $0xD0000000, s2;
	s6 =	simm.s32 $0x108;
	_ =	swait.ge @!p0 [sflag:s8], $0x0  }
0x24: {  	s3 =	sadd.s32 $0x88, s3;
	s6 =	simm.s32 @!p1 $0x1082;
	[sflag:s4] =	ssyncset.s32 $0xFFFFF086  }
0x25: {  	[simem:s6], [sflag:s4] =	dma.local [hbm:s3], $0xF7A  }
0x26: {  	[smem:$0x3F9F] =	sst s1;
	(tag) =	ssettag s2;
	_ =	strace s9  }
0x27: {  	s1 =	sld [smem:$0x3FAF]  }
0x28: {  	s2 =	sld [smem:$0x3FB0]  }
0x29: {  	s4 =	sld [smem:$0x3FB2]  }
0x2a: {  	p0 =	seq.s32 s5, $0x0;
	s5 =	sld [smem:$0x3FB3]  }
0x2b: {  	s6 =	sld [smem:$0x3FB4]  }
0x2c: {  	s7 =	sld [smem:$0x3FB5]  }
0x2d: {  	s3 =	simm.s32 $0x108;
	s8 =	sld [smem:$0x3FB6]  }
0x2e: {  	s3 =	simm.s32 @!p0 $0x1082;
	s9 =	sld [smem:$0x3FB7]  }
0x2f: {  	lr =	sadd.s32 s0, s3;
	s0 =	sld [smem:$0x3FAE]  }
0x30: {  	s3 =	sld [smem:$0x3FB1]  }
0x31: {  	[smem:$0x3FBA] =	sst s10  }
0x32: {  	s10 =	sld [smem:$0x3FB8];
	_ =	sdelay $0x3  }
0x33: {  	p0 =	seq.s32 s10, $0x1;
	s10 =	sld [smem:$0x3FBA];
	_ =	sdelay $0x3  }
0x34: {  	[smem:$0x3FBA] =	sst s10  }
0x35: {  	s10 =	sld [smem:$0x3FB9];
	_ =	sdelay $0x3  }
0x36: {  	p1 =	seq.s32 s10, $0x1;
	s10 =	sld [smem:$0x3FBA];
	_ =	sdelay $0x3  }
0x37: {  	[smem:$0x3FBA] =	sst s10  }
0x38: {  	s10 =	sld [smem:$0x3FBB]  }
0x39: {  	_ = 	snop;
	(pc) =	sbr.ind lr, $3  }
0x3a: {  	_ = 	snop  }
0x3b: {  	_ = 	snop  }
0x3c: {  	p2 =	seq.s32 s10, $0x1;
	s10 =	sld [smem:$0x3FBA]  }
0x3d: {  	_ =	shalt  }
0x3e: {  	_ =	shalt  }
0x3f: {  	_ =	shalt  }
0x40: {  	_ =	shalt  }
0x41: {  	_ =	shalt  }
0x42: {  	_ =	shalt  }
0x43: {  	_ =	shalt  }
0x44: {  	_ =	shalt  }
0x45: {  	_ =	shalt  }
0x46: {  	_ =	shalt  }
0x47: {  	_ =	shalt  }
0x48: {  	_ =	shalt  }
0x49: {  	_ =	shalt  }
0x4a: {  	_ =	shalt  }
0x4b: {  	_ =	shalt  }
0x4c: {  	_ =	shalt  }
0x4d: {  	_ =	shalt  }
0x4e: {  	_ =	shalt  }
0x4f: {  	_ =	shalt  }
0x50: {  	_ =	shalt  }
0x51: {  	_ =	shalt  }
0x52: {  	_ =	shalt  }
0x53: {  	_ =	shalt  }
0x54: {  	_ =	shalt  }
0x55: {  	_ =	shalt  }
0x56: {  	_ =	shalt  }
0x57: {  	_ =	shalt  }
0x58: {  	_ =	shalt  }
0x59: {  	_ =	shalt  }
0x5a: {  	_ =	shalt  }
0x5b: {  	_ =	shalt  }
0x5c: {  	_ =	shalt  }
0x5d: {  	_ =	shalt  }
0x5e: {  	_ =	shalt  }
0x5f: {  	_ =	shalt  }
0x60: {  	_ =	shalt  }
0x61: {  	_ =	shalt  }
0x62: {  	_ =	shalt  }
0x63: {  	_ =	shalt  }
0x64: {  	_ =	shalt  }
0x65: {  	_ =	shalt  }
0x66: {  	_ =	shalt  }
0x67: {  	_ =	shalt  }
0x68: {  	_ =	shalt  }
0x69: {  	_ =	shalt  }
0x6a: {  	_ =	shalt  }
0x6b: {  	_ =	shalt  }
0x6c: {  	_ =	shalt  }
0x6d: {  	_ =	shalt  }
0x6e: {  	_ =	shalt  }
0x6f: {  	_ =	shalt  }
0x70: {  	_ =	shalt  }
0x71: {  	_ =	shalt  }
0x72: {  	_ =	shalt  }
0x73: {  	_ =	shalt  }
0x74: {  	_ =	shalt  }
0x75: {  	_ =	shalt  }
0x76: {  	_ =	shalt  }
0x77: {  	_ =	shalt  }
0x78: {  	_ =	shalt  }
0x79: {  	_ =	shalt  }
0x7a: {  	_ =	shalt  }
0x7b: {  	_ =	shalt  }
0x7c: {  	_ =	shalt  }
0x7d: {  	_ =	shalt  }
0x7e: {  	_ =	shalt  }
0x7f: {  	_ =	shalt  }
0x80: {  	_ =	shalt  }
0x81: {  	_ =	shalt  }
0x82: {  	_ =	shalt  }
0x83: {  	_ =	shalt  }
0x84: {  	_ =	shalt  }
0x85: {  	_ =	shalt  }
0x86: {  	_ =	shalt  }
0x87: {  	_ =	shalt  }
.Lfunc_end0:
.L_simem_size_0:
called_computation.1_lowered:
.L_overlay_start_0:
0x88: {  	s2 =	sld [smem:$0x3FD9]  }
0x89: {  	s3 =	sld [smem:$0x3FFE];
	_ =	sdelay $0x1  }
0x8a: {  	s1 =	srdreg.scid  }
0x8b: {  	s0 =	sand.u32 $0x1, s1  }
0x8c: {  	s14 =	sshll.u32 s0, $0xA;
	s2 =	sadd.s32 s3, s2  }
0x8d: {  	s2 =	sadd.s32 s2, s14  }
0x8e: {  	[smem:$0x3FC6] =	sst s2  }
0x8f: {  	_ = 	snop  }
0x90: {  	s2 =	sld [smem:$0x3FD0];
	_ =	sdelay $0x2  }
0x91: {  	s15 =	simm.s32 $0xA;
	s4 =	simm.s32 $0x10  }
0x92: {  	[smem:s4], [sflag:s15] =	dma.local [hbm:s2], $0x1  }
0x93: {  	_ =	swait.eq [sflag:s15], $0x1  }
0x94: {  	[sflag:s15] =	ssyncset.done $0x0  }
0x95: {  	s16 =	sld [smem:$0x10];
	[sflag:s15] =	ssyncadd.s32 $0xFFFFFFFF  }
0x96: {  	s17 =	sld [smem:$0x11];
	(tm) =	ssettm $0x1  }
0x97: {  	s18 =	sld [smem:$0x3FFB];
	_ =	sdelay $0x3  }
0x98: {  	_ =	strace s18  }
0x99: {  	s4 =	sld [smem:$0x3FFC];
	_ =	sdelay $0x3  }
0x9a: {  	_ =	strace s4  }
0x9b: {  	s4 =	sld [smem:$0x3FFD];
	_ =	sdelay $0x3  }
0x9c: {  	_ =	strace s4  }
0x9d: {  	_ =	strace $0x8FFFFFFF  }
0x9e: {  	s19 =	sld [smem:$0x3FDB];
	_ =	sdelay $0x1  }
0x9f: {  	s5 =	simm.s32 $_scs_section_size  }
0xa0: {  	s6 =	simm.s32 $_size__tile_overlayer_lowered;
	s7 =	simm.s32 $_tile_overlayer_lowered  }
0xa1: {  	s22 =	simm.s32 $0x1BFF;
	s21 =	sshll.u32 s7, $0x1;
	s4 =	sadd.s32 s5, s19  }
0xa2: {  	s8 =	simm.s32 $0x0;
	s20 =	sshll.u32 s6, $0x1;
	s6 =	sadd.s32 s21, s4  }
0xa3: {  	[timem:s8], [sflag:s22] =	dma.local [hbm:s6], s20  }
0xa4: {  	_ =	swait.ge [sflag:s22], s20  }
0xa5: {  	s5 =	ssub.s32 $0x0, s20;
	[sflag:s22] =	ssyncset.done $0x0  }
0xa6: {  	[sflag:s22] =	ssyncadd.s32 s5;
	_ =	sdelay $0x1  }
0xa7: {  	s23 =	simm.s32 $0x1B8B  }
0xa8: {  	_ =	swait.ge [sflag:s23], $0x1  }
0xa9: {  	[sflag:s23] =	ssyncset.done $0x0  }
0xaa: {  	s25 =	simm.s32 $0x1B8E;
	s24 =	sld [smem:$0x3FFE];
	[sflag:s23] =	ssyncadd.s32 $0xFFFFFFFF  }
0xab: {  	s26 =	simm.s32 $execute0_lowered;
	[smem:$0x3FD2] =	sst s25  }
0xac: {  	s6 =	sshll.u32 s26, $0x1;
	_ =	strace $0x80000046;
	[dreg:$0x1] =	wrdreg $0xFFFFFFFF  }
0xad: {  	s28 =	simm.s32 $_size_execute0_lowered;
	s4 =	sadd.s32 s4, s6;
	[dreg:$0x0] =	wrdreg $0x0  }
0xae: {  	s6 =	sshll.u32 s28, $0x1;
	[dreg:$0x2] =	wrdreg s4  }
0xaf: {  	[dreg:$0x3] =	wrdreg s6  }
0xb0: {  	[dreg:$0x4] =	wrdreg $0xC0  }
0xb1: {  	_ =	task [dreg:s8], $0x5FFFF  }
0xb2: {  	[dreg:$0x1] =	wrdreg $0xFFFFFFFF  }
0xb3: {  	[dreg:$0x0] =	wrdreg $0x60  }
0xb4: {  	[dreg:$0x2] =	wrdreg s24  }
0xb5: {  	[dreg:$0x3] =	wrdreg s16  }
0xb6: {  	[dreg:$0x4] =	wrdreg s17  }
0xb7: {  	[dreg:$0x5] =	wrdreg $0x9  }
0xb8: {  	_ =	task.clear_ibuf [dreg:s8], $0x6FFFF;
	_ =	strace $0x90000046  }
0xb9: {  	s29 =	simm.s32 $0x9;
	_ =	strace $0x80000048  }
0xba: {  	_ =	swait.ge [sflag:s29], $0x1  }
0xbb: {  	[sflag:s29] =	ssyncadd.s32 $0xFFFFFFFF  }
0xbc: {  	_ =	strace $0x90000048  }
0xbd: {  	_ =	sfence  }
0xbe: {  	s30 =	sld [smem:$0x0];
	_ =	sdelay $0x2  }
0xbf: {  	s31 =	sshll.u32 s1, $0xD;
	s1 =	sshrl.u32 s1, $0x2  }
0xc0: {  	s3 =	sand.u32 $0x4000, s31;
	s1 =	sadd.s32 s1, s30  }
0xc1: {  	s0 =	sor.u32 s3, s0;
	s1 =	sshll.u32 s1, $0x11  }
0xc2: {  	s0 =	sor.u32 s1, s0  }
0xc3: {  	s0 =	sadd.s32 $0x8F2B, s0  }
0xc4: {  	[sflag:s0] =	ssyncadd.remote.s32 $0x1  }
0xc5: {  	_ =	sfence.sel $0xFFFF  }
0xc6: {  	[dreg:$0x0] =	wrdreg $0xFFFFFFFF;
	(pc) =	sbr.abs _section_cstart, $3  }
0xc7: {  	[dreg:$0x1] =	wrdreg $0xFFFFFFFF  }
0xc8: {  	_ =	task.clear_ibuf [dreg:s8], $0x2FFFF;
	_ =	strace $0x9FFFFFFF  }
0xc9: {  	(tm) =	ssettm $0x7FFFFFFF  }
tec
execute0_lowered:
.L_overlay_start_1:
0x0: {  	(tag) =	ssettag $0x1  }
0x1: {  	s4 =	rddreg [dreg:$0x0]  }
0x2: {  	s1 =	rddreg [dreg:$0x1]  }
0x3: {  	s2 =	rddreg [dreg:$0x2]  }
0x4: {  	s0 =	rddreg [dreg:$0x3];
	s3 =	simm.s32 $0x0;
	s5 =	srdreg.scid  }
0x5: {  	s13 =	simm.s32 $0x580;
	s14 =	simm.s32 $0x180;
	s15 =	simm.s32 $0x3580  }
0x6: {  	s16 =	simm.s32 $0x200;
	s17 =	simm.s32 $0x6580;
	s18 =	simm.s32 $0x280  }
0x7: {  	s19 =	simm.s32 $0x9580;
	s20 =	simm.s32 $0x1;
	s22 =	simm.s32 $0xC580  }
0x8: {  	s23 =	simm.s32 $0x0;
	s8 =	sand.u32 $0x1, s5;
	s5 =	sadd.s32 $0x901200, s4  }
0x9: {  	s6 =	sadd.s32 $0x1200, s4;
	s7 =	sadd.s32 $0x9200, s4;
	s4 =	stileid.u32  }
0xa: {  	[smem:$0x7FF] =	sst s3;
	s9 =	ssub.s32 $0x2, s8;
	s12 =	sshrl.u32 s4, $0x2  }
0xb: {  	s11 =	sshll.u32 s4, $0xE;
	s8 =	sshll.u32 s8, $0xD;
	s21 =	smul.u32 $0x24000, s12  }
0xc: {  	_ =	strace $0x80000047;
	s10 =	sshrl.u32 s9, $0x1;
	s8 =	sor.u32 s8, s11  }
0xd: {  	s11 =	simm.s32 $0x80;
	s12 =	simm.s32 $0x100;
	s9 =	ssub.s32 s9, s10;
	v0 =	vmov s21  }
0xe: {  	s10 =	simm.s32 $0x2;
	s9 =	smax.u32 s9, $0x1;
	s21 =	simm.s32 $0x500;
	[tilespmem:$0x1FFF0] =	vst v0  }
.LBB2_1:
0xf: {  	s24 =	simm.s32 $0x0  }
.LBB2_2:
0x10: {  	s25 =	sshll.u32 s24, $0x7  }
0x11: {  	s25 =	sadd.s32 s8, s25  }
0x12: {  	s26 =	sshrl.u32 s25, $0x3  }
0x13: {  	s28 =	simm.s32 $0x0;
	s29 =	sadd.s32 s6, s26  }
0x14: {  	[tilespmem:s28], [sflag:$0x2] =	stream.linear.gather [hbm4b:s29+s28], $0x80, $0x38;
	[tilespmem:$0xF580] =	vst v63  }
0x15: {  	_ =	swait.ge [sflag:s10], $0x80  }
0x16: {  	[sflag:s10] =	ssyncset.done $0x0  }
0x17: {  	s31 =	sadd.s32 s1, s26;
	[sflag:s10] =	ssyncadd.s32 $0xFFFFFF80  }
0x18: {  	[tilespmem:s11], [sflag:$0x2] =	stream.linear.gather [hbm4b:s31+s28], $0x80, $0x38;
	[tilespmem:$0xF580] =	vst v63  }
0x19: {  	_ =	swait.ge [sflag:s10], $0x80  }
0x1a: {  	[sflag:s10] =	ssyncset.done $0x0  }
0x1b: {  	[sflag:s10] =	ssyncadd.s32 $0xFFFFFF80  }
0x1c: {  	v0 =	vld [tilespmem:$0x0]  }
0x1d: {  	v1 =	vld [tilespmem:$0x80]  }
0x1e: {  	v10 =	vld [tilespmem:$0x10]  }
0x1f: {  	v13 =	vld [tilespmem:$0x90]  }
0x20: {  	v18 =	vld [tilespmem:$0x20]  }
0x21: {  	v19 =	vld [tilespmem:$0xA0]  }
0x22: {  	v27 =	vld [tilespmem:$0x30]  }
0x23: {  	v28 =	vld [tilespmem:$0xB0]  }
0x24: {  	v39 =	vimm.f32 $0.0e+00;
	v34 =	vld [tilespmem:$0xC0];
	v2 =	vtrunc.f32 v0  }
0x25: {  	v3 =	vtrunc.f32 v1;
	vm0 =	vge.f32 v0, $0.0e+00;
	vm1 =	vge.f32 v1, $0.0e+00  }
0x26: {  	vm2 =	vle.f32 v0, $3.830000000e+02;
	v50 =	vtrunc.f32 v10;
	v52 =	vtrunc.f32 v13  }
0x27: {  	vm15 =	vle.f32 v1, $3.830000000e+02;
	v60 =	vtrunc.f32 v18;
	v23 =	vtrunc.f32 v19  }
0x28: {  	vm8 =	vge.f32 v10, $0.0e+00;
	v31 =	vtrunc.f32 v27;
	v32 =	vtrunc.f32 v28  }
0x29: {  	vm9 =	vge.f32 v13, $0.0e+00;
	v45 =	vtrunc.f32 v34;
	v2 =	vcvt.f32.s32 v2  }
0x2a: {  	vm10 =	vle.f32 v10, $3.830000000e+02;
	v3 =	vcvt.f32.s32 v3;
	v51 =	vcvt.f32.s32 v50  }
0x2b: {  	vm11 =	vle.f32 v13, $3.830000000e+02;
	v15 =	vcvt.f32.s32 v52;
	v22 =	vcvt.f32.s32 v60  }
0x2c: {  	vm0 =	vmand vm0, vm1;
	v23 =	vcvt.f32.s32 v23;
	v31 =	vcvt.f32.s32 v31  }
0x2d: {  	v32 =	vcvt.f32.s32 v32;
	vm0 =	vmand vm0, vm2;
	v4 =	vcvt.s32.f32 v2  }
0x2e: {  	v5 =	vcvt.s32.f32 v3;
	vm0 =	vmand vm15, vm0;
	vm4 =	vgt.s32 v2, $0x0  }
0x2f: {  	v48 =	vadd.s32 $0x1, v3;
	vm5 =	vgt.s32 v3, $0x0;
	v55 =	vcvt.s32.f32 v51  }
0x30: {  	v56 =	vcvt.s32.f32 v15;
	vm12 =	vgt.s32 v51, $0x0;
	vm13 =	vgt.s32 v15, $0x0  }
0x31: {  	v59 =	vadd.s32 $0x1, v15;
	v61 =	vcvt.s32.f32 v22;
	v62 =	vcvt.s32.f32 v23  }
0x32: {  	v36 =	vadd.s32 $0x1, v23;
	v40 =	vcvt.s32.f32 v31;
	v33 =	vcvt.s32.f32 v32  }
0x33: {  	v49 =	vnsel vm4, $0x0, v2;
	vm6 =	vgt.s32 v48, $0x0;
	v2 =	vadd.s32 $0x1, v2  }
0x34: {  	v3 =	vnsel vm5, $0x0, v3;
	v17 =	vnsel vm12, $0x0, v51;
	v15 =	vnsel vm13, $0x0, v15  }
0x35: {  	vm14 =	vgt.s32 v59, $0x0;
	vm4 =	vge.f32 v18, $0.0e+00;
	vm5 =	vge.f32 v19, $0.0e+00  }
0x36: {  	vm12 =	vge.f32 v27, $0.0e+00;
	vm13 =	vge.f32 v28, $0.0e+00;
	v6 =	vsub.f32 v0, v4  }
0x37: {  	v46 =	vsub.f32 v1, v5;
	v1 =	vnsel vm6, $0x0, v48;
	vm7 =	vgt.s32 v2, $0x0  }
0x38: {  	v3 =	vmin.u32 v3, $0x17F;
	v5 =	vmin.u32 v49, $0x17F;
	v16 =	vsub.f32 v10, v55  }
0x39: {  	v15 =	vmin.u32 v15, $0x17F;
	v17 =	vmin.u32 v17, $0x17F;
	v26 =	vsub.f32 v18, v61  }
0x3a: {  	vm6 =	vle.f32 v18, $3.830000000e+02;
	v41 =	vsub.f32 v28, v33;
	v48 =	vcvt.f32.s32 v45  }
0x3b: {  	v38 =	vld [tilespmem:$0x1FFF0];
	v1 =	vmin.u32 v1, $0x17F;
	v2 =	vnsel vm7, $0x0, v2;
	v3 =	vmul.u32 $0x180, v3  }
0x3c: {  	v15 =	vmul.u32 $0x180, v15;
	vm7 =	vle.f32 v19, $3.830000000e+02;
	v8 =	vsub.f32 $1.000000000e+00, v6  }
0x3d: {  	v47 =	vsub.f32 $1.000000000e+00, v46;
	v7 =	vmul.u32 $0x180, v1;
	v1 =	vsel vm0, $0x3F800000, v39  }
0x3e: {  	v2 =	vmin.u32 v2, $0x17F;
	vm0 =	vmand vm8, vm9;
	v57 =	vsub.f32 $1.000000000e+00, v16  }
0x3f: {  	v63 =	vsub.f32 $1.000000000e+00, v26;
	vm8 =	vgt.s32 v22, $0x0;
	vm9 =	vgt.s32 v23, $0x0  }
0x40: {  	v33 =	vsub.f32 $1.000000000e+00, v41;
	v3 =	vadd.s32 v38, v3;
	v14 =	vmul.f32 v1, v46  }
0x41: {  	vm0 =	vmand vm0, vm10;
	v15 =	vadd.s32 v38, v15;
	v37 =	vnsel vm8, $0x0, v22  }
0x42: {  	vm10 =	vgt.s32 v36, $0x0;
	v22 =	vadd.s32 $0x1, v22;
	v23 =	vnsel vm9, $0x0, v23  }
0x43: {  	vm8 =	vge.f32 v34, $0.0e+00;
	vm9 =	vle.f32 v34, $3.830000000e+02;
	v7 =	vadd.s32 v38, v7  }
0x44: {  	v0 =	vmul.f32 v1, v47;
	v12 =	vadd.s32 v5, v3;
	v11 =	vadd.s32 v2, v3  }
0x45: {  	vm0 =	vmand vm11, vm0;
	v3 =	vadd.s32 $0x1, v51;
	v21 =	vadd.s32 v17, v15  }
0x46: {  	v18 =	vnsel vm10, $0x0, v36;
	vm11 =	vgt.s32 v22, $0x0;
	v23 =	vmin.u32 v23, $0x17F  }
0x47: {  	v36 =	vadd.s32 $0x1, v32;
	v51 =	vcvt.s32.f32 v48;
	v9 =	vadd.s32 v5, v7  }
0x48: {  	v7 =	vadd.s32 v2, v7;
	v2 =	vsub.f32 v13, v56;
	vm15 =	vgt.s32 v3, $0x0  }
0x49: {  	v18 =	vmin.u32 v18, $0x17F;
	v22 =	vnsel vm11, $0x0, v22;
	v53 =	vmul.f32 v0, v8  }
0x4a: {  	v23 =	vmul.u32 $0x180, v23;
	v54 =	vmul.f32 v0, v6;
	v8 =	vmul.f32 v14, v8  }
0x4b: {  	v6 =	vmul.f32 v14, v6;
	v0 =	vsel vm0, $0x3F800000, v39;
	v14 =	vnsel vm14, $0x0, v59  }
0x4c: {  	v3 =	vnsel vm15, $0x0, v3;
	vm0 =	vmand vm4, vm5;
	v18 =	vmul.u32 $0x180, v18  }
0x4d: {  	v22 =	vmin.u32 v22, $0x17F;
	vm14 =	vle.f32 v27, $3.830000000e+02;
	vm15 =	vle.f32 v28, $3.830000000e+02  }
0x4e: {  	vm4 =	vgt.s32 v31, $0x0;
	vm5 =	vgt.s32 v32, $0x0;
	v55 =	vsub.f32 v34, v51  }
0x4f: {  	v59 =	vadd.s32 $0x1, v48;
	v58 =	vsub.f32 $1.000000000e+00, v2;
	v14 =	vmin.u32 v14, $0x17F  }
0x50: {  	v3 =	vmin.u32 v3, $0x17F;
	v2 =	vmul.f32 v0, v2;
	vm0 =	vmand vm0, vm6  }
0x51: {  	v23 =	vadd.s32 v38, v23;
	v32 =	vnsel vm5, $0x0, v32;
	vm6 =	vgt.s32 v36, $0x0  }
0x52: {  	v14 =	vmul.u32 $0x180, v14;
	v24 =	vadd.s32 v3, v15;
	vm0 =	vmand vm7, vm0  }
0x53: {  	v18 =	vadd.s32 v38, v18;
	v32 =	vmin.u32 v32, $0x17F;
	v13 =	vmul.f32 v0, v58  }
0x54: {  	v36 =	vnsel vm6, $0x0, v36;
	v10 =	vmul.f32 v2, v57;
	v15 =	vmul.f32 v2, v16  }
0x55: {  	v2 =	vsel vm0, $0x3F800000, v39;
	vm0 =	vmand vm12, vm13;
	v36 =	vmin.u32 v36, $0x17F  }
0x56: {  	v32 =	vmul.u32 $0x180, v32;
	vm13 =	vgt.s32 v48, $0x0;
	v20 =	vadd.s32 v38, v14  }
0x57: {  	vm0 =	vmand vm0, vm14;
	v44 =	vmul.u32 $0x180, v36;
	v60 =	vnsel vm13, $0x0, v48  }
0x58: {  	vm14 =	vgt.s32 v59, $0x0;
	v14 =	vmul.f32 v13, v57;
	v25 =	vadd.s32 v17, v20  }
0x59: {  	v13 =	vmul.f32 v13, v16;
	v20 =	vadd.s32 v3, v20;
	v3 =	vsub.f32 v19, v62  }
0x5a: {  	v19 =	vmin.u32 v37, $0x17F;
	vm0 =	vmand vm15, vm0;
	v47 =	vadd.s32 v38, v32  }
0x5b: {  	v57 =	vsub.f32 $1.000000000e+00, v55;
	v61 =	vmin.u32 v60, $0x17F;
	v62 =	vnsel vm14, $0x0, v59  }
0x5c: {  	[tilespmem:$0x500] =	vst v1;
	v30 =	vadd.s32 v19, v23;
	v23 =	vadd.s32 v22, v23;
	v19 =	vadd.s32 v19, v18  }
0x5d: {  	[tilespmem:$0x100] =	vst v12;
	v37 =	vld [tilespmem:$0x40];
	v18 =	vadd.s32 v22, v18;
	v22 =	vsub.f32 v27, v40;
	v49 =	vadd.s32 v38, v44  }
0x5e: {  	v32 =	vmin.u32 v62, $0x17F;
	v35 =	vsub.f32 $1.000000000e+00, v3;
	v3 =	vmul.f32 v2, v3;
	[tilespmem:$0x310] =	vst v14  }
0x5f: {  	[tilespmem:$0x390] =	vst v13;
	v14 =	vmul.u32 $0x180, v61;
	v13 =	vmul.u32 $0x180, v32;
	v42 =	vsub.f32 $1.000000000e+00, v22  }
0x60: {  	[tilespmem:$0x180] =	vst v11;
	v29 =	vmul.f32 v2, v35;
	v17 =	vmul.f32 v3, v63;
	v35 =	vnsel vm4, $0x0, v31  }
0x61: {  	[tilespmem:$0x110] =	vst v21;
	v31 =	vadd.s32 $0x1, v31;
	v14 =	vadd.s32 v38, v14;
	v36 =	vadd.s32 v38, v13  }
0x62: {  	[tilespmem:$0x300] =	vst v53;
	v35 =	vmin.u32 v35, $0x17F;
	vm7 =	vgt.s32 v31, $0x0;
	v53 =	vtrunc.f32 v37  }
0x63: {  	[tilespmem:$0x200] =	vst v9;
	vm10 =	vge.f32 v37, $0.0e+00;
	vm11 =	vle.f32 v37, $3.830000000e+02;
	v16 =	vmul.f32 v29, v63  }
0x64: {  	[tilespmem:$0x280] =	vst v7;
	v29 =	vmul.f32 v29, v26;
	v26 =	vmul.f32 v3, v26;
	v3 =	vsel vm0, $0x3F800000, v39  }
0x65: {  	[tilespmem:$0x510] =	vst v0;
	v43 =	vnsel vm7, $0x0, v31;
	v50 =	vadd.s32 v35, v47;
	v7 =	vadd.s32 v35, v49  }
0x66: {  	[tilespmem:$0x380] =	vst v54;
	v54 =	vcvt.f32.s32 v53;
	vm0 =	vmand vm10, vm8;
	v46 =	vmin.u32 v43, $0x17F  }
0x67: {  	[tilespmem:$0x400] =	vst v8;
	v33 =	vmul.f32 v3, v33;
	v52 =	vmul.f32 v3, v41;
	vm0 =	vmand vm0, vm11  }
0x68: {  	[tilespmem:$0x480] =	vst v6;
	v12 =	vadd.s32 v46, v47;
	v5 =	vadd.s32 v46, v49;
	v56 =	vcvt.s32.f32 v54  }
0x69: {  	[tilespmem:$0x190] =	vst v24;
	v63 =	vld [tilespmem:$0xD0];
	vm0 =	vmand vm9, vm0;
	vm12 =	vgt.s32 v54, $0x0;
	v8 =	vmul.f32 v33, v42  }
0x6a: {  	[tilespmem:$0x520] =	vst v2;
	v4 =	vadd.s32 $0x1, v54;
	v27 =	vmul.f32 v33, v22;
	v28 =	vmul.f32 v52, v42  }
0x6b: {  	[tilespmem:$0x410] =	vst v10;
	v9 =	vmul.f32 v52, v22;
	v1 =	vsel vm0, $0x3F800000, v39;
	vm15 =	vgt.s32 v4, $0x0  }
0x6c: {  	[tilespmem:$0x120] =	vst v30;
	v30 =	vld [tilespmem:$0x70];
	v58 =	vnsel vm12, $0x0, v54;
	v6 =	vsub.f32 v37, v56;
	v4 =	vnsel vm15, $0x0, v4  }
0x6d: {  	[tilespmem:$0x490] =	vst v15;
	v49 =	vld [tilespmem:$0x60];
	v21 =	vmul.f32 v1, v57;
	v35 =	vmin.u32 v58, $0x17F;
	v11 =	vmul.f32 v1, v55  }
0x6e: {  	[tilespmem:$0x210] =	vst v25;
	v33 =	vld [tilespmem:$0x50];
	v4 =	vmin.u32 v4, $0x17F;
	v22 =	vadd.s32 v35, v14;
	v40 =	vtrunc.f32 v63  }
0x6f: {  	[tilespmem:$0x290] =	vst v20;
	v15 =	vadd.s32 v35, v36;
	vm5 =	vge.f32 v63, $0.0e+00;
	vm7 =	vle.f32 v63, $3.830000000e+02  }
0x70: {  	[tilespmem:$0x1A0] =	vst v23;
	v34 =	vsub.f32 $1.000000000e+00, v6;
	v14 =	vadd.s32 v4, v14;
	v25 =	vcvt.f32.s32 v40  }
0x71: {  	[tilespmem:$0x220] =	vst v19;
	v54 =	vld [tilespmem:$0xE0];
	v0 =	vadd.s32 v4, v36;
	v43 =	vmul.f32 v11, v6;
	v40 =	vtrunc.f32 v30  }
0x72: {  	[tilespmem:$0x2A0] =	vst v18;
	v57 =	vtrunc.f32 v49;
	vm12 =	vge.f32 v49, $0.0e+00;
	v37 =	vmul.f32 v21, v34  }
0x73: {  	[tilespmem:$0x420] =	vst v17;
	vm14 =	vle.f32 v49, $3.830000000e+02;
	v21 =	vmul.f32 v21, v6;
	v41 =	vtrunc.f32 v33  }
0x74: {  	[tilespmem:$0x130] =	vst v50;
	v10 =	vmul.f32 v11, v34;
	v44 =	vcvt.s32.f32 v25;
	vm4 =	vge.f32 v33, $0.0e+00  }
0x75: {  	[tilespmem:$0x230] =	vst v7;
	vm6 =	vle.f32 v33, $3.830000000e+02;
	vm9 =	vgt.s32 v25, $0x0;
	v48 =	vadd.s32 $0x1, v25  }
0x76: {  	[tilespmem:$0x530] =	vst v3;
	v59 =	vtrunc.f32 v54;
	vm13 =	vge.f32 v54, $0.0e+00;
	vm15 =	vle.f32 v54, $3.830000000e+02  }
0x77: {  	[tilespmem:$0x320] =	vst v16;
	v42 =	vcvt.f32.s32 v41;
	vm0 =	vmand vm4, vm5;
	v50 =	vnsel vm9, $0x0, v25  }
0x78: {  	[tilespmem:$0x4B0] =	vst v9;
	vm10 =	vgt.s32 v48, $0x0;
	v9 =	vcvt.f32.s32 v59;
	v6 =	vsub.f32 v63, v44  }
0x79: {  	[tilespmem:$0x3A0] =	vst v29;
	vm0 =	vmand vm0, vm6;
	v51 =	vnsel vm10, $0x0, v48;
	v52 =	vmin.u32 v50, $0x17F  }
0x7a: {  	[tilespmem:$0x4A0] =	vst v26;
	vm10 =	vle.f32 v30, $3.830000000e+02;
	v45 =	vcvt.s32.f32 v42;
	vm0 =	vmand vm7, vm0  }
0x7b: {  	[tilespmem:$0x1B0] =	vst v12;
	vm8 =	vgt.s32 v42, $0x0;
	v19 =	vadd.s32 $0x1, v42;
	v12 =	vmin.u32 v51, $0x17F  }
0x7c: {  	[tilespmem:$0x2B0] =	vst v5;
	v17 =	vmul.u32 $0x180, v52;
	v62 =	vcvt.s32.f32 v9;
	vm5 =	vgt.s32 v9, $0x0  }
0x7d: {  	[tilespmem:$0x430] =	vst v28;
	v28 =	vadd.s32 $0x1, v9;
	v46 =	vsub.f32 $1.000000000e+00, v6;
	v47 =	vnsel vm8, $0x0, v42  }
0x7e: {  	[tilespmem:$0x540] =	vst v1;
	vm11 =	vgt.s32 v19, $0x0;
	v55 =	vsel vm0, $0x3F800000, v39;
	v12 =	vmul.u32 $0x180, v12  }
0x7f: {  	[tilespmem:$0x330] =	vst v8;
	vm0 =	vmand vm12, vm13;
	v9 =	vnsel vm5, $0x0, v9;
	vm6 =	vgt.s32 v28, $0x0  }
0x80: {  	[tilespmem:$0x3B0] =	vst v27;
	vm8 =	vge.f32 v30, $0.0e+00;
	v11 =	vsub.f32 v33, v45;
	v53 =	vnsel vm11, $0x0, v19  }
0x81: {  	[tilespmem:$0x140] =	vst v22;
	v2 =	vmin.u32 v47, $0x17F;
	v56 =	vadd.s32 v38, v17;
	v17 =	vcvt.f32.s32 v57  }
0x82: {  	[tilespmem:$0x240] =	vst v15;
	v6 =	vmul.f32 v55, v6;
	vm0 =	vmand vm0, vm14;
	v23 =	vsub.f32 v54, v62  }
0x83: {  	[tilespmem:$0x1C0] =	vst v14;
	v9 =	vmin.u32 v9, $0x17F;
	v32 =	vnsel vm6, $0x0, v28;
	v7 =	vmin.u32 v53, $0x17F  }
0x84: {  	[tilespmem:$0x2C0] =	vst v0;
	v12 =	vadd.s32 v38, v12;
	v58 =	vadd.s32 v2, v56;
	v16 =	vmul.f32 v55, v46  }
0x85: {  	[tilespmem:$0x4C0] =	vst v43;
	vm0 =	vmand vm15, vm0;
	v9 =	vmul.u32 $0x180, v9;
	v8 =	vadd.s32 v7, v56  }
0x86: {  	[tilespmem:$0x340] =	vst v37;
	v2 =	vadd.s32 v2, v12;
	v7 =	vadd.s32 v7, v12;
	v60 =	vcvt.s32.f32 v17  }
0x87: {  	[tilespmem:$0x3C0] =	vst v21;
	v61 =	vsub.f32 $1.000000000e+00, v11;
	v25 =	vsub.f32 $1.000000000e+00, v23;
	vm4 =	vgt.s32 v17, $0x0  }
0x88: {  	[tilespmem:$0x440] =	vst v10;
	v26 =	vsel vm0, $0x3F800000, v39;
	v31 =	vadd.s32 $0x1, v17;
	v27 =	vnsel vm4, $0x0, v17  }
0x89: {  	v33 =	vld [tilespmem:$0xF0];
	[tilespmem:$0x550] =	vst v55;
	vm7 =	vgt.s32 v31, $0x0;
	v17 =	vmin.u32 v32, $0x17F;
	v3 =	vmul.f32 v26, v23  }
0x8a: {  	[tilespmem:$0x150] =	vst v58;
	v35 =	vadd.s32 v38, v9;
	v9 =	vcvt.f32.s32 v40;
	v63 =	vmul.f32 v16, v61  }
0x8b: {  	[tilespmem:$0x1D0] =	vst v8;
	v12 =	vsub.f32 v49, v60;
	v16 =	vmul.f32 v16, v11;
	v22 =	vmul.f32 v6, v61  }
0x8c: {  	[tilespmem:$0x250] =	vst v2;
	v6 =	vmul.f32 v6, v11;
	v29 =	vmin.u32 v27, $0x17F;
	v1 =	vnsel vm7, $0x0, v31  }
0x8d: {  	[tilespmem:$0x2D0] =	vst v7;
	v34 =	vmul.u32 $0x180, v17;
	v13 =	vmul.f32 v26, v25;
	v1 =	vmin.u32 v1, $0x17F  }
0x8e: {  	[tilespmem:$0x560] =	vst v26;
	v41 =	vadd.s32 v29, v35;
	v42 =	vtrunc.f32 v33;
	v46 =	vcvt.s32.f32 v9  }
0x8f: {  	vm9 =	vge.f32 v33, $0.0e+00;
	vm11 =	vle.f32 v33, $3.830000000e+02;
	vm12 =	vgt.s32 v9, $0x0;
	[tilespmem:$0x350] =	vst v63  }
0x90: {  	v53 =	vadd.s32 $0x1, v9;
	v24 =	vsub.f32 $1.000000000e+00, v12;
	v36 =	vadd.s32 v38, v34;
	[tilespmem:$0x3D0] =	vst v16  }
0x91: {  	v2 =	vadd.s32 v1, v35;
	v43 =	vcvt.f32.s32 v42;
	[tilespmem:$0x450] =	vst v22;
	vm0 =	vmand vm8, vm9  }
0x92: {  	[tilespmem:$0x4D0] =	vst v6;
	v50 =	vnsel vm12, $0x0, v9;
	vm15 =	vgt.s32 v53, $0x0;
	v44 =	vadd.s32 v29, v36  }
0x93: {  	[tilespmem:$0x160] =	vst v41;
	v1 =	vadd.s32 v1, v36;
	v48 =	vsub.f32 v30, v46;
	vm0 =	vmand vm0, vm10  }
0x94: {  	[tilespmem:$0x1E0] =	vst v2;
	v54 =	vnsel vm15, $0x0, v53;
	v0 =	vmin.u32 v50, $0x17F;
	v37 =	vmul.f32 v13, v24  }
0x95: {  	v13 =	vmul.f32 v13, v12;
	v45 =	vmul.f32 v3, v24;
	[tilespmem:$0x260] =	vst v44;
	vm13 =	vgt.s32 v43, $0x0  }
0x96: {  	v3 =	vmul.f32 v3, v12;
	[tilespmem:$0x2E0] =	vst v1;
	v52 =	vadd.s32 $0x1, v43;
	v51 =	vnsel vm13, $0x0, v43  }
0x97: {  	v47 =	vcvt.s32.f32 v43;
	vm14 =	vgt.s32 v52, $0x0;
	[tilespmem:$0x360] =	vst v37;
	v1 =	vmin.u32 v51, $0x17F  }
0x98: {  	vm0 =	vmand vm11, vm0;
	[tilespmem:$0x3E0] =	vst v13;
	v7 =	vnsel vm14, $0x0, v52;
	v1 =	vmul.u32 $0x180, v1  }
0x99: {  	v4 =	vmin.u32 v54, $0x17F;
	v6 =	vsub.f32 v33, v47;
	[tilespmem:$0x460] =	vst v45;
	v7 =	vmin.u32 v7, $0x17F  }
0x9a: {  	v57 =	vsel vm0, $0x3F800000, v39;
	[tilespmem:$0x4E0] =	vst v3;
	v56 =	vmul.u32 $0x180, v7;
	v1 =	vadd.s32 v38, v1  }
0x9b: {  	v49 =	vsub.f32 $1.000000000e+00, v48;
	[tilespmem:$0x570] =	vst v57;
	v55 =	vsub.f32 $1.000000000e+00, v6;
	v58 =	vadd.s32 v0, v1  }
0x9c: {  	v60 =	vmul.f32 v57, v6;
	v3 =	vadd.s32 v38, v56;
	v1 =	vadd.s32 v4, v1;
	[tilespmem:$0x170] =	vst v58  }
0x9d: {  	[tilespmem:$0x1F0] =	vst v1;
	v0 =	vadd.s32 v0, v3  }
0x9e: {  	v8 =	vmul.f32 v57, v55;
	v2 =	vmul.f32 v60, v49;
	v59 =	vadd.s32 v4, v3;
	[tilespmem:$0x270] =	vst v0  }
0x9f: {  	v63 =	vmul.f32 v60, v48;
	[tilespmem:$0x2F0] =	vst v59  }
0xa0: {  	v61 =	vmul.f32 v8, v49;
	[tilespmem:$0x470] =	vst v2  }
0xa1: {  	v62 =	vmul.f32 v8, v48;
	[tilespmem:$0x4F0] =	vst v63  }
0xa2: {  	[tilespmem:$0x370] =	vst v61  }
0xa3: {  	[tilespmem:$0x3F0] =	vst v62  }
0xa4: {  	[tilespmem:s13], [sflag:$0x1] =	stream.indirect.gather [hbm4b:s5+s11], $0x60, s12, s11, $0xb8;
	[tilespmem:$0xF580] =	vst v63  }
0xa5: {  	_ = 	snop  }
0xa6: {  	[tilespmem:s15], [sflag:$0x1] =	stream.indirect.gather [hbm4b:s5+s11], $0x60, s14, s11, $0xb8;
	[tilespmem:$0xF580] =	vst v63  }
0xa7: {  	_ = 	snop  }
0xa8: {  	[tilespmem:s17], [sflag:$0x1] =	stream.indirect.gather [hbm4b:s5+s11], $0x60, s16, s11, $0xb8;
	[tilespmem:$0xF580] =	vst v63  }
0xa9: {  	_ = 	snop  }
0xaa: {  	[tilespmem:s19], [sflag:$0x1] =	stream.indirect.gather [hbm4b:s5+s11], $0x60, s18, s11, $0xb8;
	[tilespmem:$0xF580] =	vst v63  }
0xab: {  	_ =	swait.ge [sflag:s20], $0x3000  }
0xac: {  	[sflag:s20] =	ssyncset.done $0x0  }
0xad: {  	[sflag:s20] =	ssyncadd.s32 $0xFFFFD000  }
0xae: {  	_ =	swait.ge [sflag:s20], $0x3000  }
0xaf: {  	[sflag:s20] =	ssyncset.done $0x0  }
0xb0: {  	[sflag:s20] =	ssyncadd.s32 $0xFFFFD000  }
0xb1: {  	_ =	swait.ge [sflag:s20], $0x3000  }
0xb2: {  	[sflag:s20] =	ssyncset.done $0x0  }
0xb3: {  	[sflag:s20] =	ssyncadd.s32 $0xFFFFD000  }
0xb4: {  	_ =	swait.ge [sflag:s20], $0x3000  }
0xb5: {  	[sflag:s20] =	ssyncset.done $0x0  }
0xb6: {  	[sflag:s20] =	ssyncadd.s32 $0xFFFFD000  }
.LBB2_3:
0xb7: {  	s29 =	smul.u32 $0x600, s28;
	_ =	sdelay $0x1  }
0xb8: {  	v62 =	vld [tilespmem:s29+$0x6660];
	_ =	sdelay $0x4  }
0xb9: {  	[tilespmem:$0x1F2B0] =	vst v62;
	v62 =	vld [tilespmem:s29+$0x9660];
	_ =	sdelay $0x4  }
0xba: {  	[tilespmem:$0x1F2E0] =	vst v62;
	v62 =	vld [tilespmem:s29+$0x670];
	_ =	sdelay $0x4  }
0xbb: {  	[tilespmem:$0x1F280] =	vst v62;
	v62 =	vld [tilespmem:s29+$0x3670];
	_ =	sdelay $0x4  }
0xbc: {  	[tilespmem:$0x1F290] =	vst v62;
	v62 =	vld [tilespmem:s29+$0x6670];
	_ =	sdelay $0x4  }
0xbd: {  	[tilespmem:$0x1F2D0] =	vst v62;
	v62 =	vld [tilespmem:s29+$0x9670];
	_ =	sdelay $0x4  }
0xbe: {  	[tilespmem:$0x1F2F0] =	vst v62;
	v62 =	vld [tilespmem:s29+$0x680];
	_ =	sdelay $0x4  }
0xbf: {  	[tilespmem:$0x1F300] =	vst v62;
	v62 =	vld [tilespmem:s29+$0x3680];
	_ =	sdelay $0x4  }
0xc0: {  	[tilespmem:$0x1F310] =	vst v62;
	v62 =	vld [tilespmem:s29+$0x6680];
	_ =	sdelay $0x4  }
0xc1: {  	[tilespmem:$0x1F340] =	vst v62;
	v62 =	vld [tilespmem:s29+$0x9680];
	_ =	sdelay $0x4  }
0xc2: {  	[tilespmem:$0x1F360] =	vst v62;
	v62 =	vld [tilespmem:s29+$0x690];
	_ =	sdelay $0x4  }
0xc3: {  	[tilespmem:$0x1F320] =	vst v62;
	v62 =	vld [tilespmem:s29+$0x3690];
	_ =	sdelay $0x4  }
0xc4: {  	[tilespmem:$0x1F330] =	vst v62;
	v62 =	vld [tilespmem:s29+$0x6690];
	_ =	sdelay $0x4  }
0xc5: {  	[tilespmem:$0x1F350] =	vst v62;
	v62 =	vld [tilespmem:s29+$0x9690];
	_ =	sdelay $0x4  }
0xc6: {  	[tilespmem:$0x1F370] =	vst v62;
	v62 =	vld [tilespmem:s29+$0x6A0];
	_ =	sdelay $0x4  }
0xc7: {  	[tilespmem:$0x1F380] =	vst v62;
	v62 =	vld [tilespmem:s29+$0x36A0];
	_ =	sdelay $0x4  }
0xc8: {  	[tilespmem:$0x1F390] =	vst v62;
	v62 =	vld [tilespmem:s29+$0x66A0];
	_ =	sdelay $0x4  }
0xc9: {  	[tilespmem:$0x1F3C0] =	vst v62;
	v62 =	vld [tilespmem:s29+$0x96A0];
	_ =	sdelay $0x4  }
0xca: {  	[tilespmem:$0x1F3D0] =	vst v62;
	v62 =	vld [tilespmem:s29+$0x6B0];
	_ =	sdelay $0x4  }
0xcb: {  	[tilespmem:$0x1F3A0] =	vst v62;
	v62 =	vld [tilespmem:s29+$0x36B0];
	_ =	sdelay $0x4  }
0xcc: {  	[tilespmem:$0x1F3B0] =	vst v62;
	v62 =	vld [tilespmem:s29+$0x66B0];
	_ =	sdelay $0x4  }
0xcd: {  	[tilespmem:$0x1F3E0] =	vst v62;
	v62 =	vld [tilespmem:s29+$0x96B0];
	_ =	sdelay $0x4  }
0xce: {  	[tilespmem:$0x1F3F0] =	vst v62;
	v62 =	vld [tilespmem:s29+$0x6C0];
	_ =	sdelay $0x4  }
0xcf: {  	[tilespmem:$0x1F400] =	vst v62;
	v62 =	vld [tilespmem:s29+$0x36C0];
	_ =	sdelay $0x4  }
0xd0: {  	[tilespmem:$0x1F410] =	vst v62;
	v62 =	vld [tilespmem:s29+$0x66C0];
	_ =	sdelay $0x4  }
0xd1: {  	[tilespmem:$0x1F440] =	vst v62;
	v62 =	vld [tilespmem:s29+$0x96C0];
	_ =	sdelay $0x4  }
0xd2: {  	[tilespmem:$0x1F460] =	vst v62;
	v62 =	vld [tilespmem:s29+$0x6D0];
	_ =	sdelay $0x4  }
0xd3: {  	[tilespmem:$0x1F420] =	vst v62;
	v62 =	vld [tilespmem:s29+$0x36D0];
	_ =	sdelay $0x4  }
0xd4: {  	[tilespmem:$0x1F430] =	vst v62;
	v62 =	vld [tilespmem:s29+$0x66D0];
	_ =	sdelay $0x4  }
0xd5: {  	[tilespmem:$0x1F450] =	vst v62;
	v62 =	vld [tilespmem:s29+$0x96D0];
	_ =	sdelay $0x4  }
0xd6: {  	[tilespmem:$0x1F490] =	vst v62;
	v62 =	vld [tilespmem:s29+$0x6E0];
	_ =	sdelay $0x4  }
0xd7: {  	[tilespmem:$0x1F470] =	vst v62;
	v62 =	vld [tilespmem:s29+$0x36E0];
	_ =	sdelay $0x4  }
0xd8: {  	[tilespmem:$0x1F4A0] =	vst v62;
	v62 =	vld [tilespmem:s29+$0x66E0];
	_ =	sdelay $0x4  }
0xd9: {  	[tilespmem:$0x1F4C0] =	vst v62;
	v62 =	vld [tilespmem:s29+$0x96E0];
	_ =	sdelay $0x4  }
0xda: {  	[tilespmem:$0x1F4E0] =	vst v62;
	v62 =	vld [tilespmem:s29+$0x6F0];
	_ =	sdelay $0x4  }
0xdb: {  	[tilespmem:$0x1F480] =	vst v62;
	v62 =	vld [tilespmem:s29+$0x36F0];
	_ =	sdelay $0x4  }
0xdc: {  	[tilespmem:$0x1F4B0] =	vst v62;
	v62 =	vld [tilespmem:s29+$0x66F0];
	_ =	sdelay $0x4  }
0xdd: {  	[tilespmem:$0x1F4D0] =	vst v62;
	v62 =	vld [tilespmem:s29+$0x96F0];
	_ =	sdelay $0x4  }
0xde: {  	[tilespmem:$0x1F4F0] =	vst v62;
	v62 =	vld [tilespmem:s29+$0x700];
	_ =	sdelay $0x4  }
0xdf: {  	[tilespmem:$0x1F500] =	vst v62;
	v62 =	vld [tilespmem:s29+$0x3700];
	_ =	sdelay $0x4  }
0xe0: {  	[tilespmem:$0x1F510] =	vst v62;
	v62 =	vld [tilespmem:s29+$0x6700];
	_ =	sdelay $0x4  }
0xe1: {  	[tilespmem:$0x1F540] =	vst v62;
	v62 =	vld [tilespmem:s29+$0x9700];
	_ =	sdelay $0x4  }
0xe2: {  	[tilespmem:$0x1F550] =	vst v62;
	v62 =	vld [tilespmem:s29+$0x710];
	_ =	sdelay $0x4  }
0xe3: {  	[tilespmem:$0x1F520] =	vst v62;
	v62 =	vld [tilespmem:s29+$0x3710];
	_ =	sdelay $0x4  }
0xe4: {  	[tilespmem:$0x1F530] =	vst v62;
	v62 =	vld [tilespmem:s29+$0x6710];
	_ =	sdelay $0x4  }
0xe5: {  	[tilespmem:$0x1F560] =	vst v62;
	v62 =	vld [tilespmem:s29+$0x9710];
	_ =	sdelay $0x4  }
0xe6: {  	[tilespmem:$0x1F5B0] =	vst v62;
	v62 =	vld [tilespmem:s29+$0x720];
	_ =	sdelay $0x4  }
0xe7: {  	[tilespmem:$0x1F570] =	vst v62;
	v62 =	vld [tilespmem:s29+$0x3720];
	_ =	sdelay $0x4  }
0xe8: {  	[tilespmem:$0x1F580] =	vst v62;
	v62 =	vld [tilespmem:s29+$0x6720];
	_ =	sdelay $0x4  }
0xe9: {  	[tilespmem:$0x1F5C0] =	vst v62;
	v62 =	vld [tilespmem:s29+$0x9720];
	_ =	sdelay $0x4  }
0xea: {  	[tilespmem:$0x1F5E0] =	vst v62;
	v62 =	vld [tilespmem:s29+$0x730];
	_ =	sdelay $0x4  }
0xeb: {  	[tilespmem:$0x1F590] =	vst v62;
	v62 =	vld [tilespmem:s29+$0x3730];
	_ =	sdelay $0x4  }
0xec: {  	[tilespmem:$0x1F5A0] =	vst v62;
	v62 =	vld [tilespmem:s29+$0x6730];
	_ =	sdelay $0x4  }
0xed: {  	[tilespmem:$0x1F5D0] =	vst v62;
	v62 =	vld [tilespmem:s29+$0x9730];
	_ =	sdelay $0x4  }
0xee: {  	[tilespmem:$0x1F5F0] =	vst v62;
	v62 =	vld [tilespmem:s29+$0x740];
	_ =	sdelay $0x4  }
0xef: {  	[tilespmem:$0x1F600] =	vst v62;
	v62 =	vld [tilespmem:s29+$0x3740];
	_ =	sdelay $0x4  }
0xf0: {  	[tilespmem:$0x1F620] =	vst v62;
	v62 =	vld [tilespmem:s29+$0x6740];
	_ =	sdelay $0x4  }
0xf1: {  	[tilespmem:$0x1F640] =	vst v62;
	v62 =	vld [tilespmem:s29+$0x9740];
	_ =	sdelay $0x4  }
0xf2: {  	[tilespmem:$0x1F660] =	vst v62;
	v62 =	vld [tilespmem:s29+$0x750];
	_ =	sdelay $0x4  }
0xf3: {  	[tilespmem:$0x1F610] =	vst v62;
	v62 =	vld [tilespmem:s29+$0x3750];
	_ =	sdelay $0x4  }
0xf4: {  	[tilespmem:$0x1F630] =	vst v62;
	v62 =	vld [tilespmem:s29+$0x6750];
	_ =	sdelay $0x4  }
0xf5: {  	[tilespmem:$0x1F650] =	vst v62;
	v62 =	vld [tilespmem:s29+$0x9750];
	_ =	sdelay $0x4  }
0xf6: {  	[tilespmem:$0x1F670] =	vst v62;
	v62 =	vld [tilespmem:s29+$0x760];
	_ =	sdelay $0x4  }
0xf7: {  	[tilespmem:$0x1F680] =	vst v62;
	v62 =	vld [tilespmem:s29+$0x3760];
	_ =	sdelay $0x4  }
0xf8: {  	[tilespmem:$0x1F690] =	vst v62;
	v62 =	vld [tilespmem:s29+$0x6760];
	_ =	sdelay $0x4  }
0xf9: {  	[tilespmem:$0x1F6C0] =	vst v62;
	v62 =	vld [tilespmem:s29+$0x9760];
	_ =	sdelay $0x4  }
0xfa: {  	[tilespmem:$0x1F720] =	vst v62;
	v62 =	vld [tilespmem:s29+$0x770];
	_ =	sdelay $0x4  }
0xfb: {  	[tilespmem:$0x1F6A0] =	vst v62;
	v62 =	vld [tilespmem:s29+$0x3770];
	_ =	sdelay $0x4  }
0xfc: {  	[tilespmem:$0x1F6B0] =	vst v62;
	v62 =	vld [tilespmem:s29+$0x6770];
	_ =	sdelay $0x4  }
0xfd: {  	[tilespmem:$0x1F6D0] =	vst v62;
	v62 =	vld [tilespmem:s29+$0x9770];
	_ =	sdelay $0x4  }
0xfe: {  	[tilespmem:$0x1F740] =	vst v62;
	v62 =	vld [tilespmem:s29+$0x780];
	_ =	sdelay $0x4  }
0xff: {  	[tilespmem:$0x1F6E0] =	vst v62;
	v62 =	vld [tilespmem:s29+$0x3780];
	_ =	sdelay $0x4  }
0x100: {  	[tilespmem:$0x1F6F0] =	vst v62;
	v62 =	vld [tilespmem:s29+$0x6780];
	_ =	sdelay $0x1  }
0x101: {  	s30 =	sshll.u32 s28, $0x4  }
0x102: {  	v17 =	vld [tilespmem:s30+$0x300]  }
0x103: {  	v19 =	vld [tilespmem:s30+$0x380]  }
0x104: {  	[tilespmem:$0x1F730] =	vst v62;
	v62 =	vld [tilespmem:s29+$0x9780]  }
0x105: {  	v21 =	vld [tilespmem:s30+$0x400]  }
0x106: {  	v20 =	vld [tilespmem:s30+$0x480]  }
0x107: {  	v6 =	vld [tilespmem:s29+$0x580]  }
0x108: {  	v7 =	vld [tilespmem:s29+$0x3580]  }
0x109: {  	[tilespmem:$0x1F760] =	vst v62;
	v62 =	vld [tilespmem:s29+$0x790]  }
0x10a: {  	v12 =	vld [tilespmem:s29+$0x6580]  }
0x10b: {  	v13 =	vld [tilespmem:s29+$0x9580]  }
0x10c: {  	v10 =	vld [tilespmem:s29+$0x590]  }
0x10d: {  	v11 =	vld [tilespmem:s29+$0x3590]  }
0x10e: {  	[tilespmem:$0x1F700] =	vst v62;
	v62 =	vld [tilespmem:s29+$0x3790]  }
0x10f: {  	v14 =	vld [tilespmem:s29+$0x6590]  }
0x110: {  	v15 =	vld [tilespmem:s29+$0x9590]  }
0x111: {  	v16 =	vld [tilespmem:s29+$0x5A0]  }
0x112: {  	v4 =	vld [tilespmem:s29+$0x35A0]  }
0x113: {  	[tilespmem:$0x1F710] =	vst v62;
	v62 =	vld [tilespmem:s29+$0x6790]  }
0x114: {  	v8 =	vld [tilespmem:s29+$0x65A0]  }
0x115: {  	v25 =	vld [tilespmem:s29+$0x95A0]  }
0x116: {  	v18 =	vld [tilespmem:s29+$0x5B0]  }
0x117: {  	v5 =	vld [tilespmem:s29+$0x35B0]  }
0x118: {  	[tilespmem:$0x1F750] =	vst v62;
	v62 =	vld [tilespmem:s29+$0x9790]  }
0x119: {  	v9 =	vld [tilespmem:s29+$0x65B0]  }
0x11a: {  	v26 =	vld [tilespmem:s29+$0x95B0]  }
0x11b: {  	v23 =	vld [tilespmem:s29+$0x5C0]  }
0x11c: {  	v28 =	vld [tilespmem:s29+$0x35C0]  }
0x11d: {  	[tilespmem:$0x1F770] =	vst v62;
	v62 =	vld [tilespmem:s29+$0x7A0]  }
0x11e: {  	v29 =	vld [tilespmem:s29+$0x65C0]  }
0x11f: {  	v34 =	vld [tilespmem:s29+$0x95C0]  }
0x120: {  	v22 =	vld [tilespmem:s29+$0x5D0]  }
0x121: {  	v24 =	vld [tilespmem:s29+$0x35D0]  }
0x122: {  	[tilespmem:$0x1F780] =	vst v62;
	v62 =	vld [tilespmem:s29+$0x37A0]  }
0x123: {  	v27 =	vld [tilespmem:s29+$0x65D0]  }
0x124: {  	v30 =	vld [tilespmem:s29+$0x95D0]  }
0x125: {  	v31 =	vld [tilespmem:s29+$0x5E0]  }
0x126: {  	v32 =	vld [tilespmem:s29+$0x35E0]  }
0x127: {  	[tilespmem:$0x1F790] =	vst v62;
	v62 =	vld [tilespmem:s29+$0x67A0]  }
0x128: {  	v36 =	vld [tilespmem:s29+$0x65E0]  }
0x129: {  	v42 =	vld [tilespmem:s29+$0x95E0]  }
0x12a: {  	v33 =	vld [tilespmem:s29+$0x5F0]  }
0x12b: {  	v35 =	vld [tilespmem:s29+$0x35F0]  }
0x12c: {  	[tilespmem:$0x1F7C0] =	vst v62;
	v62 =	vld [tilespmem:s29+$0x97A0]  }
0x12d: {  	v37 =	vld [tilespmem:s29+$0x65F0]  }
0x12e: {  	v45 =	vld [tilespmem:s29+$0x95F0]  }
0x12f: {  	v40 =	vld [tilespmem:s29+$0x600]  }
0x130: {  	v41 =	vld [tilespmem:s29+$0x3600]  }
0x131: {  	[tilespmem:$0x1F7E0] =	vst v62;
	v62 =	vld [tilespmem:s29+$0x7B0]  }
0x132: {  	v44 =	vld [tilespmem:s29+$0x6600]  }
0x133: {  	v49 =	vld [tilespmem:s29+$0x9600]  }
0x134: {  	v38 =	vld [tilespmem:s29+$0x610]  }
0x135: {  	v39 =	vld [tilespmem:s29+$0x3610]  }
0x136: {  	[tilespmem:$0x1F7A0] =	vst v62;
	v62 =	vld [tilespmem:s29+$0x37B0]  }
0x137: {  	v43 =	vld [tilespmem:s29+$0x6610]  }
0x138: {  	v48 =	vld [tilespmem:s29+$0x9610]  }
0x139: {  	v47 =	vld [tilespmem:s29+$0x620]  }
0x13a: {  	v51 =	vld [tilespmem:s29+$0x3620]  }
0x13b: {  	[tilespmem:$0x1F7B0] =	vst v62;
	v62 =	vld [tilespmem:s29+$0x97B0]  }
0x13c: {  	v53 =	vld [tilespmem:s29+$0x6620]  }
0x13d: {  	v55 =	vld [tilespmem:s29+$0x9620]  }
0x13e: {  	v46 =	vld [tilespmem:s29+$0x630]  }
0x13f: {  	v50 =	vld [tilespmem:s29+$0x3630]  }
0x140: {  	[tilespmem:$0x1F7F0] =	vst v62;
	v62 =	vld [tilespmem:s29+$0x7C0]  }
0x141: {  	v52 =	vld [tilespmem:s29+$0x6630]  }
0x142: {  	v0 =	vld [tilespmem:s29+$0x6640]  }
0x143: {  	v1 =	vld [tilespmem:s29+$0x67B0]  }
0x144: {  	v56 =	vld [tilespmem:s29+$0x9630]  }
0x145: {  	[tilespmem:$0x1F800] =	vst v62;
	v62 =	vld [tilespmem:s29+$0x37C0]  }
0x146: {  	v54 =	vld [tilespmem:s29+$0x640]  }
0x147: {  	v57 =	vld [tilespmem:s29+$0x3640];
	v2 =	vbroadcast v19, $0x0;
	[tilespmem:$0x1F270] =	vst v0;
	v0 =	vbroadcast v17, $0x0  }
0x148: {  	v59 =	vld [tilespmem:s29+$0x9640];
	v3 =	vbroadcast v20, $0x0;
	[tilespmem:$0x1F7D0] =	vst v1;
	v1 =	vbroadcast v21, $0x0  }
0x149: {  	v58 =	vld [tilespmem:s29+$0x650];
	v7 =	vmul.f32 v7, v2;
	v6 =	vmul.f32 v6, v0  }
0x14a: {  	v11 =	vmul.f32 v11, v2;
	v10 =	vmul.f32 v10, v0;
	[tilespmem:$0x1F810] =	vst v62;
	v62 =	vld [tilespmem:s29+$0x67C0]  }
0x14b: {  	v60 =	vld [tilespmem:s29+$0x9650];
	v6 =	vadd.f32 v7, v6;
	v7 =	vmul.f32 v12, v1  }
0x14c: {  	v61 =	vld [tilespmem:s29+$0x6650];
	v12 =	vmul.f32 v13, v3;
	v10 =	vadd.f32 v11, v10  }
0x14d: {  	v11 =	vmul.f32 v14, v1;
	v6 =	vadd.f32 v7, v6;
	v7 =	vmul.f32 v16, v0;
	v16 =	vld [tilespmem:s29+$0x37D0]  }
0x14e: {  	v63 =	vld [tilespmem:s29+$0x3660];
	[tilespmem:$0x1F2A0] =	vst v59;
	v13 =	vmul.f32 v15, v3  }
0x14f: {  	v10 =	vadd.f32 v11, v10;
	v11 =	vmul.f32 v18, v0;
	v18 =	vadd.f32 v12, v6;
	[tilespmem:$0x1F840] =	vst v62;
	v62 =	vld [tilespmem:s29+$0x97C0]  }
0x150: {  	v59 =	vld [tilespmem:s29+$0x3650];
	[tilespmem:$0x1F2C0] =	vst v60;
	v15 =	vmul.f32 v5, v2  }
0x151: {  	v14 =	vadd.f32 v13, v10;
	[tilespmem:$0x1FB80] =	vst v18;
	v18 =	vld [tilespmem:s29+$0x7E0]  }
0x152: {  	v60 =	vld [tilespmem:s29+$0x660];
	v10 =	vadd.f32 v15, v11;
	[tilespmem:$0x1F830] =	vst v16;
	v16 =	vmul.f32 v9, v1  }
0x153: {  	v5 =	vld [tilespmem:s29+$0x67D0];
	[tilespmem:$0x1FB90] =	vst v14  }
0x154: {  	v14 =	vmul.f32 v26, v3;
	v10 =	vadd.f32 v16, v10;
	[tilespmem:$0x1F850] =	vst v62;
	v62 =	vld [tilespmem:s29+$0x7D0]  }
0x155: {  	v12 =	vld [tilespmem:s29+$0x97D0]  }
0x156: {  	v11 =	vbroadcast v19, $0x1;
	v26 =	vld [tilespmem:s29+$0x7F0];
	[tilespmem:$0x1F870] =	vst v18;
	v18 =	vadd.f32 v14, v10  }
0x157: {  	v13 =	vbroadcast v21, $0x1;
	v9 =	vld [tilespmem:s29+$0x67E0];
	v16 =	vmul.f32 v28, v2  }
0x158: {  	v28 =	vld [tilespmem:s29+$0x6800];
	v10 =	vbroadcast v17, $0x1;
	[tilespmem:$0x1FBB0] =	vst v18;
	v18 =	vmul.f32 v32, v11  }
0x159: {  	v32 =	vld [tilespmem:s29+$0x6820];
	[tilespmem:$0x1F820] =	vst v62;
	v62 =	vmul.f32 v4, v2;
	v2 =	vmul.f32 v24, v2  }
0x15a: {  	v24 =	vld [tilespmem:s29+$0x9800];
	v4 =	vmul.f32 v44, v13;
	v44 =	vmul.f32 v46, v10  }
0x15b: {  	v46 =	vmul.f32 v50, v11;
	v50 =	vld [tilespmem:s29+$0x830];
	v6 =	vadd.f32 v62, v7;
	v62 =	vmul.f32 v8, v1  }
0x15c: {  	v8 =	vld [tilespmem:s29+$0x97E0]  }
0x15d: {  	v25 =	vmul.f32 v25, v3;
	v6 =	vadd.f32 v62, v6;
	v62 =	vmul.f32 v23, v0;
	v23 =	vld [tilespmem:s29+$0x37E0]  }
0x15e: {  	v0 =	vmul.f32 v22, v0;
	v22 =	vmul.f32 v29, v1;
	v29 =	vld [tilespmem:s29+$0x37F0]  }
0x15f: {  	v1 =	vmul.f32 v27, v1;
	v27 =	vld [tilespmem:s29+$0x3800]  }
0x160: {  	v15 =	vadd.f32 v25, v6;
	v6 =	vadd.f32 v16, v62;
	v62 =	vmul.f32 v34, v3;
	v25 =	vld [tilespmem:s29+$0x67F0]  }
0x161: {  	v0 =	vadd.f32 v2, v0;
	v3 =	vmul.f32 v30, v3;
	v16 =	vmul.f32 v31, v10;
	v31 =	vld [tilespmem:s29+$0x800]  }
0x162: {  	v34 =	vmul.f32 v33, v10;
	v30 =	vmul.f32 v41, v11;
	v41 =	vld [tilespmem:s29+$0x6810]  }
0x163: {  	[tilespmem:$0x1FBA0] =	vst v15;
	v6 =	vadd.f32 v22, v6;
	v22 =	vld [tilespmem:s29+$0x97F0];
	v0 =	vadd.f32 v1, v0;
	v15 =	vmul.f32 v36, v13  }
0x164: {  	v14 =	vadd.f32 v18, v16;
	v16 =	vmul.f32 v37, v13;
	v18 =	vmul.f32 v40, v10;
	v36 =	vld [tilespmem:s29+$0x810]  }
0x165: {  	v37 =	vmul.f32 v38, v10;
	v38 =	vmul.f32 v39, v11;
	v39 =	vld [tilespmem:s29+$0x3840];
	v2 =	vadd.f32 v62, v6  }
0x166: {  	v62 =	vmul.f32 v35, v11;
	v6 =	vbroadcast v20, $0x1;
	v0 =	vadd.f32 v3, v0;
	v35 =	vld [tilespmem:s29+$0x3810]  }
0x167: {  	v3 =	vadd.f32 v30, v18;
	v18 =	vadd.f32 v38, v37;
	v30 =	vmul.f32 v43, v13;
	v37 =	vld [tilespmem:s29+$0x9830]  }
0x168: {  	v43 =	vmul.f32 v47, v10;
	v10 =	vbroadcast v17, $0x2;
	v38 =	vld [tilespmem:$0x1F270]  }
0x169: {  	[tilespmem:$0x1FBD0] =	vst v2;
	v1 =	vadd.f32 v62, v34;
	v2 =	vmul.f32 v42, v6;
	v62 =	vmul.f32 v45, v6;
	v34 =	vld [tilespmem:s29+$0x9810]  }
0x16a: {  	v40 =	vmul.f32 v49, v6;
	v42 =	vmul.f32 v48, v6;
	v49 =	vld [tilespmem:s29+$0x3820]  }
0x16b: {  	v45 =	vmul.f32 v51, v11;
	v48 =	vmul.f32 v52, v13;
	v52 =	vld [tilespmem:s29+$0x3830]  }
0x16c: {  	v51 =	vmul.f32 v55, v6;
	v55 =	vmul.f32 v54, v10;
	v54 =	vld [tilespmem:$0x1F2B0]  }
0x16d: {  	v47 =	vmul.f32 v53, v13;
	v53 =	vmul.f32 v56, v6;
	v56 =	vld [tilespmem:s29+$0x3850]  }
0x16e: {  	v6 =	vld [tilespmem:$0x1F2E0]  }
0x16f: {  	[tilespmem:$0x1FBF0] =	vst v0;
	v0 =	vadd.f32 v15, v14;
	v14 =	vld [tilespmem:s29+$0x9850]  }
0x170: {  	v33 =	vadd.f32 v4, v3;
	v4 =	vld [tilespmem:s29+$0x38A0]  }
0x171: {  	[tilespmem:$0x1F880] =	vst v36;
	v36 =	vld [tilespmem:s29+$0x820]  }
0x172: {  	[tilespmem:$0x1F8B0] =	vst v39;
	v39 =	vld [tilespmem:s29+$0x3860]  }
0x173: {  	v3 =	vadd.f32 v45, v43;
	v43 =	vld [tilespmem:s29+$0x6840]  }
0x174: {  	v11 =	vbroadcast v19, $0x2;
	v1 =	vadd.f32 v16, v1;
	v45 =	vld [tilespmem:s29+$0x9840]  }
0x175: {  	[tilespmem:$0x1F860] =	vst v12;
	v12 =	vbroadcast v21, $0x2;
	v16 =	vmul.f32 v58, v10;
	v58 =	vld [tilespmem:$0x1F2C0]  }
0x176: {  	v0 =	vadd.f32 v2, v0;
	v1 =	vadd.f32 v62, v1;
	v62 =	vmul.f32 v57, v11;
	v57 =	vld [tilespmem:s29+$0x840]  }
0x177: {  	v2 =	vadd.f32 v47, v3;
	v47 =	vld [tilespmem:$0x1F280]  }
0x178: {  	[tilespmem:$0x1FC00] =	vst v0;
	v3 =	vmul.f32 v38, v12;
	v38 =	vld [tilespmem:$0x1F310]  }
0x179: {  	[tilespmem:$0x1F8A0] =	vst v52;
	v52 =	vld [tilespmem:$0x1F2A0]  }
0x17a: {  	[tilespmem:$0x1F8D0] =	vst v56;
	v56 =	vld [tilespmem:$0x1F390]  }
0x17b: {  	v0 =	vadd.f32 v30, v18;
	[tilespmem:$0x1F910] =	vst v14;
	v14 =	vld [tilespmem:s29+$0x880]  }
0x17c: {  	[tilespmem:$0x1FC10] =	vst v1;
	v1 =	vadd.f32 v40, v33;
	v33 =	vld [tilespmem:s29+$0x9820]  }
0x17d: {  	v0 =	vadd.f32 v42, v0;
	v42 =	vmul.f32 v60, v10;
	v60 =	vld [tilespmem:$0x1F2D0]  }
0x17e: {  	v30 =	vadd.f32 v62, v55;
	v62 =	vld [tilespmem:s29+$0x6850]  }
0x17f: {  	v55 =	vmul.f32 v54, v12;
	v54 =	vld [tilespmem:$0x1F380]  }
0x180: {  	[tilespmem:$0x1F940] =	vst v39;
	v39 =	vld [tilespmem:$0x1F3E0]  }
0x181: {  	[tilespmem:$0x1F8E0] =	vst v43;
	v43 =	vld [tilespmem:s29+$0x6860]  }
0x182: {  	[tilespmem:$0x1F900] =	vst v45;
	v45 =	vld [tilespmem:$0x1F350]  }
0x183: {  	[tilespmem:$0x1FC40] =	vst v0;
	v0 =	vadd.f32 v46, v44;
	v46 =	vld [tilespmem:s29+$0x6830]  }
0x184: {  	v18 =	vmul.f32 v59, v11;
	[tilespmem:$0x1FC30] =	vst v1;
	v1 =	vadd.f32 v51, v2;
	v51 =	vld [tilespmem:s29+$0x850]  }
0x185: {  	v0 =	vadd.f32 v48, v0;
	v48 =	vld [tilespmem:$0x1F290]  }
0x186: {  	[tilespmem:$0x1FC60] =	vst v1;
	v1 =	vadd.f32 v18, v16;
	v16 =	vld [tilespmem:$0x1F2F0]  }
0x187: {  	v18 =	vld [tilespmem:s29+$0x860]  }
0x188: {  	v40 =	vmul.f32 v61, v12;
	v61 =	vmul.f32 v60, v12;
	v60 =	vld [tilespmem:s29+$0x9870]  }
0x189: {  	v7 =	vbroadcast v20, $0x2;
	[tilespmem:$0x1F8F0] =	vst v62;
	v62 =	vld [tilespmem:$0x1F3B0]  }
0x18a: {  	v1 =	vadd.f32 v40, v1;
	v40 =	vld [tilespmem:$0x1F320]  }
0x18b: {  	v0 =	vadd.f32 v53, v0;
	v53 =	vmul.f32 v52, v7;
	v52 =	vld [tilespmem:$0x1F370]  }
0x18c: {  	v2 =	vmul.f32 v47, v10;
	v47 =	vmul.f32 v45, v12;
	v45 =	vld [tilespmem:$0x1F400]  }
0x18d: {  	v44 =	vmul.f32 v63, v11;
	[tilespmem:$0x1F8C0] =	vst v51;
	v51 =	vld [tilespmem:$0x1F360]  }
0x18e: {  	[tilespmem:$0x1FC80] =	vst v0;
	v0 =	vadd.f32 v3, v30;
	v30 =	vld [tilespmem:$0x1F300]  }
0x18f: {  	v59 =	vmul.f32 v58, v7;
	v3 =	vadd.f32 v44, v42;
	v42 =	vld [tilespmem:$0x1F330]  }
0x190: {  	v44 =	vld [tilespmem:$0x1F340]  }
0x191: {  	v1 =	vadd.f32 v59, v1;
	v59 =	vld [tilespmem:s29+$0x6870]  }
0x192: {  	[tilespmem:$0x1F890] =	vst v50;
	v50 =	vmul.f32 v48, v11;
	v48 =	vld [tilespmem:s29+$0x9860]  }
0x193: {  	[tilespmem:$0x1F920] =	vst v18;
	v18 =	vld [tilespmem:$0x1F3D0]  }
0x194: {  	v0 =	vadd.f32 v53, v0;
	v63 =	vadd.f32 v55, v3;
	v3 =	vmul.f32 v6, v7;
	v53 =	vld [tilespmem:s29+$0x3870]  }
0x195: {  	[tilespmem:$0x1F990] =	vst v60;
	v60 =	vld [tilespmem:$0x1F440]  }
0x196: {  	v2 =	vadd.f32 v50, v2;
	v50 =	vld [tilespmem:s29+$0x870];
	[tilespmem:$0x1FC90] =	vst v0;
	v0 =	vadd.f32 v3, v63  }
0x197: {  	v3 =	vmul.f32 v38, v11;
	v38 =	vld [tilespmem:s29+$0x3880]  }
0x198: {  	v15 =	vadd.f32 v61, v2;
	v2 =	vmul.f32 v16, v7;
	v61 =	vld [tilespmem:$0x1F3A0];
	[tilespmem:$0x1FCC0] =	vst v0  }
0x199: {  	v0 =	vmul.f32 v30, v10;
	[tilespmem:$0x1F980] =	vst v48;
	v48 =	vld [tilespmem:$0x1F410]  }
0x19a: {  	[tilespmem:$0x1FCB0] =	vst v1;
	v1 =	vadd.f32 v2, v15;
	v15 =	vld [tilespmem:$0x1F3C0]  }
0x19b: {  	v2 =	vmul.f32 v42, v11;
	v42 =	vld [tilespmem:$0x1F3F0];
	v0 =	vadd.f32 v3, v0;
	v3 =	vmul.f32 v44, v12  }
0x19c: {  	v44 =	vld [tilespmem:s29+$0x6880];
	[tilespmem:$0x1FCE0] =	vst v1;
	v1 =	vmul.f32 v40, v10  }
0x19d: {  	v10 =	vbroadcast v19, $0x3;
	v0 =	vadd.f32 v3, v0;
	v3 =	vmul.f32 v51, v7;
	v51 =	vld [tilespmem:s29+$0x9880]  }
0x19e: {  	v7 =	vmul.f32 v52, v7;
	v52 =	vld [tilespmem:$0x1F420]  }
0x19f: {  	v1 =	vadd.f32 v2, v1;
	v2 =	vbroadcast v17, $0x3;
	v58 =	vmul.f32 v56, v10;
	v56 =	vld [tilespmem:s29+$0x890]  }
0x1a0: {  	v63 =	vmul.f32 v62, v10;
	v62 =	vld [tilespmem:s29+$0x3890]  }
0x1a1: {  	[tilespmem:$0x1F930] =	vst v50;
	v0 =	vadd.f32 v3, v0;
	v3 =	vbroadcast v20, $0x3;
	v55 =	vmul.f32 v54, v2;
	v54 =	vld [tilespmem:$0x1F430]  }
0x1a2: {  	v50 =	vmul.f32 v48, v10;
	[tilespmem:$0x1F9E0] =	vst v44;
	v44 =	vld [tilespmem:$0x1F490]  }
0x1a3: {  	v1 =	vadd.f32 v47, v1;
	v47 =	vmul.f32 v45, v2;
	v30 =	vmul.f32 v18, v3;
	v18 =	vld [tilespmem:s29+$0x6890]  }
0x1a4: {  	[tilespmem:$0x1F960] =	vst v43;
	v43 =	vmul.f32 v42, v3;
	v42 =	vld [tilespmem:s29+$0x9890]  }
0x1a5: {  	[tilespmem:$0x1F970] =	vst v59;
	v59 =	vadd.f32 v50, v47;
	v47 =	vld [tilespmem:s29+$0x8A0]  }
0x1a6: {  	[tilespmem:$0x1FCF0] =	vst v0;
	v0 =	vbroadcast v21, $0x3;
	v50 =	vld [tilespmem:$0x1F4A0]  }
0x1a7: {  	[tilespmem:$0x1F950] =	vst v53;
	v53 =	vmul.f32 v52, v2;
	v52 =	vld [tilespmem:$0x1F4B0]  }
0x1a8: {  	v1 =	vadd.f32 v7, v1;
	v16 =	vmul.f32 v15, v0;
	v15 =	vld [tilespmem:$0x1F450]  }
0x1a9: {  	v40 =	vmul.f32 v39, v0;
	v39 =	vld [tilespmem:$0x1F470]  }
0x1aa: {  	v6 =	vadd.f32 v58, v55;
	[tilespmem:$0x1FD00] =	vst v1;
	v1 =	vmul.f32 v61, v2;
	v61 =	vmul.f32 v60, v0;
	v60 =	vld [tilespmem:$0x1F4F0]  }
0x1ab: {  	[tilespmem:$0x1F9A0] =	vst v14;
	v55 =	vmul.f32 v54, v10;
	v54 =	vld [tilespmem:$0x1F4D0]  }
0x1ac: {  	[tilespmem:$0x1F9B0] =	vst v38;
	v6 =	vadd.f32 v16, v6;
	v45 =	vmul.f32 v44, v3;
	v44 =	vld [tilespmem:$0x1F530];
	v1 =	vadd.f32 v63, v1  }
0x1ad: {  	[tilespmem:$0x1FA30] =	vst v42;
	v42 =	vld [tilespmem:s29+$0x68B0]  }
0x1ae: {  	[tilespmem:$0x1FA10] =	vst v51;
	v58 =	vadd.f32 v30, v6;
	v30 =	vld [tilespmem:$0x1F460];
	v1 =	vadd.f32 v40, v1  }
0x1af: {  	[tilespmem:$0x1F9C0] =	vst v56;
	v63 =	vadd.f32 v55, v53;
	v53 =	vld [tilespmem:$0x1F4C0]  }
0x1b0: {  	[tilespmem:$0x1F9D0] =	vst v62;
	v55 =	vld [tilespmem:s29+$0x68A0];
	v16 =	vmul.f32 v15, v0;
	v1 =	vadd.f32 v43, v1  }
0x1b1: {  	[tilespmem:$0x1F9F0] =	vst v18;
	v43 =	vld [tilespmem:$0x1F480]  }
0x1b2: {  	v6 =	vadd.f32 v61, v59;
	v59 =	vld [tilespmem:$0x1F4E0];
	[tilespmem:$0x1FD20] =	vst v1;
	v1 =	vadd.f32 v16, v63  }
0x1b3: {  	[tilespmem:$0x1FA00] =	vst v47;
	v47 =	vld [tilespmem:s29+$0x98B0]  }
0x1b4: {  	v51 =	vmul.f32 v50, v10;
	v40 =	vmul.f32 v39, v2;
	[tilespmem:$0x1FD10] =	vst v58;
	v58 =	vld [tilespmem:s29+$0x98A0];
	v1 =	vadd.f32 v45, v1  }
0x1b5: {  	v18 =	vld [tilespmem:s29+$0x38B0];
	v10 =	vmul.f32 v52, v10;
	[tilespmem:$0x1FA40] =	vst v42;
	v38 =	vmul.f32 v30, v3  }
0x1b6: {  	v56 =	vadd.f32 v51, v40;
	v2 =	vmul.f32 v43, v2;
	[tilespmem:$0x1FD40] =	vst v1;
	v1 =	vmul.f32 v53, v0;
	v53 =	vld [tilespmem:s29+$0x8C0]  }
0x1b7: {  	v61 =	vld [tilespmem:$0x1F500];
	v7 =	vmul.f32 v54, v0;
	[tilespmem:$0x1FA20] =	vst v55;
	v48 =	vadd.f32 v38, v6  }
0x1b8: {  	[tilespmem:$0x1FA60] =	vst v47;
	v2 =	vadd.f32 v10, v2;
	v10 =	vmul.f32 v59, v3;
	v59 =	vld [tilespmem:s29+$0x38C0];
	v1 =	vadd.f32 v1, v56  }
0x1b9: {  	v39 =	vld [tilespmem:$0x1F520];
	[tilespmem:$0x1FA50] =	vst v58  }
0x1ba: {  	v51 =	vld [tilespmem:$0x1F540];
	[tilespmem:$0x1FD30] =	vst v48;
	v3 =	vmul.f32 v60, v3;
	v2 =	vadd.f32 v7, v2;
	v43 =	vadd.f32 v10, v1  }
0x1bb: {  	v54 =	vld [tilespmem:$0x1F550];
	[tilespmem:$0x1FA70] =	vst v53  }
0x1bc: {  	v30 =	vld [tilespmem:$0x1F510];
	v48 =	vadd.f32 v3, v2;
	[tilespmem:$0x1FD50] =	vst v43  }
0x1bd: {  	v63 =	vld [tilespmem:s29+$0x8B0];
	[tilespmem:$0x1FA80] =	vst v59  }
0x1be: {  	v6 =	vbroadcast v17, $0x4;
	v56 =	vld [tilespmem:$0x1F560];
	[tilespmem:$0x1FD70] =	vst v48  }
0x1bf: {  	v11 =	vbroadcast v19, $0x4;
	v0 =	vld [tilespmem:$0x1F570]  }
0x1c0: {  	v62 =	vmul.f32 v61, v6;
	v61 =	vld [tilespmem:$0x1F580]  }
0x1c1: {  	v38 =	vmul.f32 v30, v11;
	v15 =	vld [tilespmem:s29+$0x68C0]  }
0x1c2: {  	v45 =	vmul.f32 v44, v11;
	v40 =	vmul.f32 v39, v6;
	v16 =	vld [tilespmem:$0x1F590]  }
0x1c3: {  	v14 =	vbroadcast v21, $0x4;
	v50 =	vadd.f32 v38, v62;
	v38 =	vld [tilespmem:$0x1F5A0]  }
0x1c4: {  	v1 =	vadd.f32 v45, v40;
	v40 =	vld [tilespmem:s29+$0x98C0]  }
0x1c5: {  	v52 =	vmul.f32 v51, v14;
	v10 =	vbroadcast v20, $0x4;
	v42 =	vld [tilespmem:$0x1F5B0]  }
0x1c6: {  	v44 =	vld [tilespmem:$0x1F5C0]  }
0x1c7: {  	v2 =	vadd.f32 v52, v50;
	v55 =	vmul.f32 v54, v10;
	v47 =	vld [tilespmem:s29+$0x8D0]  }
0x1c8: {  	v58 =	vmul.f32 v56, v14;
	v51 =	vld [tilespmem:$0x1F5D0]  }
0x1c9: {  	v48 =	vadd.f32 v55, v2;
	v55 =	vld [tilespmem:$0x1F5E0]  }
0x1ca: {  	v1 =	vadd.f32 v58, v1;
	v58 =	vld [tilespmem:$0x1F5F0]  }
0x1cb: {  	v43 =	vmul.f32 v42, v10;
	v42 =	vld [tilespmem:s29+$0x68D0]  }
0x1cc: {  	v62 =	vmul.f32 v61, v11;
	v61 =	vld [tilespmem:$0x1F600]  }
0x1cd: {  	v30 =	vmul.f32 v16, v6;
	v16 =	vld [tilespmem:s29+$0x98D0]  }
0x1ce: {  	v39 =	vmul.f32 v38, v11;
	v38 =	vld [tilespmem:$0x1F610]  }
0x1cf: {  	[tilespmem:$0x1FAB0] =	vst v40;
	v40 =	vld [tilespmem:$0x1F620]  }
0x1d0: {  	v45 =	vmul.f32 v44, v14;
	v44 =	vld [tilespmem:s29+$0x8E0]  }
0x1d1: {  	v60 =	vmul.f32 v0, v6;
	[tilespmem:$0x1FA90] =	vst v47;
	v47 =	vld [tilespmem:$0x1F630]  }
0x1d2: {  	v52 =	vmul.f32 v51, v14;
	v56 =	vmul.f32 v55, v10;
	v55 =	vld [tilespmem:s29+$0x38E0];
	v50 =	vadd.f32 v39, v30  }
0x1d3: {  	v3 =	vadd.f32 v62, v60;
	v60 =	vld [tilespmem:s29+$0x38D0]  }
0x1d4: {  	v2 =	vadd.f32 v52, v50;
	v50 =	vld [tilespmem:$0x1F640]  }
0x1d5: {  	v52 =	vld [tilespmem:$0x1F650]  }
0x1d6: {  	v62 =	vmul.f32 v61, v6;
	v61 =	vld [tilespmem:$0x1F670]  }
0x1d7: {  	v54 =	vadd.f32 v45, v3;
	[tilespmem:$0x1FAC0] =	vst v16;
	v16 =	vld [tilespmem:$0x1F680]  }
0x1d8: {  	v39 =	vmul.f32 v38, v6;
	v38 =	vld [tilespmem:s29+$0x8F0]  }
0x1d9: {  	v59 =	vmul.f32 v58, v10;
	v30 =	vadd.f32 v56, v54;
	v54 =	vld [tilespmem:s29+$0x68E0]  }
0x1da: {  	[tilespmem:$0x1FD90] =	vst v48;
	v48 =	vmul.f32 v47, v11;
	v56 =	vld [tilespmem:$0x1F660]  }
0x1db: {  	v53 =	vadd.f32 v43, v1;
	v43 =	vmul.f32 v40, v11;
	v45 =	vadd.f32 v59, v2;
	v59 =	vld [tilespmem:s29+$0x98E0]  }
0x1dc: {  	v1 =	vadd.f32 v48, v39;
	v39 =	vld [tilespmem:$0x1F690]  }
0x1dd: {  	v3 =	vadd.f32 v43, v62;
	v43 =	vld [tilespmem:s29+$0x38F0]  }
0x1de: {  	v48 =	vld [tilespmem:$0x1F6B0]  }
0x1df: {  	v11 =	vbroadcast v17, $0x5;
	[tilespmem:$0x1FDC0] =	vst v45;
	v45 =	vld [tilespmem:$0x1F6A0]  }
0x1e0: {  	[tilespmem:$0x1FDA0] =	vst v53;
	v51 =	vmul.f32 v50, v14;
	v53 =	vmul.f32 v52, v14;
	v14 =	vld [tilespmem:$0x1F6D0]  }
0x1e1: {  	v62 =	vmul.f32 v61, v10;
	v61 =	vld [tilespmem:$0x1F6C0]  }
0x1e2: {  	[tilespmem:$0x1FDB0] =	vst v30;
	v30 =	vmul.f32 v16, v11;
	v16 =	vld [tilespmem:$0x1F6E0]  }
0x1e3: {  	[tilespmem:$0x1FAE0] =	vst v38;
	v38 =	vld [tilespmem:$0x1F6F0]  }
0x1e4: {  	v3 =	vadd.f32 v51, v3;
	v51 =	vld [tilespmem:s29+$0x68F0]  }
0x1e5: {  	v58 =	vmul.f32 v56, v10;
	v10 =	vld [tilespmem:s29+$0x98F0]  }
0x1e6: {  	v12 =	vbroadcast v19, $0x5;
	v56 =	vld [tilespmem:s29+$0x900]  }
0x1e7: {  	[tilespmem:$0x1FB00] =	vst v54;
	v54 =	vld [tilespmem:s29+$0x3900]  }
0x1e8: {  	[tilespmem:$0x1FB10] =	vst v59;
	v59 =	vld [tilespmem:s29+$0x9900];
	v40 =	vmul.f32 v39, v12  }
0x1e9: {  	v13 =	vbroadcast v21, $0x5;
	v1 =	vadd.f32 v53, v1;
	v50 =	vmul.f32 v48, v12;
	v48 =	vld [tilespmem:$0x1F720]  }
0x1ea: {  	[tilespmem:$0x1FAD0] =	vst v44;
	v44 =	vadd.f32 v58, v3;
	v53 =	vadd.f32 v40, v30;
	v40 =	vld [tilespmem:$0x1F700]  }
0x1eb: {  	[tilespmem:$0x1FAA0] =	vst v15;
	v47 =	vmul.f32 v45, v11;
	v15 =	vmul.f32 v14, v13;
	v14 =	vld [tilespmem:s29+$0x9910]  }
0x1ec: {  	[tilespmem:$0x1FDD0] =	vst v44;
	v44 =	vld [tilespmem:$0x1F710]  }
0x1ed: {  	v2 =	vadd.f32 v50, v47;
	v47 =	vld [tilespmem:s29+$0x6900]  }
0x1ee: {  	v52 =	vadd.f32 v62, v1;
	v62 =	vmul.f32 v61, v13;
	v61 =	vld [tilespmem:$0x1F740]  }
0x1ef: {  	v30 =	vmul.f32 v16, v11;
	v16 =	vld [tilespmem:$0x1F750]  }
0x1f0: {  	[tilespmem:$0x1FDE0] =	vst v52;
	v52 =	vld [tilespmem:$0x1F780]  }
0x1f1: {  	[tilespmem:$0x1FB30] =	vst v10;
	v10 =	vbroadcast v20, $0x5;
	v1 =	vadd.f32 v62, v53;
	v53 =	vld [tilespmem:$0x1F730]  }
0x1f2: {  	[tilespmem:$0x1FAF0] =	vst v43;
	v43 =	vmul.f32 v40, v11;
	v40 =	vld [tilespmem:$0x1F760]  }
0x1f3: {  	v50 =	vmul.f32 v48, v10;
	v62 =	vmul.f32 v61, v10;
	v61 =	vld [tilespmem:$0x1F790]  }
0x1f4: {  	v39 =	vmul.f32 v38, v12;
	[tilespmem:$0x1FB50] =	vst v59;
	v59 =	vld [tilespmem:s29+$0x6910]  }
0x1f5: {  	v2 =	vadd.f32 v15, v2;
	v48 =	vld [tilespmem:$0x1F770];
	v45 =	vmul.f32 v44, v12;
	v38 =	vadd.f32 v50, v1  }
0x1f6: {  	v6 =	vadd.f32 v39, v30;
	v30 =	vmul.f32 v16, v13;
	v16 =	vld [tilespmem:$0x1F7A0];
	v58 =	vmul.f32 v53, v13  }
0x1f7: {  	v3 =	vadd.f32 v45, v43;
	[tilespmem:$0x1FDF0] =	vst v38;
	v44 =	vadd.f32 v62, v2;
	v38 =	vld [tilespmem:$0x1F7B0];
	v43 =	vmul.f32 v40, v10  }
0x1f8: {  	v39 =	vadd.f32 v58, v6;
	v58 =	vmul.f32 v52, v11;
	v40 =	vld [tilespmem:$0x1F7C0];
	v62 =	vmul.f32 v61, v12  }
0x1f9: {  	[tilespmem:$0x1FE00] =	vst v44;
	v44 =	vld [tilespmem:$0x1F7D0]  }
0x1fa: {  	[tilespmem:$0x1FB60] =	vst v14;
	v1 =	vadd.f32 v62, v58;
	v58 =	vld [tilespmem:$0x1F7E0]  }
0x1fb: {  	v14 =	vld [tilespmem:s29+$0x9920];
	[tilespmem:$0x1FB40] =	vst v47;
	v50 =	vmul.f32 v48, v10;
	v47 =	vadd.f32 v30, v3  }
0x1fc: {  	v30 =	vmul.f32 v16, v11;
	v16 =	vld [tilespmem:$0x1F810]  }
0x1fd: {  	v15 =	vadd.f32 v50, v47;
	v50 =	vld [tilespmem:$0x1F820]  }
0x1fe: {  	[tilespmem:$0x1FB20] =	vst v51;
	v51 =	vadd.f32 v43, v39;
	v43 =	vmul.f32 v40, v13;
	v47 =	vmul.f32 v44, v13;
	v13 =	vld [tilespmem:$0x1F7F0]  }
0x1ff: {  	v39 =	vmul.f32 v38, v12;
	v61 =	vmul.f32 v58, v10;
	v58 =	vld [tilespmem:$0x1F830]  }
0x200: {  	[tilespmem:$0x1FE20] =	vst v15;
	v15 =	vld [tilespmem:$0x1F800]  }
0x201: {  	v53 =	vld [tilespmem:s29+$0x910];
	v3 =	vbroadcast v17, $0x6;
	v11 =	vbroadcast v19, $0x6;
	v2 =	vadd.f32 v39, v30  }
0x202: {  	v45 =	vld [tilespmem:s29+$0x3910];
	v6 =	vbroadcast v20, $0x6;
	v1 =	vadd.f32 v43, v1  }
0x203: {  	v30 =	vmul.f32 v16, v11;
	v16 =	vld [tilespmem:$0x1F840];
	v2 =	vadd.f32 v47, v2;
	v52 =	vmul.f32 v50, v3  }
0x204: {  	v40 =	vld [tilespmem:$0x1F850];
	v10 =	vmul.f32 v13, v10;
	v44 =	vadd.f32 v61, v1;
	v61 =	vmul.f32 v58, v11  }
0x205: {  	v31 =	vmul.f32 v31, v3;
	v50 =	vld [tilespmem:$0x1F860];
	v7 =	vmul.f32 v15, v3  }
0x206: {  	v1 =	vbroadcast v21, $0x6;
	v47 =	vadd.f32 v10, v2;
	v2 =	vadd.f32 v61, v52;
	v52 =	vld [tilespmem:$0x1F870]  }
0x207: {  	v48 =	vld [tilespmem:s29+$0x920];
	v23 =	vmul.f32 v23, v11;
	v12 =	vmul.f32 v27, v11  }
0x208: {  	v62 =	vld [tilespmem:s29+$0x6920];
	v7 =	vadd.f32 v30, v7;
	v30 =	vmul.f32 v16, v1;
	v43 =	vmul.f32 v5, v1  }
0x209: {  	v38 =	vld [tilespmem:s29+$0x930];
	v13 =	vmul.f32 v40, v6;
	v40 =	vmul.f32 v29, v11  }
0x20a: {  	[tilespmem:$0x1FB70] =	vst v14;
	v14 =	vmul.f32 v50, v6;
	v7 =	vadd.f32 v30, v7;
	v2 =	vadd.f32 v43, v2;
	v43 =	vld [tilespmem:s29+$0x6940]  }
0x20b: {  	v27 =	vld [tilespmem:s29+$0x9970];
	v30 =	vmul.f32 v26, v3;
	v5 =	vmul.f32 v52, v3  }
0x20c: {  	[tilespmem:$0x1FE10] =	vst v51;
	v51 =	vld [tilespmem:s29+$0x3920];
	v29 =	vmul.f32 v8, v6;
	v50 =	vadd.f32 v13, v7;
	v15 =	vadd.f32 v14, v2  }
0x20d: {  	v26 =	vmul.f32 v25, v1;
	v14 =	vld [tilespmem:s29+$0x9950];
	v52 =	vadd.f32 v23, v5;
	v23 =	vadd.f32 v40, v30  }
0x20e: {  	v39 =	vld [tilespmem:s29+$0x3930];
	v16 =	vmul.f32 v28, v1;
	v10 =	vbroadcast v17, $0x7;
	[tilespmem:$0x1FE50] =	vst v50  }
0x20f: {  	v50 =	vmul.f32 v22, v6;
	[tilespmem:$0x1FBC0] =	vst v43;
	v5 =	vmul.f32 v9, v1;
	v43 =	vld [tilespmem:$0x1F880];
	v2 =	vadd.f32 v26, v23  }
0x210: {  	v11 =	vmul.f32 v35, v11;
	v23 =	vmul.f32 v36, v10;
	v36 =	vld [tilespmem:s29+$0x9960]  }
0x211: {  	v8 =	vld [tilespmem:$0x1F8D0];
	v28 =	vmul.f32 v57, v10;
	[tilespmem:$0x1FE60] =	vst v15;
	v7 =	vadd.f32 v5, v52;
	v15 =	vadd.f32 v50, v2  }
0x212: {  	v1 =	vmul.f32 v41, v1;
	v41 =	vld [tilespmem:$0x1F890];
	[tilespmem:$0x1FC20] =	vst v14;
	v14 =	vbroadcast v21, $0x7  }
0x213: {  	v22 =	vmul.f32 v24, v6;
	v9 =	vadd.f32 v29, v7;
	v7 =	vadd.f32 v12, v31;
	[tilespmem:$0x1FE80] =	vst v15;
	v15 =	vld [tilespmem:$0x1F8A0]  }
0x214: {  	v12 =	vbroadcast v19, $0x7;
	v25 =	vmul.f32 v46, v14;
	v46 =	vld [tilespmem:$0x1F8C0]  }
0x215: {  	v6 =	vmul.f32 v34, v6;
	v3 =	vmul.f32 v43, v3;
	v2 =	vadd.f32 v16, v7;
	[tilespmem:$0x1FC50] =	vst v36;
	v36 =	vld [tilespmem:$0x1F8B0]  }
0x216: {  	v13 =	vld [tilespmem:s29+$0x9940];
	v24 =	vmul.f32 v32, v14;
	v34 =	vmul.f32 v49, v12  }
0x217: {  	[tilespmem:$0x1FE30] =	vst v44;
	v32 =	vld [tilespmem:$0x1F8F0];
	v49 =	vmul.f32 v41, v10;
	v3 =	vadd.f32 v11, v3;
	v11 =	vadd.f32 v22, v2  }
0x218: {  	v44 =	vld [tilespmem:s29+$0x6930];
	[tilespmem:$0x1FE70] =	vst v9;
	v9 =	vmul.f32 v8, v12;
	v16 =	vmul.f32 v15, v12  }
0x219: {  	v58 =	vld [tilespmem:s29+$0x9930];
	v23 =	vadd.f32 v34, v23;
	v1 =	vadd.f32 v1, v3;
	[tilespmem:$0x1FE90] =	vst v11;
	v11 =	vbroadcast v20, $0x7  }
0x21a: {  	v35 =	vld [tilespmem:s29+$0x3960];
	v41 =	vmul.f32 v36, v12;
	v2 =	vadd.f32 v16, v49;
	v49 =	vmul.f32 v46, v10  }
0x21b: {  	[tilespmem:$0x1FBE0] =	vst v13;
	v13 =	vld [tilespmem:$0x1F920];
	v22 =	vadd.f32 v6, v1;
	v1 =	vadd.f32 v24, v23;
	v3 =	vmul.f32 v33, v11  }
0x21c: {  	v23 =	vld [tilespmem:$0x1F8E0];
	v33 =	vmul.f32 v32, v14;
	v6 =	vadd.f32 v41, v28;
	v28 =	vadd.f32 v9, v49  }
0x21d: {  	v36 =	vld [tilespmem:s29+$0x9980]  }
0x21e: {  	[tilespmem:$0x1FC70] =	vst v27;
	v27 =	vadd.f32 v3, v1;
	v1 =	vadd.f32 v33, v28;
	v28 =	vld [tilespmem:$0x1F940]  }
0x21f: {  	v46 =	vld [tilespmem:$0x1F900]  }
0x220: {  	[tilespmem:$0x1FE40] =	vst v47;
	v47 =	vld [tilespmem:s29+$0x3940]  }
0x221: {  	v2 =	vadd.f32 v25, v2;
	v25 =	vld [tilespmem:s29+$0x6980]  }
0x222: {  	v8 =	vld [tilespmem:$0x1F910];
	v15 =	vmul.f32 v13, v10  }
0x223: {  	v24 =	vmul.f32 v23, v14;
	[tilespmem:$0x1FCD0] =	vst v36;
	v36 =	vld [tilespmem:$0x1F950];
	v32 =	vmul.f32 v28, v12  }
0x224: {  	v49 =	vmul.f32 v46, v11;
	v46 =	vld [tilespmem:$0x1F960]  }
0x225: {  	v41 =	vadd.f32 v24, v6;
	v6 =	vadd.f32 v32, v15;
	v15 =	vld [tilespmem:$0x1F970]  }
0x226: {  	[tilespmem:$0x1FCA0] =	vst v25;
	v25 =	vld [tilespmem:$0x1F930]  }
0x227: {  	v57 =	vld [tilespmem:s29+$0x3980];
	[tilespmem:$0x1FEA0] =	vst v22;
	v22 =	vmul.f32 v37, v11  }
0x228: {  	v61 =	vld [tilespmem:s29+$0x940];
	v24 =	vadd.f32 v49, v41  }
0x229: {  	v30 =	vld [tilespmem:s29+$0x950];
	v9 =	vmul.f32 v8, v11;
	[tilespmem:$0x1FEB0] =	vst v27;
	v37 =	vadd.f32 v22, v2  }
0x22a: {  	[tilespmem:$0x1FED0] =	vst v24;
	v49 =	vmul.f32 v46, v14;
	v24 =	vmul.f32 v15, v14;
	v14 =	vld [tilespmem:$0x1F990]  }
0x22b: {  	v40 =	vld [tilespmem:s29+$0x3950];
	[tilespmem:$0x1FEC0] =	vst v37;
	v33 =	vadd.f32 v9, v1;
	v37 =	vmul.f32 v36, v12;
	v27 =	vmul.f32 v25, v10  }
0x22c: {  	v52 =	vld [tilespmem:s29+$0x6950]  }
0x22d: {  	[tilespmem:$0x1FEE0] =	vst v33;
	v33 =	vld [tilespmem:$0x1F9B0];
	v1 =	vadd.f32 v37, v27  }
0x22e: {  	v28 =	vld [tilespmem:$0x1F9A0]  }
0x22f: {  	v25 =	vld [tilespmem:$0x1F980];
	v1 =	vadd.f32 v24, v1;
	v15 =	vmul.f32 v14, v11  }
0x230: {  	v26 =	vld [tilespmem:s29+$0x3970]  }
0x231: {  	v13 =	vbroadcast v19, $0x8;
	v10 =	vbroadcast v17, $0x8;
	v1 =	vadd.f32 v15, v1;
	v15 =	vld [tilespmem:$0x1F9E0]  }
0x232: {  	v12 =	vld [tilespmem:$0x1F9C0]  }
0x233: {  	v36 =	vmul.f32 v33, v13;
	v32 =	vmul.f32 v28, v10;
	v14 =	vld [tilespmem:$0x1F9D0]  }
0x234: {  	v0 =	vbroadcast v21, $0x8;
	v50 =	vld [tilespmem:s29+$0x6960];
	v3 =	vadd.f32 v49, v6;
	v27 =	vmul.f32 v25, v11  }
0x235: {  	[tilespmem:$0x1FF00] =	vst v1;
	v1 =	vadd.f32 v36, v32;
	v32 =	vld [tilespmem:$0x1F9F0]  }
0x236: {  	v29 =	vld [tilespmem:s29+$0x970];
	v2 =	vadd.f32 v27, v3;
	v25 =	vmul.f32 v15, v0  }
0x237: {  	v31 =	vld [tilespmem:s29+$0x6970]  }
0x238: {  	[tilespmem:$0x1FEF0] =	vst v2;
	v2 =	vmul.f32 v12, v10;
	v3 =	vmul.f32 v14, v13;
	v8 =	vadd.f32 v25, v1;
	v25 =	vld [tilespmem:s29+$0x99B0]  }
0x239: {  	v33 =	vld [tilespmem:$0x1FA00]  }
0x23a: {  	v2 =	vadd.f32 v3, v2;
	v3 =	vmul.f32 v32, v0;
	v32 =	vld [tilespmem:$0x1FA10]  }
0x23b: {  	v43 =	vld [tilespmem:s29+$0x960]  }
0x23c: {  	v34 =	vld [tilespmem:s29+$0x980]  }
0x23d: {  	v7 =	vbroadcast v20, $0x8;
	[tilespmem:$0x1FD80] =	vst v25;
	v25 =	vld [tilespmem:$0x1FA40]  }
0x23e: {  	v9 =	vld [tilespmem:s29+$0x99A0]  }
0x23f: {  	v36 =	vmul.f32 v33, v10;
	v33 =	vmul.f32 v32, v7;
	v32 =	vld [tilespmem:$0x1FA60]  }
0x240: {  	v16 =	vld [tilespmem:s29+$0x990];
	v18 =	vmul.f32 v18, v13;
	v27 =	vmul.f32 v63, v10  }
0x241: {  	v23 =	vld [tilespmem:s29+$0x6990]  }
0x242: {  	v22 =	vld [tilespmem:s29+$0x3990];
	v14 =	vadd.f32 v18, v27;
	v5 =	vadd.f32 v3, v2;
	v3 =	vmul.f32 v25, v0  }
0x243: {  	[tilespmem:$0x1FD60] =	vst v9;
	v9 =	vmul.f32 v4, v13;
	v11 =	vld [tilespmem:$0x1FA20]  }
0x244: {  	v18 =	vld [tilespmem:$0x1FA30];
	v8 =	vadd.f32 v33, v8;
	v33 =	vmul.f32 v32, v7;
	v3 =	vadd.f32 v3, v14  }
0x245: {  	v27 =	vld [tilespmem:$0x1FA50]  }
0x246: {  	v6 =	vadd.f32 v9, v36;
	v9 =	vld [tilespmem:$0x1FA80];
	v14 =	vadd.f32 v33, v3  }
0x247: {  	v25 =	vld [tilespmem:$0x1FA90]  }
0x248: {  	v1 =	vmul.f32 v11, v0;
	[tilespmem:$0x1FF40] =	vst v14;
	v14 =	vld [tilespmem:$0x1FAA0]  }
0x249: {  	[tilespmem:$0x1FF10] =	vst v8;
	v8 =	vld [tilespmem:$0x1FA70]  }
0x24a: {  	v41 =	vld [tilespmem:s29+$0x9A0];
	v2 =	vmul.f32 v18, v7;
	v1 =	vadd.f32 v1, v6;
	v6 =	vmul.f32 v27, v7  }
0x24b: {  	v46 =	vld [tilespmem:s29+$0x9990]  }
0x24c: {  	v2 =	vadd.f32 v2, v5;
	v1 =	vadd.f32 v6, v1;
	v5 =	vmul.f32 v9, v13;
	v9 =	vld [tilespmem:$0x1FAD0]  }
0x24d: {  	v32 =	vmul.f32 v25, v10;
	v25 =	vmul.f32 v14, v0;
	v14 =	vld [tilespmem:$0x1FAB0]  }
0x24e: {  	v6 =	vld [tilespmem:$0x1FAC0];
	[tilespmem:$0x1FF30] =	vst v1;
	v1 =	vmul.f32 v8, v10  }
0x24f: {  	v49 =	vld [tilespmem:s29+$0x69A0];
	v33 =	vmul.f32 v60, v13;
	v8 =	vbroadcast v17, $0x9  }
0x250: {  	v42 =	vmul.f32 v42, v0;
	v37 =	vld [tilespmem:s29+$0x39A0];
	v1 =	vadd.f32 v5, v1;
	v0 =	vbroadcast v19, $0x9  }
0x251: {  	v28 =	vld [tilespmem:s29+$0x69B0];
	v10 =	vmul.f32 v9, v8;
	v4 =	vadd.f32 v33, v32  }
0x252: {  	v24 =	vld [tilespmem:s29+$0x9B0];
	v1 =	vadd.f32 v25, v1;
	v25 =	vmul.f32 v14, v7;
	v14 =	vmul.f32 v55, v0  }
0x253: {  	v9 =	vld [tilespmem:$0x1FAF0];
	v4 =	vadd.f32 v42, v4;
	v7 =	vmul.f32 v6, v7  }
0x254: {  	v6 =	vadd.f32 v14, v10;
	v10 =	vld [tilespmem:$0x1FB00]  }
0x255: {  	v1 =	vadd.f32 v25, v1;
	v4 =	vadd.f32 v7, v4;
	v7 =	vld [tilespmem:$0x1FAE0]  }
0x256: {  	v14 =	vld [tilespmem:$0x1FB10]  }
0x257: {  	v63 =	vld [tilespmem:s29+$0x99C0];
	[tilespmem:$0x1FF50] =	vst v1;
	v1 =	vbroadcast v21, $0x9  }
0x258: {  	v12 =	vld [tilespmem:s29+$0x9C0]  }
0x259: {  	v36 =	vld [tilespmem:s29+$0x69C0];
	v5 =	vbroadcast v20, $0x9;
	v3 =	vmul.f32 v10, v1  }
0x25a: {  	[tilespmem:$0x1FF20] =	vst v2;
	v2 =	vmul.f32 v9, v0;
	v9 =	vld [tilespmem:$0x1FB20]  }
0x25b: {  	v15 =	vld [tilespmem:s29+$0x39B0];
	[tilespmem:$0x1FF60] =	vst v4;
	v4 =	vmul.f32 v7, v8;
	v7 =	vmul.f32 v14, v5;
	v3 =	vadd.f32 v3, v6  }
0x25c: {  	v14 =	vld [tilespmem:$0x1FB30]  }
0x25d: {  	v6 =	vmul.f32 v56, v8;
	v56 =	vmul.f32 v54, v0;
	v3 =	vadd.f32 v7, v3;
	v7 =	vld [tilespmem:$0x1FB40]  }
0x25e: {  	v11 =	vld [tilespmem:s29+$0x39C0];
	v4 =	vadd.f32 v2, v4  }
0x25f: {  	v2 =	vmul.f32 v9, v1;
	v6 =	vadd.f32 v56, v6;
	v56 =	vmul.f32 v59, v1;
	v59 =	vld [tilespmem:$0x1FB50]  }
0x260: {  	v27 =	vld [tilespmem:s29+$0x9D0]  }
0x261: {  	v18 =	vld [tilespmem:s29+$0x39D0];
	v4 =	vadd.f32 v2, v4;
	v9 =	vmul.f32 v14, v5  }
0x262: {  	v13 =	vld [tilespmem:s29+$0x69D0];
	v7 =	vmul.f32 v7, v1  }
0x263: {  	v60 =	vld [tilespmem:s29+$0x99D0];
	v2 =	vmul.f32 v53, v8;
	v53 =	vmul.f32 v45, v0;
	v4 =	vadd.f32 v9, v4  }
0x264: {  	v33 =	vld [tilespmem:s29+$0x9E0];
	v6 =	vadd.f32 v7, v6;
	v7 =	vmul.f32 v59, v5  }
0x265: {  	[tilespmem:$0x1FF80] =	vst v4;
	v4 =	vadd.f32 v53, v2;
	v53 =	vmul.f32 v48, v8;
	v8 =	vmul.f32 v38, v8;
	v38 =	vld [tilespmem:$0x1FB60]  }
0x266: {  	v32 =	vld [tilespmem:s29+$0x39E0];
	v6 =	vadd.f32 v7, v6  }
0x267: {  	v42 =	vld [tilespmem:s29+$0x99E0];
	v4 =	vadd.f32 v56, v4;
	v56 =	vmul.f32 v62, v1  }
0x268: {  	v1 =	vmul.f32 v44, v1;
	v44 =	vld [tilespmem:$0x1FB70];
	[tilespmem:$0x1FF90] =	vst v6;
	v6 =	vmul.f32 v51, v0  }
0x269: {  	v55 =	vld [tilespmem:s29+$0x69E0];
	v0 =	vmul.f32 v39, v0  }
0x26a: {  	v9 =	vmul.f32 v38, v5;
	v6 =	vadd.f32 v6, v53;
	v53 =	vld [tilespmem:$0x1FB80]  }
0x26b: {  	v25 =	vld [tilespmem:s29+$0x9F0];
	v0 =	vadd.f32 v0, v8  }
0x26c: {  	v10 =	vld [tilespmem:s29+$0x39F0];
	v7 =	vbroadcast v17, $0xA;
	v4 =	vadd.f32 v9, v4;
	v9 =	vbroadcast v19, $0xA  }
0x26d: {  	v54 =	vld [tilespmem:s29+$0x99F0];
	v8 =	vmul.f32 v44, v5;
	v5 =	vmul.f32 v58, v5;
	v0 =	vadd.f32 v1, v0  }
0x26e: {  	v45 =	vld [tilespmem:s29+$0xA00];
	[tilespmem:$0x1FFA0] =	vst v4;
	v4 =	vadd.f32 v56, v6  }
0x26f: {  	v58 =	vld [tilespmem:$0x1FBA0];
	v6 =	vmul.f32 v61, v7;
	v0 =	vadd.f32 v5, v0;
	[tilespmem:s29+$0xC580] =	vst v53;
	v53 =	vmul.f32 v47, v9  }
0x270: {  	v14 =	vld [tilespmem:s29+$0x69F0]  }
0x271: {  	[tilespmem:$0x1FFC0] =	vst v0;
	v0 =	vadd.f32 v53, v6;
	v53 =	vld [tilespmem:$0x1FBF0]  }
0x272: {  	v56 =	vld [tilespmem:$0x1FB90]  }
0x273: {  	[tilespmem:$0x1FF70] =	vst v3;
	v3 =	vld [tilespmem:s29+$0x3A00];
	v4 =	vadd.f32 v8, v4  }
0x274: {  	[tilespmem:s29+$0xC5A0] =	vst v58;
	v58 =	vld [tilespmem:$0x1FBC0]  }
0x275: {  	[tilespmem:$0x1FFB0] =	vst v4;
	v4 =	vmul.f32 v40, v9;
	v40 =	vld [tilespmem:$0x1FBE0]  }
0x276: {  	[tilespmem:s29+$0xC5D0] =	vst v53;
	v53 =	vld [tilespmem:$0x1FC10]  }
0x277: {  	v2 =	vld [tilespmem:s29+$0x6A00];
	[tilespmem:s29+$0xC590] =	vst v56;
	v56 =	vbroadcast v21, $0xA  }
0x278: {  	v48 =	vld [tilespmem:s29+$0x9A00];
	v1 =	vmul.f32 v30, v7;
	v8 =	vbroadcast v20, $0xA  }
0x279: {  	v6 =	vmul.f32 v52, v56;
	v52 =	vld [tilespmem:$0x1FC00];
	v5 =	vmul.f32 v58, v56  }
0x27a: {  	v59 =	vld [tilespmem:s29+$0xA10]  }
0x27b: {  	v1 =	vadd.f32 v4, v1;
	v4 =	vmul.f32 v40, v8;
	v0 =	vadd.f32 v5, v0;
	[tilespmem:s29+$0xC5F0] =	vst v53;
	v53 =	vld [tilespmem:$0x1FC30]  }
0x27c: {  	v62 =	vld [tilespmem:s29+$0x9A10];
	v26 =	vmul.f32 v26, v9  }
0x27d: {  	v38 =	vld [tilespmem:s29+$0x6A20];
	v1 =	vadd.f32 v6, v1;
	v6 =	vmul.f32 v29, v7;
	v0 =	vadd.f32 v4, v0  }
0x27e: {  	[tilespmem:s29+$0xC5E0] =	vst v52;
	v52 =	vld [tilespmem:$0x1FC20]  }
0x27f: {  	v31 =	vmul.f32 v31, v56;
	[tilespmem:$0x1FFD0] =	vst v0;
	v0 =	vadd.f32 v26, v6;
	v26 =	vld [tilespmem:$0x1FC50]  }
0x280: {  	[tilespmem:s29+$0xC600] =	vst v53;
	v53 =	vld [tilespmem:$0x1FC40]  }
0x281: {  	v40 =	vmul.f32 v35, v9;
	v5 =	vmul.f32 v43, v7;
	v0 =	vadd.f32 v31, v0;
	v31 =	vld [tilespmem:$0x1FC70]  }
0x282: {  	v39 =	vld [tilespmem:s29+$0x3A10]  }
0x283: {  	v51 =	vld [tilespmem:s29+$0x6A10];
	v50 =	vmul.f32 v50, v56;
	v5 =	vadd.f32 v40, v5;
	v29 =	vmul.f32 v52, v8  }
0x284: {  	v44 =	vld [tilespmem:s29+$0xA20]  }
0x285: {  	v61 =	vld [tilespmem:$0x1FBB0];
	[tilespmem:s29+$0xC610] =	vst v53;
	v53 =	vadd.f32 v29, v1;
	v1 =	vadd.f32 v50, v5;
	v5 =	vmul.f32 v26, v8  }
0x286: {  	v30 =	vld [tilespmem:s29+$0x9A20];
	v6 =	vmul.f32 v34, v7;
	v4 =	vmul.f32 v31, v8  }
0x287: {  	v5 =	vadd.f32 v5, v1;
	v1 =	vmul.f32 v16, v7;
	v7 =	vmul.f32 v57, v9;
	v57 =	vld [tilespmem:$0x1FC90]  }
0x288: {  	v47 =	vld [tilespmem:s29+$0x3A20]  }
0x289: {  	v22 =	vmul.f32 v22, v9;
	v31 =	vld [tilespmem:$0x1FCA0];
	v0 =	vadd.f32 v4, v0  }
0x28a: {  	[tilespmem:s29+$0xC5B0] =	vst v61;
	v61 =	vld [tilespmem:$0x1FBD0]  }
0x28b: {  	[tilespmem:$0x1FFE0] =	vst v0;
	v0 =	vadd.f32 v22, v1;
	v22 =	vld [tilespmem:$0x1FCD0]  }
0x28c: {  	[tilespmem:s29+$0xC640] =	vst v57;
	v57 =	vld [tilespmem:$0x1FCC0]  }
0x28d: {  	v34 =	vld [tilespmem:$0x1FC80]  }
0x28e: {  	v58 =	vld [tilespmem:s29+$0xA30];
	v4 =	vmul.f32 v31, v56;
	v6 =	vadd.f32 v7, v6  }
0x28f: {  	v35 =	vld [tilespmem:s29+$0x9A30];
	v7 =	vmul.f32 v23, v56;
	v56 =	vbroadcast v17, $0xB  }
0x290: {  	[tilespmem:s29+$0xC5C0] =	vst v61;
	v61 =	vld [tilespmem:s29+$0x3A30];
	v4 =	vadd.f32 v4, v6;
	v6 =	vmul.f32 v46, v8;
	v1 =	vmul.f32 v22, v8  }
0x291: {  	v8 =	vmul.f32 v41, v56;
	v41 =	vld [tilespmem:$0x1FCF0];
	[tilespmem:s29+$0xC660] =	vst v57;
	v57 =	vbroadcast v19, $0xB  }
0x292: {  	[tilespmem:s29+$0xC630] =	vst v34;
	v34 =	vld [tilespmem:$0x1FCB0]  }
0x293: {  	v0 =	vadd.f32 v7, v0;
	v7 =	vmul.f32 v37, v57;
	v37 =	vld [tilespmem:$0x1FD10]  }
0x294: {  	v43 =	vld [tilespmem:s29+$0x6A30]  }
0x295: {  	v40 =	vld [tilespmem:s29+$0x3A40];
	v4 =	vadd.f32 v1, v4;
	v1 =	vmul.f32 v24, v56;
	v9 =	vmul.f32 v15, v57  }
0x296: {  	v52 =	vld [tilespmem:s29+$0xA40];
	[tilespmem:s29+$0xC680] =	vst v41;
	v41 =	vbroadcast v21, $0xB  }
0x297: {  	[tilespmem:s29+$0xC650] =	vst v34;
	v34 =	vld [tilespmem:s29+$0x6A50];
	v1 =	vadd.f32 v9, v1  }
0x298: {  	v50 =	vld [tilespmem:s29+$0x6A40];
	[tilespmem:s29+$0xC6A0] =	vst v37;
	v37 =	vadd.f32 v6, v0;
	v6 =	vmul.f32 v49, v41;
	v49 =	vmul.f32 v28, v41  }
0x299: {  	v29 =	vld [tilespmem:$0x1FC60]  }
0x29a: {  	v1 =	vadd.f32 v49, v1;
	v49 =	vld [tilespmem:$0x1FD50]  }
0x29b: {  	v26 =	vld [tilespmem:s29+$0x9A40]  }
0x29c: {  	v31 =	vld [tilespmem:s29+$0x3A50]  }
0x29d: {  	v16 =	vld [tilespmem:s29+$0xA50]  }
0x29e: {  	v46 =	vld [tilespmem:$0x1FD00]  }
0x29f: {  	[tilespmem:s29+$0xC6E0] =	vst v49;
	v49 =	vld [tilespmem:$0x1FD70]  }
0x2a0: {  	v23 =	vld [tilespmem:$0x1FCE0]  }
0x2a1: {  	[tilespmem:s29+$0xC620] =	vst v29;
	v29 =	vld [tilespmem:s29+$0x9A50]  }
0x2a2: {  	v22 =	vld [tilespmem:s29+$0xA60]  }
0x2a3: {  	[tilespmem:s29+$0xC690] =	vst v46;
	v46 =	vld [tilespmem:$0x1FD20]  }
0x2a4: {  	[tilespmem:s29+$0xC6F0] =	vst v49;
	v49 =	vld [tilespmem:$0x1FD80]  }
0x2a5: {  	[tilespmem:s29+$0xC670] =	vst v23;
	v23 =	vld [tilespmem:s29+$0x3A60]  }
0x2a6: {  	v24 =	vld [tilespmem:s29+$0x9A60];
	v18 =	vmul.f32 v18, v57  }
0x2a7: {  	v15 =	vld [tilespmem:s29+$0x6A60];
	v9 =	vbroadcast v20, $0xB;
	v0 =	vadd.f32 v7, v8;
	v7 =	vmul.f32 v27, v56  }
0x2a8: {  	[tilespmem:s29+$0xC6B0] =	vst v46;
	v46 =	vld [tilespmem:$0x1FD40]  }
0x2a9: {  	v7 =	vadd.f32 v18, v7;
	v18 =	vmul.f32 v49, v9;
	v49 =	vld [tilespmem:$0x1FD90]  }
0x2aa: {  	v8 =	vmul.f32 v12, v56;
	v12 =	vld [tilespmem:s29+$0xA70]  }
0x2ab: {  	v27 =	vld [tilespmem:$0x1FD60]  }
0x2ac: {  	v36 =	vmul.f32 v36, v41;
	v13 =	vmul.f32 v13, v41;
	v28 =	vld [tilespmem:$0x1FD30]  }
0x2ad: {  	v55 =	vmul.f32 v55, v41;
	v14 =	vmul.f32 v14, v41;
	v41 =	vld [tilespmem:s29+$0x6A90]  }
0x2ae: {  	v0 =	vadd.f32 v6, v0;
	v6 =	vmul.f32 v11, v57;
	[tilespmem:s29+$0xC700] =	vst v49;
	v49 =	vmul.f32 v63, v9;
	v63 =	vld [tilespmem:$0x1FDA0]  }
0x2af: {  	v11 =	vld [tilespmem:s29+$0x3A70]  }
0x2b0: {  	[tilespmem:s29+$0xC6D0] =	vst v46;
	v46 =	vadd.f32 v6, v8;
	v6 =	vld [tilespmem:s29+$0xA80];
	v8 =	vmul.f32 v27, v9  }
0x2b1: {  	[tilespmem:s29+$0xC6C0] =	vst v28;
	v28 =	vld [tilespmem:s29+$0x6A70]  }
0x2b2: {  	v27 =	vld [tilespmem:s29+$0x9A70];
	v8 =	vadd.f32 v8, v0;
	v0 =	vadd.f32 v36, v46  }
0x2b3: {  	v46 =	vld [tilespmem:s29+$0x3A80];
	[tilespmem:s29+$0xC710] =	vst v63;
	v63 =	vadd.f32 v18, v1  }
0x2b4: {  	v1 =	vadd.f32 v13, v7;
	v7 =	vmul.f32 v60, v9;
	v60 =	vadd.f32 v49, v0;
	v49 =	vld [tilespmem:$0x1FDC0]  }
0x2b5: {  	v18 =	vld [tilespmem:$0x1FDB0]  }
0x2b6: {  	v36 =	vld [tilespmem:s29+$0x6A80]  }
0x2b7: {  	v0 =	vmul.f32 v33, v56;
	v33 =	vld [tilespmem:$0x1FDD0]  }
0x2b8: {  	v13 =	vld [tilespmem:s29+$0x9A80]  }
0x2b9: {  	[tilespmem:s29+$0xC730] =	vst v49;
	v49 =	vadd.f32 v7, v1;
	v1 =	vmul.f32 v25, v56;
	v25 =	vld [tilespmem:s29+$0xA90]  }
0x2ba: {  	[tilespmem:s29+$0xC720] =	vst v18;
	v18 =	vmul.f32 v32, v57;
	v32 =	vld [tilespmem:s29+$0x3A90]  }
0x2bb: {  	v56 =	vld [tilespmem:$0x1FDE0]  }
0x2bc: {  	v57 =	vmul.f32 v10, v57;
	[tilespmem:s29+$0xC740] =	vst v33;
	v7 =	vld [tilespmem:$0x1FE20]  }
0x2bd: {  	[tilespmem:s29+$0xC990] =	vst v37;
	v37 =	vld [tilespmem:s29+$0x3B40];
	v0 =	vadd.f32 v18, v0  }
0x2be: {  	v1 =	vadd.f32 v57, v1;
	v18 =	vbroadcast v17, $0xC;
	v57 =	vld [tilespmem:$0x1FDF0]  }
0x2bf: {  	v33 =	vbroadcast v19, $0xC;
	v0 =	vadd.f32 v55, v0;
	v55 =	vmul.f32 v42, v9;
	v42 =	vld [tilespmem:s29+$0x9A90]  }
0x2c0: {  	v9 =	vmul.f32 v54, v9;
	v10 =	vadd.f32 v14, v1;
	v14 =	vmul.f32 v45, v18;
	v45 =	vld [tilespmem:s29+$0xAA0]  }
0x2c1: {  	v3 =	vmul.f32 v3, v33;
	[tilespmem:s29+$0xC750] =	vst v56;
	v56 =	vld [tilespmem:$0x1FE00]  }
0x2c2: {  	[tilespmem:s29+$0xC790] =	vst v7;
	v7 =	vadd.f32 v9, v10;
	v9 =	vmul.f32 v39, v33;
	v39 =	vld [tilespmem:s29+$0x6AA0]  }
0x2c3: {  	v31 =	vmul.f32 v31, v33;
	v16 =	vmul.f32 v16, v18;
	v3 =	vadd.f32 v3, v14;
	v14 =	vld [tilespmem:s29+$0x9AA0]  }
0x2c4: {  	v1 =	vadd.f32 v55, v0;
	v0 =	vmul.f32 v59, v18;
	v59 =	vld [tilespmem:$0x1FE40]  }
0x2c5: {  	v54 =	vbroadcast v21, $0xC;
	v16 =	vadd.f32 v31, v16;
	v31 =	vld [tilespmem:s29+$0x6AD0]  }
0x2c6: {  	v55 =	vbroadcast v20, $0xC;
	[tilespmem:s29+$0xC760] =	vst v57;
	v57 =	vld [tilespmem:$0x1FE10]  }
0x2c7: {  	v2 =	vmul.f32 v2, v54;
	v0 =	vadd.f32 v9, v0;
	v9 =	vmul.f32 v51, v54;
	v51 =	vld [tilespmem:s29+$0xAB0]  }
0x2c8: {  	v10 =	vmul.f32 v48, v55;
	v48 =	vmul.f32 v62, v55;
	v62 =	vld [tilespmem:$0x1FE50]  }
0x2c9: {  	v2 =	vadd.f32 v2, v3;
	v3 =	vmul.f32 v44, v18;
	v44 =	vmul.f32 v47, v33;
	v47 =	vld [tilespmem:s29+$0x3AB0]  }
0x2ca: {  	v61 =	vmul.f32 v61, v33;
	v40 =	vmul.f32 v40, v33;
	v33 =	vld [tilespmem:s29+$0x9AC0]  }
0x2cb: {  	[tilespmem:s29+$0xC770] =	vst v56;
	v56 =	vld [tilespmem:s29+$0x3AA0]  }
0x2cc: {  	v9 =	vadd.f32 v9, v0;
	v0 =	vadd.f32 v10, v2;
	v10 =	vmul.f32 v38, v54;
	v38 =	vld [tilespmem:s29+$0x9AB0]  }
0x2cd: {  	v3 =	vadd.f32 v44, v3;
	v44 =	vld [tilespmem:$0x1FE80]  }
0x2ce: {  	[tilespmem:s29+$0xC780] =	vst v57;
	v57 =	vld [tilespmem:$0x1FE30]  }
0x2cf: {  	[tilespmem:s29+$0xC7C0] =	vst v62;
	v62 =	vld [tilespmem:$0x1FE60]  }
0x2d0: {  	[tilespmem:s29+$0xC7B0] =	vst v59;
	v59 =	vld [tilespmem:s29+$0x6AB0]  }
0x2d1: {  	v2 =	vadd.f32 v48, v9;
	v48 =	vld [tilespmem:s29+$0x3AC0]  }
0x2d2: {  	[tilespmem:s29+$0xC7F0] =	vst v44;
	v44 =	vld [tilespmem:s29+$0xAC0]  }
0x2d3: {  	[tilespmem:s29+$0xC7A0] =	vst v57;
	v57 =	vmul.f32 v58, v18;
	v58 =	vld [tilespmem:$0x1FEA0]  }
0x2d4: {  	v43 =	vmul.f32 v43, v54;
	[tilespmem:s29+$0xC7D0] =	vst v62;
	v62 =	vld [tilespmem:$0x1FE70]  }
0x2d5: {  	v61 =	vadd.f32 v61, v57;
	v57 =	vmul.f32 v30, v55;
	v30 =	vmul.f32 v52, v18;
	v52 =	vld [tilespmem:$0x1FEC0]  }
0x2d6: {  	v3 =	vadd.f32 v10, v3;
	v18 =	vmul.f32 v34, v54;
	v34 =	vld [tilespmem:s29+$0xAD0]  }
0x2d7: {  	v9 =	vadd.f32 v43, v61;
	v61 =	vmul.f32 v35, v55;
	v35 =	vld [tilespmem:s29+$0x6AC0]  }
0x2d8: {  	v3 =	vadd.f32 v57, v3;
	v57 =	vmul.f32 v50, v54;
	v50 =	vld [tilespmem:s29+$0x3AD0]  }
0x2d9: {  	v54 =	vld [tilespmem:s29+$0xAE0]  }
0x2da: {  	v26 =	vmul.f32 v26, v55;
	v29 =	vmul.f32 v29, v55;
	v55 =	vld [tilespmem:$0x1FF30]  }
0x2db: {  	[tilespmem:s29+$0xC810] =	vst v58;
	v58 =	vld [tilespmem:$0x1FED0]  }
0x2dc: {  	v30 =	vadd.f32 v40, v30;
	[tilespmem:s29+$0xC7E0] =	vst v62;
	v62 =	vld [tilespmem:$0x1FE90]  }
0x2dd: {  	v40 =	vbroadcast v17, $0xD;
	v10 =	vadd.f32 v61, v9;
	v61 =	vld [tilespmem:$0x1FEE0]  }
0x2de: {  	v43 =	vbroadcast v19, $0xD;
	v18 =	vadd.f32 v18, v16;
	v9 =	vadd.f32 v57, v30;
	v30 =	vld [tilespmem:s29+$0x9AD0]  }
0x2df: {  	v57 =	vld [tilespmem:$0x1FF00]  }
0x2e0: {  	v22 =	vmul.f32 v22, v40;
	v23 =	vmul.f32 v23, v43;
	v18 =	vadd.f32 v29, v18;
	v29 =	vld [tilespmem:s29+$0xAF0]  }
0x2e1: {  	[tilespmem:s29+$0xC830] =	vst v52;
	v16 =	vadd.f32 v26, v9;
	v26 =	vld [tilespmem:s29+$0x3AE0]  }
0x2e2: {  	v52 =	vbroadcast v21, $0xD;
	v22 =	vadd.f32 v23, v22;
	v23 =	vld [tilespmem:s29+$0x6AE0];
	[tilespmem:s29+$0xC8A0] =	vst v55  }
0x2e3: {  	v55 =	vmul.f32 v25, v40;
	v25 =	vld [tilespmem:s29+$0x9AF0];
	[tilespmem:s29+$0xC840] =	vst v58  }
0x2e4: {  	v15 =	vmul.f32 v15, v52;
	[tilespmem:s29+$0xC800] =	vst v62;
	v62 =	vld [tilespmem:$0x1FEB0]  }
0x2e5: {  	v58 =	vld [tilespmem:$0x1FF10];
	[tilespmem:s29+$0xC850] =	vst v61;
	v61 =	vmul.f32 v11, v43;
	v11 =	vbroadcast v20, $0xD  }
0x2e6: {  	v12 =	vmul.f32 v12, v40;
	[tilespmem:s29+$0xC870] =	vst v57;
	v57 =	vmul.f32 v28, v52;
	v28 =	vld [tilespmem:s29+$0x9AE0]  }
0x2e7: {  	v15 =	vadd.f32 v15, v22;
	v22 =	vmul.f32 v27, v11;
	v27 =	vmul.f32 v45, v40;
	v45 =	vld [tilespmem:s29+$0xB10]  }
0x2e8: {  	v6 =	vmul.f32 v6, v40;
	v40 =	vmul.f32 v51, v40;
	v51 =	vld [tilespmem:$0x1FFD0]  }
0x2e9: {  	[tilespmem:s29+$0xC820] =	vst v62;
	v62 =	vld [tilespmem:$0x1FEF0]  }
0x2ea: {  	v9 =	vadd.f32 v61, v12;
	[tilespmem:s29+$0xC880] =	vst v58;
	v58 =	vld [tilespmem:$0x1FF40]  }
0x2eb: {  	v12 =	vmul.f32 v24, v11;
	v61 =	vmul.f32 v46, v43;
	v24 =	vld [tilespmem:s29+$0x3B20]  }
0x2ec: {  	v9 =	vadd.f32 v57, v9;
	v57 =	vmul.f32 v32, v43;
	v32 =	vld [tilespmem:s29+$0x3AF0]  }
0x2ed: {  	v6 =	vadd.f32 v61, v6;
	v61 =	vmul.f32 v36, v52;
	v36 =	vld [tilespmem:s29+$0x6AF0]  }
0x2ee: {  	[tilespmem:s29+$0xC860] =	vst v62;
	v62 =	vld [tilespmem:$0x1FF20]  }
0x2ef: {  	[tilespmem:s29+$0xC8B0] =	vst v58;
	v58 =	vld [tilespmem:$0x1FF60]  }
0x2f0: {  	v55 =	vadd.f32 v57, v55;
	v57 =	vmul.f32 v41, v52;
	v9 =	vadd.f32 v22, v9;
	v22 =	vld [tilespmem:s29+$0xB00]  }
0x2f1: {  	v6 =	vadd.f32 v61, v6;
	v61 =	vld [tilespmem:$0x1FF90]  }
0x2f2: {  	[tilespmem:s29+$0xC950] =	vst v53;
	v12 =	vadd.f32 v12, v15;
	v15 =	vadd.f32 v57, v55;
	v55 =	vld [tilespmem:$0x1FFA0]  }
0x2f3: {  	[tilespmem:s29+$0xC890] =	vst v62;
	v62 =	vld [tilespmem:$0x1FF50]  }
0x2f4: {  	v56 =	vmul.f32 v56, v43;
	v13 =	vmul.f32 v13, v11;
	[tilespmem:s29+$0xC8D0] =	vst v58;
	v58 =	vld [tilespmem:$0x1FF80]  }
0x2f5: {  	v14 =	vmul.f32 v14, v11;
	v46 =	vbroadcast v19, $0xE;
	v41 =	vld [tilespmem:s29+$0x3B00];
	[tilespmem:s29+$0xCA60] =	vst v12  }
0x2f6: {  	v6 =	vadd.f32 v13, v6;
	v57 =	vld [tilespmem:$0x1FFB0];
	v13 =	vadd.f32 v56, v27;
	v27 =	vbroadcast v17, $0xE;
	[tilespmem:s29+$0xC900] =	vst v61  }
0x2f7: {  	v61 =	vmul.f32 v47, v43;
	[tilespmem:s29+$0xC910] =	vst v55;
	v55 =	vmul.f32 v59, v52;
	v59 =	vld [tilespmem:$0x1FFE0]  }
0x2f8: {  	v12 =	vbroadcast v20, $0xF;
	v56 =	vmul.f32 v44, v27;
	[tilespmem:s29+$0xC8C0] =	vst v62;
	v62 =	vld [tilespmem:$0x1FF70]  }
0x2f9: {  	v44 =	vld [tilespmem:s29+$0x9B10];
	[tilespmem:s29+$0xC8F0] =	vst v58;
	v58 =	vmul.f32 v39, v52;
	v39 =	vadd.f32 v61, v40;
	v40 =	vbroadcast v21, $0xE  }
0x2fa: {  	[tilespmem:s29+$0xC960] =	vst v5;
	v29 =	vmul.f32 v29, v27;
	v43 =	vld [tilespmem:s29+$0x9B00];
	v61 =	vmul.f32 v34, v27  }
0x2fb: {  	v47 =	vld [tilespmem:s29+$0x3B10];
	[tilespmem:s29+$0xC920] =	vst v57;
	v13 =	vadd.f32 v58, v13;
	v58 =	vmul.f32 v48, v46;
	v53 =	vmul.f32 v35, v40  }
0x2fc: {  	[tilespmem:s29+$0xC970] =	vst v59;
	v34 =	vld [tilespmem:s29+$0x6B20];
	v57 =	vadd.f32 v55, v39;
	v55 =	vbroadcast v20, $0xE;
	v31 =	vmul.f32 v31, v40  }
0x2fd: {  	v48 =	vld [tilespmem:s29+$0xB20];
	v59 =	vmul.f32 v23, v40;
	[tilespmem:s29+$0xC8E0] =	vst v62;
	v62 =	vmul.f32 v42, v11  }
0x2fe: {  	[tilespmem:s29+$0xC9C0] =	vst v60;
	v23 =	vld [tilespmem:s29+$0x3B30];
	v60 =	vmul.f32 v36, v40;
	v39 =	vmul.f32 v45, v27  }
0x2ff: {  	[tilespmem:s29+$0xC980] =	vst v4;
	v52 =	vadd.f32 v58, v56;
	v56 =	vmul.f32 v54, v27;
	v15 =	vadd.f32 v62, v15;
	v62 =	vld [tilespmem:$0x1FFC0]  }
0x300: {  	[tilespmem:s29+$0xC9A0] =	vst v8;
	v36 =	vld [tilespmem:s29+$0x6B30];
	v58 =	vmul.f32 v32, v46;
	v33 =	vmul.f32 v33, v55  }
0x301: {  	[tilespmem:s29+$0xC940] =	vst v51;
	v13 =	vadd.f32 v14, v13;
	v51 =	vmul.f32 v43, v55;
	v43 =	vld [tilespmem:s29+$0x6B70];
	v11 =	vmul.f32 v38, v11  }
0x302: {  	[tilespmem:s29+$0xC9B0] =	vst v63;
	v30 =	vmul.f32 v30, v55;
	v25 =	vmul.f32 v25, v55;
	v38 =	vld [tilespmem:s29+$0x6B10];
	v5 =	vadd.f32 v53, v52  }
0x303: {  	[tilespmem:s29+$0xC9E0] =	vst v1;
	v42 =	vld [tilespmem:s29+$0x6B00];
	v29 =	vadd.f32 v58, v29;
	v4 =	vadd.f32 v11, v57;
	v57 =	vmul.f32 v26, v46  }
0x304: {  	v52 =	vmul.f32 v44, v55;
	v26 =	vld [tilespmem:s29+$0x9B20];
	v1 =	vadd.f32 v33, v5;
	[tilespmem:s29+$0xC930] =	vst v62;
	v62 =	vmul.f32 v50, v46  }
0x305: {  	[tilespmem:s29+$0xC9D0] =	vst v49;
	v35 =	vld [tilespmem:s29+$0x3B70];
	v63 =	vadd.f32 v60, v29;
	v8 =	vadd.f32 v57, v56;
	v57 =	vbroadcast v21, $0xF  }
0x306: {  	[tilespmem:s29+$0xC9F0] =	vst v7;
	v11 =	vld [tilespmem:s29+$0x9B30];
	v33 =	vmul.f32 v41, v46;
	v41 =	vmul.f32 v47, v46;
	v14 =	vadd.f32 v62, v61  }
0x307: {  	[tilespmem:s29+$0xCA10] =	vst v2;
	v32 =	vld [tilespmem:s29+$0xB30];
	v2 =	vadd.f32 v25, v63;
	v47 =	vmul.f32 v38, v40;
	v63 =	vmul.f32 v34, v57  }
0x308: {  	[tilespmem:s29+$0xCA00] =	vst v0;
	v53 =	vld [tilespmem:s29+$0x3B50];
	v5 =	vmul.f32 v43, v57;
	v46 =	vmul.f32 v42, v40;
	v14 =	vadd.f32 v31, v14  }
0x309: {  	[tilespmem:s29+$0xCA20] =	vst v3;
	v49 =	vadd.f32 v41, v39;
	v26 =	vmul.f32 v26, v12;
	v62 =	vmul.f32 v28, v55;
	v28 =	vld [tilespmem:s29+$0xB40]  }
0x30a: {  	[tilespmem:s29+$0xCA30] =	vst v10;
	v50 =	vld [tilespmem:s29+$0xB50];
	v31 =	vmul.f32 v22, v27;
	v7 =	vadd.f32 v30, v14;
	v14 =	vbroadcast v17, $0xF  }
0x30b: {  	[tilespmem:s29+$0xCA50] =	vst v18;
	v56 =	vld [tilespmem:s29+$0x6B50];
	v11 =	vmul.f32 v11, v12;
	v61 =	vadd.f32 v59, v8;
	v17 =	vbroadcast v19, $0xF  }
0x30c: {  	[tilespmem:s29+$0xCA40] =	vst v16;
	v39 =	vld [tilespmem:s29+$0x6B60];
	v45 =	vadd.f32 v33, v31;
	v31 =	vmul.f32 v36, v57;
	v54 =	vmul.f32 v48, v14  }
0x30d: {  	[tilespmem:s29+$0xCA70] =	vst v9;
	v8 =	vadd.f32 v47, v49;
	v27 =	vld [tilespmem:s29+$0x6B40];
	v55 =	vmul.f32 v24, v17;
	v59 =	vmul.f32 v32, v14  }
0x30e: {  	[tilespmem:s29+$0xCA80] =	vst v6;
	v0 =	vadd.f32 v62, v61;
	v61 =	vld [tilespmem:s29+$0xB60];
	v60 =	vmul.f32 v23, v17;
	v33 =	vmul.f32 v28, v14  }
0x30f: {  	[tilespmem:s29+$0xCAA0] =	vst v13;
	v30 =	vld [tilespmem:s29+$0x3B60];
	v3 =	vadd.f32 v46, v45;
	v34 =	vmul.f32 v37, v17;
	v37 =	vmul.f32 v50, v14  }
0x310: {  	[tilespmem:s29+$0xCA90] =	vst v15;
	v8 =	vadd.f32 v52, v8;
	v32 =	vld [tilespmem:s29+$0xB70];
	v38 =	vmul.f32 v53, v17;
	v45 =	vmul.f32 v56, v57  }
0x311: {  	v29 =	vld [tilespmem:s29+$0x9B40];
	[tilespmem:s29+$0xCAB0] =	vst v4;
	v53 =	vmul.f32 v35, v17;
	v56 =	vmul.f32 v39, v57;
	v3 =	vadd.f32 v51, v3  }
0x312: {  	v58 =	vld [tilespmem:s29+$0x9B50];
	[tilespmem:s29+$0xCAC0] =	vst v1;
	v42 =	vmul.f32 v27, v57;
	v62 =	vadd.f32 v55, v54;
	v9 =	vadd.f32 v60, v59  }
0x313: {  	[tilespmem:s29+$0xCAF0] =	vst v2;
	v46 =	vld [tilespmem:s29+$0x9B60];
	v48 =	vmul.f32 v61, v14;
	v41 =	vadd.f32 v34, v33;
	v44 =	vadd.f32 v38, v37  }
0x314: {  	[tilespmem:s29+$0xCAE0] =	vst v0;
	v50 =	vld [tilespmem:s29+$0x9B70];
	v49 =	vmul.f32 v30, v17;
	v6 =	vadd.f32 v63, v62;
	v36 =	vadd.f32 v31, v9  }
0x315: {  	[tilespmem:s29+$0xCB10] =	vst v8;
	v47 =	vadd.f32 v42, v41;
	v51 =	vadd.f32 v45, v44;
	v52 =	vmul.f32 v32, v14  }
0x316: {  	[tilespmem:s29+$0xCAD0] =	vst v7;
	v55 =	vmul.f32 v29, v12;
	v54 =	vadd.f32 v49, v48;
	v40 =	vadd.f32 v26, v6  }
0x317: {  	v57 =	vmul.f32 v58, v12;
	[tilespmem:s29+$0xCB00] =	vst v3;
	v4 =	vadd.f32 v11, v36;
	v7 =	vadd.f32 v53, v52  }
0x318: {  	p0 =	sne.s32 s28, $0x7;
	v59 =	vmul.f32 v46, v12;
	v0 =	vadd.f32 v55, v47;
	v58 =	vadd.f32 v56, v54;
	[tilespmem:s29+$0xCB20] =	vst v40  }
.Ltmp0:
0x319: {  	v61 =	vmul.f32 v50, v12;
	v2 =	vadd.f32 v57, v51;
	[tilespmem:s29+$0xCB30] =	vst v4;
	v60 =	vadd.f32 v5, v7;
	(pc) =	sbr.rel @p0 .LBB2_3-.Ltmp0, $4  }
0x31a: {  	[tilespmem:s29+$0xCB40] =	vst v0;
	v62 =	vadd.f32 v59, v58  }
0x31b: {  	[tilespmem:s29+$0xCB50] =	vst v2;
	v63 =	vadd.f32 v61, v60  }
0x31c: {  	[tilespmem:s29+$0xCB60] =	vst v62  }
0x31d: {  	s28 =	sadd.s32 $0x1, s28;
	[tilespmem:s29+$0xCB70] =	vst v63  }
0x31e: {  	s26 =	sadd.s32 s7, s26  }
0x31f: {  	[hbm4b:s26+s3] =	stream.linear.scatter [tilespmem:s21], [sflag:$0x2], $0x80, $0x38;
	[tilespmem:$0xF580] =	vst v63  }
0x320: {  	s25 =	smul.u32 $0xC, s25;
	s24 =	sadd.s32 $0x1, s24;
	_ =	swait.ge [sflag:s10], $0x80  }
0x321: {  	p0 =	sne.s32 s24, $0x40;
	[sflag:s10] =	ssyncset.done $0x0  }
.Ltmp1:
0x322: {  	s25 =	sadd.s32 s2, s25;
	[sflag:s10] =	ssyncadd.s32 $0xFFFFFF80;
	(pc) =	sbr.rel @p0 .LBB2_2-.Ltmp1, $4  }
0x323: {  	[hbm4b:s25+s3] =	stream.linear.scatter [tilespmem:s22], [sflag:$0x2], $0x3000, $0x38;
	[tilespmem:$0xF580] =	vst v63  }
0x324: {  	_ =	swait.ge [sflag:s10], $0x3000  }
0x325: {  	[sflag:s10] =	ssyncset.done $0x0  }
0x326: {  	[sflag:s10] =	ssyncadd.s32 $0xFFFFD000  }
0x327: {  	s23 =	sadd.s32 $0x1, s23  }
0x328: {  	p0 =	sne.s32 s23, s9  }
.Ltmp2:
0x329: {  	_ = 	snop;
	(pc) =	sbr.rel @p0 .LBB2_1-.Ltmp2, $1  }
0x32a: {  	_ =	sdelay $0x3  }
0x32b: {  	_ =	sfence.sel $0x180000  }
0x32c: {  	[bflag:$0x0] =	sbarrier.arrive $0xFFFF  }
0x32d: {  	p0 =	sne.s32 s4, $0x0;
	_ =	strace $0x90000047  }
0x32e: {  	s0 =	sadd.s32 @!p0 $0x100000, s0;
	[bflag:$0x2] =	sbarrier.arrive $0xFFFF  }
0x32f: {  	[sflag:s0] =	ssyncadd.tile.s32 @!p0 $0x1;
	_ =	shalt  }
.Lfunc_end2:
_tile_overlayer_lowered:
.L_overlay_start_2:
0x330: {  	(tag) =	ssettag $0x2  }
0x331: {  	s0 =	rddreg [dreg:$0x0];
	s2 =	stileid.u32  }
0x332: {  	s1 =	rddreg [dreg:$0x1];
	p0 =	sne.s32 s2, $0x0  }
0x333: {  	s3 =	rddreg [dreg:$0x2];
	[bflag:$0x3] =	sbarrier.arrive $0xFFFF;
	s2 =	simm.s32 @!p0 $0x1C02  }
0x334: {  	[timem:s3], [sflag:s2] =	dma.local @!p0 [hbm:s0], s1  }
0x335: {  	s0 =	simm.s32 @!p0 $0x2  }
0x336: {  	_ =	swait.ge @!p0 [sflag:s0], s1  }
0x337: {  	s1 =	ssub.s32 @!p0 $0x0, s1;
	[sflag:s0] =	ssyncset.done @!p0 $0x0  }
0x338: {  	[sflag:s0] =	ssyncadd.s32 @!p0 s1  }
0x339: {  	[bflag:$0x3] =	sbarrier.arrive $0xFFFF  }
0x33a: {  	_ =	shalt  }

// kernel: sparse-core-data-format-call.cloned.1.call-start
scs
called_computation_lowered:
.L_overlay_start_0:
0x0: {  	s2 =	sld [smem:$0x3FD9]  }
0x1: {  	s3 =	sld [smem:$0x3FFE];
	_ =	sdelay $0x1  }
0x2: {  	s1 =	srdreg.scid  }
0x3: {  	s0 =	sand.u32 $0x1, s1  }
0x4: {  	s15 =	sshll.u32 s0, $0xA;
	s2 =	sadd.s32 s3, s2  }
0x5: {  	s2 =	sadd.s32 s2, s15  }
0x6: {  	[smem:$0x3FC6] =	sst s2  }
0x7: {  	_ = 	snop  }
0x8: {  	s2 =	sld [smem:$0x3FD0];
	_ =	sdelay $0x2  }
0x9: {  	s16 =	simm.s32 $0xA;
	s4 =	simm.s32 $0x10  }
0xa: {  	[smem:s4], [sflag:s16] =	dma.local [hbm:s2], $0x1  }
0xb: {  	_ =	swait.eq [sflag:s16], $0x1  }
0xc: {  	[sflag:s16] =	ssyncset.done $0x0  }
0xd: {  	[sflag:s16] =	ssyncadd.s32 $0xFFFFFFFF  }
0xe: {  	s17 =	sld [smem:$0x11];
	(tm) =	ssettm $0x1  }
0xf: {  	s18 =	sld [smem:$0x3FFB];
	_ =	sdelay $0x3  }
0x10: {  	_ =	strace s18  }
0x11: {  	s3 =	sld [smem:$0x3FFC];
	_ =	sdelay $0x3  }
0x12: {  	_ =	strace s3  }
0x13: {  	s3 =	sld [smem:$0x3FFD];
	_ =	sdelay $0x3  }
0x14: {  	_ =	strace s3  }
0x15: {  	_ =	strace $0x8FFFFFFF  }
0x16: {  	s19 =	sld [smem:$0x3FDB];
	_ =	sdelay $0x1  }
0x17: {  	s20 =	simm.s32 $_scs_section_size  }
0x18: {  	s5 =	simm.s32 $_size__tile_overlayer_lowered;
	s6 =	simm.s32 $_tile_overlayer_lowered  }
0x19: {  	s23 =	simm.s32 $0x1BFF;
	s22 =	sshll.u32 s6, $0x1;
	s3 =	sadd.s32 s20, s19  }
0x1a: {  	s7 =	simm.s32 $0x0;
	s21 =	sshll.u32 s5, $0x1;
	s5 =	sadd.s32 s22, s3  }
0x1b: {  	[timem:s7], [sflag:s23] =	dma.local [hbm:s5], s21  }
0x1c: {  	_ =	swait.ge [sflag:s23], s21  }
0x1d: {  	s4 =	ssub.s32 $0x0, s21;
	[sflag:s23] =	ssyncset.done $0x0  }
0x1e: {  	[sflag:s23] =	ssyncadd.s32 s4;
	_ =	sdelay $0x1  }
0x1f: {  	s24 =	simm.s32 $0x1B8B  }
0x20: {  	_ =	swait.ge [sflag:s24], $0x1  }
0x21: {  	[sflag:s24] =	ssyncset.done $0x0  }
0x22: {  	s26 =	simm.s32 $0x1B8E;
	s25 =	sld [smem:$0x3FFE];
	[sflag:s24] =	ssyncadd.s32 $0xFFFFFFFF  }
0x23: {  	s27 =	simm.s32 $execute0_lowered;
	[smem:$0x3FD2] =	sst s26  }
0x24: {  	s5 =	sshll.u32 s27, $0x1;
	_ =	strace $0x80000049;
	[dreg:$0x1] =	wrdreg $0xFFFFFFFF  }
0x25: {  	s28 =	simm.s32 $_size_execute0_lowered;
	s3 =	sadd.s32 s3, s5;
	[dreg:$0x0] =	wrdreg $0x0  }
0x26: {  	s5 =	sshll.u32 s28, $0x1;
	[dreg:$0x2] =	wrdreg s3  }
0x27: {  	[dreg:$0x3] =	wrdreg s5  }
0x28: {  	[dreg:$0x4] =	wrdreg $0xC0  }
0x29: {  	_ =	task [dreg:s7], $0x5FFFF  }
0x2a: {  	[dreg:$0x1] =	wrdreg $0xFFFFFFFF  }
0x2b: {  	[dreg:$0x0] =	wrdreg $0x60  }
0x2c: {  	[dreg:$0x2] =	wrdreg s25  }
0x2d: {  	[dreg:$0x3] =	wrdreg s17  }
0x2e: {  	[dreg:$0x4] =	wrdreg $0x9  }
0x2f: {  	_ =	task.clear_ibuf [dreg:s7], $0x5FFFF;
	_ =	strace $0x90000049  }
0x30: {  	s29 =	simm.s32 $0x9;
	_ =	strace $0x8000004B  }
0x31: {  	_ =	swait.ge [sflag:s29], $0x1  }
0x32: {  	[sflag:s29] =	ssyncadd.s32 $0xFFFFFFFF  }
0x33: {  	_ =	strace $0x9000004B  }
0x34: {  	_ =	sfence  }
0x35: {  	s30 =	sld [smem:$0x0];
	_ =	sdelay $0x2  }
0x36: {  	s31 =	sshll.u32 s1, $0xD;
	s1 =	sshrl.u32 s1, $0x2  }
0x37: {  	s3 =	sand.u32 $0x4000, s31;
	s1 =	sadd.s32 s1, s30  }
0x38: {  	s0 =	sor.u32 s3, s0;
	s1 =	sshll.u32 s1, $0x11  }
0x39: {  	s0 =	sor.u32 s1, s0  }
0x3a: {  	s0 =	sadd.s32 $0x8F2B, s0  }
0x3b: {  	[sflag:s0] =	ssyncadd.remote.s32 $0x1  }
0x3c: {  	_ =	sfence.sel $0xFFFF  }
0x3d: {  	[dreg:$0x0] =	wrdreg $0xFFFFFFFF;
	(pc) =	sbr.abs _section_cstart, $3  }
0x3e: {  	[dreg:$0x1] =	wrdreg $0xFFFFFFFF  }
0x3f: {  	_ =	task.clear_ibuf [dreg:s7], $0x2FFFF;
	_ =	strace $0x9FFFFFFF  }
0x40: {  	(tm) =	ssettm $0x7FFFFFFF  }
0x41: {  	_ =	shalt  }
tec
execute0_lowered:
.L_overlay_start_1:
0x0: {  	(tag) =	ssettag $0x1  }
0x1: {  	s0 =	stileid.u32  }
0x2: {  	s1 =	srdreg.scid;
	s4 =	rddreg [dreg:$0x0];
	s8 =	simm.s32 $0x1  }
0x3: {  	s9 =	simm.s32 $0x2;
	s15 =	simm.s32 $0x0;
	s16 =	simm.s32 $0x0  }
0x4: {  	s10 =	simm.s32 $0x0;
	s2 =	sshll.u32 s0, $0x5;
	s1 =	sshll.u32 s1, $0x9  }
0x5: {  	s11 =	simm.s32 $0x0;
	s14 =	simm.s32 $0x0;
	s1 =	sor.u32 s2, s1  }
0x6: {  	s4 =	sadd.s32 $0x11200, s4;
	s5 =	sand.u32 $0x3, s0;
	s3 =	sand.u32 $0x380, s1  }
0x7: {  	s2 =	rddreg [dreg:$0x1];
	s13 =	smov.u32 s5;
	s7 =	ssub.s32 $0x10000, s3  }
.Ltmp0:
0x8: {  	s1 =	rddreg [dreg:$0x2];
	s6 =	sand.u32 $0x380, s7;
	(pc) =	sbr.rel .LBB1_1-.Ltmp0, $4  }
0x9: {  	_ =	strace $0x8000004A;
	s12 =	smov.u32 s3;
	p0 =	sne.s32 s6, $0x0  }
0xa: {  	s7 =	sshrl.u32 s7, $0xA;
	s6 =	simm.s32 $0x1;
	s8 =	simm.s32 @!p0 $0x0  }
0xb: {  	[sflag:s6] =	ssyncpa.u1 $0x0;
	p0 =	por $0x0, $0x0;
	s7 =	sadd.s32 s8, s7  }
0xc: {  	[sflag:s9] =	ssyncpa.u1 $0x0;
	s9 =	simm.s32 $0x80000;
	s8 =	sadd.s32 $0x1, s7  }
.LBB1_4:
0xd: {  	s21 =	sshra.s32 s21, $0x2;
	s28 =	sshll.u32 s10, $0x3  }
0xe: {  	p1 =	sgt.s32 s11, $0x3;
	s23 =	smov.u32 s11;
	s24 =	sshra.s32 s11, $0x1F  }
0xf: {  	s26 =	sshra.s32 s10, $0x1F;
	s20 =	sadd.s32 s21, s20;
	s22 =	sshrl.u32 s28, $0x10  }
0x10: {  	v5 =	vld [tilespmem:s18+$0xFFFFFFD0];
	[tilespmem:s19+$0x2040 ss:$0x81] =	vst.msk $0xffff, v4;
	s23 =	simm.s32 @!p1 $0x3;
	s24 =	sand.u32 s24, s11;
	p1 =	sgt.s32 s10, $0xFF80  }
0x11: {  	v58 =	vld [tilespmem:s18+$0xFFFFFFE0];
	[tilespmem:s19+$0x2850 ss:$0x81] =	vst.msk $0xffff, v3;
	s26 =	sand.u32 s26, s10;
	s23 =	ssub.s32 s23, s24;
	s24 =	smov.u32 s10  }
0x12: {  	v59 =	vld [tilespmem:s18+$0xFFFFFFF0];
	[tilespmem:s19+$0x3060 ss:$0x81] =	vst.msk $0xffff, v2;
	s25 =	smul.u32 $0xAAAB, s22;
	s27 =	ssub.s32 $0x4, s23;
	s24 =	simm.s32 @!p1 $0xFF80  }
0x13: {  	[tilespmem:s19+$0x0 ss:$0x81] =	vst.msk $0xffff, v1;
	v60 =	vld [tilespmem:s18+$0x0];
	s21 =	sand.u32 $0xFC00, s28;
	s29 =	ssub.s32 s24, s26;
	s24 =	smul.u32 $0x60, s27  }
0x14: {  	v61 =	vld [tilespmem:s18+$0x10];
	[tilespmem:s20+$0x3870 ss:$0x81] =	vst.msk $0xffff, v0;
	s23 =	sadd.s32 $0xFFFFFFFD, s23;
	s25 =	sshrl.u32 s25, $0x16;
	s26 =	smul.u32 $0xC0000, s11  }
0x15: {  	v62 =	vld [tilespmem:s18+$0x20];
	p1 =	sgt.s32 s23, $0x0;
	s30 =	sadd.s32 $0xFFFF0080, s29;
	[tilespmem:s20+$0x810 ss:$0x81] =	vst.msk $0xffff, v5;
	s31 =	smul.u32 $0x60, s25  }
0x16: {  	v63 =	vld [tilespmem:s18+$0xFFFFFFC0];
	[tilespmem:s20+$0x1020 ss:$0x81] =	vst.msk $0xffff, v58;
	s25 =	sand.u32 $0x78, s10;
	s19 =	ssub.s32 $0x10000, s29;
	s29 =	sand.u32 $0x7, s10  }
0x17: {  	[tilespmem:s20+$0x1830 ss:$0x81] =	vst.msk $0xffff, v59;
	p2 =	sgt.s32 s30, $0x7F;
	s24 =	simm.s32 @p1 $0x0;
	s18 =	sor.u32 s25, s21  }
0x18: {  	[tilespmem:s20+$0x2040 ss:$0x81] =	vst.msk $0xffff, v60;
	s28 =	sadd.s32 s2, s26;
	s22 =	ssub.s32 s22, s31;
	s19 =	simm.s32 @p2 $0x0  }
0x19: {  	[tilespmem:s20+$0x2850 ss:$0x81] =	vst.msk $0xffff, v61;
	s18 =	sshrl.u32 s18, $0x3;
	s27 =	sand.u32 $0xFFFF, s22;
	s19 =	smul.u32 s19, s24  }
0x1a: {  	[tilespmem:s20+$0x3060 ss:$0x81] =	vst.msk $0xffff, v62;
	s30 =	sshll.u32 s29, $0x12;
	s18 =	sadd.s32 s18, s28;
	s21 =	sshll.u32 s27, $0xD  }
0x1b: {  	[tilespmem:s20+$0x0 ss:$0x81] =	vst.msk $0xffff, v63;
	s31 =	sor.u32 $0x400, s30;
	s19 =	sand.u32 $0x3FFFFFE0, s19;
	s18 =	sadd.s32 s21, s18  }
0x1c: {  	[hbm4b:s18+s31] =	stream.strided.scatter [tilespmem:s17], [sflag:$0x2], s19, s9, s31, $0x20;
	[tilespmem:$0x10100] =	vst v63  }
.LBB1_5:
0x1d: {  	p1 =	slt.u32 s14, $0x2  }
0x1e: {  	s18 =	smov.u32 s16;
	p2 =	sgt.s32 @!p1 s16, $0x3;
	s17 =	sshra.s32 @!p1 s16, $0x1F  }
0x1f: {  	p3 =	sgt.s32 @!p1 s15, $0xFF80;
	s19 =	sshra.s32 @!p1 s15, $0x1F;
	p2 =	por !p2, p1  }
0x20: {  	s16 =	sand.u32 @!p1 s17, s16;
	p3 =	por !p3, p1;
	s17 =	smov.u32 s15  }
0x21: {  	s15 =	sand.u32 @!p1 s19, s15;
	s18 =	simm.s32 @p2 $0x3;
	s17 =	simm.s32 @p3 $0xFF80  }
0x22: {  	s19 =	smov.u32 s13;
	s16 =	ssub.s32 @!p1 s18, s16;
	s15 =	ssub.s32 @!p1 s17, s15  }
0x23: {  	s17 =	sadd.s32 @!p1 $0xFFFFFFFD, s16;
	s16 =	ssub.s32 @!p1 $0x4, s16;
	s18 =	sadd.s32 @!p1 $0xFFFF0080, s15  }
0x24: {  	p2 =	sgt.s32 @!p1 s17, $0x0;
	s16 =	smul.u32 @!p1 $0x60, s16;
	p3 =	sgt.s32 @!p1 s18, $0x7F  }
0x25: {  	s15 =	ssub.s32 @!p1 $0x10000, s15;
	p2 =	por !p2, p1;
	p3 =	por !p3, p1  }
0x26: {  	s17 =	sadd.s32 $0x400, s12;
	s16 =	simm.s32 @!p2 $0x0;
	s15 =	simm.s32 @!p3 $0x0  }
0x27: {  	p2 =	sgt.s32 s17, $0xFFFF;
	s15 =	smul.u32 @!p1 s15, s16;
	s16 =	sadd.s32 $0x4, s13  }
0x28: {  	s19 =	smov.u32 @p2 s16  }
0x29: {  	s17 =	smov.u32 @p2 s3;
	p2 =	sgt.s32 s19, $0x3  }
0x2a: {  	s19 =	smov.u32 @p2 s5;
	p2 =	sne.s32 s14, s8  }
.Ltmp1:
0x2b: {  	p0 =	por !p0, !p0;
	s18 =	simm.s32 @!p1 $0x2;
	(pc) =	sbr.rel @!p2 .LBB1_6-.Ltmp1, $4  }
0x2c: {  	s16 =	smov.u32 s11;
	s11 =	smov.u32 s13;
	s15 =	sand.u32 @!p1 $0x3FFFFFE0, s15  }
0x2d: {  	_ =	swait.ge @!p1 [sflag:s18], s15;
	s20 =	ssub.s32 @!p1 $0x0, s15;
	s15 =	smov.u32 s10  }
0x2e: {  	s14 =	sadd.s32 $0x1, s14;
	s10 =	smov.u32 s12;
	[sflag:s18] =	ssyncset.done @!p1 $0x0  }
0x2f: {  	s12 =	smov.u32 s17;
	s13 =	smov.u32 s19;
	[sflag:s18] =	ssyncadd.s32 @!p1 s20  }
.LBB1_1:
0x30: {  	p1 =	sge.u32 s14, s7;
	s31 =	sadd.s32 $0xFFFFFFFF, s14  }
0x31: {  	s17 =	sxor.u32 @!p1 $0xFFFFFFFF, s14;
	s18 =	sshll.u32 @!p1 s13, $0x14;
	s19 =	sshll.u32 @!p1 s12, $0x4  }
0x32: {  	s17 =	sshll.u32 @!p1 s17, $0xE;
	s19 =	sand.u32 @!p1 $0xFFFF0, s19;
	s18 =	sadd.s32 @!p1 s4, s18  }
0x33: {  	s17 =	sand.u32 @!p1 $0x4000, s17;
	s18 =	sadd.s32 @!p1 s19, s18;
	s19 =	simm.s32 @!p1 $0x0  }
0x34: {  	[tilespmem:s17], [sflag:$0x1] =	stream.linear.gather @!p1 [hbm4b:s18+s19], $0x4000, $0x38;
	[tilespmem:$0x10100] =	vst v63  }
0x35: {  	p1 =	sge.u32 s31, s7  }
.Ltmp2:
0x36: {  	_ = 	snop;
	(pc) =	sbr.rel @p1 .LBB1_5-.Ltmp2, $1  }
0x37: {  	_ =	sdelay $0x3  }
0x38: {  	s17 =	simm.s32 $0x1  }
0x39: {  	_ =	swait.ge [sflag:s6], $0x4000;
	s17 =	simm.s32 @!p0 $0x0  }
0x3a: {  	[sflag:s6] =	ssyncset.done $0x0;
	s18 =	sshll.u32 s17, $0xE  }
0x3b: {  	[sflag:s6] =	ssyncadd.s32 $0xFFFFC000;
	s18 =	sor.u32 $0x40, s18  }
0x3c: {  	s17 =	smul.u32 $0x10200, s17;
	v0 =	vld [tilespmem:s18+$0x30]  }
0x3d: {  	v1 =	vld [tilespmem:s18+$0xFFFFFFD0]  }
0x3e: {  	s17 =	sshrl.u32 s17, $0x2;
	v5 =	vld [tilespmem:s18+$0xFFFFFFE0]  }
0x3f: {  	v6 =	vld [tilespmem:s18+$0xFFFFFFF0];
	s20 =	sor.u32 $0x8000, s17  }
0x40: {  	s31 =	sand.u32 $0x1, s14;
	v4 =	vld [tilespmem:s18+$0x0];
	s19 =	sadd.s32 $0x0, s20  }
0x41: {  	v3 =	vld [tilespmem:s18+$0x10];
	s17 =	smul.u32 $0x10200, s31;
	[tilespmem:s19+$0x3870 ss:$0x81] =	vst.msk $0xffff, v0  }
0x42: {  	v2 =	vld [tilespmem:s18+$0x20];
	[tilespmem:s19+$0x810 ss:$0x81] =	vst.msk $0xffff, v1  }
0x43: {  	s17 =	sshrl.u32 s17, $0x2;
	v1 =	vld [tilespmem:s18+$0xFFFFFFC0];
	[tilespmem:s19+$0x1020 ss:$0x81] =	vst.msk $0xffff, v5;
	s18 =	sadd.s32 $0x80, s18  }
0x44: {  	s21 =	simm.s32 $0x4;
	s22 =	simm.s32 $0x8;
	s17 =	sor.u32 $0x8000, s17;
	[tilespmem:s19+$0x1830 ss:$0x81] =	vst.msk $0xffff, v6;
	v0 =	vld [tilespmem:s18+$0x30]  }
.LBB1_3:
0x45: {  	p1 =	sne.s32 s22, $0x1FC;
	v5 =	vld [tilespmem:s18+$0xFFFFFFD0];
	[tilespmem:s19+$0x2040 ss:$0x81] =	vst.msk $0xffff, v4  }
0x46: {  	v6 =	vld [tilespmem:s18+$0xFFFFFFE0];
	[tilespmem:s19+$0x2850 ss:$0x81] =	vst.msk $0xffff, v3  }
0x47: {  	s23 =	sshra.s32 s21, $0x2;
	s21 =	smov.u32 s22;
	v7 =	vld [tilespmem:s18+$0xFFFFFFF0];
	[tilespmem:s19+$0x3060 ss:$0x81] =	vst.msk $0xffff, v2  }
.Ltmp3:
0x48: {  	v4 =	vld [tilespmem:s18+$0x0];
	[tilespmem:s19+$0x0 ss:$0x81] =	vst.msk $0xffff, v1;
	s19 =	sadd.s32 s23, s20;
	(pc) =	sbr.rel @p1 .LBB1_3-.Ltmp3, $4  }
0x49: {  	v3 =	vld [tilespmem:s18+$0x10];
	[tilespmem:s19+$0x3870 ss:$0x81] =	vst.msk $0xffff, v0  }
0x4a: {  	[tilespmem:s19+$0x810 ss:$0x81] =	vst.msk $0xffff, v5;
	v2 =	vld [tilespmem:s18+$0x20]  }
0x4b: {  	v1 =	vld [tilespmem:s18+$0xFFFFFFC0];
	[tilespmem:s19+$0x1020 ss:$0x81] =	vst.msk $0xffff, v6;
	s18 =	sadd.s32 $0x80, s18  }
0x4c: {  	s22 =	sadd.s32 $0x4, s22;
	v0 =	vld [tilespmem:s18+$0x30];
	[tilespmem:s19+$0x1830 ss:$0x81] =	vst.msk $0xffff, v7  }
.Ltmp4:
0x4d: {  	_ = 	snop;
	(pc) =	sbr.rel .LBB1_4-.Ltmp4, $1  }
0x4e: {  	_ =	sdelay $0x3  }
.LBB1_6:
0x4f: {  	_ =	sfence.sel $0x180000  }
0x50: {  	s2 =	simm.s32 $0x1;
	[bflag:$0x0] =	sbarrier.arrive $0xFFFF  }
0x51: {  	s31 =	simm.s32 $0x2;
	[sflag:s2] =	ssyncpa.u1 $0x1  }
0x52: {  	[sflag:s31] =	ssyncpa.u1 $0x1  }
0x53: {  	p0 =	sne.s32 s0, $0x0;
	_ =	strace $0x9000004A  }
0x54: {  	s0 =	sadd.s32 @!p0 $0x100000, s1;
	[bflag:$0x2] =	sbarrier.arrive $0xFFFF  }
0x55: {  	[sflag:s0] =	ssyncadd.tile.s32 @!p0 $0x1;
	_ =	shalt  }
.Lfunc_end1:
_tile_overlayer_lowered:
.L_overlay_start_2:
0x56: {  	(tag) =	ssettag $0x2  }
0x57: {  	s0 =	rddreg [dreg:$0x0];
	s2 =	stileid.u32  }
0x58: {  	s1 =	rddreg [dreg:$0x1];
	p0 =	sne.s32 s2, $0x0  }
0x59: {  	s3 =	rddreg [dreg:$0x2];
	[bflag:$0x3] =	sbarrier.arrive $0xFFFF;
	s2 =	simm.s32 @!p0 $0x1C01  }
0x5a: {  	[timem:s3], [sflag:s2] =	dma.local @!p0 [hbm:s0], s1  }
0x5b: {  	s0 =	simm.s32 @!p0 $0x1  }
0x5c: {  	_ =	swait.ge @!p0 [sflag:s0], s1  }
0x5d: {  	s1 =	ssub.s32 @!p0 $0x0, s1;
	[sflag:s0] =	ssyncset.done @!p0 $0x0  }
0x5e: {  	[sflag:s0] =	ssyncadd.s32 @!p0 s1  }
0x5f: {  	[bflag:$0x3] =	sbarrier.arrive $0xFFFF  }
0x60: {  	_ =	shalt  }

</sc_bundles>
